<compile_context>
chip_gen: v7x
topology: tpu7x:2x2x1
jax: 0.10.2.dev20260603
libtpu: 0.0.44.dev20260713+nightly
codegen_flags: <defaults>
</compile_context>

<pallas_src>
import functools

import jax
import jax.numpy as jnp
from jax import lax
from jax.experimental import pallas as pl
from jax.experimental.pallas import tpu as pltpu
from jax.experimental.pallas import tpu_sc as plsc

K = 16
TW = 128
CH = 8


def _gmf_sc(B, NC, NS):
    NW = NC * NS
    b_per_w = B // NW
    n_chunks = b_per_w // CH
    mesh = plsc.VectorSubcoreMesh(core_axis_name="c", subcore_axis_name="s")

    @functools.partial(
        pl.kernel,
        mesh=mesh,
        out_type=jax.ShapeDtypeStruct((B,), jnp.float32),
        compiler_params=pltpu.CompilerParams(
            needs_layout_passes=False, use_tc_tiling_on_sc=True),
        scratch_types=[
            pltpu.VMEM((b_per_w,), jnp.int32),
            pltpu.VMEM((b_per_w,), jnp.int32),
            pltpu.VMEM((2, CH, K, TW), jnp.float32),
            pltpu.VMEM((2, CH, K, TW), jnp.float32),
            pltpu.VMEM((K,), jnp.float32),
            pltpu.VMEM((K,), jnp.float32),
            pltpu.VMEM((b_per_w,), jnp.float32),
            pltpu.SemaphoreType.DMA,
        ],
    )
    def gmf(user_hbm, item_hbm, utT_hbm, itT_hbm, w_hbm, b_hbm, out_hbm,
            uidxv, iidxv, ubufs, ibufs, wv, bv, outv, sem):
        wid = lax.axis_index("s") * NC + lax.axis_index("c")
        base = wid * b_per_w

        pltpu.sync_copy(w_hbm, wv)
        pltpu.sync_copy(b_hbm, bv)
        pltpu.sync_copy(user_hbm.at[pl.ds(base, b_per_w)], uidxv)
        pltpu.sync_copy(item_hbm.at[pl.ds(base, b_per_w)], iidxv)

        bias = bv[...]
        lane = lax.iota(jnp.int32, K)
        masks = [lane == j for j in range(K)]
        izero = jnp.zeros((K,), jnp.int32)
        wvec = wv[...]

        def issue(c, slot, par):
            uv = uidxv[pl.ds((c - par) * CH, K)]
            iv = iidxv[pl.ds((c - par) * CH, K)]
            for j in range(CH):
                ui = jnp.sum(jnp.where(masks[par * CH + j], uv, izero))
                ii = jnp.sum(jnp.where(masks[par * CH + j], iv, izero))
                ub = pl.multiple_of((ui // TW) * TW, TW)
                ib = pl.multiple_of((ii // TW) * TW, TW)
                pltpu.async_copy(
                    utT_hbm.at[:, pl.ds(ub, TW)], ubufs.at[slot, j], sem)
                pltpu.async_copy(
                    itT_hbm.at[:, pl.ds(ib, TW)], ibufs.at[slot, j], sem)

        def drain():
            for j in range(CH):
                pltpu.make_async_copy(
                    utT_hbm.at[:, pl.ds(0, TW)], ubufs.at[0, j], sem).wait()
                pltpu.make_async_copy(
                    itT_hbm.at[:, pl.ds(0, TW)], ibufs.at[0, j], sem).wait()

        def compute(c, slot, outacc, lane_off):
            par = lane_off // CH
            uv = uidxv[pl.ds((c - par) * CH, K)]
            iv = iidxv[pl.ds((c - par) * CH, K)]
            slotv = jnp.full((K,), slot, jnp.int32)
            for j in range(CH):
                ui = jnp.sum(jnp.where(masks[lane_off + j], uv, izero))
                ii = jnp.sum(jnp.where(masks[lane_off + j], iv, izero))
                cu_s = jnp.full((K,), lax.rem(ui, TW), jnp.int32)
                ci_s = jnp.full((K,), lax.rem(ii, TW), jnp.int32)
                jv = jnp.full((K,), j, jnp.int32)
                u_col = plsc.load_gather(ubufs, [slotv, jv, lane, cu_s])
                v_col = plsc.load_gather(ibufs, [slotv, jv, lane, ci_s])
                s = jnp.sum(u_col * v_col * wvec)
                outacc = jnp.where(masks[lane_off + j], s, outacc)
            return outacc

        issue(0, 0, 0)

        def body2(t, carry):
            c = t * 2
            issue(c + 1, 1, 1)
            drain()
            oa = compute(c, 0, bias, 0)

            @pl.when(t < n_chunks // 2 - 1)
            def _():
                issue(c + 2, 0, 0)

            drain()
            oa = compute(c + 1, 1, oa, CH)
            outv[pl.ds(c * CH, 2 * CH)] = (
                1.0 / (1.0 + jnp.exp(-(oa + bias))))
            return carry

        lax.fori_loop(0, n_chunks // 2, body2, 0)
        pltpu.sync_copy(outv, out_hbm.at[pl.ds(base, b_per_w)])

    return gmf


def kernel(user, item, user_table, item_table, W, b):
    B = user.shape[0]
    info = plsc.get_sparse_core_info()
    NC, NS = info.num_cores, info.num_subcores

    user_i = user.astype(jnp.int32)
    item_i = item.astype(jnp.int32)
    utT = user_table.T
    itT = item_table.T
    w_vec = W.reshape(K)
    b_splat = jnp.broadcast_to(b.reshape(1), (K,))

    out = _gmf_sc(B, NC, NS)(user_i, item_i, utT, itT, w_vec, b_splat)
    return out.reshape(B, 1)

# --- scband reference (transcript-rebuilt; emitter-appended) ---
"""Pipeline reference for scband-gmf-89094801588366 (READ-ONLY COPY).

The authoritative reference and input builder live on the scoring server;
editing this copy changes nothing except your own understanding.
"""

import jax, jax.numpy as jnp
import numpy as np

M = 1000000
N = 1000000
K = 16
B = 16384

def setup_inputs(seed: int = 0) -> dict:
    key = jax.random.key(seed)
    k1, k2, k3, k4, k5, k6 = jax.random.split(key, 6)
    user = jax.random.randint(k1, (B,), 0, M, dtype=jnp.int64) if jax.config.jax_enable_x64 else jax.random.randint(k1, (B,), 0, M, dtype=jnp.int32)
    item = jax.random.randint(k2, (B,), 0, N, dtype=jnp.int64) if jax.config.jax_enable_x64 else jax.random.randint(k2, (B,), 0, N, dtype=jnp.int32)
    user_table = jax.random.normal(k3, (M, K), dtype=jnp.float32)
    item_table = jax.random.normal(k4, (N, K), dtype=jnp.float32)
    W = jax.random.normal(k5, (K, 1), dtype=jnp.float32) * (1.0 / np.sqrt(K))
    b = jax.random.normal(k6, (1,), dtype=jnp.float32) * 0.01
    return {"user": user, "item": item, "user_table": user_table, "item_table": item_table, "W": W, "b": b}

def reference(user, item, user_table, item_table, W, b):
    # user embedding lookup (gather)
    user_embedding = jnp.take(user_table, user, axis=0)
    # item embedding lookup (gather)
    item_embedding = jnp.take(item_table, item, axis=0)
    # elementwise GMF interaction
    x = user_embedding * item_embedding
    # output linear layer
    x = x @ W + b
    # sigmoid activation (original torch code intended torch.sigmoid)
    output = jax.nn.sigmoid(x)
    return output

if __name__ == "__main__":
    import jax
    _d = setup_inputs()
    print(jax.jit(kernel)(*tuple(_d.values())))

</pallas_src>

<mosaic_0001>
#map = affine_map<(d0, d1) -> (0)>
#map1 = affine_map<(d0, d1) -> (0, 0)>
module attributes {stable_mosaic.version = 14 : i64} {
  func.func @gmf(%arg0: i32, %arg1: i32, %arg2: memref<16384xi32, #tpu.memory_space<hbm>>, %arg3: memref<16384xi32, #tpu.memory_space<hbm>>, %arg4: memref<16x1000000xf32, #tpu.memory_space<hbm>>, %arg5: memref<16x1000000xf32, #tpu.memory_space<hbm>>, %arg6: memref<16xf32, #tpu.memory_space<hbm>>, %arg7: memref<16xf32, #tpu.memory_space<hbm>>, %arg8: memref<16384xf32, #tpu.memory_space<hbm>>, %arg9: memref<512xi32, #tpu.memory_space<vmem>>, %arg10: memref<512xi32, #tpu.memory_space<vmem>>, %arg11: memref<2x8x16x128xf32, #tpu.memory_space<vmem>>, %arg12: memref<2x8x16x128xf32, #tpu.memory_space<vmem>>, %arg13: memref<16xf32, #tpu.memory_space<vmem>>, %arg14: memref<16xf32, #tpu.memory_space<vmem>>, %arg15: memref<512xf32, #tpu.memory_space<vmem>>, %arg16: memref<!tpu.dma_semaphore, #tpu.memory_space<semaphore_mem>>) attributes {dimension_semantics = [#tpu.dimension_semantics<core_parallel>, #tpu.dimension_semantics<subcore_parallel>], iteration_bounds = array<i64: 2, 16>, scalar_prefetch = 0 : i64, scratch_operands = 8 : i64, tpu.core_type = #tpu.core_type<sc_vector_subcore>, window_params = [{transform_indices = #map}, {transform_indices = #map}, {transform_indices = #map1}, {transform_indices = #map1}, {transform_indices = #map}, {transform_indices = #map}, {transform_indices = #map}]} {
    %mul3A = arith.constant 2 : i32
    %mul3A_0 = arith.muli %arg1, %mul3A : i32
    %add3A = arith.addi %mul3A_0, %arg0 : i32
    %mul3A_1 = arith.constant 512 : i32
    %mul3A_2 = arith.muli %add3A, %mul3A_1 : i32
    "tpu.region"() ({
      %run_scoped3A = tpu.sem_alloc : memref<!tpu.dma_semaphore, #tpu.memory_space<semaphore_mem>>
      tpu.enqueue_dma source(%arg6 : memref<16xf32, #tpu.memory_space<hbm>>) target(%arg13 : memref<16xf32, #tpu.memory_space<vmem>>) target_semaphore(%run_scoped3A : memref<!tpu.dma_semaphore, #tpu.memory_space<semaphore_mem>>)
      tpu.wait_dma2 semaphore(%run_scoped3A : memref<!tpu.dma_semaphore, #tpu.memory_space<semaphore_mem>>) src(%arg6 : memref<16xf32, #tpu.memory_space<hbm>>) dst(%arg13 : memref<16xf32, #tpu.memory_space<vmem>>)
      tpu.yield
    }) : () -> ()
    "tpu.region"() ({
      %run_scoped3A = tpu.sem_alloc : memref<!tpu.dma_semaphore, #tpu.memory_space<semaphore_mem>>
      tpu.enqueue_dma source(%arg7 : memref<16xf32, #tpu.memory_space<hbm>>) target(%arg14 : memref<16xf32, #tpu.memory_space<vmem>>) target_semaphore(%run_scoped3A : memref<!tpu.dma_semaphore, #tpu.memory_space<semaphore_mem>>)
      tpu.wait_dma2 semaphore(%run_scoped3A : memref<!tpu.dma_semaphore, #tpu.memory_space<semaphore_mem>>) src(%arg7 : memref<16xf32, #tpu.memory_space<hbm>>) dst(%arg14 : memref<16xf32, #tpu.memory_space<vmem>>)
      tpu.yield
    }) : () -> ()
    "tpu.region"() ({
      %run_scoped3A = tpu.sem_alloc : memref<!tpu.dma_semaphore, #tpu.memory_space<semaphore_mem>>
      %dma_start3A_788 = tpu.memref_slice %arg2[%mul3A_2] : memref<16384xi32, #tpu.memory_space<hbm>> -> memref<512xi32, #tpu.memory_space<hbm>>
      %dma_start3A_789 = tpu.memref_slice %arg2[%mul3A_2] : memref<16384xi32, #tpu.memory_space<hbm>> -> memref<512xi32, #tpu.memory_space<hbm>>
      tpu.enqueue_dma source(%dma_start3A_789 : memref<512xi32, #tpu.memory_space<hbm>>) target(%arg9 : memref<512xi32, #tpu.memory_space<vmem>>) target_semaphore(%run_scoped3A : memref<!tpu.dma_semaphore, #tpu.memory_space<semaphore_mem>>)
      %dma_wait3A = tpu.memref_slice %arg2[%mul3A_2] : memref<16384xi32, #tpu.memory_space<hbm>> -> memref<512xi32, #tpu.memory_space<hbm>>
      %dma_wait3A_790 = tpu.memref_slice %arg2[%mul3A_2] : memref<16384xi32, #tpu.memory_space<hbm>> -> memref<512xi32, #tpu.memory_space<hbm>>
      tpu.wait_dma2 semaphore(%run_scoped3A : memref<!tpu.dma_semaphore, #tpu.memory_space<semaphore_mem>>) src(%dma_wait3A_790 : memref<512xi32, #tpu.memory_space<hbm>>) dst(%arg9 : memref<512xi32, #tpu.memory_space<vmem>>)
      tpu.yield
    }) : () -> ()
    "tpu.region"() ({
      %run_scoped3A = tpu.sem_alloc : memref<!tpu.dma_semaphore, #tpu.memory_space<semaphore_mem>>
      %dma_start3A_788 = tpu.memref_slice %arg3[%mul3A_2] : memref<16384xi32, #tpu.memory_space<hbm>> -> memref<512xi32, #tpu.memory_space<hbm>>
      %dma_start3A_789 = tpu.memref_slice %arg3[%mul3A_2] : memref<16384xi32, #tpu.memory_space<hbm>> -> memref<512xi32, #tpu.memory_space<hbm>>
      tpu.enqueue_dma source(%dma_start3A_789 : memref<512xi32, #tpu.memory_space<hbm>>) target(%arg10 : memref<512xi32, #tpu.memory_space<vmem>>) target_semaphore(%run_scoped3A : memref<!tpu.dma_semaphore, #tpu.memory_space<semaphore_mem>>)
      %dma_wait3A = tpu.memref_slice %arg3[%mul3A_2] : memref<16384xi32, #tpu.memory_space<hbm>> -> memref<512xi32, #tpu.memory_space<hbm>>
      %dma_wait3A_790 = tpu.memref_slice %arg3[%mul3A_2] : memref<16384xi32, #tpu.memory_space<hbm>> -> memref<512xi32, #tpu.memory_space<hbm>>
      tpu.wait_dma2 semaphore(%run_scoped3A : memref<!tpu.dma_semaphore, #tpu.memory_space<semaphore_mem>>) src(%dma_wait3A_790 : memref<512xi32, #tpu.memory_space<hbm>>) dst(%arg10 : memref<512xi32, #tpu.memory_space<vmem>>)
      tpu.yield
    }) : () -> ()
    %get3A = arith.constant 0 : index
    %get3A_3 = tpu.vector_load %arg14[%get3A] {strides = array<i32>} : memref<16xf32, #tpu.memory_space<vmem>>, vector<16xf32>,
    %iota3A = tpu.iota {dimensions = array<i32: 0>} : vector<16xi32>
    %eq3A = arith.constant 0 : i32
    %eq3A_4 = vector.broadcast %eq3A : i32 to vector<16xi32>
    %eq3A_5 = arith.cmpi eq, %iota3A, %eq3A_4 : vector<16xi32>
    %eq3A_6 = arith.constant 1 : i32
    %eq3A_7 = vector.broadcast %eq3A_6 : i32 to vector<16xi32>
    %eq3A_8 = arith.cmpi eq, %iota3A, %eq3A_7 : vector<16xi32>
    %eq3A_9 = arith.constant 2 : i32
    %eq3A_10 = vector.broadcast %eq3A_9 : i32 to vector<16xi32>
    %eq3A_11 = arith.cmpi eq, %iota3A, %eq3A_10 : vector<16xi32>
    %eq3A_12 = arith.constant 3 : i32
    %eq3A_13 = vector.broadcast %eq3A_12 : i32 to vector<16xi32>
    %eq3A_14 = arith.cmpi eq, %iota3A, %eq3A_13 : vector<16xi32>
    %eq3A_15 = arith.constant 4 : i32
    %eq3A_16 = vector.broadcast %eq3A_15 : i32 to vector<16xi32>
    %eq3A_17 = arith.cmpi eq, %iota3A, %eq3A_16 : vector<16xi32>
    %eq3A_18 = arith.constant 5 : i32
    %eq3A_19 = vector.broadcast %eq3A_18 : i32 to vector<16xi32>
    %eq3A_20 = arith.cmpi eq, %iota3A, %eq3A_19 : vector<16xi32>
    %eq3A_21 = arith.constant 6 : i32
    %eq3A_22 = vector.broadcast %eq3A_21 : i32 to vector<16xi32>
    %eq3A_23 = arith.cmpi eq, %iota3A, %eq3A_22 : vector<16xi32>
    %eq3A_24 = arith.constant 7 : i32
    %eq3A_25 = vector.broadcast %eq3A_24 : i32 to vector<16xi32>
    %eq3A_26 = arith.cmpi eq, %iota3A, %eq3A_25 : vector<16xi32>
    %eq3A_27 = arith.constant 8 : i32
    %eq3A_28 = vector.broadcast %eq3A_27 : i32 to vector<16xi32>
    %eq3A_29 = arith.cmpi eq, %iota3A, %eq3A_28 : vector<16xi32>
    %eq3A_30 = arith.constant 9 : i32
    %eq3A_31 = vector.broadcast %eq3A_30 : i32 to vector<16xi32>
    %eq3A_32 = arith.cmpi eq, %iota3A, %eq3A_31 : vector<16xi32>
    %eq3A_33 = arith.constant 10 : i32
    %eq3A_34 = vector.broadcast %eq3A_33 : i32 to vector<16xi32>
    %eq3A_35 = arith.cmpi eq, %iota3A, %eq3A_34 : vector<16xi32>
    %eq3A_36 = arith.constant 11 : i32
    %eq3A_37 = vector.broadcast %eq3A_36 : i32 to vector<16xi32>
    %eq3A_38 = arith.cmpi eq, %iota3A, %eq3A_37 : vector<16xi32>
    %eq3A_39 = arith.constant 12 : i32
    %eq3A_40 = vector.broadcast %eq3A_39 : i32 to vector<16xi32>
    %eq3A_41 = arith.cmpi eq, %iota3A, %eq3A_40 : vector<16xi32>
    %eq3A_42 = arith.constant 13 : i32
    %eq3A_43 = vector.broadcast %eq3A_42 : i32 to vector<16xi32>
    %eq3A_44 = arith.cmpi eq, %iota3A, %eq3A_43 : vector<16xi32>
    %eq3A_45 = arith.constant 14 : i32
    %eq3A_46 = vector.broadcast %eq3A_45 : i32 to vector<16xi32>
    %eq3A_47 = arith.cmpi eq, %iota3A, %eq3A_46 : vector<16xi32>
    %eq3A_48 = arith.constant 15 : i32
    %eq3A_49 = vector.broadcast %eq3A_48 : i32 to vector<16xi32>
    %eq3A_50 = arith.cmpi eq, %iota3A, %eq3A_49 : vector<16xi32>
    %broadcast_in_dim3A = arith.constant 0 : i32
    %broadcast_in_dim3A_51 = vector.broadcast %broadcast_in_dim3A : i32 to vector<16xi32>
    %get3A_52 = arith.constant 0 : index
    %get3A_53 = tpu.vector_load %arg13[%get3A_52] {strides = array<i32>} : memref<16xf32, #tpu.memory_space<vmem>>, vector<16xf32>,
    %get3A_54 = arith.constant 0 : index
    %get3A_55 = tpu.vector_load %arg9[%get3A_54] {strides = array<i32>} : memref<512xi32, #tpu.memory_space<vmem>>, vector<16xi32>,
    %get3A_56 = arith.constant 0 : index
    %get3A_57 = tpu.vector_load %arg10[%get3A_56] {strides = array<i32>} : memref<512xi32, #tpu.memory_space<vmem>>, vector<16xi32>,
    %select_n3A = arith.select %eq3A_5, %get3A_55, %broadcast_in_dim3A_51 : vector<16xi1>, vector<16xi32>
    %reduce_sum3A = arith.constant true
    %reduce_sum3A_58 = vector.broadcast %reduce_sum3A : i1 to vector<16xi1>
    %reduce_sum3A_59 = tpu.scan <sum>, %select_n3A masked %reduce_sum3A_58 : vector<16xi32>, vector<16xi1> -> vector<16xi32>
    %reduce_sum3A_60 = vector.extract %reduce_sum3A_59[15] : i32 from vector<16xi32>
    %select_n3A_61 = arith.select %eq3A_5, %get3A_57, %broadcast_in_dim3A_51 : vector<16xi1>, vector<16xi32>
    %reduce_sum3A_62 = arith.constant true
    %reduce_sum3A_63 = vector.broadcast %reduce_sum3A_62 : i1 to vector<16xi1>
    %reduce_sum3A_64 = tpu.scan <sum>, %select_n3A_61 masked %reduce_sum3A_63 : vector<16xi32>, vector<16xi1> -> vector<16xi32>
    %reduce_sum3A_65 = vector.extract %reduce_sum3A_64[15] : i32 from vector<16xi32>
    %jit3A = arith.constant 128 : i32
    %div3A = arith.divsi %reduce_sum3A_60, %jit3A : i32
    %sign3A = arith.constant 0 : i32
    %sign3A_66 = arith.cmpi sgt, %reduce_sum3A_60, %sign3A : i32
    %sign3A_67 = arith.extui %sign3A_66 : i1 to i32
    %sign3A_68 = arith.constant 0 : i32
    %sign3A_69 = arith.cmpi slt, %reduce_sum3A_60, %sign3A_68 : i32
    %sign3A_70 = arith.extui %sign3A_69 : i1 to i32
    %sign3A_71 = arith.subi %sign3A_67, %sign3A_70 : i32
    %sign3A_72 = arith.constant 0 : i32
    %sign3A_73 = arith.cmpi sgt, %jit3A, %sign3A_72 : i32
    %sign3A_74 = arith.extui %sign3A_73 : i1 to i32
    %sign3A_75 = arith.constant 0 : i32
    %sign3A_76 = arith.cmpi slt, %jit3A, %sign3A_75 : i32
    %sign3A_77 = arith.extui %sign3A_76 : i1 to i32
    %sign3A_78 = arith.subi %sign3A_74, %sign3A_77 : i32
    %ne3A = arith.cmpi ne, %sign3A_71, %sign3A_78 : i32
    %rem3A = arith.remsi %reduce_sum3A_60, %jit3A : i32
    %ne3A_79 = arith.constant 0 : i32
    %ne3A_80 = arith.cmpi ne, %rem3A, %ne3A_79 : i32
    %and3A = arith.andi %ne3A, %ne3A_80 : i1
    %sub3A = arith.constant 1 : i32
    %sub3A_81 = arith.subi %div3A, %sub3A : i32
    %select_n3A_82 = arith.select %and3A, %sub3A_81, %div3A : i32
    %mul3A_83 = arith.constant 128 : i32
    %mul3A_84 = arith.muli %select_n3A_82, %mul3A_83 : i32
    %multiple_of3A = tpu.assume_multiple %mul3A_84, 128 : i32
    %jit3A_85 = arith.constant 128 : i32
    %div3A_86 = arith.divsi %reduce_sum3A_65, %jit3A_85 : i32
    %sign3A_87 = arith.constant 0 : i32
    %sign3A_88 = arith.cmpi sgt, %reduce_sum3A_65, %sign3A_87 : i32
    %sign3A_89 = arith.extui %sign3A_88 : i1 to i32
    %sign3A_90 = arith.constant 0 : i32
    %sign3A_91 = arith.cmpi slt, %reduce_sum3A_65, %sign3A_90 : i32
    %sign3A_92 = arith.extui %sign3A_91 : i1 to i32
    %sign3A_93 = arith.subi %sign3A_89, %sign3A_92 : i32
    %sign3A_94 = arith.constant 0 : i32
    %sign3A_95 = arith.cmpi sgt, %jit3A_85, %sign3A_94 : i32
    %sign3A_96 = arith.extui %sign3A_95 : i1 to i32
    %sign3A_97 = arith.constant 0 : i32
    %sign3A_98 = arith.cmpi slt, %jit3A_85, %sign3A_97 : i32
    %sign3A_99 = arith.extui %sign3A_98 : i1 to i32
    %sign3A_100 = arith.subi %sign3A_96, %sign3A_99 : i32
    %ne3A_101 = arith.cmpi ne, %sign3A_93, %sign3A_100 : i32
    %rem3A_102 = arith.remsi %reduce_sum3A_65, %jit3A_85 : i32
    %ne3A_103 = arith.constant 0 : i32
    %ne3A_104 = arith.cmpi ne, %rem3A_102, %ne3A_103 : i32
    %and3A_105 = arith.andi %ne3A_101, %ne3A_104 : i1
    %sub3A_106 = arith.constant 1 : i32
    %sub3A_107 = arith.subi %div3A_86, %sub3A_106 : i32
    %select_n3A_108 = arith.select %and3A_105, %sub3A_107, %div3A_86 : i32
    %mul3A_109 = arith.constant 128 : i32
    %mul3A_110 = arith.muli %select_n3A_108, %mul3A_109 : i32
    %multiple_of3A_111 = tpu.assume_multiple %mul3A_110, 128 : i32
    %dma_start3A = arith.constant 0 : i32
    %dma_start3A_112 = arith.constant 0 : i32
    %dma_start3A_113 = arith.constant 0 : i32
    %dma_start3A_114 = arith.constant 0 : i32
    %dma_start3A_115 = tpu.memref_slice %arg11[%dma_start3A, %dma_start3A_112, %dma_start3A_113, %dma_start3A_114] : memref<2x8x16x128xf32, #tpu.memory_space<vmem>> -> memref<1x1x16x128xf32, #tpu.memory_space<vmem>>
    %dma_start3A_116 = tpu.memref_squeeze %dma_start3A_115 : memref<1x1x16x128xf32, #tpu.memory_space<vmem>> -> memref<16x128xf32, #tpu.memory_space<vmem>>
    %dma_start3A_117 = arith.constant 0 : i32
    %dma_start3A_118 = tpu.memref_slice %arg4[%dma_start3A_117, %multiple_of3A] : memref<16x1000000xf32, #tpu.memory_space<hbm>> -> memref<16x128xf32, #tpu.memory_space<hbm>>
    %dma_start3A_119 = arith.constant 0 : i32
    %dma_start3A_120 = arith.constant 0 : i32
    %dma_start3A_121 = tpu.memref_slice %arg11[%dma_start3A, %dma_start3A_112, %dma_start3A_119, %dma_start3A_120] : memref<2x8x16x128xf32, #tpu.memory_space<vmem>> -> memref<1x1x16x128xf32, #tpu.memory_space<vmem>>
    %dma_start3A_122 = tpu.memref_squeeze %dma_start3A_121 : memref<1x1x16x128xf32, #tpu.memory_space<vmem>> -> memref<16x128xf32, #tpu.memory_space<vmem>>
    %dma_start3A_123 = arith.constant 0 : i32
    %dma_start3A_124 = tpu.memref_slice %arg4[%dma_start3A_123, %multiple_of3A] : memref<16x1000000xf32, #tpu.memory_space<hbm>> -> memref<16x128xf32, #tpu.memory_space<hbm>>
    tpu.enqueue_dma source(%dma_start3A_124 : memref<16x128xf32, #tpu.memory_space<hbm>>) target(%dma_start3A_122 : memref<16x128xf32, #tpu.memory_space<vmem>>) target_semaphore(%arg16 : memref<!tpu.dma_semaphore, #tpu.memory_space<semaphore_mem>>)
    %dma_start3A_125 = arith.constant 0 : i32
    %dma_start3A_126 = arith.constant 0 : i32
    %dma_start3A_127 = arith.constant 0 : i32
    %dma_start3A_128 = arith.constant 0 : i32
    %dma_start3A_129 = tpu.memref_slice %arg12[%dma_start3A_125, %dma_start3A_126, %dma_start3A_127, %dma_start3A_128] : memref<2x8x16x128xf32, #tpu.memory_space<vmem>> -> memref<1x1x16x128xf32, #tpu.memory_space<vmem>>
    %dma_start3A_130 = tpu.memref_squeeze %dma_start3A_129 : memref<1x1x16x128xf32, #tpu.memory_space<vmem>> -> memref<16x128xf32, #tpu.memory_space<vmem>>
    %dma_start3A_131 = arith.constant 0 : i32
    %dma_start3A_132 = tpu.memref_slice %arg5[%dma_start3A_131, %multiple_of3A_111] : memref<16x1000000xf32, #tpu.memory_space<hbm>> -> memref<16x128xf32, #tpu.memory_space<hbm>>
    %dma_start3A_133 = arith.constant 0 : i32
    %dma_start3A_134 = arith.constant 0 : i32
    %dma_start3A_135 = tpu.memref_slice %arg12[%dma_start3A_125, %dma_start3A_126, %dma_start3A_133, %dma_start3A_134] : memref<2x8x16x128xf32, #tpu.memory_space<vmem>> -> memref<1x1x16x128xf32, #tpu.memory_space<vmem>>
    %dma_start3A_136 = tpu.memref_squeeze %dma_start3A_135 : memref<1x1x16x128xf32, #tpu.memory_space<vmem>> -> memref<16x128xf32, #tpu.memory_space<vmem>>
    %dma_start3A_137 = arith.constant 0 : i32
    %dma_start3A_138 = tpu.memref_slice %arg5[%dma_start3A_137, %multiple_of3A_111] : memref<16x1000000xf32, #tpu.memory_space<hbm>> -> memref<16x128xf32, #tpu.memory_space<hbm>>
    tpu.enqueue_dma source(%dma_start3A_138 : memref<16x128xf32, #tpu.memory_space<hbm>>) target(%dma_start3A_136 : memref<16x128xf32, #tpu.memory_space<vmem>>) target_semaphore(%arg16 : memref<!tpu.dma_semaphore, #tpu.memory_space<semaphore_mem>>)
    %select_n3A_139 = arith.select %eq3A_8, %get3A_55, %broadcast_in_dim3A_51 : vector<16xi1>, vector<16xi32>
    %reduce_sum3A_140 = arith.constant true
    %reduce_sum3A_141 = vector.broadcast %reduce_sum3A_140 : i1 to vector<16xi1>
    %reduce_sum3A_142 = tpu.scan <sum>, %select_n3A_139 masked %reduce_sum3A_141 : vector<16xi32>, vector<16xi1> -> vector<16xi32>
    %reduce_sum3A_143 = vector.extract %reduce_sum3A_142[15] : i32 from vector<16xi32>
    %select_n3A_144 = arith.select %eq3A_8, %get3A_57, %broadcast_in_dim3A_51 : vector<16xi1>, vector<16xi32>
    %reduce_sum3A_145 = arith.constant true
    %reduce_sum3A_146 = vector.broadcast %reduce_sum3A_145 : i1 to vector<16xi1>
    %reduce_sum3A_147 = tpu.scan <sum>, %select_n3A_144 masked %reduce_sum3A_146 : vector<16xi32>, vector<16xi1> -> vector<16xi32>
    %reduce_sum3A_148 = vector.extract %reduce_sum3A_147[15] : i32 from vector<16xi32>
    %jit3A_149 = arith.constant 128 : i32
    %div3A_150 = arith.divsi %reduce_sum3A_143, %jit3A_149 : i32
    %sign3A_151 = arith.constant 0 : i32
    %sign3A_152 = arith.cmpi sgt, %reduce_sum3A_143, %sign3A_151 : i32
    %sign3A_153 = arith.extui %sign3A_152 : i1 to i32
    %sign3A_154 = arith.constant 0 : i32
    %sign3A_155 = arith.cmpi slt, %reduce_sum3A_143, %sign3A_154 : i32
    %sign3A_156 = arith.extui %sign3A_155 : i1 to i32
    %sign3A_157 = arith.subi %sign3A_153, %sign3A_156 : i32
    %sign3A_158 = arith.constant 0 : i32
    %sign3A_159 = arith.cmpi sgt, %jit3A_149, %sign3A_158 : i32
    %sign3A_160 = arith.extui %sign3A_159 : i1 to i32
    %sign3A_161 = arith.constant 0 : i32
    %sign3A_162 = arith.cmpi slt, %jit3A_149, %sign3A_161 : i32
    %sign3A_163 = arith.extui %sign3A_162 : i1 to i32
    %sign3A_164 = arith.subi %sign3A_160, %sign3A_163 : i32
    %ne3A_165 = arith.cmpi ne, %sign3A_157, %sign3A_164 : i32
    %rem3A_166 = arith.remsi %reduce_sum3A_143, %jit3A_149 : i32
    %ne3A_167 = arith.constant 0 : i32
    %ne3A_168 = arith.cmpi ne, %rem3A_166, %ne3A_167 : i32
    %and3A_169 = arith.andi %ne3A_165, %ne3A_168 : i1
    %sub3A_170 = arith.constant 1 : i32
    %sub3A_171 = arith.subi %div3A_150, %sub3A_170 : i32
    %select_n3A_172 = arith.select %and3A_169, %sub3A_171, %div3A_150 : i32
    %mul3A_173 = arith.constant 128 : i32
    %mul3A_174 = arith.muli %select_n3A_172, %mul3A_173 : i32
    %multiple_of3A_175 = tpu.assume_multiple %mul3A_174, 128 : i32
    %jit3A_176 = arith.constant 128 : i32
    %div3A_177 = arith.divsi %reduce_sum3A_148, %jit3A_176 : i32
    %sign3A_178 = arith.constant 0 : i32
    %sign3A_179 = arith.cmpi sgt, %reduce_sum3A_148, %sign3A_178 : i32
    %sign3A_180 = arith.extui %sign3A_179 : i1 to i32
    %sign3A_181 = arith.constant 0 : i32
    %sign3A_182 = arith.cmpi slt, %reduce_sum3A_148, %sign3A_181 : i32
    %sign3A_183 = arith.extui %sign3A_182 : i1 to i32
    %sign3A_184 = arith.subi %sign3A_180, %sign3A_183 : i32
    %sign3A_185 = arith.constant 0 : i32
    %sign3A_186 = arith.cmpi sgt, %jit3A_176, %sign3A_185 : i32
    %sign3A_187 = arith.extui %sign3A_186 : i1 to i32
    %sign3A_188 = arith.constant 0 : i32
    %sign3A_189 = arith.cmpi slt, %jit3A_176, %sign3A_188 : i32
    %sign3A_190 = arith.extui %sign3A_189 : i1 to i32
    %sign3A_191 = arith.subi %sign3A_187, %sign3A_190 : i32
    %ne3A_192 = arith.cmpi ne, %sign3A_184, %sign3A_191 : i32
    %rem3A_193 = arith.remsi %reduce_sum3A_148, %jit3A_176 : i32
    %ne3A_194 = arith.constant 0 : i32
    %ne3A_195 = arith.cmpi ne, %rem3A_193, %ne3A_194 : i32
    %and3A_196 = arith.andi %ne3A_192, %ne3A_195 : i1
    %sub3A_197 = arith.constant 1 : i32
    %sub3A_198 = arith.subi %div3A_177, %sub3A_197 : i32
    %select_n3A_199 = arith.select %and3A_196, %sub3A_198, %div3A_177 : i32
    %mul3A_200 = arith.constant 128 : i32
    %mul3A_201 = arith.muli %select_n3A_199, %mul3A_200 : i32
    %multiple_of3A_202 = tpu.assume_multiple %mul3A_201, 128 : i32
    %dma_start3A_203 = arith.constant 0 : i32
    %dma_start3A_204 = arith.constant 1 : i32
    %dma_start3A_205 = arith.constant 0 : i32
    %dma_start3A_206 = arith.constant 0 : i32
    %dma_start3A_207 = tpu.memref_slice %arg11[%dma_start3A_203, %dma_start3A_204, %dma_start3A_205, %dma_start3A_206] : memref<2x8x16x128xf32, #tpu.memory_space<vmem>> -> memref<1x1x16x128xf32, #tpu.memory_space<vmem>>
    %dma_start3A_208 = tpu.memref_squeeze %dma_start3A_207 : memref<1x1x16x128xf32, #tpu.memory_space<vmem>> -> memref<16x128xf32, #tpu.memory_space<vmem>>
    %dma_start3A_209 = arith.constant 0 : i32
    %dma_start3A_210 = tpu.memref_slice %arg4[%dma_start3A_209, %multiple_of3A_175] : memref<16x1000000xf32, #tpu.memory_space<hbm>> -> memref<16x128xf32, #tpu.memory_space<hbm>>
    %dma_start3A_211 = arith.constant 0 : i32
    %dma_start3A_212 = arith.constant 0 : i32
    %dma_start3A_213 = tpu.memref_slice %arg11[%dma_start3A_203, %dma_start3A_204, %dma_start3A_211, %dma_start3A_212] : memref<2x8x16x128xf32, #tpu.memory_space<vmem>> -> memref<1x1x16x128xf32, #tpu.memory_space<vmem>>
    %dma_start3A_214 = tpu.memref_squeeze %dma_start3A_213 : memref<1x1x16x128xf32, #tpu.memory_space<vmem>> -> memref<16x128xf32, #tpu.memory_space<vmem>>
    %dma_start3A_215 = arith.constant 0 : i32
    %dma_start3A_216 = tpu.memref_slice %arg4[%dma_start3A_215, %multiple_of3A_175] : memref<16x1000000xf32, #tpu.memory_space<hbm>> -> memref<16x128xf32, #tpu.memory_space<hbm>>
    tpu.enqueue_dma source(%dma_start3A_216 : memref<16x128xf32, #tpu.memory_space<hbm>>) target(%dma_start3A_214 : memref<16x128xf32, #tpu.memory_space<vmem>>) target_semaphore(%arg16 : memref<!tpu.dma_semaphore, #tpu.memory_space<semaphore_mem>>)
    %dma_start3A_217 = arith.constant 0 : i32
    %dma_start3A_218 = arith.constant 1 : i32
    %dma_start3A_219 = arith.constant 0 : i32
    %dma_start3A_220 = arith.constant 0 : i32
    %dma_start3A_221 = tpu.memref_slice %arg12[%dma_start3A_217, %dma_start3A_218, %dma_start3A_219, %dma_start3A_220] : memref<2x8x16x128xf32, #tpu.memory_space<vmem>> -> memref<1x1x16x128xf32, #tpu.memory_space<vmem>>
    %dma_start3A_222 = tpu.memref_squeeze %dma_start3A_221 : memref<1x1x16x128xf32, #tpu.memory_space<vmem>> -> memref<16x128xf32, #tpu.memory_space<vmem>>
    %dma_start3A_223 = arith.constant 0 : i32
    %dma_start3A_224 = tpu.memref_slice %arg5[%dma_start3A_223, %multiple_of3A_202] : memref<16x1000000xf32, #tpu.memory_space<hbm>> -> memref<16x128xf32, #tpu.memory_space<hbm>>
    %dma_start3A_225 = arith.constant 0 : i32
    %dma_start3A_226 = arith.constant 0 : i32
    %dma_start3A_227 = tpu.memref_slice %arg12[%dma_start3A_217, %dma_start3A_218, %dma_start3A_225, %dma_start3A_226] : memref<2x8x16x128xf32, #tpu.memory_space<vmem>> -> memref<1x1x16x128xf32, #tpu.memory_space<vmem>>
    %dma_start3A_228 = tpu.memref_squeeze %dma_start3A_227 : memref<1x1x16x128xf32, #tpu.memory_space<vmem>> -> memref<16x128xf32, #tpu.memory_space<vmem>>
    %dma_start3A_229 = arith.constant 0 : i32
    %dma_start3A_230 = tpu.memref_slice %arg5[%dma_start3A_229, %multiple_of3A_202] : memref<16x1000000xf32, #tpu.memory_space<hbm>> -> memref<16x128xf32, #tpu.memory_space<hbm>>
    tpu.enqueue_dma source(%dma_start3A_230 : memref<16x128xf32, #tpu.memory_space<hbm>>) target(%dma_start3A_228 : memref<16x128xf32, #tpu.memory_space<vmem>>) target_semaphore(%arg16 : memref<!tpu.dma_semaphore, #tpu.memory_space<semaphore_mem>>)
    %select_n3A_231 = arith.select %eq3A_11, %get3A_55, %broadcast_in_dim3A_51 : vector<16xi1>, vector<16xi32>
    %reduce_sum3A_232 = arith.constant true
    %reduce_sum3A_233 = vector.broadcast %reduce_sum3A_232 : i1 to vector<16xi1>
    %reduce_sum3A_234 = tpu.scan <sum>, %select_n3A_231 masked %reduce_sum3A_233 : vector<16xi32>, vector<16xi1> -> vector<16xi32>
    %reduce_sum3A_235 = vector.extract %reduce_sum3A_234[15] : i32 from vector<16xi32>
    %select_n3A_236 = arith.select %eq3A_11, %get3A_57, %broadcast_in_dim3A_51 : vector<16xi1>, vector<16xi32>
    %reduce_sum3A_237 = arith.constant true
    %reduce_sum3A_238 = vector.broadcast %reduce_sum3A_237 : i1 to vector<16xi1>
    %reduce_sum3A_239 = tpu.scan <sum>, %select_n3A_236 masked %reduce_sum3A_238 : vector<16xi32>, vector<16xi1> -> vector<16xi32>
    %reduce_sum3A_240 = vector.extract %reduce_sum3A_239[15] : i32 from vector<16xi32>
    %jit3A_241 = arith.constant 128 : i32
    %div3A_242 = arith.divsi %reduce_sum3A_235, %jit3A_241 : i32
    %sign3A_243 = arith.constant 0 : i32
    %sign3A_244 = arith.cmpi sgt, %reduce_sum3A_235, %sign3A_243 : i32
    %sign3A_245 = arith.extui %sign3A_244 : i1 to i32
    %sign3A_246 = arith.constant 0 : i32
    %sign3A_247 = arith.cmpi slt, %reduce_sum3A_235, %sign3A_246 : i32
    %sign3A_248 = arith.extui %sign3A_247 : i1 to i32
    %sign3A_249 = arith.subi %sign3A_245, %sign3A_248 : i32
    %sign3A_250 = arith.constant 0 : i32
    %sign3A_251 = arith.cmpi sgt, %jit3A_241, %sign3A_250 : i32
    %sign3A_252 = arith.extui %sign3A_251 : i1 to i32
    %sign3A_253 = arith.constant 0 : i32
    %sign3A_254 = arith.cmpi slt, %jit3A_241, %sign3A_253 : i32
    %sign3A_255 = arith.extui %sign3A_254 : i1 to i32
    %sign3A_256 = arith.subi %sign3A_252, %sign3A_255 : i32
    %ne3A_257 = arith.cmpi ne, %sign3A_249, %sign3A_256 : i32
    %rem3A_258 = arith.remsi %reduce_sum3A_235, %jit3A_241 : i32
    %ne3A_259 = arith.constant 0 : i32
    %ne3A_260 = arith.cmpi ne, %rem3A_258, %ne3A_259 : i32
    %and3A_261 = arith.andi %ne3A_257, %ne3A_260 : i1
    %sub3A_262 = arith.constant 1 : i32
    %sub3A_263 = arith.subi %div3A_242, %sub3A_262 : i32
    %select_n3A_264 = arith.select %and3A_261, %sub3A_263, %div3A_242 : i32
    %mul3A_265 = arith.constant 128 : i32
    %mul3A_266 = arith.muli %select_n3A_264, %mul3A_265 : i32
    %multiple_of3A_267 = tpu.assume_multiple %mul3A_266, 128 : i32
    %jit3A_268 = arith.constant 128 : i32
    %div3A_269 = arith.divsi %reduce_sum3A_240, %jit3A_268 : i32
    %sign3A_270 = arith.constant 0 : i32
    %sign3A_271 = arith.cmpi sgt, %reduce_sum3A_240, %sign3A_270 : i32
    %sign3A_272 = arith.extui %sign3A_271 : i1 to i32
    %sign3A_273 = arith.constant 0 : i32
    %sign3A_274 = arith.cmpi slt, %reduce_sum3A_240, %sign3A_273 : i32
    %sign3A_275 = arith.extui %sign3A_274 : i1 to i32
    %sign3A_276 = arith.subi %sign3A_272, %sign3A_275 : i32
    %sign3A_277 = arith.constant 0 : i32
    %sign3A_278 = arith.cmpi sgt, %jit3A_268, %sign3A_277 : i32
    %sign3A_279 = arith.extui %sign3A_278 : i1 to i32
    %sign3A_280 = arith.constant 0 : i32
    %sign3A_281 = arith.cmpi slt, %jit3A_268, %sign3A_280 : i32
    %sign3A_282 = arith.extui %sign3A_281 : i1 to i32
    %sign3A_283 = arith.subi %sign3A_279, %sign3A_282 : i32
    %ne3A_284 = arith.cmpi ne, %sign3A_276, %sign3A_283 : i32
    %rem3A_285 = arith.remsi %reduce_sum3A_240, %jit3A_268 : i32
    %ne3A_286 = arith.constant 0 : i32
    %ne3A_287 = arith.cmpi ne, %rem3A_285, %ne3A_286 : i32
    %and3A_288 = arith.andi %ne3A_284, %ne3A_287 : i1
    %sub3A_289 = arith.constant 1 : i32
    %sub3A_290 = arith.subi %div3A_269, %sub3A_289 : i32
    %select_n3A_291 = arith.select %and3A_288, %sub3A_290, %div3A_269 : i32
    %mul3A_292 = arith.constant 128 : i32
    %mul3A_293 = arith.muli %select_n3A_291, %mul3A_292 : i32
    %multiple_of3A_294 = tpu.assume_multiple %mul3A_293, 128 : i32
    %dma_start3A_295 = arith.constant 0 : i32
    %dma_start3A_296 = arith.constant 2 : i32
    %dma_start3A_297 = arith.constant 0 : i32
    %dma_start3A_298 = arith.constant 0 : i32
    %dma_start3A_299 = tpu.memref_slice %arg11[%dma_start3A_295, %dma_start3A_296, %dma_start3A_297, %dma_start3A_298] : memref<2x8x16x128xf32, #tpu.memory_space<vmem>> -> memref<1x1x16x128xf32, #tpu.memory_space<vmem>>
    %dma_start3A_300 = tpu.memref_squeeze %dma_start3A_299 : memref<1x1x16x128xf32, #tpu.memory_space<vmem>> -> memref<16x128xf32, #tpu.memory_space<vmem>>
    %dma_start3A_301 = arith.constant 0 : i32
    %dma_start3A_302 = tpu.memref_slice %arg4[%dma_start3A_301, %multiple_of3A_267] : memref<16x1000000xf32, #tpu.memory_space<hbm>> -> memref<16x128xf32, #tpu.memory_space<hbm>>
    %dma_start3A_303 = arith.constant 0 : i32
    %dma_start3A_304 = arith.constant 0 : i32
    %dma_start3A_305 = tpu.memref_slice %arg11[%dma_start3A_295, %dma_start3A_296, %dma_start3A_303, %dma_start3A_304] : memref<2x8x16x128xf32, #tpu.memory_space<vmem>> -> memref<1x1x16x128xf32, #tpu.memory_space<vmem>>
    %dma_start3A_306 = tpu.memref_squeeze %dma_start3A_305 : memref<1x1x16x128xf32, #tpu.memory_space<vmem>> -> memref<16x128xf32, #tpu.memory_space<vmem>>
    %dma_start3A_307 = arith.constant 0 : i32
    %dma_start3A_308 = tpu.memref_slice %arg4[%dma_start3A_307, %multiple_of3A_267] : memref<16x1000000xf32, #tpu.memory_space<hbm>> -> memref<16x128xf32, #tpu.memory_space<hbm>>
    tpu.enqueue_dma source(%dma_start3A_308 : memref<16x128xf32, #tpu.memory_space<hbm>>) target(%dma_start3A_306 : memref<16x128xf32, #tpu.memory_space<vmem>>) target_semaphore(%arg16 : memref<!tpu.dma_semaphore, #tpu.memory_space<semaphore_mem>>)
    %dma_start3A_309 = arith.constant 0 : i32
    %dma_start3A_310 = arith.constant 2 : i32
    %dma_start3A_311 = arith.constant 0 : i32
    %dma_start3A_312 = arith.constant 0 : i32
    %dma_start3A_313 = tpu.memref_slice %arg12[%dma_start3A_309, %dma_start3A_310, %dma_start3A_311, %dma_start3A_312] : memref<2x8x16x128xf32, #tpu.memory_space<vmem>> -> memref<1x1x16x128xf32, #tpu.memory_space<vmem>>
    %dma_start3A_314 = tpu.memref_squeeze %dma_start3A_313 : memref<1x1x16x128xf32, #tpu.memory_space<vmem>> -> memref<16x128xf32, #tpu.memory_space<vmem>>
    %dma_start3A_315 = arith.constant 0 : i32
    %dma_start3A_316 = tpu.memref_slice %arg5[%dma_start3A_315, %multiple_of3A_294] : memref<16x1000000xf32, #tpu.memory_space<hbm>> -> memref<16x128xf32, #tpu.memory_space<hbm>>
    %dma_start3A_317 = arith.constant 0 : i32
    %dma_start3A_318 = arith.constant 0 : i32
    %dma_start3A_319 = tpu.memref_slice %arg12[%dma_start3A_309, %dma_start3A_310, %dma_start3A_317, %dma_start3A_318] : memref<2x8x16x128xf32, #tpu.memory_space<vmem>> -> memref<1x1x16x128xf32, #tpu.memory_space<vmem>>
    %dma_start3A_320 = tpu.memref_squeeze %dma_start3A_319 : memref<1x1x16x128xf32, #tpu.memory_space<vmem>> -> memref<16x128xf32, #tpu.memory_space<vmem>>
    %dma_start3A_321 = arith.constant 0 : i32
    %dma_start3A_322 = tpu.memref_slice %arg5[%dma_start3A_321, %multiple_of3A_294] : memref<16x1000000xf32, #tpu.memory_space<hbm>> -> memref<16x128xf32, #tpu.memory_space<hbm>>
    tpu.enqueue_dma source(%dma_start3A_322 : memref<16x128xf32, #tpu.memory_space<hbm>>) target(%dma_start3A_320 : memref<16x128xf32, #tpu.memory_space<vmem>>) target_semaphore(%arg16 : memref<!tpu.dma_semaphore, #tpu.memory_space<semaphore_mem>>)
    %select_n3A_323 = arith.select %eq3A_14, %get3A_55, %broadcast_in_dim3A_51 : vector<16xi1>, vector<16xi32>
    %reduce_sum3A_324 = arith.constant true
    %reduce_sum3A_325 = vector.broadcast %reduce_sum3A_324 : i1 to vector<16xi1>
    %reduce_sum3A_326 = tpu.scan <sum>, %select_n3A_323 masked %reduce_sum3A_325 : vector<16xi32>, vector<16xi1> -> vector<16xi32>
    %reduce_sum3A_327 = vector.extract %reduce_sum3A_326[15] : i32 from vector<16xi32>
    %select_n3A_328 = arith.select %eq3A_14, %get3A_57, %broadcast_in_dim3A_51 : vector<16xi1>, vector<16xi32>
    %reduce_sum3A_329 = arith.constant true
    %reduce_sum3A_330 = vector.broadcast %reduce_sum3A_329 : i1 to vector<16xi1>
    %reduce_sum3A_331 = tpu.scan <sum>, %select_n3A_328 masked %reduce_sum3A_330 : vector<16xi32>, vector<16xi1> -> vector<16xi32>
    %reduce_sum3A_332 = vector.extract %reduce_sum3A_331[15] : i32 from vector<16xi32>
    %jit3A_333 = arith.constant 128 : i32
    %div3A_334 = arith.divsi %reduce_sum3A_327, %jit3A_333 : i32
    %sign3A_335 = arith.constant 0 : i32
    %sign3A_336 = arith.cmpi sgt, %reduce_sum3A_327, %sign3A_335 : i32
    %sign3A_337 = arith.extui %sign3A_336 : i1 to i32
    %sign3A_338 = arith.constant 0 : i32
    %sign3A_339 = arith.cmpi slt, %reduce_sum3A_327, %sign3A_338 : i32
    %sign3A_340 = arith.extui %sign3A_339 : i1 to i32
    %sign3A_341 = arith.subi %sign3A_337, %sign3A_340 : i32
    %sign3A_342 = arith.constant 0 : i32
    %sign3A_343 = arith.cmpi sgt, %jit3A_333, %sign3A_342 : i32
    %sign3A_344 = arith.extui %sign3A_343 : i1 to i32
    %sign3A_345 = arith.constant 0 : i32
    %sign3A_346 = arith.cmpi slt, %jit3A_333, %sign3A_345 : i32
    %sign3A_347 = arith.extui %sign3A_346 : i1 to i32
    %sign3A_348 = arith.subi %sign3A_344, %sign3A_347 : i32
    %ne3A_349 = arith.cmpi ne, %sign3A_341, %sign3A_348 : i32
    %rem3A_350 = arith.remsi %reduce_sum3A_327, %jit3A_333 : i32
    %ne3A_351 = arith.constant 0 : i32
    %ne3A_352 = arith.cmpi ne, %rem3A_350, %ne3A_351 : i32
    %and3A_353 = arith.andi %ne3A_349, %ne3A_352 : i1
    %sub3A_354 = arith.constant 1 : i32
    %sub3A_355 = arith.subi %div3A_334, %sub3A_354 : i32
    %select_n3A_356 = arith.select %and3A_353, %sub3A_355, %div3A_334 : i32
    %mul3A_357 = arith.constant 128 : i32
    %mul3A_358 = arith.muli %select_n3A_356, %mul3A_357 : i32
    %multiple_of3A_359 = tpu.assume_multiple %mul3A_358, 128 : i32
    %jit3A_360 = arith.constant 128 : i32
    %div3A_361 = arith.divsi %reduce_sum3A_332, %jit3A_360 : i32
    %sign3A_362 = arith.constant 0 : i32
    %sign3A_363 = arith.cmpi sgt, %reduce_sum3A_332, %sign3A_362 : i32
    %sign3A_364 = arith.extui %sign3A_363 : i1 to i32
    %sign3A_365 = arith.constant 0 : i32
    %sign3A_366 = arith.cmpi slt, %reduce_sum3A_332, %sign3A_365 : i32
    %sign3A_367 = arith.extui %sign3A_366 : i1 to i32
    %sign3A_368 = arith.subi %sign3A_364, %sign3A_367 : i32
    %sign3A_369 = arith.constant 0 : i32
    %sign3A_370 = arith.cmpi sgt, %jit3A_360, %sign3A_369 : i32
    %sign3A_371 = arith.extui %sign3A_370 : i1 to i32
    %sign3A_372 = arith.constant 0 : i32
    %sign3A_373 = arith.cmpi slt, %jit3A_360, %sign3A_372 : i32
    %sign3A_374 = arith.extui %sign3A_373 : i1 to i32
    %sign3A_375 = arith.subi %sign3A_371, %sign3A_374 : i32
    %ne3A_376 = arith.cmpi ne, %sign3A_368, %sign3A_375 : i32
    %rem3A_377 = arith.remsi %reduce_sum3A_332, %jit3A_360 : i32
    %ne3A_378 = arith.constant 0 : i32
    %ne3A_379 = arith.cmpi ne, %rem3A_377, %ne3A_378 : i32
    %and3A_380 = arith.andi %ne3A_376, %ne3A_379 : i1
    %sub3A_381 = arith.constant 1 : i32
    %sub3A_382 = arith.subi %div3A_361, %sub3A_381 : i32
    %select_n3A_383 = arith.select %and3A_380, %sub3A_382, %div3A_361 : i32
    %mul3A_384 = arith.constant 128 : i32
    %mul3A_385 = arith.muli %select_n3A_383, %mul3A_384 : i32
    %multiple_of3A_386 = tpu.assume_multiple %mul3A_385, 128 : i32
    %dma_start3A_387 = arith.constant 0 : i32
    %dma_start3A_388 = arith.constant 3 : i32
    %dma_start3A_389 = arith.constant 0 : i32
    %dma_start3A_390 = arith.constant 0 : i32
    %dma_start3A_391 = tpu.memref_slice %arg11[%dma_start3A_387, %dma_start3A_388, %dma_start3A_389, %dma_start3A_390] : memref<2x8x16x128xf32, #tpu.memory_space<vmem>> -> memref<1x1x16x128xf32, #tpu.memory_space<vmem>>
    %dma_start3A_392 = tpu.memref_squeeze %dma_start3A_391 : memref<1x1x16x128xf32, #tpu.memory_space<vmem>> -> memref<16x128xf32, #tpu.memory_space<vmem>>
    %dma_start3A_393 = arith.constant 0 : i32
    %dma_start3A_394 = tpu.memref_slice %arg4[%dma_start3A_393, %multiple_of3A_359] : memref<16x1000000xf32, #tpu.memory_space<hbm>> -> memref<16x128xf32, #tpu.memory_space<hbm>>
    %dma_start3A_395 = arith.constant 0 : i32
    %dma_start3A_396 = arith.constant 0 : i32
    %dma_start3A_397 = tpu.memref_slice %arg11[%dma_start3A_387, %dma_start3A_388, %dma_start3A_395, %dma_start3A_396] : memref<2x8x16x128xf32, #tpu.memory_space<vmem>> -> memref<1x1x16x128xf32, #tpu.memory_space<vmem>>
    %dma_start3A_398 = tpu.memref_squeeze %dma_start3A_397 : memref<1x1x16x128xf32, #tpu.memory_space<vmem>> -> memref<16x128xf32, #tpu.memory_space<vmem>>
    %dma_start3A_399 = arith.constant 0 : i32
    %dma_start3A_400 = tpu.memref_slice %arg4[%dma_start3A_399, %multiple_of3A_359] : memref<16x1000000xf32, #tpu.memory_space<hbm>> -> memref<16x128xf32, #tpu.memory_space<hbm>>
    tpu.enqueue_dma source(%dma_start3A_400 : memref<16x128xf32, #tpu.memory_space<hbm>>) target(%dma_start3A_398 : memref<16x128xf32, #tpu.memory_space<vmem>>) target_semaphore(%arg16 : memref<!tpu.dma_semaphore, #tpu.memory_space<semaphore_mem>>)
    %dma_start3A_401 = arith.constant 0 : i32
    %dma_start3A_402 = arith.constant 3 : i32
    %dma_start3A_403 = arith.constant 0 : i32
    %dma_start3A_404 = arith.constant 0 : i32
    %dma_start3A_405 = tpu.memref_slice %arg12[%dma_start3A_401, %dma_start3A_402, %dma_start3A_403, %dma_start3A_404] : memref<2x8x16x128xf32, #tpu.memory_space<vmem>> -> memref<1x1x16x128xf32, #tpu.memory_space<vmem>>
    %dma_start3A_406 = tpu.memref_squeeze %dma_start3A_405 : memref<1x1x16x128xf32, #tpu.memory_space<vmem>> -> memref<16x128xf32, #tpu.memory_space<vmem>>
    %dma_start3A_407 = arith.constant 0 : i32
    %dma_start3A_408 = tpu.memref_slice %arg5[%dma_start3A_407, %multiple_of3A_386] : memref<16x1000000xf32, #tpu.memory_space<hbm>> -> memref<16x128xf32, #tpu.memory_space<hbm>>
    %dma_start3A_409 = arith.constant 0 : i32
    %dma_start3A_410 = arith.constant 0 : i32
    %dma_start3A_411 = tpu.memref_slice %arg12[%dma_start3A_401, %dma_start3A_402, %dma_start3A_409, %dma_start3A_410] : memref<2x8x16x128xf32, #tpu.memory_space<vmem>> -> memref<1x1x16x128xf32, #tpu.memory_space<vmem>>
    %dma_start3A_412 = tpu.memref_squeeze %dma_start3A_411 : memref<1x1x16x128xf32, #tpu.memory_space<vmem>> -> memref<16x128xf32, #tpu.memory_space<vmem>>
    %dma_start3A_413 = arith.constant 0 : i32
    %dma_start3A_414 = tpu.memref_slice %arg5[%dma_start3A_413, %multiple_of3A_386] : memref<16x1000000xf32, #tpu.memory_space<hbm>> -> memref<16x128xf32, #tpu.memory_space<hbm>>
    tpu.enqueue_dma source(%dma_start3A_414 : memref<16x128xf32, #tpu.memory_space<hbm>>) target(%dma_start3A_412 : memref<16x128xf32, #tpu.memory_space<vmem>>) target_semaphore(%arg16 : memref<!tpu.dma_semaphore, #tpu.memory_space<semaphore_mem>>)
    %select_n3A_415 = arith.select %eq3A_17, %get3A_55, %broadcast_in_dim3A_51 : vector<16xi1>, vector<16xi32>
    %reduce_sum3A_416 = arith.constant true
    %reduce_sum3A_417 = vector.broadcast %reduce_sum3A_416 : i1 to vector<16xi1>
    %reduce_sum3A_418 = tpu.scan <sum>, %select_n3A_415 masked %reduce_sum3A_417 : vector<16xi32>, vector<16xi1> -> vector<16xi32>
    %reduce_sum3A_419 = vector.extract %reduce_sum3A_418[15] : i32 from vector<16xi32>
    %select_n3A_420 = arith.select %eq3A_17, %get3A_57, %broadcast_in_dim3A_51 : vector<16xi1>, vector<16xi32>
    %reduce_sum3A_421 = arith.constant true
    %reduce_sum3A_422 = vector.broadcast %reduce_sum3A_421 : i1 to vector<16xi1>
    %reduce_sum3A_423 = tpu.scan <sum>, %select_n3A_420 masked %reduce_sum3A_422 : vector<16xi32>, vector<16xi1> -> vector<16xi32>
    %reduce_sum3A_424 = vector.extract %reduce_sum3A_423[15] : i32 from vector<16xi32>
    %jit3A_425 = arith.constant 128 : i32
    %div3A_426 = arith.divsi %reduce_sum3A_419, %jit3A_425 : i32
    %sign3A_427 = arith.constant 0 : i32
    %sign3A_428 = arith.cmpi sgt, %reduce_sum3A_419, %sign3A_427 : i32
    %sign3A_429 = arith.extui %sign3A_428 : i1 to i32
    %sign3A_430 = arith.constant 0 : i32
    %sign3A_431 = arith.cmpi slt, %reduce_sum3A_419, %sign3A_430 : i32
    %sign3A_432 = arith.extui %sign3A_431 : i1 to i32
    %sign3A_433 = arith.subi %sign3A_429, %sign3A_432 : i32
    %sign3A_434 = arith.constant 0 : i32
    %sign3A_435 = arith.cmpi sgt, %jit3A_425, %sign3A_434 : i32
    %sign3A_436 = arith.extui %sign3A_435 : i1 to i32
    %sign3A_437 = arith.constant 0 : i32
    %sign3A_438 = arith.cmpi slt, %jit3A_425, %sign3A_437 : i32
    %sign3A_439 = arith.extui %sign3A_438 : i1 to i32
    %sign3A_440 = arith.subi %sign3A_436, %sign3A_439 : i32
    %ne3A_441 = arith.cmpi ne, %sign3A_433, %sign3A_440 : i32
    %rem3A_442 = arith.remsi %reduce_sum3A_419, %jit3A_425 : i32
    %ne3A_443 = arith.constant 0 : i32
    %ne3A_444 = arith.cmpi ne, %rem3A_442, %ne3A_443 : i32
    %and3A_445 = arith.andi %ne3A_441, %ne3A_444 : i1
    %sub3A_446 = arith.constant 1 : i32
    %sub3A_447 = arith.subi %div3A_426, %sub3A_446 : i32
    %select_n3A_448 = arith.select %and3A_445, %sub3A_447, %div3A_426 : i32
    %mul3A_449 = arith.constant 128 : i32
    %mul3A_450 = arith.muli %select_n3A_448, %mul3A_449 : i32
    %multiple_of3A_451 = tpu.assume_multiple %mul3A_450, 128 : i32
    %jit3A_452 = arith.constant 128 : i32
    %div3A_453 = arith.divsi %reduce_sum3A_424, %jit3A_452 : i32
    %sign3A_454 = arith.constant 0 : i32
    %sign3A_455 = arith.cmpi sgt, %reduce_sum3A_424, %sign3A_454 : i32
    %sign3A_456 = arith.extui %sign3A_455 : i1 to i32
    %sign3A_457 = arith.constant 0 : i32
    %sign3A_458 = arith.cmpi slt, %reduce_sum3A_424, %sign3A_457 : i32
    %sign3A_459 = arith.extui %sign3A_458 : i1 to i32
    %sign3A_460 = arith.subi %sign3A_456, %sign3A_459 : i32
    %sign3A_461 = arith.constant 0 : i32
    %sign3A_462 = arith.cmpi sgt, %jit3A_452, %sign3A_461 : i32
    %sign3A_463 = arith.extui %sign3A_462 : i1 to i32
    %sign3A_464 = arith.constant 0 : i32
    %sign3A_465 = arith.cmpi slt, %jit3A_452, %sign3A_464 : i32
    %sign3A_466 = arith.extui %sign3A_465 : i1 to i32
    %sign3A_467 = arith.subi %sign3A_463, %sign3A_466 : i32
    %ne3A_468 = arith.cmpi ne, %sign3A_460, %sign3A_467 : i32
    %rem3A_469 = arith.remsi %reduce_sum3A_424, %jit3A_452 : i32
    %ne3A_470 = arith.constant 0 : i32
    %ne3A_471 = arith.cmpi ne, %rem3A_469, %ne3A_470 : i32
    %and3A_472 = arith.andi %ne3A_468, %ne3A_471 : i1
    %sub3A_473 = arith.constant 1 : i32
    %sub3A_474 = arith.subi %div3A_453, %sub3A_473 : i32
    %select_n3A_475 = arith.select %and3A_472, %sub3A_474, %div3A_453 : i32
    %mul3A_476 = arith.constant 128 : i32
    %mul3A_477 = arith.muli %select_n3A_475, %mul3A_476 : i32
    %multiple_of3A_478 = tpu.assume_multiple %mul3A_477, 128 : i32
    %dma_start3A_479 = arith.constant 0 : i32
    %dma_start3A_480 = arith.constant 4 : i32
    %dma_start3A_481 = arith.constant 0 : i32
    %dma_start3A_482 = arith.constant 0 : i32
    %dma_start3A_483 = tpu.memref_slice %arg11[%dma_start3A_479, %dma_start3A_480, %dma_start3A_481, %dma_start3A_482] : memref<2x8x16x128xf32, #tpu.memory_space<vmem>> -> memref<1x1x16x128xf32, #tpu.memory_space<vmem>>
    %dma_start3A_484 = tpu.memref_squeeze %dma_start3A_483 : memref<1x1x16x128xf32, #tpu.memory_space<vmem>> -> memref<16x128xf32, #tpu.memory_space<vmem>>
    %dma_start3A_485 = arith.constant 0 : i32
    %dma_start3A_486 = tpu.memref_slice %arg4[%dma_start3A_485, %multiple_of3A_451] : memref<16x1000000xf32, #tpu.memory_space<hbm>> -> memref<16x128xf32, #tpu.memory_space<hbm>>
    %dma_start3A_487 = arith.constant 0 : i32
    %dma_start3A_488 = arith.constant 0 : i32
    %dma_start3A_489 = tpu.memref_slice %arg11[%dma_start3A_479, %dma_start3A_480, %dma_start3A_487, %dma_start3A_488] : memref<2x8x16x128xf32, #tpu.memory_space<vmem>> -> memref<1x1x16x128xf32, #tpu.memory_space<vmem>>
    %dma_start3A_490 = tpu.memref_squeeze %dma_start3A_489 : memref<1x1x16x128xf32, #tpu.memory_space<vmem>> -> memref<16x128xf32, #tpu.memory_space<vmem>>
    %dma_start3A_491 = arith.constant 0 : i32
    %dma_start3A_492 = tpu.memref_slice %arg4[%dma_start3A_491, %multiple_of3A_451] : memref<16x1000000xf32, #tpu.memory_space<hbm>> -> memref<16x128xf32, #tpu.memory_space<hbm>>
    tpu.enqueue_dma source(%dma_start3A_492 : memref<16x128xf32, #tpu.memory_space<hbm>>) target(%dma_start3A_490 : memref<16x128xf32, #tpu.memory_space<vmem>>) target_semaphore(%arg16 : memref<!tpu.dma_semaphore, #tpu.memory_space<semaphore_mem>>)
    %dma_start3A_493 = arith.constant 0 : i32
    %dma_start3A_494 = arith.constant 4 : i32
    %dma_start3A_495 = arith.constant 0 : i32
    %dma_start3A_496 = arith.constant 0 : i32
    %dma_start3A_497 = tpu.memref_slice %arg12[%dma_start3A_493, %dma_start3A_494, %dma_start3A_495, %dma_start3A_496] : memref<2x8x16x128xf32, #tpu.memory_space<vmem>> -> memref<1x1x16x128xf32, #tpu.memory_space<vmem>>
    %dma_start3A_498 = tpu.memref_squeeze %dma_start3A_497 : memref<1x1x16x128xf32, #tpu.memory_space<vmem>> -> memref<16x128xf32, #tpu.memory_space<vmem>>
    %dma_start3A_499 = arith.constant 0 : i32
    %dma_start3A_500 = tpu.memref_slice %arg5[%dma_start3A_499, %multiple_of3A_478] : memref<16x1000000xf32, #tpu.memory_space<hbm>> -> memref<16x128xf32, #tpu.memory_space<hbm>>
    %dma_start3A_501 = arith.constant 0 : i32
    %dma_start3A_502 = arith.constant 0 : i32
    %dma_start3A_503 = tpu.memref_slice %arg12[%dma_start3A_493, %dma_start3A_494, %dma_start3A_501, %dma_start3A_502] : memref<2x8x16x128xf32, #tpu.memory_space<vmem>> -> memref<1x1x16x128xf32, #tpu.memory_space<vmem>>
    %dma_start3A_504 = tpu.memref_squeeze %dma_start3A_503 : memref<1x1x16x128xf32, #tpu.memory_space<vmem>> -> memref<16x128xf32, #tpu.memory_space<vmem>>
    %dma_start3A_505 = arith.constant 0 : i32
    %dma_start3A_506 = tpu.memref_slice %arg5[%dma_start3A_505, %multiple_of3A_478] : memref<16x1000000xf32, #tpu.memory_space<hbm>> -> memref<16x128xf32, #tpu.memory_space<hbm>>
    tpu.enqueue_dma source(%dma_start3A_506 : memref<16x128xf32, #tpu.memory_space<hbm>>) target(%dma_start3A_504 : memref<16x128xf32, #tpu.memory_space<vmem>>) target_semaphore(%arg16 : memref<!tpu.dma_semaphore, #tpu.memory_space<semaphore_mem>>)
    %select_n3A_507 = arith.select %eq3A_20, %get3A_55, %broadcast_in_dim3A_51 : vector<16xi1>, vector<16xi32>
    %reduce_sum3A_508 = arith.constant true
    %reduce_sum3A_509 = vector.broadcast %reduce_sum3A_508 : i1 to vector<16xi1>
    %reduce_sum3A_510 = tpu.scan <sum>, %select_n3A_507 masked %reduce_sum3A_509 : vector<16xi32>, vector<16xi1> -> vector<16xi32>
    %reduce_sum3A_511 = vector.extract %reduce_sum3A_510[15] : i32 from vector<16xi32>
    %select_n3A_512 = arith.select %eq3A_20, %get3A_57, %broadcast_in_dim3A_51 : vector<16xi1>, vector<16xi32>
    %reduce_sum3A_513 = arith.constant true
    %reduce_sum3A_514 = vector.broadcast %reduce_sum3A_513 : i1 to vector<16xi1>
    %reduce_sum3A_515 = tpu.scan <sum>, %select_n3A_512 masked %reduce_sum3A_514 : vector<16xi32>, vector<16xi1> -> vector<16xi32>
    %reduce_sum3A_516 = vector.extract %reduce_sum3A_515[15] : i32 from vector<16xi32>
    %jit3A_517 = arith.constant 128 : i32
    %div3A_518 = arith.divsi %reduce_sum3A_511, %jit3A_517 : i32
    %sign3A_519 = arith.constant 0 : i32
    %sign3A_520 = arith.cmpi sgt, %reduce_sum3A_511, %sign3A_519 : i32
    %sign3A_521 = arith.extui %sign3A_520 : i1 to i32
    %sign3A_522 = arith.constant 0 : i32
    %sign3A_523 = arith.cmpi slt, %reduce_sum3A_511, %sign3A_522 : i32
    %sign3A_524 = arith.extui %sign3A_523 : i1 to i32
    %sign3A_525 = arith.subi %sign3A_521, %sign3A_524 : i32
    %sign3A_526 = arith.constant 0 : i32
    %sign3A_527 = arith.cmpi sgt, %jit3A_517, %sign3A_526 : i32
    %sign3A_528 = arith.extui %sign3A_527 : i1 to i32
    %sign3A_529 = arith.constant 0 : i32
    %sign3A_530 = arith.cmpi slt, %jit3A_517, %sign3A_529 : i32
    %sign3A_531 = arith.extui %sign3A_530 : i1 to i32
    %sign3A_532 = arith.subi %sign3A_528, %sign3A_531 : i32
    %ne3A_533 = arith.cmpi ne, %sign3A_525, %sign3A_532 : i32
    %rem3A_534 = arith.remsi %reduce_sum3A_511, %jit3A_517 : i32
    %ne3A_535 = arith.constant 0 : i32
    %ne3A_536 = arith.cmpi ne, %rem3A_534, %ne3A_535 : i32
    %and3A_537 = arith.andi %ne3A_533, %ne3A_536 : i1
    %sub3A_538 = arith.constant 1 : i32
    %sub3A_539 = arith.subi %div3A_518, %sub3A_538 : i32
    %select_n3A_540 = arith.select %and3A_537, %sub3A_539, %div3A_518 : i32
    %mul3A_541 = arith.constant 128 : i32
    %mul3A_542 = arith.muli %select_n3A_540, %mul3A_541 : i32
    %multiple_of3A_543 = tpu.assume_multiple %mul3A_542, 128 : i32
    %jit3A_544 = arith.constant 128 : i32
    %div3A_545 = arith.divsi %reduce_sum3A_516, %jit3A_544 : i32
    %sign3A_546 = arith.constant 0 : i32
    %sign3A_547 = arith.cmpi sgt, %reduce_sum3A_516, %sign3A_546 : i32
    %sign3A_548 = arith.extui %sign3A_547 : i1 to i32
    %sign3A_549 = arith.constant 0 : i32
    %sign3A_550 = arith.cmpi slt, %reduce_sum3A_516, %sign3A_549 : i32
    %sign3A_551 = arith.extui %sign3A_550 : i1 to i32
    %sign3A_552 = arith.subi %sign3A_548, %sign3A_551 : i32
    %sign3A_553 = arith.constant 0 : i32
    %sign3A_554 = arith.cmpi sgt, %jit3A_544, %sign3A_553 : i32
    %sign3A_555 = arith.extui %sign3A_554 : i1 to i32
    %sign3A_556 = arith.constant 0 : i32
    %sign3A_557 = arith.cmpi slt, %jit3A_544, %sign3A_556 : i32
    %sign3A_558 = arith.extui %sign3A_557 : i1 to i32
    %sign3A_559 = arith.subi %sign3A_555, %sign3A_558 : i32
    %ne3A_560 = arith.cmpi ne, %sign3A_552, %sign3A_559 : i32
    %rem3A_561 = arith.remsi %reduce_sum3A_516, %jit3A_544 : i32
    %ne3A_562 = arith.constant 0 : i32
    %ne3A_563 = arith.cmpi ne, %rem3A_561, %ne3A_562 : i32
    %and3A_564 = arith.andi %ne3A_560, %ne3A_563 : i1
    %sub3A_565 = arith.constant 1 : i32
    %sub3A_566 = arith.subi %div3A_545, %sub3A_565 : i32
    %select_n3A_567 = arith.select %and3A_564, %sub3A_566, %div3A_545 : i32
    %mul3A_568 = arith.constant 128 : i32
    %mul3A_569 = arith.muli %select_n3A_567, %mul3A_568 : i32
    %multiple_of3A_570 = tpu.assume_multiple %mul3A_569, 128 : i32
    %dma_start3A_571 = arith.constant 0 : i32
    %dma_start3A_572 = arith.constant 5 : i32
    %dma_start3A_573 = arith.constant 0 : i32
    %dma_start3A_574 = arith.constant 0 : i32
    %dma_start3A_575 = tpu.memref_slice %arg11[%dma_start3A_571, %dma_start3A_572, %dma_start3A_573, %dma_start3A_574] : memref<2x8x16x128xf32, #tpu.memory_space<vmem>> -> memref<1x1x16x128xf32, #tpu.memory_space<vmem>>
    %dma_start3A_576 = tpu.memref_squeeze %dma_start3A_575 : memref<1x1x16x128xf32, #tpu.memory_space<vmem>> -> memref<16x128xf32, #tpu.memory_space<vmem>>
    %dma_start3A_577 = arith.constant 0 : i32
    %dma_start3A_578 = tpu.memref_slice %arg4[%dma_start3A_577, %multiple_of3A_543] : memref<16x1000000xf32, #tpu.memory_space<hbm>> -> memref<16x128xf32, #tpu.memory_space<hbm>>
    %dma_start3A_579 = arith.constant 0 : i32
    %dma_start3A_580 = arith.constant 0 : i32
    %dma_start3A_581 = tpu.memref_slice %arg11[%dma_start3A_571, %dma_start3A_572, %dma_start3A_579, %dma_start3A_580] : memref<2x8x16x128xf32, #tpu.memory_space<vmem>> -> memref<1x1x16x128xf32, #tpu.memory_space<vmem>>
    %dma_start3A_582 = tpu.memref_squeeze %dma_start3A_581 : memref<1x1x16x128xf32, #tpu.memory_space<vmem>> -> memref<16x128xf32, #tpu.memory_space<vmem>>
    %dma_start3A_583 = arith.constant 0 : i32
    %dma_start3A_584 = tpu.memref_slice %arg4[%dma_start3A_583, %multiple_of3A_543] : memref<16x1000000xf32, #tpu.memory_space<hbm>> -> memref<16x128xf32, #tpu.memory_space<hbm>>
    tpu.enqueue_dma source(%dma_start3A_584 : memref<16x128xf32, #tpu.memory_space<hbm>>) target(%dma_start3A_582 : memref<16x128xf32, #tpu.memory_space<vmem>>) target_semaphore(%arg16 : memref<!tpu.dma_semaphore, #tpu.memory_space<semaphore_mem>>)
    %dma_start3A_585 = arith.constant 0 : i32
    %dma_start3A_586 = arith.constant 5 : i32
    %dma_start3A_587 = arith.constant 0 : i32
    %dma_start3A_588 = arith.constant 0 : i32
    %dma_start3A_589 = tpu.memref_slice %arg12[%dma_start3A_585, %dma_start3A_586, %dma_start3A_587, %dma_start3A_588] : memref<2x8x16x128xf32, #tpu.memory_space<vmem>> -> memref<1x1x16x128xf32, #tpu.memory_space<vmem>>
    %dma_start3A_590 = tpu.memref_squeeze %dma_start3A_589 : memref<1x1x16x128xf32, #tpu.memory_space<vmem>> -> memref<16x128xf32, #tpu.memory_space<vmem>>
    %dma_start3A_591 = arith.constant 0 : i32
    %dma_start3A_592 = tpu.memref_slice %arg5[%dma_start3A_591, %multiple_of3A_570] : memref<16x1000000xf32, #tpu.memory_space<hbm>> -> memref<16x128xf32, #tpu.memory_space<hbm>>
    %dma_start3A_593 = arith.constant 0 : i32
    %dma_start3A_594 = arith.constant 0 : i32
    %dma_start3A_595 = tpu.memref_slice %arg12[%dma_start3A_585, %dma_start3A_586, %dma_start3A_593, %dma_start3A_594] : memref<2x8x16x128xf32, #tpu.memory_space<vmem>> -> memref<1x1x16x128xf32, #tpu.memory_space<vmem>>
    %dma_start3A_596 = tpu.memref_squeeze %dma_start3A_595 : memref<1x1x16x128xf32, #tpu.memory_space<vmem>> -> memref<16x128xf32, #tpu.memory_space<vmem>>
    %dma_start3A_597 = arith.constant 0 : i32
    %dma_start3A_598 = tpu.memref_slice %arg5[%dma_start3A_597, %multiple_of3A_570] : memref<16x1000000xf32, #tpu.memory_space<hbm>> -> memref<16x128xf32, #tpu.memory_space<hbm>>
    tpu.enqueue_dma source(%dma_start3A_598 : memref<16x128xf32, #tpu.memory_space<hbm>>) target(%dma_start3A_596 : memref<16x128xf32, #tpu.memory_space<vmem>>) target_semaphore(%arg16 : memref<!tpu.dma_semaphore, #tpu.memory_space<semaphore_mem>>)
    %select_n3A_599 = arith.select %eq3A_23, %get3A_55, %broadcast_in_dim3A_51 : vector<16xi1>, vector<16xi32>
    %reduce_sum3A_600 = arith.constant true
    %reduce_sum3A_601 = vector.broadcast %reduce_sum3A_600 : i1 to vector<16xi1>
    %reduce_sum3A_602 = tpu.scan <sum>, %select_n3A_599 masked %reduce_sum3A_601 : vector<16xi32>, vector<16xi1> -> vector<16xi32>
    %reduce_sum3A_603 = vector.extract %reduce_sum3A_602[15] : i32 from vector<16xi32>
    %select_n3A_604 = arith.select %eq3A_23, %get3A_57, %broadcast_in_dim3A_51 : vector<16xi1>, vector<16xi32>
    %reduce_sum3A_605 = arith.constant true
    %reduce_sum3A_606 = vector.broadcast %reduce_sum3A_605 : i1 to vector<16xi1>
    %reduce_sum3A_607 = tpu.scan <sum>, %select_n3A_604 masked %reduce_sum3A_606 : vector<16xi32>, vector<16xi1> -> vector<16xi32>
    %reduce_sum3A_608 = vector.extract %reduce_sum3A_607[15] : i32 from vector<16xi32>
    %jit3A_609 = arith.constant 128 : i32
    %div3A_610 = arith.divsi %reduce_sum3A_603, %jit3A_609 : i32
    %sign3A_611 = arith.constant 0 : i32
    %sign3A_612 = arith.cmpi sgt, %reduce_sum3A_603, %sign3A_611 : i32
    %sign3A_613 = arith.extui %sign3A_612 : i1 to i32
    %sign3A_614 = arith.constant 0 : i32
    %sign3A_615 = arith.cmpi slt, %reduce_sum3A_603, %sign3A_614 : i32
    %sign3A_616 = arith.extui %sign3A_615 : i1 to i32
    %sign3A_617 = arith.subi %sign3A_613, %sign3A_616 : i32
    %sign3A_618 = arith.constant 0 : i32
    %sign3A_619 = arith.cmpi sgt, %jit3A_609, %sign3A_618 : i32
    %sign3A_620 = arith.extui %sign3A_619 : i1 to i32
    %sign3A_621 = arith.constant 0 : i32
    %sign3A_622 = arith.cmpi slt, %jit3A_609, %sign3A_621 : i32
    %sign3A_623 = arith.extui %sign3A_622 : i1 to i32
    %sign3A_624 = arith.subi %sign3A_620, %sign3A_623 : i32
    %ne3A_625 = arith.cmpi ne, %sign3A_617, %sign3A_624 : i32
    %rem3A_626 = arith.remsi %reduce_sum3A_603, %jit3A_609 : i32
    %ne3A_627 = arith.constant 0 : i32
    %ne3A_628 = arith.cmpi ne, %rem3A_626, %ne3A_627 : i32
    %and3A_629 = arith.andi %ne3A_625, %ne3A_628 : i1
    %sub3A_630 = arith.constant 1 : i32
    %sub3A_631 = arith.subi %div3A_610, %sub3A_630 : i32
    %select_n3A_632 = arith.select %and3A_629, %sub3A_631, %div3A_610 : i32
    %mul3A_633 = arith.constant 128 : i32
    %mul3A_634 = arith.muli %select_n3A_632, %mul3A_633 : i32
    %multiple_of3A_635 = tpu.assume_multiple %mul3A_634, 128 : i32
    %jit3A_636 = arith.constant 128 : i32
    %div3A_637 = arith.divsi %reduce_sum3A_608, %jit3A_636 : i32
    %sign3A_638 = arith.constant 0 : i32
    %sign3A_639 = arith.cmpi sgt, %reduce_sum3A_608, %sign3A_638 : i32
    %sign3A_640 = arith.extui %sign3A_639 : i1 to i32
    %sign3A_641 = arith.constant 0 : i32
    %sign3A_642 = arith.cmpi slt, %reduce_sum3A_608, %sign3A_641 : i32
    %sign3A_643 = arith.extui %sign3A_642 : i1 to i32
    %sign3A_644 = arith.subi %sign3A_640, %sign3A_643 : i32
    %sign3A_645 = arith.constant 0 : i32
    %sign3A_646 = arith.cmpi sgt, %jit3A_636, %sign3A_645 : i32
    %sign3A_647 = arith.extui %sign3A_646 : i1 to i32
    %sign3A_648 = arith.constant 0 : i32
    %sign3A_649 = arith.cmpi slt, %jit3A_636, %sign3A_648 : i32
    %sign3A_650 = arith.extui %sign3A_649 : i1 to i32
    %sign3A_651 = arith.subi %sign3A_647, %sign3A_650 : i32
    %ne3A_652 = arith.cmpi ne, %sign3A_644, %sign3A_651 : i32
    %rem3A_653 = arith.remsi %reduce_sum3A_608, %jit3A_636 : i32
    %ne3A_654 = arith.constant 0 : i32
    %ne3A_655 = arith.cmpi ne, %rem3A_653, %ne3A_654 : i32
    %and3A_656 = arith.andi %ne3A_652, %ne3A_655 : i1
    %sub3A_657 = arith.constant 1 : i32
    %sub3A_658 = arith.subi %div3A_637, %sub3A_657 : i32
    %select_n3A_659 = arith.select %and3A_656, %sub3A_658, %div3A_637 : i32
    %mul3A_660 = arith.constant 128 : i32
    %mul3A_661 = arith.muli %select_n3A_659, %mul3A_660 : i32
    %multiple_of3A_662 = tpu.assume_multiple %mul3A_661, 128 : i32
    %dma_start3A_663 = arith.constant 0 : i32
    %dma_start3A_664 = arith.constant 6 : i32
    %dma_start3A_665 = arith.constant 0 : i32
    %dma_start3A_666 = arith.constant 0 : i32
    %dma_start3A_667 = tpu.memref_slice %arg11[%dma_start3A_663, %dma_start3A_664, %dma_start3A_665, %dma_start3A_666] : memref<2x8x16x128xf32, #tpu.memory_space<vmem>> -> memref<1x1x16x128xf32, #tpu.memory_space<vmem>>
    %dma_start3A_668 = tpu.memref_squeeze %dma_start3A_667 : memref<1x1x16x128xf32, #tpu.memory_space<vmem>> -> memref<16x128xf32, #tpu.memory_space<vmem>>
    %dma_start3A_669 = arith.constant 0 : i32
    %dma_start3A_670 = tpu.memref_slice %arg4[%dma_start3A_669, %multiple_of3A_635] : memref<16x1000000xf32, #tpu.memory_space<hbm>> -> memref<16x128xf32, #tpu.memory_space<hbm>>
    %dma_start3A_671 = arith.constant 0 : i32
    %dma_start3A_672 = arith.constant 0 : i32
    %dma_start3A_673 = tpu.memref_slice %arg11[%dma_start3A_663, %dma_start3A_664, %dma_start3A_671, %dma_start3A_672] : memref<2x8x16x128xf32, #tpu.memory_space<vmem>> -> memref<1x1x16x128xf32, #tpu.memory_space<vmem>>
    %dma_start3A_674 = tpu.memref_squeeze %dma_start3A_673 : memref<1x1x16x128xf32, #tpu.memory_space<vmem>> -> memref<16x128xf32, #tpu.memory_space<vmem>>
    %dma_start3A_675 = arith.constant 0 : i32
    %dma_start3A_676 = tpu.memref_slice %arg4[%dma_start3A_675, %multiple_of3A_635] : memref<16x1000000xf32, #tpu.memory_space<hbm>> -> memref<16x128xf32, #tpu.memory_space<hbm>>
    tpu.enqueue_dma source(%dma_start3A_676 : memref<16x128xf32, #tpu.memory_space<hbm>>) target(%dma_start3A_674 : memref<16x128xf32, #tpu.memory_space<vmem>>) target_semaphore(%arg16 : memref<!tpu.dma_semaphore, #tpu.memory_space<semaphore_mem>>)
    %dma_start3A_677 = arith.constant 0 : i32
    %dma_start3A_678 = arith.constant 6 : i32
    %dma_start3A_679 = arith.constant 0 : i32
    %dma_start3A_680 = arith.constant 0 : i32
    %dma_start3A_681 = tpu.memref_slice %arg12[%dma_start3A_677, %dma_start3A_678, %dma_start3A_679, %dma_start3A_680] : memref<2x8x16x128xf32, #tpu.memory_space<vmem>> -> memref<1x1x16x128xf32, #tpu.memory_space<vmem>>
    %dma_start3A_682 = tpu.memref_squeeze %dma_start3A_681 : memref<1x1x16x128xf32, #tpu.memory_space<vmem>> -> memref<16x128xf32, #tpu.memory_space<vmem>>
    %dma_start3A_683 = arith.constant 0 : i32
    %dma_start3A_684 = tpu.memref_slice %arg5[%dma_start3A_683, %multiple_of3A_662] : memref<16x1000000xf32, #tpu.memory_space<hbm>> -> memref<16x128xf32, #tpu.memory_space<hbm>>
    %dma_start3A_685 = arith.constant 0 : i32
    %dma_start3A_686 = arith.constant 0 : i32
    %dma_start3A_687 = tpu.memref_slice %arg12[%dma_start3A_677, %dma_start3A_678, %dma_start3A_685, %dma_start3A_686] : memref<2x8x16x128xf32, #tpu.memory_space<vmem>> -> memref<1x1x16x128xf32, #tpu.memory_space<vmem>>
    %dma_start3A_688 = tpu.memref_squeeze %dma_start3A_687 : memref<1x1x16x128xf32, #tpu.memory_space<vmem>> -> memref<16x128xf32, #tpu.memory_space<vmem>>
    %dma_start3A_689 = arith.constant 0 : i32
    %dma_start3A_690 = tpu.memref_slice %arg5[%dma_start3A_689, %multiple_of3A_662] : memref<16x1000000xf32, #tpu.memory_space<hbm>> -> memref<16x128xf32, #tpu.memory_space<hbm>>
    tpu.enqueue_dma source(%dma_start3A_690 : memref<16x128xf32, #tpu.memory_space<hbm>>) target(%dma_start3A_688 : memref<16x128xf32, #tpu.memory_space<vmem>>) target_semaphore(%arg16 : memref<!tpu.dma_semaphore, #tpu.memory_space<semaphore_mem>>)
    %select_n3A_691 = arith.select %eq3A_26, %get3A_55, %broadcast_in_dim3A_51 : vector<16xi1>, vector<16xi32>
    %reduce_sum3A_692 = arith.constant true
    %reduce_sum3A_693 = vector.broadcast %reduce_sum3A_692 : i1 to vector<16xi1>
    %reduce_sum3A_694 = tpu.scan <sum>, %select_n3A_691 masked %reduce_sum3A_693 : vector<16xi32>, vector<16xi1> -> vector<16xi32>
    %reduce_sum3A_695 = vector.extract %reduce_sum3A_694[15] : i32 from vector<16xi32>
    %select_n3A_696 = arith.select %eq3A_26, %get3A_57, %broadcast_in_dim3A_51 : vector<16xi1>, vector<16xi32>
    %reduce_sum3A_697 = arith.constant true
    %reduce_sum3A_698 = vector.broadcast %reduce_sum3A_697 : i1 to vector<16xi1>
    %reduce_sum3A_699 = tpu.scan <sum>, %select_n3A_696 masked %reduce_sum3A_698 : vector<16xi32>, vector<16xi1> -> vector<16xi32>
    %reduce_sum3A_700 = vector.extract %reduce_sum3A_699[15] : i32 from vector<16xi32>
    %jit3A_701 = arith.constant 128 : i32
    %div3A_702 = arith.divsi %reduce_sum3A_695, %jit3A_701 : i32
    %sign3A_703 = arith.constant 0 : i32
    %sign3A_704 = arith.cmpi sgt, %reduce_sum3A_695, %sign3A_703 : i32
    %sign3A_705 = arith.extui %sign3A_704 : i1 to i32
    %sign3A_706 = arith.constant 0 : i32
    %sign3A_707 = arith.cmpi slt, %reduce_sum3A_695, %sign3A_706 : i32
    %sign3A_708 = arith.extui %sign3A_707 : i1 to i32
    %sign3A_709 = arith.subi %sign3A_705, %sign3A_708 : i32
    %sign3A_710 = arith.constant 0 : i32
    %sign3A_711 = arith.cmpi sgt, %jit3A_701, %sign3A_710 : i32
    %sign3A_712 = arith.extui %sign3A_711 : i1 to i32
    %sign3A_713 = arith.constant 0 : i32
    %sign3A_714 = arith.cmpi slt, %jit3A_701, %sign3A_713 : i32
    %sign3A_715 = arith.extui %sign3A_714 : i1 to i32
    %sign3A_716 = arith.subi %sign3A_712, %sign3A_715 : i32
    %ne3A_717 = arith.cmpi ne, %sign3A_709, %sign3A_716 : i32
    %rem3A_718 = arith.remsi %reduce_sum3A_695, %jit3A_701 : i32
    %ne3A_719 = arith.constant 0 : i32
    %ne3A_720 = arith.cmpi ne, %rem3A_718, %ne3A_719 : i32
    %and3A_721 = arith.andi %ne3A_717, %ne3A_720 : i1
    %sub3A_722 = arith.constant 1 : i32
    %sub3A_723 = arith.subi %div3A_702, %sub3A_722 : i32
    %select_n3A_724 = arith.select %and3A_721, %sub3A_723, %div3A_702 : i32
    %mul3A_725 = arith.constant 128 : i32
    %mul3A_726 = arith.muli %select_n3A_724, %mul3A_725 : i32
    %multiple_of3A_727 = tpu.assume_multiple %mul3A_726, 128 : i32
    %jit3A_728 = arith.constant 128 : i32
    %div3A_729 = arith.divsi %reduce_sum3A_700, %jit3A_728 : i32
    %sign3A_730 = arith.constant 0 : i32
    %sign3A_731 = arith.cmpi sgt, %reduce_sum3A_700, %sign3A_730 : i32
    %sign3A_732 = arith.extui %sign3A_731 : i1 to i32
    %sign3A_733 = arith.constant 0 : i32
    %sign3A_734 = arith.cmpi slt, %reduce_sum3A_700, %sign3A_733 : i32
    %sign3A_735 = arith.extui %sign3A_734 : i1 to i32
    %sign3A_736 = arith.subi %sign3A_732, %sign3A_735 : i32
    %sign3A_737 = arith.constant 0 : i32
    %sign3A_738 = arith.cmpi sgt, %jit3A_728, %sign3A_737 : i32
    %sign3A_739 = arith.extui %sign3A_738 : i1 to i32
    %sign3A_740 = arith.constant 0 : i32
    %sign3A_741 = arith.cmpi slt, %jit3A_728, %sign3A_740 : i32
    %sign3A_742 = arith.extui %sign3A_741 : i1 to i32
    %sign3A_743 = arith.subi %sign3A_739, %sign3A_742 : i32
    %ne3A_744 = arith.cmpi ne, %sign3A_736, %sign3A_743 : i32
    %rem3A_745 = arith.remsi %reduce_sum3A_700, %jit3A_728 : i32
    %ne3A_746 = arith.constant 0 : i32
    %ne3A_747 = arith.cmpi ne, %rem3A_745, %ne3A_746 : i32
    %and3A_748 = arith.andi %ne3A_744, %ne3A_747 : i1
    %sub3A_749 = arith.constant 1 : i32
    %sub3A_750 = arith.subi %div3A_729, %sub3A_749 : i32
    %select_n3A_751 = arith.select %and3A_748, %sub3A_750, %div3A_729 : i32
    %mul3A_752 = arith.constant 128 : i32
    %mul3A_753 = arith.muli %select_n3A_751, %mul3A_752 : i32
    %multiple_of3A_754 = tpu.assume_multiple %mul3A_753, 128 : i32
    %dma_start3A_755 = arith.constant 0 : i32
    %dma_start3A_756 = arith.constant 7 : i32
    %dma_start3A_757 = arith.constant 0 : i32
    %dma_start3A_758 = arith.constant 0 : i32
    %dma_start3A_759 = tpu.memref_slice %arg11[%dma_start3A_755, %dma_start3A_756, %dma_start3A_757, %dma_start3A_758] : memref<2x8x16x128xf32, #tpu.memory_space<vmem>> -> memref<1x1x16x128xf32, #tpu.memory_space<vmem>>
    %dma_start3A_760 = tpu.memref_squeeze %dma_start3A_759 : memref<1x1x16x128xf32, #tpu.memory_space<vmem>> -> memref<16x128xf32, #tpu.memory_space<vmem>>
    %dma_start3A_761 = arith.constant 0 : i32
    %dma_start3A_762 = tpu.memref_slice %arg4[%dma_start3A_761, %multiple_of3A_727] : memref<16x1000000xf32, #tpu.memory_space<hbm>> -> memref<16x128xf32, #tpu.memory_space<hbm>>
    %dma_start3A_763 = arith.constant 0 : i32
    %dma_start3A_764 = arith.constant 0 : i32
    %dma_start3A_765 = tpu.memref_slice %arg11[%dma_start3A_755, %dma_start3A_756, %dma_start3A_763, %dma_start3A_764] : memref<2x8x16x128xf32, #tpu.memory_space<vmem>> -> memref<1x1x16x128xf32, #tpu.memory_space<vmem>>
    %dma_start3A_766 = tpu.memref_squeeze %dma_start3A_765 : memref<1x1x16x128xf32, #tpu.memory_space<vmem>> -> memref<16x128xf32, #tpu.memory_space<vmem>>
    %dma_start3A_767 = arith.constant 0 : i32
    %dma_start3A_768 = tpu.memref_slice %arg4[%dma_start3A_767, %multiple_of3A_727] : memref<16x1000000xf32, #tpu.memory_space<hbm>> -> memref<16x128xf32, #tpu.memory_space<hbm>>
    tpu.enqueue_dma source(%dma_start3A_768 : memref<16x128xf32, #tpu.memory_space<hbm>>) target(%dma_start3A_766 : memref<16x128xf32, #tpu.memory_space<vmem>>) target_semaphore(%arg16 : memref<!tpu.dma_semaphore, #tpu.memory_space<semaphore_mem>>)
    %dma_start3A_769 = arith.constant 0 : i32
    %dma_start3A_770 = arith.constant 7 : i32
    %dma_start3A_771 = arith.constant 0 : i32
    %dma_start3A_772 = arith.constant 0 : i32
    %dma_start3A_773 = tpu.memref_slice %arg12[%dma_start3A_769, %dma_start3A_770, %dma_start3A_771, %dma_start3A_772] : memref<2x8x16x128xf32, #tpu.memory_space<vmem>> -> memref<1x1x16x128xf32, #tpu.memory_space<vmem>>
    %dma_start3A_774 = tpu.memref_squeeze %dma_start3A_773 : memref<1x1x16x128xf32, #tpu.memory_space<vmem>> -> memref<16x128xf32, #tpu.memory_space<vmem>>
    %dma_start3A_775 = arith.constant 0 : i32
    %dma_start3A_776 = tpu.memref_slice %arg5[%dma_start3A_775, %multiple_of3A_754] : memref<16x1000000xf32, #tpu.memory_space<hbm>> -> memref<16x128xf32, #tpu.memory_space<hbm>>
    %dma_start3A_777 = arith.constant 0 : i32
    %dma_start3A_778 = arith.constant 0 : i32
    %dma_start3A_779 = tpu.memref_slice %arg12[%dma_start3A_769, %dma_start3A_770, %dma_start3A_777, %dma_start3A_778] : memref<2x8x16x128xf32, #tpu.memory_space<vmem>> -> memref<1x1x16x128xf32, #tpu.memory_space<vmem>>
    %dma_start3A_780 = tpu.memref_squeeze %dma_start3A_779 : memref<1x1x16x128xf32, #tpu.memory_space<vmem>> -> memref<16x128xf32, #tpu.memory_space<vmem>>
    %dma_start3A_781 = arith.constant 0 : i32
    %dma_start3A_782 = tpu.memref_slice %arg5[%dma_start3A_781, %multiple_of3A_754] : memref<16x1000000xf32, #tpu.memory_space<hbm>> -> memref<16x128xf32, #tpu.memory_space<hbm>>
    tpu.enqueue_dma source(%dma_start3A_782 : memref<16x128xf32, #tpu.memory_space<hbm>>) target(%dma_start3A_780 : memref<16x128xf32, #tpu.memory_space<vmem>>) target_semaphore(%arg16 : memref<!tpu.dma_semaphore, #tpu.memory_space<semaphore_mem>>)
    %scan3A = arith.constant 0 : i32
    %scan3A_783 = arith.constant 0 : i32
    %scan3A_784 = arith.constant 32 : i32
    %scan3A_785 = arith.addi %scan3A_783, %scan3A_784 : i32
    %scan3A_786 = arith.constant 1 : i32
    scf.for %scan3A_788 = %scan3A_783 to %scan3A_785 step %scan3A_786  : i32 {
      %mul3A_789 = arith.constant 2 : i32
      %mul3A_790 = arith.muli %scan3A_788, %mul3A_789 : i32
      %add3A_791 = arith.constant 1 : i32
      %add3A_792 = arith.addi %mul3A_790, %add3A_791 : i32
      %sub3A_793 = arith.constant 1 : i32
      %sub3A_794 = arith.subi %add3A_792, %sub3A_793 : i32
      %mul3A_795 = arith.constant 8 : i32
      %mul3A_796 = arith.muli %sub3A_794, %mul3A_795 : i32
      %get3A_797 = arith.index_cast %mul3A_796 : i32 to index
      %get3A_798 = tpu.vector_load %arg9[%get3A_797] {strides = array<i32>} : memref<512xi32, #tpu.memory_space<vmem>>, vector<16xi32>,
      %sub3A_799 = arith.constant 1 : i32
      %sub3A_800 = arith.subi %add3A_792, %sub3A_799 : i32
      %mul3A_801 = arith.constant 8 : i32
      %mul3A_802 = arith.muli %sub3A_800, %mul3A_801 : i32
      %get3A_803 = arith.index_cast %mul3A_802 : i32 to index
      %get3A_804 = tpu.vector_load %arg10[%get3A_803] {strides = array<i32>} : memref<512xi32, #tpu.memory_space<vmem>>, vector<16xi32>,
      %select_n3A_805 = arith.select %eq3A_29, %get3A_798, %broadcast_in_dim3A_51 : vector<16xi1>, vector<16xi32>
      %reduce_sum3A_806 = arith.constant true
      %reduce_sum3A_807 = vector.broadcast %reduce_sum3A_806 : i1 to vector<16xi1>
      %reduce_sum3A_808 = tpu.scan <sum>, %select_n3A_805 masked %reduce_sum3A_807 : vector<16xi32>, vector<16xi1> -> vector<16xi32>
      %reduce_sum3A_809 = vector.extract %reduce_sum3A_808[15] : i32 from vector<16xi32>
      %select_n3A_810 = arith.select %eq3A_29, %get3A_804, %broadcast_in_dim3A_51 : vector<16xi1>, vector<16xi32>
      %reduce_sum3A_811 = arith.constant true
      %reduce_sum3A_812 = vector.broadcast %reduce_sum3A_811 : i1 to vector<16xi1>
      %reduce_sum3A_813 = tpu.scan <sum>, %select_n3A_810 masked %reduce_sum3A_812 : vector<16xi32>, vector<16xi1> -> vector<16xi32>
      %reduce_sum3A_814 = vector.extract %reduce_sum3A_813[15] : i32 from vector<16xi32>
      %jit3A_815 = arith.constant 128 : i32
      %div3A_816 = arith.divsi %reduce_sum3A_809, %jit3A_815 : i32
      %sign3A_817 = arith.constant 0 : i32
      %sign3A_818 = arith.cmpi sgt, %reduce_sum3A_809, %sign3A_817 : i32
      %sign3A_819 = arith.extui %sign3A_818 : i1 to i32
      %sign3A_820 = arith.constant 0 : i32
      %sign3A_821 = arith.cmpi slt, %reduce_sum3A_809, %sign3A_820 : i32
      %sign3A_822 = arith.extui %sign3A_821 : i1 to i32
      %sign3A_823 = arith.subi %sign3A_819, %sign3A_822 : i32
      %sign3A_824 = arith.constant 0 : i32
      %sign3A_825 = arith.cmpi sgt, %jit3A_815, %sign3A_824 : i32
      %sign3A_826 = arith.extui %sign3A_825 : i1 to i32
      %sign3A_827 = arith.constant 0 : i32
      %sign3A_828 = arith.cmpi slt, %jit3A_815, %sign3A_827 : i32
      %sign3A_829 = arith.extui %sign3A_828 : i1 to i32
      %sign3A_830 = arith.subi %sign3A_826, %sign3A_829 : i32
      %ne3A_831 = arith.cmpi ne, %sign3A_823, %sign3A_830 : i32
      %rem3A_832 = arith.remsi %reduce_sum3A_809, %jit3A_815 : i32
      %ne3A_833 = arith.constant 0 : i32
      %ne3A_834 = arith.cmpi ne, %rem3A_832, %ne3A_833 : i32
      %and3A_835 = arith.andi %ne3A_831, %ne3A_834 : i1
      %sub3A_836 = arith.constant 1 : i32
      %sub3A_837 = arith.subi %div3A_816, %sub3A_836 : i32
      %select_n3A_838 = arith.select %and3A_835, %sub3A_837, %div3A_816 : i32
      %mul3A_839 = arith.constant 128 : i32
      %mul3A_840 = arith.muli %select_n3A_838, %mul3A_839 : i32
      %multiple_of3A_841 = tpu.assume_multiple %mul3A_840, 128 : i32
      %jit3A_842 = arith.constant 128 : i32
      %div3A_843 = arith.divsi %reduce_sum3A_814, %jit3A_842 : i32
      %sign3A_844 = arith.constant 0 : i32
      %sign3A_845 = arith.cmpi sgt, %reduce_sum3A_814, %sign3A_844 : i32
      %sign3A_846 = arith.extui %sign3A_845 : i1 to i32
      %sign3A_847 = arith.constant 0 : i32
      %sign3A_848 = arith.cmpi slt, %reduce_sum3A_814, %sign3A_847 : i32
      %sign3A_849 = arith.extui %sign3A_848 : i1 to i32
      %sign3A_850 = arith.subi %sign3A_846, %sign3A_849 : i32
      %sign3A_851 = arith.constant 0 : i32
      %sign3A_852 = arith.cmpi sgt, %jit3A_842, %sign3A_851 : i32
      %sign3A_853 = arith.extui %sign3A_852 : i1 to i32
      %sign3A_854 = arith.constant 0 : i32
      %sign3A_855 = arith.cmpi slt, %jit3A_842, %sign3A_854 : i32
      %sign3A_856 = arith.extui %sign3A_855 : i1 to i32
      %sign3A_857 = arith.subi %sign3A_853, %sign3A_856 : i32
      %ne3A_858 = arith.cmpi ne, %sign3A_850, %sign3A_857 : i32
      %rem3A_859 = arith.remsi %reduce_sum3A_814, %jit3A_842 : i32
      %ne3A_860 = arith.constant 0 : i32
      %ne3A_861 = arith.cmpi ne, %rem3A_859, %ne3A_860 : i32
      %and3A_862 = arith.andi %ne3A_858, %ne3A_861 : i1
      %sub3A_863 = arith.constant 1 : i32
      %sub3A_864 = arith.subi %div3A_843, %sub3A_863 : i32
      %select_n3A_865 = arith.select %and3A_862, %sub3A_864, %div3A_843 : i32
      %mul3A_866 = arith.constant 128 : i32
      %mul3A_867 = arith.muli %select_n3A_865, %mul3A_866 : i32
      %multiple_of3A_868 = tpu.assume_multiple %mul3A_867, 128 : i32
      %dma_start3A_869 = arith.constant 1 : i32
      %dma_start3A_870 = arith.constant 0 : i32
      %dma_start3A_871 = arith.constant 0 : i32
      %dma_start3A_872 = arith.constant 0 : i32
      %dma_start3A_873 = tpu.memref_slice %arg11[%dma_start3A_869, %dma_start3A_870, %dma_start3A_871, %dma_start3A_872] : memref<2x8x16x128xf32, #tpu.memory_space<vmem>> -> memref<1x1x16x128xf32, #tpu.memory_space<vmem>>
      %dma_start3A_874 = tpu.memref_squeeze %dma_start3A_873 : memref<1x1x16x128xf32, #tpu.memory_space<vmem>> -> memref<16x128xf32, #tpu.memory_space<vmem>>
      %dma_start3A_875 = arith.constant 0 : i32
      %dma_start3A_876 = tpu.memref_slice %arg4[%dma_start3A_875, %multiple_of3A_841] : memref<16x1000000xf32, #tpu.memory_space<hbm>> -> memref<16x128xf32, #tpu.memory_space<hbm>>
      %dma_start3A_877 = arith.constant 0 : i32
      %dma_start3A_878 = arith.constant 0 : i32
      %dma_start3A_879 = tpu.memref_slice %arg11[%dma_start3A_869, %dma_start3A_870, %dma_start3A_877, %dma_start3A_878] : memref<2x8x16x128xf32, #tpu.memory_space<vmem>> -> memref<1x1x16x128xf32, #tpu.memory_space<vmem>>
      %dma_start3A_880 = tpu.memref_squeeze %dma_start3A_879 : memref<1x1x16x128xf32, #tpu.memory_space<vmem>> -> memref<16x128xf32, #tpu.memory_space<vmem>>
      %dma_start3A_881 = arith.constant 0 : i32
      %dma_start3A_882 = tpu.memref_slice %arg4[%dma_start3A_881, %multiple_of3A_841] : memref<16x1000000xf32, #tpu.memory_space<hbm>> -> memref<16x128xf32, #tpu.memory_space<hbm>>
      tpu.enqueue_dma source(%dma_start3A_882 : memref<16x128xf32, #tpu.memory_space<hbm>>) target(%dma_start3A_880 : memref<16x128xf32, #tpu.memory_space<vmem>>) target_semaphore(%arg16 : memref<!tpu.dma_semaphore, #tpu.memory_space<semaphore_mem>>)
      %dma_start3A_883 = arith.constant 1 : i32
      %dma_start3A_884 = arith.constant 0 : i32
      %dma_start3A_885 = arith.constant 0 : i32
      %dma_start3A_886 = arith.constant 0 : i32
      %dma_start3A_887 = tpu.memref_slice %arg12[%dma_start3A_883, %dma_start3A_884, %dma_start3A_885, %dma_start3A_886] : memref<2x8x16x128xf32, #tpu.memory_space<vmem>> -> memref<1x1x16x128xf32, #tpu.memory_space<vmem>>
      %dma_start3A_888 = tpu.memref_squeeze %dma_start3A_887 : memref<1x1x16x128xf32, #tpu.memory_space<vmem>> -> memref<16x128xf32, #tpu.memory_space<vmem>>
      %dma_start3A_889 = arith.constant 0 : i32
      %dma_start3A_890 = tpu.memref_slice %arg5[%dma_start3A_889, %multiple_of3A_868] : memref<16x1000000xf32, #tpu.memory_space<hbm>> -> memref<16x128xf32, #tpu.memory_space<hbm>>
      %dma_start3A_891 = arith.constant 0 : i32
      %dma_start3A_892 = arith.constant 0 : i32
      %dma_start3A_893 = tpu.memref_slice %arg12[%dma_start3A_883, %dma_start3A_884, %dma_start3A_891, %dma_start3A_892] : memref<2x8x16x128xf32, #tpu.memory_space<vmem>> -> memref<1x1x16x128xf32, #tpu.memory_space<vmem>>
      %dma_start3A_894 = tpu.memref_squeeze %dma_start3A_893 : memref<1x1x16x128xf32, #tpu.memory_space<vmem>> -> memref<16x128xf32, #tpu.memory_space<vmem>>
      %dma_start3A_895 = arith.constant 0 : i32
      %dma_start3A_896 = tpu.memref_slice %arg5[%dma_start3A_895, %multiple_of3A_868] : memref<16x1000000xf32, #tpu.memory_space<hbm>> -> memref<16x128xf32, #tpu.memory_space<hbm>>
      tpu.enqueue_dma source(%dma_start3A_896 : memref<16x128xf32, #tpu.memory_space<hbm>>) target(%dma_start3A_894 : memref<16x128xf32, #tpu.memory_space<vmem>>) target_semaphore(%arg16 : memref<!tpu.dma_semaphore, #tpu.memory_space<semaphore_mem>>)
      %select_n3A_897 = arith.select %eq3A_32, %get3A_798, %broadcast_in_dim3A_51 : vector<16xi1>, vector<16xi32>
      %reduce_sum3A_898 = arith.constant true
      %reduce_sum3A_899 = vector.broadcast %reduce_sum3A_898 : i1 to vector<16xi1>
      %reduce_sum3A_900 = tpu.scan <sum>, %select_n3A_897 masked %reduce_sum3A_899 : vector<16xi32>, vector<16xi1> -> vector<16xi32>
      %reduce_sum3A_901 = vector.extract %reduce_sum3A_900[15] : i32 from vector<16xi32>
      %select_n3A_902 = arith.select %eq3A_32, %get3A_804, %broadcast_in_dim3A_51 : vector<16xi1>, vector<16xi32>
      %reduce_sum3A_903 = arith.constant true
      %reduce_sum3A_904 = vector.broadcast %reduce_sum3A_903 : i1 to vector<16xi1>
      %reduce_sum3A_905 = tpu.scan <sum>, %select_n3A_902 masked %reduce_sum3A_904 : vector<16xi32>, vector<16xi1> -> vector<16xi32>
      %reduce_sum3A_906 = vector.extract %reduce_sum3A_905[15] : i32 from vector<16xi32>
      %jit3A_907 = arith.constant 128 : i32
      %div3A_908 = arith.divsi %reduce_sum3A_901, %jit3A_907 : i32
      %sign3A_909 = arith.constant 0 : i32
      %sign3A_910 = arith.cmpi sgt, %reduce_sum3A_901, %sign3A_909 : i32
      %sign3A_911 = arith.extui %sign3A_910 : i1 to i32
      %sign3A_912 = arith.constant 0 : i32
      %sign3A_913 = arith.cmpi slt, %reduce_sum3A_901, %sign3A_912 : i32
      %sign3A_914 = arith.extui %sign3A_913 : i1 to i32
      %sign3A_915 = arith.subi %sign3A_911, %sign3A_914 : i32
      %sign3A_916 = arith.constant 0 : i32
      %sign3A_917 = arith.cmpi sgt, %jit3A_907, %sign3A_916 : i32
      %sign3A_918 = arith.extui %sign3A_917 : i1 to i32
      %sign3A_919 = arith.constant 0 : i32
      %sign3A_920 = arith.cmpi slt, %jit3A_907, %sign3A_919 : i32
      %sign3A_921 = arith.extui %sign3A_920 : i1 to i32
      %sign3A_922 = arith.subi %sign3A_918, %sign3A_921 : i32
      %ne3A_923 = arith.cmpi ne, %sign3A_915, %sign3A_922 : i32
      %rem3A_924 = arith.remsi %reduce_sum3A_901, %jit3A_907 : i32
      %ne3A_925 = arith.constant 0 : i32
      %ne3A_926 = arith.cmpi ne, %rem3A_924, %ne3A_925 : i32
      %and3A_927 = arith.andi %ne3A_923, %ne3A_926 : i1
      %sub3A_928 = arith.constant 1 : i32
      %sub3A_929 = arith.subi %div3A_908, %sub3A_928 : i32
      %select_n3A_930 = arith.select %and3A_927, %sub3A_929, %div3A_908 : i32
      %mul3A_931 = arith.constant 128 : i32
      %mul3A_932 = arith.muli %select_n3A_930, %mul3A_931 : i32
      %multiple_of3A_933 = tpu.assume_multiple %mul3A_932, 128 : i32
      %jit3A_934 = arith.constant 128 : i32
      %div3A_935 = arith.divsi %reduce_sum3A_906, %jit3A_934 : i32
      %sign3A_936 = arith.constant 0 : i32
      %sign3A_937 = arith.cmpi sgt, %reduce_sum3A_906, %sign3A_936 : i32
      %sign3A_938 = arith.extui %sign3A_937 : i1 to i32
      %sign3A_939 = arith.constant 0 : i32
      %sign3A_940 = arith.cmpi slt, %reduce_sum3A_906, %sign3A_939 : i32
      %sign3A_941 = arith.extui %sign3A_940 : i1 to i32
      %sign3A_942 = arith.subi %sign3A_938, %sign3A_941 : i32
      %sign3A_943 = arith.constant 0 : i32
      %sign3A_944 = arith.cmpi sgt, %jit3A_934, %sign3A_943 : i32
      %sign3A_945 = arith.extui %sign3A_944 : i1 to i32
      %sign3A_946 = arith.constant 0 : i32
      %sign3A_947 = arith.cmpi slt, %jit3A_934, %sign3A_946 : i32
      %sign3A_948 = arith.extui %sign3A_947 : i1 to i32
      %sign3A_949 = arith.subi %sign3A_945, %sign3A_948 : i32
      %ne3A_950 = arith.cmpi ne, %sign3A_942, %sign3A_949 : i32
      %rem3A_951 = arith.remsi %reduce_sum3A_906, %jit3A_934 : i32
      %ne3A_952 = arith.constant 0 : i32
      %ne3A_953 = arith.cmpi ne, %rem3A_951, %ne3A_952 : i32
      %and3A_954 = arith.andi %ne3A_950, %ne3A_953 : i1
      %sub3A_955 = arith.constant 1 : i32
      %sub3A_956 = arith.subi %div3A_935, %sub3A_955 : i32
      %select_n3A_957 = arith.select %and3A_954, %sub3A_956, %div3A_935 : i32
      %mul3A_958 = arith.constant 128 : i32
      %mul3A_959 = arith.muli %select_n3A_957, %mul3A_958 : i32
      %multiple_of3A_960 = tpu.assume_multiple %mul3A_959, 128 : i32
      %dma_start3A_961 = arith.constant 1 : i32
      %dma_start3A_962 = arith.constant 1 : i32
      %dma_start3A_963 = arith.constant 0 : i32
      %dma_start3A_964 = arith.constant 0 : i32
      %dma_start3A_965 = tpu.memref_slice %arg11[%dma_start3A_961, %dma_start3A_962, %dma_start3A_963, %dma_start3A_964] : memref<2x8x16x128xf32, #tpu.memory_space<vmem>> -> memref<1x1x16x128xf32, #tpu.memory_space<vmem>>
      %dma_start3A_966 = tpu.memref_squeeze %dma_start3A_965 : memref<1x1x16x128xf32, #tpu.memory_space<vmem>> -> memref<16x128xf32, #tpu.memory_space<vmem>>
      %dma_start3A_967 = arith.constant 0 : i32
      %dma_start3A_968 = tpu.memref_slice %arg4[%dma_start3A_967, %multiple_of3A_933] : memref<16x1000000xf32, #tpu.memory_space<hbm>> -> memref<16x128xf32, #tpu.memory_space<hbm>>
      %dma_start3A_969 = arith.constant 0 : i32
      %dma_start3A_970 = arith.constant 0 : i32
      %dma_start3A_971 = tpu.memref_slice %arg11[%dma_start3A_961, %dma_start3A_962, %dma_start3A_969, %dma_start3A_970] : memref<2x8x16x128xf32, #tpu.memory_space<vmem>> -> memref<1x1x16x128xf32, #tpu.memory_space<vmem>>
      %dma_start3A_972 = tpu.memref_squeeze %dma_start3A_971 : memref<1x1x16x128xf32, #tpu.memory_space<vmem>> -> memref<16x128xf32, #tpu.memory_space<vmem>>
      %dma_start3A_973 = arith.constant 0 : i32
      %dma_start3A_974 = tpu.memref_slice %arg4[%dma_start3A_973, %multiple_of3A_933] : memref<16x1000000xf32, #tpu.memory_space<hbm>> -> memref<16x128xf32, #tpu.memory_space<hbm>>
      tpu.enqueue_dma source(%dma_start3A_974 : memref<16x128xf32, #tpu.memory_space<hbm>>) target(%dma_start3A_972 : memref<16x128xf32, #tpu.memory_space<vmem>>) target_semaphore(%arg16 : memref<!tpu.dma_semaphore, #tpu.memory_space<semaphore_mem>>)
      %dma_start3A_975 = arith.constant 1 : i32
      %dma_start3A_976 = arith.constant 1 : i32
      %dma_start3A_977 = arith.constant 0 : i32
      %dma_start3A_978 = arith.constant 0 : i32
      %dma_start3A_979 = tpu.memref_slice %arg12[%dma_start3A_975, %dma_start3A_976, %dma_start3A_977, %dma_start3A_978] : memref<2x8x16x128xf32, #tpu.memory_space<vmem>> -> memref<1x1x16x128xf32, #tpu.memory_space<vmem>>
      %dma_start3A_980 = tpu.memref_squeeze %dma_start3A_979 : memref<1x1x16x128xf32, #tpu.memory_space<vmem>> -> memref<16x128xf32, #tpu.memory_space<vmem>>
      %dma_start3A_981 = arith.constant 0 : i32
      %dma_start3A_982 = tpu.memref_slice %arg5[%dma_start3A_981, %multiple_of3A_960] : memref<16x1000000xf32, #tpu.memory_space<hbm>> -> memref<16x128xf32, #tpu.memory_space<hbm>>
      %dma_start3A_983 = arith.constant 0 : i32
      %dma_start3A_984 = arith.constant 0 : i32
      %dma_start3A_985 = tpu.memref_slice %arg12[%dma_start3A_975, %dma_start3A_976, %dma_start3A_983, %dma_start3A_984] : memref<2x8x16x128xf32, #tpu.memory_space<vmem>> -> memref<1x1x16x128xf32, #tpu.memory_space<vmem>>
      %dma_start3A_986 = tpu.memref_squeeze %dma_start3A_985 : memref<1x1x16x128xf32, #tpu.memory_space<vmem>> -> memref<16x128xf32, #tpu.memory_space<vmem>>
      %dma_start3A_987 = arith.constant 0 : i32
      %dma_start3A_988 = tpu.memref_slice %arg5[%dma_start3A_987, %multiple_of3A_960] : memref<16x1000000xf32, #tpu.memory_space<hbm>> -> memref<16x128xf32, #tpu.memory_space<hbm>>
      tpu.enqueue_dma source(%dma_start3A_988 : memref<16x128xf32, #tpu.memory_space<hbm>>) target(%dma_start3A_986 : memref<16x128xf32, #tpu.memory_space<vmem>>) target_semaphore(%arg16 : memref<!tpu.dma_semaphore, #tpu.memory_space<semaphore_mem>>)
      %select_n3A_989 = arith.select %eq3A_35, %get3A_798, %broadcast_in_dim3A_51 : vector<16xi1>, vector<16xi32>
      %reduce_sum3A_990 = arith.constant true
      %reduce_sum3A_991 = vector.broadcast %reduce_sum3A_990 : i1 to vector<16xi1>
      %reduce_sum3A_992 = tpu.scan <sum>, %select_n3A_989 masked %reduce_sum3A_991 : vector<16xi32>, vector<16xi1> -> vector<16xi32>
      %reduce_sum3A_993 = vector.extract %reduce_sum3A_992[15] : i32 from vector<16xi32>
      %select_n3A_994 = arith.select %eq3A_35, %get3A_804, %broadcast_in_dim3A_51 : vector<16xi1>, vector<16xi32>
      %reduce_sum3A_995 = arith.constant true
      %reduce_sum3A_996 = vector.broadcast %reduce_sum3A_995 : i1 to vector<16xi1>
      %reduce_sum3A_997 = tpu.scan <sum>, %select_n3A_994 masked %reduce_sum3A_996 : vector<16xi32>, vector<16xi1> -> vector<16xi32>
      %reduce_sum3A_998 = vector.extract %reduce_sum3A_997[15] : i32 from vector<16xi32>
      %jit3A_999 = arith.constant 128 : i32
      %div3A_1000 = arith.divsi %reduce_sum3A_993, %jit3A_999 : i32
      %sign3A_1001 = arith.constant 0 : i32
      %sign3A_1002 = arith.cmpi sgt, %reduce_sum3A_993, %sign3A_1001 : i32
      %sign3A_1003 = arith.extui %sign3A_1002 : i1 to i32
      %sign3A_1004 = arith.constant 0 : i32
      %sign3A_1005 = arith.cmpi slt, %reduce_sum3A_993, %sign3A_1004 : i32
      %sign3A_1006 = arith.extui %sign3A_1005 : i1 to i32
      %sign3A_1007 = arith.subi %sign3A_1003, %sign3A_1006 : i32
      %sign3A_1008 = arith.constant 0 : i32
      %sign3A_1009 = arith.cmpi sgt, %jit3A_999, %sign3A_1008 : i32
      %sign3A_1010 = arith.extui %sign3A_1009 : i1 to i32
      %sign3A_1011 = arith.constant 0 : i32
      %sign3A_1012 = arith.cmpi slt, %jit3A_999, %sign3A_1011 : i32
      %sign3A_1013 = arith.extui %sign3A_1012 : i1 to i32
      %sign3A_1014 = arith.subi %sign3A_1010, %sign3A_1013 : i32
      %ne3A_1015 = arith.cmpi ne, %sign3A_1007, %sign3A_1014 : i32
      %rem3A_1016 = arith.remsi %reduce_sum3A_993, %jit3A_999 : i32
      %ne3A_1017 = arith.constant 0 : i32
      %ne3A_1018 = arith.cmpi ne, %rem3A_1016, %ne3A_1017 : i32
      %and3A_1019 = arith.andi %ne3A_1015, %ne3A_1018 : i1
      %sub3A_1020 = arith.constant 1 : i32
      %sub3A_1021 = arith.subi %div3A_1000, %sub3A_1020 : i32
      %select_n3A_1022 = arith.select %and3A_1019, %sub3A_1021, %div3A_1000 : i32
      %mul3A_1023 = arith.constant 128 : i32
      %mul3A_1024 = arith.muli %select_n3A_1022, %mul3A_1023 : i32
      %multiple_of3A_1025 = tpu.assume_multiple %mul3A_1024, 128 : i32
      %jit3A_1026 = arith.constant 128 : i32
      %div3A_1027 = arith.divsi %reduce_sum3A_998, %jit3A_1026 : i32
      %sign3A_1028 = arith.constant 0 : i32
      %sign3A_1029 = arith.cmpi sgt, %reduce_sum3A_998, %sign3A_1028 : i32
      %sign3A_1030 = arith.extui %sign3A_1029 : i1 to i32
      %sign3A_1031 = arith.constant 0 : i32
      %sign3A_1032 = arith.cmpi slt, %reduce_sum3A_998, %sign3A_1031 : i32
      %sign3A_1033 = arith.extui %sign3A_1032 : i1 to i32
      %sign3A_1034 = arith.subi %sign3A_1030, %sign3A_1033 : i32
      %sign3A_1035 = arith.constant 0 : i32
      %sign3A_1036 = arith.cmpi sgt, %jit3A_1026, %sign3A_1035 : i32
      %sign3A_1037 = arith.extui %sign3A_1036 : i1 to i32
      %sign3A_1038 = arith.constant 0 : i32
      %sign3A_1039 = arith.cmpi slt, %jit3A_1026, %sign3A_1038 : i32
      %sign3A_1040 = arith.extui %sign3A_1039 : i1 to i32
      %sign3A_1041 = arith.subi %sign3A_1037, %sign3A_1040 : i32
      %ne3A_1042 = arith.cmpi ne, %sign3A_1034, %sign3A_1041 : i32
      %rem3A_1043 = arith.remsi %reduce_sum3A_998, %jit3A_1026 : i32
      %ne3A_1044 = arith.constant 0 : i32
      %ne3A_1045 = arith.cmpi ne, %rem3A_1043, %ne3A_1044 : i32
      %and3A_1046 = arith.andi %ne3A_1042, %ne3A_1045 : i1
      %sub3A_1047 = arith.constant 1 : i32
      %sub3A_1048 = arith.subi %div3A_1027, %sub3A_1047 : i32
      %select_n3A_1049 = arith.select %and3A_1046, %sub3A_1048, %div3A_1027 : i32
      %mul3A_1050 = arith.constant 128 : i32
      %mul3A_1051 = arith.muli %select_n3A_1049, %mul3A_1050 : i32
      %multiple_of3A_1052 = tpu.assume_multiple %mul3A_1051, 128 : i32
      %dma_start3A_1053 = arith.constant 1 : i32
      %dma_start3A_1054 = arith.constant 2 : i32
      %dma_start3A_1055 = arith.constant 0 : i32
      %dma_start3A_1056 = arith.constant 0 : i32
      %dma_start3A_1057 = tpu.memref_slice %arg11[%dma_start3A_1053, %dma_start3A_1054, %dma_start3A_1055, %dma_start3A_1056] : memref<2x8x16x128xf32, #tpu.memory_space<vmem>> -> memref<1x1x16x128xf32, #tpu.memory_space<vmem>>
      %dma_start3A_1058 = tpu.memref_squeeze %dma_start3A_1057 : memref<1x1x16x128xf32, #tpu.memory_space<vmem>> -> memref<16x128xf32, #tpu.memory_space<vmem>>
      %dma_start3A_1059 = arith.constant 0 : i32
      %dma_start3A_1060 = tpu.memref_slice %arg4[%dma_start3A_1059, %multiple_of3A_1025] : memref<16x1000000xf32, #tpu.memory_space<hbm>> -> memref<16x128xf32, #tpu.memory_space<hbm>>
      %dma_start3A_1061 = arith.constant 0 : i32
      %dma_start3A_1062 = arith.constant 0 : i32
      %dma_start3A_1063 = tpu.memref_slice %arg11[%dma_start3A_1053, %dma_start3A_1054, %dma_start3A_1061, %dma_start3A_1062] : memref<2x8x16x128xf32, #tpu.memory_space<vmem>> -> memref<1x1x16x128xf32, #tpu.memory_space<vmem>>
      %dma_start3A_1064 = tpu.memref_squeeze %dma_start3A_1063 : memref<1x1x16x128xf32, #tpu.memory_space<vmem>> -> memref<16x128xf32, #tpu.memory_space<vmem>>
      %dma_start3A_1065 = arith.constant 0 : i32
      %dma_start3A_1066 = tpu.memref_slice %arg4[%dma_start3A_1065, %multiple_of3A_1025] : memref<16x1000000xf32, #tpu.memory_space<hbm>> -> memref<16x128xf32, #tpu.memory_space<hbm>>
      tpu.enqueue_dma source(%dma_start3A_1066 : memref<16x128xf32, #tpu.memory_space<hbm>>) target(%dma_start3A_1064 : memref<16x128xf32, #tpu.memory_space<vmem>>) target_semaphore(%arg16 : memref<!tpu.dma_semaphore, #tpu.memory_space<semaphore_mem>>)
      %dma_start3A_1067 = arith.constant 1 : i32
      %dma_start3A_1068 = arith.constant 2 : i32
      %dma_start3A_1069 = arith.constant 0 : i32
      %dma_start3A_1070 = arith.constant 0 : i32
      %dma_start3A_1071 = tpu.memref_slice %arg12[%dma_start3A_1067, %dma_start3A_1068, %dma_start3A_1069, %dma_start3A_1070] : memref<2x8x16x128xf32, #tpu.memory_space<vmem>> -> memref<1x1x16x128xf32, #tpu.memory_space<vmem>>
      %dma_start3A_1072 = tpu.memref_squeeze %dma_start3A_1071 : memref<1x1x16x128xf32, #tpu.memory_space<vmem>> -> memref<16x128xf32, #tpu.memory_space<vmem>>
      %dma_start3A_1073 = arith.constant 0 : i32
      %dma_start3A_1074 = tpu.memref_slice %arg5[%dma_start3A_1073, %multiple_of3A_1052] : memref<16x1000000xf32, #tpu.memory_space<hbm>> -> memref<16x128xf32, #tpu.memory_space<hbm>>
      %dma_start3A_1075 = arith.constant 0 : i32
      %dma_start3A_1076 = arith.constant 0 : i32
      %dma_start3A_1077 = tpu.memref_slice %arg12[%dma_start3A_1067, %dma_start3A_1068, %dma_start3A_1075, %dma_start3A_1076] : memref<2x8x16x128xf32, #tpu.memory_space<vmem>> -> memref<1x1x16x128xf32, #tpu.memory_space<vmem>>
      %dma_start3A_1078 = tpu.memref_squeeze %dma_start3A_1077 : memref<1x1x16x128xf32, #tpu.memory_space<vmem>> -> memref<16x128xf32, #tpu.memory_space<vmem>>
      %dma_start3A_1079 = arith.constant 0 : i32
      %dma_start3A_1080 = tpu.memref_slice %arg5[%dma_start3A_1079, %multiple_of3A_1052] : memref<16x1000000xf32, #tpu.memory_space<hbm>> -> memref<16x128xf32, #tpu.memory_space<hbm>>
      tpu.enqueue_dma source(%dma_start3A_1080 : memref<16x128xf32, #tpu.memory_space<hbm>>) target(%dma_start3A_1078 : memref<16x128xf32, #tpu.memory_space<vmem>>) target_semaphore(%arg16 : memref<!tpu.dma_semaphore, #tpu.memory_space<semaphore_mem>>)
      %select_n3A_1081 = arith.select %eq3A_38, %get3A_798, %broadcast_in_dim3A_51 : vector<16xi1>, vector<16xi32>
      %reduce_sum3A_1082 = arith.constant true
      %reduce_sum3A_1083 = vector.broadcast %reduce_sum3A_1082 : i1 to vector<16xi1>
      %reduce_sum3A_1084 = tpu.scan <sum>, %select_n3A_1081 masked %reduce_sum3A_1083 : vector<16xi32>, vector<16xi1> -> vector<16xi32>
      %reduce_sum3A_1085 = vector.extract %reduce_sum3A_1084[15] : i32 from vector<16xi32>
      %select_n3A_1086 = arith.select %eq3A_38, %get3A_804, %broadcast_in_dim3A_51 : vector<16xi1>, vector<16xi32>
      %reduce_sum3A_1087 = arith.constant true
      %reduce_sum3A_1088 = vector.broadcast %reduce_sum3A_1087 : i1 to vector<16xi1>
      %reduce_sum3A_1089 = tpu.scan <sum>, %select_n3A_1086 masked %reduce_sum3A_1088 : vector<16xi32>, vector<16xi1> -> vector<16xi32>
      %reduce_sum3A_1090 = vector.extract %reduce_sum3A_1089[15] : i32 from vector<16xi32>
      %jit3A_1091 = arith.constant 128 : i32
      %div3A_1092 = arith.divsi %reduce_sum3A_1085, %jit3A_1091 : i32
      %sign3A_1093 = arith.constant 0 : i32
      %sign3A_1094 = arith.cmpi sgt, %reduce_sum3A_1085, %sign3A_1093 : i32
      %sign3A_1095 = arith.extui %sign3A_1094 : i1 to i32
      %sign3A_1096 = arith.constant 0 : i32
      %sign3A_1097 = arith.cmpi slt, %reduce_sum3A_1085, %sign3A_1096 : i32
      %sign3A_1098 = arith.extui %sign3A_1097 : i1 to i32
      %sign3A_1099 = arith.subi %sign3A_1095, %sign3A_1098 : i32
      %sign3A_1100 = arith.constant 0 : i32
      %sign3A_1101 = arith.cmpi sgt, %jit3A_1091, %sign3A_1100 : i32
      %sign3A_1102 = arith.extui %sign3A_1101 : i1 to i32
      %sign3A_1103 = arith.constant 0 : i32
      %sign3A_1104 = arith.cmpi slt, %jit3A_1091, %sign3A_1103 : i32
      %sign3A_1105 = arith.extui %sign3A_1104 : i1 to i32
      %sign3A_1106 = arith.subi %sign3A_1102, %sign3A_1105 : i32
      %ne3A_1107 = arith.cmpi ne, %sign3A_1099, %sign3A_1106 : i32
      %rem3A_1108 = arith.remsi %reduce_sum3A_1085, %jit3A_1091 : i32
      %ne3A_1109 = arith.constant 0 : i32
      %ne3A_1110 = arith.cmpi ne, %rem3A_1108, %ne3A_1109 : i32
      %and3A_1111 = arith.andi %ne3A_1107, %ne3A_1110 : i1
      %sub3A_1112 = arith.constant 1 : i32
      %sub3A_1113 = arith.subi %div3A_1092, %sub3A_1112 : i32
      %select_n3A_1114 = arith.select %and3A_1111, %sub3A_1113, %div3A_1092 : i32
      %mul3A_1115 = arith.constant 128 : i32
      %mul3A_1116 = arith.muli %select_n3A_1114, %mul3A_1115 : i32
      %multiple_of3A_1117 = tpu.assume_multiple %mul3A_1116, 128 : i32
      %jit3A_1118 = arith.constant 128 : i32
      %div3A_1119 = arith.divsi %reduce_sum3A_1090, %jit3A_1118 : i32
      %sign3A_1120 = arith.constant 0 : i32
      %sign3A_1121 = arith.cmpi sgt, %reduce_sum3A_1090, %sign3A_1120 : i32
      %sign3A_1122 = arith.extui %sign3A_1121 : i1 to i32
      %sign3A_1123 = arith.constant 0 : i32
      %sign3A_1124 = arith.cmpi slt, %reduce_sum3A_1090, %sign3A_1123 : i32
      %sign3A_1125 = arith.extui %sign3A_1124 : i1 to i32
      %sign3A_1126 = arith.subi %sign3A_1122, %sign3A_1125 : i32
      %sign3A_1127 = arith.constant 0 : i32
      %sign3A_1128 = arith.cmpi sgt, %jit3A_1118, %sign3A_1127 : i32
      %sign3A_1129 = arith.extui %sign3A_1128 : i1 to i32
      %sign3A_1130 = arith.constant 0 : i32
      %sign3A_1131 = arith.cmpi slt, %jit3A_1118, %sign3A_1130 : i32
      %sign3A_1132 = arith.extui %sign3A_1131 : i1 to i32
      %sign3A_1133 = arith.subi %sign3A_1129, %sign3A_1132 : i32
      %ne3A_1134 = arith.cmpi ne, %sign3A_1126, %sign3A_1133 : i32
      %rem3A_1135 = arith.remsi %reduce_sum3A_1090, %jit3A_1118 : i32
      %ne3A_1136 = arith.constant 0 : i32
      %ne3A_1137 = arith.cmpi ne, %rem3A_1135, %ne3A_1136 : i32
      %and3A_1138 = arith.andi %ne3A_1134, %ne3A_1137 : i1
      %sub3A_1139 = arith.constant 1 : i32
      %sub3A_1140 = arith.subi %div3A_1119, %sub3A_1139 : i32
      %select_n3A_1141 = arith.select %and3A_1138, %sub3A_1140, %div3A_1119 : i32
      %mul3A_1142 = arith.constant 128 : i32
      %mul3A_1143 = arith.muli %select_n3A_1141, %mul3A_1142 : i32
      %multiple_of3A_1144 = tpu.assume_multiple %mul3A_1143, 128 : i32
      %dma_start3A_1145 = arith.constant 1 : i32
      %dma_start3A_1146 = arith.constant 3 : i32
      %dma_start3A_1147 = arith.constant 0 : i32
      %dma_start3A_1148 = arith.constant 0 : i32
      %dma_start3A_1149 = tpu.memref_slice %arg11[%dma_start3A_1145, %dma_start3A_1146, %dma_start3A_1147, %dma_start3A_1148] : memref<2x8x16x128xf32, #tpu.memory_space<vmem>> -> memref<1x1x16x128xf32, #tpu.memory_space<vmem>>
      %dma_start3A_1150 = tpu.memref_squeeze %dma_start3A_1149 : memref<1x1x16x128xf32, #tpu.memory_space<vmem>> -> memref<16x128xf32, #tpu.memory_space<vmem>>
      %dma_start3A_1151 = arith.constant 0 : i32
      %dma_start3A_1152 = tpu.memref_slice %arg4[%dma_start3A_1151, %multiple_of3A_1117] : memref<16x1000000xf32, #tpu.memory_space<hbm>> -> memref<16x128xf32, #tpu.memory_space<hbm>>
      %dma_start3A_1153 = arith.constant 0 : i32
      %dma_start3A_1154 = arith.constant 0 : i32
      %dma_start3A_1155 = tpu.memref_slice %arg11[%dma_start3A_1145, %dma_start3A_1146, %dma_start3A_1153, %dma_start3A_1154] : memref<2x8x16x128xf32, #tpu.memory_space<vmem>> -> memref<1x1x16x128xf32, #tpu.memory_space<vmem>>
      %dma_start3A_1156 = tpu.memref_squeeze %dma_start3A_1155 : memref<1x1x16x128xf32, #tpu.memory_space<vmem>> -> memref<16x128xf32, #tpu.memory_space<vmem>>
      %dma_start3A_1157 = arith.constant 0 : i32
      %dma_start3A_1158 = tpu.memref_slice %arg4[%dma_start3A_1157, %multiple_of3A_1117] : memref<16x1000000xf32, #tpu.memory_space<hbm>> -> memref<16x128xf32, #tpu.memory_space<hbm>>
      tpu.enqueue_dma source(%dma_start3A_1158 : memref<16x128xf32, #tpu.memory_space<hbm>>) target(%dma_start3A_1156 : memref<16x128xf32, #tpu.memory_space<vmem>>) target_semaphore(%arg16 : memref<!tpu.dma_semaphore, #tpu.memory_space<semaphore_mem>>)
      %dma_start3A_1159 = arith.constant 1 : i32
      %dma_start3A_1160 = arith.constant 3 : i32
      %dma_start3A_1161 = arith.constant 0 : i32
      %dma_start3A_1162 = arith.constant 0 : i32
      %dma_start3A_1163 = tpu.memref_slice %arg12[%dma_start3A_1159, %dma_start3A_1160, %dma_start3A_1161, %dma_start3A_1162] : memref<2x8x16x128xf32, #tpu.memory_space<vmem>> -> memref<1x1x16x128xf32, #tpu.memory_space<vmem>>
      %dma_start3A_1164 = tpu.memref_squeeze %dma_start3A_1163 : memref<1x1x16x128xf32, #tpu.memory_space<vmem>> -> memref<16x128xf32, #tpu.memory_space<vmem>>
      %dma_start3A_1165 = arith.constant 0 : i32
      %dma_start3A_1166 = tpu.memref_slice %arg5[%dma_start3A_1165, %multiple_of3A_1144] : memref<16x1000000xf32, #tpu.memory_space<hbm>> -> memref<16x128xf32, #tpu.memory_space<hbm>>
      %dma_start3A_1167 = arith.constant 0 : i32
      %dma_start3A_1168 = arith.constant 0 : i32
      %dma_start3A_1169 = tpu.memref_slice %arg12[%dma_start3A_1159, %dma_start3A_1160, %dma_start3A_1167, %dma_start3A_1168] : memref<2x8x16x128xf32, #tpu.memory_space<vmem>> -> memref<1x1x16x128xf32, #tpu.memory_space<vmem>>
      %dma_start3A_1170 = tpu.memref_squeeze %dma_start3A_1169 : memref<1x1x16x128xf32, #tpu.memory_space<vmem>> -> memref<16x128xf32, #tpu.memory_space<vmem>>
      %dma_start3A_1171 = arith.constant 0 : i32
      %dma_start3A_1172 = tpu.memref_slice %arg5[%dma_start3A_1171, %multiple_of3A_1144] : memref<16x1000000xf32, #tpu.memory_space<hbm>> -> memref<16x128xf32, #tpu.memory_space<hbm>>
      tpu.enqueue_dma source(%dma_start3A_1172 : memref<16x128xf32, #tpu.memory_space<hbm>>) target(%dma_start3A_1170 : memref<16x128xf32, #tpu.memory_space<vmem>>) target_semaphore(%arg16 : memref<!tpu.dma_semaphore, #tpu.memory_space<semaphore_mem>>)
      %select_n3A_1173 = arith.select %eq3A_41, %get3A_798, %broadcast_in_dim3A_51 : vector<16xi1>, vector<16xi32>
      %reduce_sum3A_1174 = arith.constant true
      %reduce_sum3A_1175 = vector.broadcast %reduce_sum3A_1174 : i1 to vector<16xi1>
      %reduce_sum3A_1176 = tpu.scan <sum>, %select_n3A_1173 masked %reduce_sum3A_1175 : vector<16xi32>, vector<16xi1> -> vector<16xi32>
      %reduce_sum3A_1177 = vector.extract %reduce_sum3A_1176[15] : i32 from vector<16xi32>
      %select_n3A_1178 = arith.select %eq3A_41, %get3A_804, %broadcast_in_dim3A_51 : vector<16xi1>, vector<16xi32>
      %reduce_sum3A_1179 = arith.constant true
      %reduce_sum3A_1180 = vector.broadcast %reduce_sum3A_1179 : i1 to vector<16xi1>
      %reduce_sum3A_1181 = tpu.scan <sum>, %select_n3A_1178 masked %reduce_sum3A_1180 : vector<16xi32>, vector<16xi1> -> vector<16xi32>
      %reduce_sum3A_1182 = vector.extract %reduce_sum3A_1181[15] : i32 from vector<16xi32>
      %jit3A_1183 = arith.constant 128 : i32
      %div3A_1184 = arith.divsi %reduce_sum3A_1177, %jit3A_1183 : i32
      %sign3A_1185 = arith.constant 0 : i32
      %sign3A_1186 = arith.cmpi sgt, %reduce_sum3A_1177, %sign3A_1185 : i32
      %sign3A_1187 = arith.extui %sign3A_1186 : i1 to i32
      %sign3A_1188 = arith.constant 0 : i32
      %sign3A_1189 = arith.cmpi slt, %reduce_sum3A_1177, %sign3A_1188 : i32
      %sign3A_1190 = arith.extui %sign3A_1189 : i1 to i32
      %sign3A_1191 = arith.subi %sign3A_1187, %sign3A_1190 : i32
      %sign3A_1192 = arith.constant 0 : i32
      %sign3A_1193 = arith.cmpi sgt, %jit3A_1183, %sign3A_1192 : i32
      %sign3A_1194 = arith.extui %sign3A_1193 : i1 to i32
      %sign3A_1195 = arith.constant 0 : i32
      %sign3A_1196 = arith.cmpi slt, %jit3A_1183, %sign3A_1195 : i32
      %sign3A_1197 = arith.extui %sign3A_1196 : i1 to i32
      %sign3A_1198 = arith.subi %sign3A_1194, %sign3A_1197 : i32
      %ne3A_1199 = arith.cmpi ne, %sign3A_1191, %sign3A_1198 : i32
      %rem3A_1200 = arith.remsi %reduce_sum3A_1177, %jit3A_1183 : i32
      %ne3A_1201 = arith.constant 0 : i32
      %ne3A_1202 = arith.cmpi ne, %rem3A_1200, %ne3A_1201 : i32
      %and3A_1203 = arith.andi %ne3A_1199, %ne3A_1202 : i1
      %sub3A_1204 = arith.constant 1 : i32
      %sub3A_1205 = arith.subi %div3A_1184, %sub3A_1204 : i32
      %select_n3A_1206 = arith.select %and3A_1203, %sub3A_1205, %div3A_1184 : i32
      %mul3A_1207 = arith.constant 128 : i32
      %mul3A_1208 = arith.muli %select_n3A_1206, %mul3A_1207 : i32
      %multiple_of3A_1209 = tpu.assume_multiple %mul3A_1208, 128 : i32
      %jit3A_1210 = arith.constant 128 : i32
      %div3A_1211 = arith.divsi %reduce_sum3A_1182, %jit3A_1210 : i32
      %sign3A_1212 = arith.constant 0 : i32
      %sign3A_1213 = arith.cmpi sgt, %reduce_sum3A_1182, %sign3A_1212 : i32
      %sign3A_1214 = arith.extui %sign3A_1213 : i1 to i32
      %sign3A_1215 = arith.constant 0 : i32
      %sign3A_1216 = arith.cmpi slt, %reduce_sum3A_1182, %sign3A_1215 : i32
      %sign3A_1217 = arith.extui %sign3A_1216 : i1 to i32
      %sign3A_1218 = arith.subi %sign3A_1214, %sign3A_1217 : i32
      %sign3A_1219 = arith.constant 0 : i32
      %sign3A_1220 = arith.cmpi sgt, %jit3A_1210, %sign3A_1219 : i32
      %sign3A_1221 = arith.extui %sign3A_1220 : i1 to i32
      %sign3A_1222 = arith.constant 0 : i32
      %sign3A_1223 = arith.cmpi slt, %jit3A_1210, %sign3A_1222 : i32
      %sign3A_1224 = arith.extui %sign3A_1223 : i1 to i32
      %sign3A_1225 = arith.subi %sign3A_1221, %sign3A_1224 : i32
      %ne3A_1226 = arith.cmpi ne, %sign3A_1218, %sign3A_1225 : i32
      %rem3A_1227 = arith.remsi %reduce_sum3A_1182, %jit3A_1210 : i32
      %ne3A_1228 = arith.constant 0 : i32
      %ne3A_1229 = arith.cmpi ne, %rem3A_1227, %ne3A_1228 : i32
      %and3A_1230 = arith.andi %ne3A_1226, %ne3A_1229 : i1
      %sub3A_1231 = arith.constant 1 : i32
      %sub3A_1232 = arith.subi %div3A_1211, %sub3A_1231 : i32
      %select_n3A_1233 = arith.select %and3A_1230, %sub3A_1232, %div3A_1211 : i32
      %mul3A_1234 = arith.constant 128 : i32
      %mul3A_1235 = arith.muli %select_n3A_1233, %mul3A_1234 : i32
      %multiple_of3A_1236 = tpu.assume_multiple %mul3A_1235, 128 : i32
      %dma_start3A_1237 = arith.constant 1 : i32
      %dma_start3A_1238 = arith.constant 4 : i32
      %dma_start3A_1239 = arith.constant 0 : i32
      %dma_start3A_1240 = arith.constant 0 : i32
      %dma_start3A_1241 = tpu.memref_slice %arg11[%dma_start3A_1237, %dma_start3A_1238, %dma_start3A_1239, %dma_start3A_1240] : memref<2x8x16x128xf32, #tpu.memory_space<vmem>> -> memref<1x1x16x128xf32, #tpu.memory_space<vmem>>
      %dma_start3A_1242 = tpu.memref_squeeze %dma_start3A_1241 : memref<1x1x16x128xf32, #tpu.memory_space<vmem>> -> memref<16x128xf32, #tpu.memory_space<vmem>>
      %dma_start3A_1243 = arith.constant 0 : i32
      %dma_start3A_1244 = tpu.memref_slice %arg4[%dma_start3A_1243, %multiple_of3A_1209] : memref<16x1000000xf32, #tpu.memory_space<hbm>> -> memref<16x128xf32, #tpu.memory_space<hbm>>
      %dma_start3A_1245 = arith.constant 0 : i32
      %dma_start3A_1246 = arith.constant 0 : i32
      %dma_start3A_1247 = tpu.memref_slice %arg11[%dma_start3A_1237, %dma_start3A_1238, %dma_start3A_1245, %dma_start3A_1246] : memref<2x8x16x128xf32, #tpu.memory_space<vmem>> -> memref<1x1x16x128xf32, #tpu.memory_space<vmem>>
      %dma_start3A_1248 = tpu.memref_squeeze %dma_start3A_1247 : memref<1x1x16x128xf32, #tpu.memory_space<vmem>> -> memref<16x128xf32, #tpu.memory_space<vmem>>
      %dma_start3A_1249 = arith.constant 0 : i32
      %dma_start3A_1250 = tpu.memref_slice %arg4[%dma_start3A_1249, %multiple_of3A_1209] : memref<16x1000000xf32, #tpu.memory_space<hbm>> -> memref<16x128xf32, #tpu.memory_space<hbm>>
      tpu.enqueue_dma source(%dma_start3A_1250 : memref<16x128xf32, #tpu.memory_space<hbm>>) target(%dma_start3A_1248 : memref<16x128xf32, #tpu.memory_space<vmem>>) target_semaphore(%arg16 : memref<!tpu.dma_semaphore, #tpu.memory_space<semaphore_mem>>)
      %dma_start3A_1251 = arith.constant 1 : i32
      %dma_start3A_1252 = arith.constant 4 : i32
      %dma_start3A_1253 = arith.constant 0 : i32
      %dma_start3A_1254 = arith.constant 0 : i32
      %dma_start3A_1255 = tpu.memref_slice %arg12[%dma_start3A_1251, %dma_start3A_1252, %dma_start3A_1253, %dma_start3A_1254] : memref<2x8x16x128xf32, #tpu.memory_space<vmem>> -> memref<1x1x16x128xf32, #tpu.memory_space<vmem>>
      %dma_start3A_1256 = tpu.memref_squeeze %dma_start3A_1255 : memref<1x1x16x128xf32, #tpu.memory_space<vmem>> -> memref<16x128xf32, #tpu.memory_space<vmem>>
      %dma_start3A_1257 = arith.constant 0 : i32
      %dma_start3A_1258 = tpu.memref_slice %arg5[%dma_start3A_1257, %multiple_of3A_1236] : memref<16x1000000xf32, #tpu.memory_space<hbm>> -> memref<16x128xf32, #tpu.memory_space<hbm>>
      %dma_start3A_1259 = arith.constant 0 : i32
      %dma_start3A_1260 = arith.constant 0 : i32
      %dma_start3A_1261 = tpu.memref_slice %arg12[%dma_start3A_1251, %dma_start3A_1252, %dma_start3A_1259, %dma_start3A_1260] : memref<2x8x16x128xf32, #tpu.memory_space<vmem>> -> memref<1x1x16x128xf32, #tpu.memory_space<vmem>>
      %dma_start3A_1262 = tpu.memref_squeeze %dma_start3A_1261 : memref<1x1x16x128xf32, #tpu.memory_space<vmem>> -> memref<16x128xf32, #tpu.memory_space<vmem>>
      %dma_start3A_1263 = arith.constant 0 : i32
      %dma_start3A_1264 = tpu.memref_slice %arg5[%dma_start3A_1263, %multiple_of3A_1236] : memref<16x1000000xf32, #tpu.memory_space<hbm>> -> memref<16x128xf32, #tpu.memory_space<hbm>>
      tpu.enqueue_dma source(%dma_start3A_1264 : memref<16x128xf32, #tpu.memory_space<hbm>>) target(%dma_start3A_1262 : memref<16x128xf32, #tpu.memory_space<vmem>>) target_semaphore(%arg16 : memref<!tpu.dma_semaphore, #tpu.memory_space<semaphore_mem>>)
      %select_n3A_1265 = arith.select %eq3A_44, %get3A_798, %broadcast_in_dim3A_51 : vector<16xi1>, vector<16xi32>
      %reduce_sum3A_1266 = arith.constant true
      %reduce_sum3A_1267 = vector.broadcast %reduce_sum3A_1266 : i1 to vector<16xi1>
      %reduce_sum3A_1268 = tpu.scan <sum>, %select_n3A_1265 masked %reduce_sum3A_1267 : vector<16xi32>, vector<16xi1> -> vector<16xi32>
      %reduce_sum3A_1269 = vector.extract %reduce_sum3A_1268[15] : i32 from vector<16xi32>
      %select_n3A_1270 = arith.select %eq3A_44, %get3A_804, %broadcast_in_dim3A_51 : vector<16xi1>, vector<16xi32>
      %reduce_sum3A_1271 = arith.constant true
      %reduce_sum3A_1272 = vector.broadcast %reduce_sum3A_1271 : i1 to vector<16xi1>
      %reduce_sum3A_1273 = tpu.scan <sum>, %select_n3A_1270 masked %reduce_sum3A_1272 : vector<16xi32>, vector<16xi1> -> vector<16xi32>
      %reduce_sum3A_1274 = vector.extract %reduce_sum3A_1273[15] : i32 from vector<16xi32>
      %jit3A_1275 = arith.constant 128 : i32
      %div3A_1276 = arith.divsi %reduce_sum3A_1269, %jit3A_1275 : i32
      %sign3A_1277 = arith.constant 0 : i32
      %sign3A_1278 = arith.cmpi sgt, %reduce_sum3A_1269, %sign3A_1277 : i32
      %sign3A_1279 = arith.extui %sign3A_1278 : i1 to i32
      %sign3A_1280 = arith.constant 0 : i32
      %sign3A_1281 = arith.cmpi slt, %reduce_sum3A_1269, %sign3A_1280 : i32
      %sign3A_1282 = arith.extui %sign3A_1281 : i1 to i32
      %sign3A_1283 = arith.subi %sign3A_1279, %sign3A_1282 : i32
      %sign3A_1284 = arith.constant 0 : i32
      %sign3A_1285 = arith.cmpi sgt, %jit3A_1275, %sign3A_1284 : i32
      %sign3A_1286 = arith.extui %sign3A_1285 : i1 to i32
      %sign3A_1287 = arith.constant 0 : i32
      %sign3A_1288 = arith.cmpi slt, %jit3A_1275, %sign3A_1287 : i32
      %sign3A_1289 = arith.extui %sign3A_1288 : i1 to i32
      %sign3A_1290 = arith.subi %sign3A_1286, %sign3A_1289 : i32
      %ne3A_1291 = arith.cmpi ne, %sign3A_1283, %sign3A_1290 : i32
      %rem3A_1292 = arith.remsi %reduce_sum3A_1269, %jit3A_1275 : i32
      %ne3A_1293 = arith.constant 0 : i32
      %ne3A_1294 = arith.cmpi ne, %rem3A_1292, %ne3A_1293 : i32
      %and3A_1295 = arith.andi %ne3A_1291, %ne3A_1294 : i1
      %sub3A_1296 = arith.constant 1 : i32
      %sub3A_1297 = arith.subi %div3A_1276, %sub3A_1296 : i32
      %select_n3A_1298 = arith.select %and3A_1295, %sub3A_1297, %div3A_1276 : i32
      %mul3A_1299 = arith.constant 128 : i32
      %mul3A_1300 = arith.muli %select_n3A_1298, %mul3A_1299 : i32
      %multiple_of3A_1301 = tpu.assume_multiple %mul3A_1300, 128 : i32
      %jit3A_1302 = arith.constant 128 : i32
      %div3A_1303 = arith.divsi %reduce_sum3A_1274, %jit3A_1302 : i32
      %sign3A_1304 = arith.constant 0 : i32
      %sign3A_1305 = arith.cmpi sgt, %reduce_sum3A_1274, %sign3A_1304 : i32
      %sign3A_1306 = arith.extui %sign3A_1305 : i1 to i32
      %sign3A_1307 = arith.constant 0 : i32
      %sign3A_1308 = arith.cmpi slt, %reduce_sum3A_1274, %sign3A_1307 : i32
      %sign3A_1309 = arith.extui %sign3A_1308 : i1 to i32
      %sign3A_1310 = arith.subi %sign3A_1306, %sign3A_1309 : i32
      %sign3A_1311 = arith.constant 0 : i32
      %sign3A_1312 = arith.cmpi sgt, %jit3A_1302, %sign3A_1311 : i32
      %sign3A_1313 = arith.extui %sign3A_1312 : i1 to i32
      %sign3A_1314 = arith.constant 0 : i32
      %sign3A_1315 = arith.cmpi slt, %jit3A_1302, %sign3A_1314 : i32
      %sign3A_1316 = arith.extui %sign3A_1315 : i1 to i32
      %sign3A_1317 = arith.subi %sign3A_1313, %sign3A_1316 : i32
      %ne3A_1318 = arith.cmpi ne, %sign3A_1310, %sign3A_1317 : i32
      %rem3A_1319 = arith.remsi %reduce_sum3A_1274, %jit3A_1302 : i32
      %ne3A_1320 = arith.constant 0 : i32
      %ne3A_1321 = arith.cmpi ne, %rem3A_1319, %ne3A_1320 : i32
      %and3A_1322 = arith.andi %ne3A_1318, %ne3A_1321 : i1
      %sub3A_1323 = arith.constant 1 : i32
      %sub3A_1324 = arith.subi %div3A_1303, %sub3A_1323 : i32
      %select_n3A_1325 = arith.select %and3A_1322, %sub3A_1324, %div3A_1303 : i32
      %mul3A_1326 = arith.constant 128 : i32
      %mul3A_1327 = arith.muli %select_n3A_1325, %mul3A_1326 : i32
      %multiple_of3A_1328 = tpu.assume_multiple %mul3A_1327, 128 : i32
      %dma_start3A_1329 = arith.constant 1 : i32
      %dma_start3A_1330 = arith.constant 5 : i32
      %dma_start3A_1331 = arith.constant 0 : i32
      %dma_start3A_1332 = arith.constant 0 : i32
      %dma_start3A_1333 = tpu.memref_slice %arg11[%dma_start3A_1329, %dma_start3A_1330, %dma_start3A_1331, %dma_start3A_1332] : memref<2x8x16x128xf32, #tpu.memory_space<vmem>> -> memref<1x1x16x128xf32, #tpu.memory_space<vmem>>
      %dma_start3A_1334 = tpu.memref_squeeze %dma_start3A_1333 : memref<1x1x16x128xf32, #tpu.memory_space<vmem>> -> memref<16x128xf32, #tpu.memory_space<vmem>>
      %dma_start3A_1335 = arith.constant 0 : i32
      %dma_start3A_1336 = tpu.memref_slice %arg4[%dma_start3A_1335, %multiple_of3A_1301] : memref<16x1000000xf32, #tpu.memory_space<hbm>> -> memref<16x128xf32, #tpu.memory_space<hbm>>
      %dma_start3A_1337 = arith.constant 0 : i32
      %dma_start3A_1338 = arith.constant 0 : i32
      %dma_start3A_1339 = tpu.memref_slice %arg11[%dma_start3A_1329, %dma_start3A_1330, %dma_start3A_1337, %dma_start3A_1338] : memref<2x8x16x128xf32, #tpu.memory_space<vmem>> -> memref<1x1x16x128xf32, #tpu.memory_space<vmem>>
      %dma_start3A_1340 = tpu.memref_squeeze %dma_start3A_1339 : memref<1x1x16x128xf32, #tpu.memory_space<vmem>> -> memref<16x128xf32, #tpu.memory_space<vmem>>
      %dma_start3A_1341 = arith.constant 0 : i32
      %dma_start3A_1342 = tpu.memref_slice %arg4[%dma_start3A_1341, %multiple_of3A_1301] : memref<16x1000000xf32, #tpu.memory_space<hbm>> -> memref<16x128xf32, #tpu.memory_space<hbm>>
      tpu.enqueue_dma source(%dma_start3A_1342 : memref<16x128xf32, #tpu.memory_space<hbm>>) target(%dma_start3A_1340 : memref<16x128xf32, #tpu.memory_space<vmem>>) target_semaphore(%arg16 : memref<!tpu.dma_semaphore, #tpu.memory_space<semaphore_mem>>)
      %dma_start3A_1343 = arith.constant 1 : i32
      %dma_start3A_1344 = arith.constant 5 : i32
      %dma_start3A_1345 = arith.constant 0 : i32
      %dma_start3A_1346 = arith.constant 0 : i32
      %dma_start3A_1347 = tpu.memref_slice %arg12[%dma_start3A_1343, %dma_start3A_1344, %dma_start3A_1345, %dma_start3A_1346] : memref<2x8x16x128xf32, #tpu.memory_space<vmem>> -> memref<1x1x16x128xf32, #tpu.memory_space<vmem>>
      %dma_start3A_1348 = tpu.memref_squeeze %dma_start3A_1347 : memref<1x1x16x128xf32, #tpu.memory_space<vmem>> -> memref<16x128xf32, #tpu.memory_space<vmem>>
      %dma_start3A_1349 = arith.constant 0 : i32
      %dma_start3A_1350 = tpu.memref_slice %arg5[%dma_start3A_1349, %multiple_of3A_1328] : memref<16x1000000xf32, #tpu.memory_space<hbm>> -> memref<16x128xf32, #tpu.memory_space<hbm>>
      %dma_start3A_1351 = arith.constant 0 : i32
      %dma_start3A_1352 = arith.constant 0 : i32
      %dma_start3A_1353 = tpu.memref_slice %arg12[%dma_start3A_1343, %dma_start3A_1344, %dma_start3A_1351, %dma_start3A_1352] : memref<2x8x16x128xf32, #tpu.memory_space<vmem>> -> memref<1x1x16x128xf32, #tpu.memory_space<vmem>>
      %dma_start3A_1354 = tpu.memref_squeeze %dma_start3A_1353 : memref<1x1x16x128xf32, #tpu.memory_space<vmem>> -> memref<16x128xf32, #tpu.memory_space<vmem>>
      %dma_start3A_1355 = arith.constant 0 : i32
      %dma_start3A_1356 = tpu.memref_slice %arg5[%dma_start3A_1355, %multiple_of3A_1328] : memref<16x1000000xf32, #tpu.memory_space<hbm>> -> memref<16x128xf32, #tpu.memory_space<hbm>>
      tpu.enqueue_dma source(%dma_start3A_1356 : memref<16x128xf32, #tpu.memory_space<hbm>>) target(%dma_start3A_1354 : memref<16x128xf32, #tpu.memory_space<vmem>>) target_semaphore(%arg16 : memref<!tpu.dma_semaphore, #tpu.memory_space<semaphore_mem>>)
      %select_n3A_1357 = arith.select %eq3A_47, %get3A_798, %broadcast_in_dim3A_51 : vector<16xi1>, vector<16xi32>
      %reduce_sum3A_1358 = arith.constant true
      %reduce_sum3A_1359 = vector.broadcast %reduce_sum3A_1358 : i1 to vector<16xi1>
      %reduce_sum3A_1360 = tpu.scan <sum>, %select_n3A_1357 masked %reduce_sum3A_1359 : vector<16xi32>, vector<16xi1> -> vector<16xi32>
      %reduce_sum3A_1361 = vector.extract %reduce_sum3A_1360[15] : i32 from vector<16xi32>
      %select_n3A_1362 = arith.select %eq3A_47, %get3A_804, %broadcast_in_dim3A_51 : vector<16xi1>, vector<16xi32>
      %reduce_sum3A_1363 = arith.constant true
      %reduce_sum3A_1364 = vector.broadcast %reduce_sum3A_1363 : i1 to vector<16xi1>
      %reduce_sum3A_1365 = tpu.scan <sum>, %select_n3A_1362 masked %reduce_sum3A_1364 : vector<16xi32>, vector<16xi1> -> vector<16xi32>
      %reduce_sum3A_1366 = vector.extract %reduce_sum3A_1365[15] : i32 from vector<16xi32>
      %jit3A_1367 = arith.constant 128 : i32
      %div3A_1368 = arith.divsi %reduce_sum3A_1361, %jit3A_1367 : i32
      %sign3A_1369 = arith.constant 0 : i32
      %sign3A_1370 = arith.cmpi sgt, %reduce_sum3A_1361, %sign3A_1369 : i32
      %sign3A_1371 = arith.extui %sign3A_1370 : i1 to i32
      %sign3A_1372 = arith.constant 0 : i32
      %sign3A_1373 = arith.cmpi slt, %reduce_sum3A_1361, %sign3A_1372 : i32
      %sign3A_1374 = arith.extui %sign3A_1373 : i1 to i32
      %sign3A_1375 = arith.subi %sign3A_1371, %sign3A_1374 : i32
      %sign3A_1376 = arith.constant 0 : i32
      %sign3A_1377 = arith.cmpi sgt, %jit3A_1367, %sign3A_1376 : i32
      %sign3A_1378 = arith.extui %sign3A_1377 : i1 to i32
      %sign3A_1379 = arith.constant 0 : i32
      %sign3A_1380 = arith.cmpi slt, %jit3A_1367, %sign3A_1379 : i32
      %sign3A_1381 = arith.extui %sign3A_1380 : i1 to i32
      %sign3A_1382 = arith.subi %sign3A_1378, %sign3A_1381 : i32
      %ne3A_1383 = arith.cmpi ne, %sign3A_1375, %sign3A_1382 : i32
      %rem3A_1384 = arith.remsi %reduce_sum3A_1361, %jit3A_1367 : i32
      %ne3A_1385 = arith.constant 0 : i32
      %ne3A_1386 = arith.cmpi ne, %rem3A_1384, %ne3A_1385 : i32
      %and3A_1387 = arith.andi %ne3A_1383, %ne3A_1386 : i1
      %sub3A_1388 = arith.constant 1 : i32
      %sub3A_1389 = arith.subi %div3A_1368, %sub3A_1388 : i32
      %select_n3A_1390 = arith.select %and3A_1387, %sub3A_1389, %div3A_1368 : i32
      %mul3A_1391 = arith.constant 128 : i32
      %mul3A_1392 = arith.muli %select_n3A_1390, %mul3A_1391 : i32
      %multiple_of3A_1393 = tpu.assume_multiple %mul3A_1392, 128 : i32
      %jit3A_1394 = arith.constant 128 : i32
      %div3A_1395 = arith.divsi %reduce_sum3A_1366, %jit3A_1394 : i32
      %sign3A_1396 = arith.constant 0 : i32
      %sign3A_1397 = arith.cmpi sgt, %reduce_sum3A_1366, %sign3A_1396 : i32
      %sign3A_1398 = arith.extui %sign3A_1397 : i1 to i32
      %sign3A_1399 = arith.constant 0 : i32
      %sign3A_1400 = arith.cmpi slt, %reduce_sum3A_1366, %sign3A_1399 : i32
      %sign3A_1401 = arith.extui %sign3A_1400 : i1 to i32
      %sign3A_1402 = arith.subi %sign3A_1398, %sign3A_1401 : i32
      %sign3A_1403 = arith.constant 0 : i32
      %sign3A_1404 = arith.cmpi sgt, %jit3A_1394, %sign3A_1403 : i32
      %sign3A_1405 = arith.extui %sign3A_1404 : i1 to i32
      %sign3A_1406 = arith.constant 0 : i32
      %sign3A_1407 = arith.cmpi slt, %jit3A_1394, %sign3A_1406 : i32
      %sign3A_1408 = arith.extui %sign3A_1407 : i1 to i32
      %sign3A_1409 = arith.subi %sign3A_1405, %sign3A_1408 : i32
      %ne3A_1410 = arith.cmpi ne, %sign3A_1402, %sign3A_1409 : i32
      %rem3A_1411 = arith.remsi %reduce_sum3A_1366, %jit3A_1394 : i32
      %ne3A_1412 = arith.constant 0 : i32
      %ne3A_1413 = arith.cmpi ne, %rem3A_1411, %ne3A_1412 : i32
      %and3A_1414 = arith.andi %ne3A_1410, %ne3A_1413 : i1
      %sub3A_1415 = arith.constant 1 : i32
      %sub3A_1416 = arith.subi %div3A_1395, %sub3A_1415 : i32
      %select_n3A_1417 = arith.select %and3A_1414, %sub3A_1416, %div3A_1395 : i32
      %mul3A_1418 = arith.constant 128 : i32
      %mul3A_1419 = arith.muli %select_n3A_1417, %mul3A_1418 : i32
      %multiple_of3A_1420 = tpu.assume_multiple %mul3A_1419, 128 : i32
      %dma_start3A_1421 = arith.constant 1 : i32
      %dma_start3A_1422 = arith.constant 6 : i32
      %dma_start3A_1423 = arith.constant 0 : i32
      %dma_start3A_1424 = arith.constant 0 : i32
      %dma_start3A_1425 = tpu.memref_slice %arg11[%dma_start3A_1421, %dma_start3A_1422, %dma_start3A_1423, %dma_start3A_1424] : memref<2x8x16x128xf32, #tpu.memory_space<vmem>> -> memref<1x1x16x128xf32, #tpu.memory_space<vmem>>
      %dma_start3A_1426 = tpu.memref_squeeze %dma_start3A_1425 : memref<1x1x16x128xf32, #tpu.memory_space<vmem>> -> memref<16x128xf32, #tpu.memory_space<vmem>>
      %dma_start3A_1427 = arith.constant 0 : i32
      %dma_start3A_1428 = tpu.memref_slice %arg4[%dma_start3A_1427, %multiple_of3A_1393] : memref<16x1000000xf32, #tpu.memory_space<hbm>> -> memref<16x128xf32, #tpu.memory_space<hbm>>
      %dma_start3A_1429 = arith.constant 0 : i32
      %dma_start3A_1430 = arith.constant 0 : i32
      %dma_start3A_1431 = tpu.memref_slice %arg11[%dma_start3A_1421, %dma_start3A_1422, %dma_start3A_1429, %dma_start3A_1430] : memref<2x8x16x128xf32, #tpu.memory_space<vmem>> -> memref<1x1x16x128xf32, #tpu.memory_space<vmem>>
      %dma_start3A_1432 = tpu.memref_squeeze %dma_start3A_1431 : memref<1x1x16x128xf32, #tpu.memory_space<vmem>> -> memref<16x128xf32, #tpu.memory_space<vmem>>
      %dma_start3A_1433 = arith.constant 0 : i32
      %dma_start3A_1434 = tpu.memref_slice %arg4[%dma_start3A_1433, %multiple_of3A_1393] : memref<16x1000000xf32, #tpu.memory_space<hbm>> -> memref<16x128xf32, #tpu.memory_space<hbm>>
      tpu.enqueue_dma source(%dma_start3A_1434 : memref<16x128xf32, #tpu.memory_space<hbm>>) target(%dma_start3A_1432 : memref<16x128xf32, #tpu.memory_space<vmem>>) target_semaphore(%arg16 : memref<!tpu.dma_semaphore, #tpu.memory_space<semaphore_mem>>)
      %dma_start3A_1435 = arith.constant 1 : i32
      %dma_start3A_1436 = arith.constant 6 : i32
      %dma_start3A_1437 = arith.constant 0 : i32
      %dma_start3A_1438 = arith.constant 0 : i32
      %dma_start3A_1439 = tpu.memref_slice %arg12[%dma_start3A_1435, %dma_start3A_1436, %dma_start3A_1437, %dma_start3A_1438] : memref<2x8x16x128xf32, #tpu.memory_space<vmem>> -> memref<1x1x16x128xf32, #tpu.memory_space<vmem>>
      %dma_start3A_1440 = tpu.memref_squeeze %dma_start3A_1439 : memref<1x1x16x128xf32, #tpu.memory_space<vmem>> -> memref<16x128xf32, #tpu.memory_space<vmem>>
      %dma_start3A_1441 = arith.constant 0 : i32
      %dma_start3A_1442 = tpu.memref_slice %arg5[%dma_start3A_1441, %multiple_of3A_1420] : memref<16x1000000xf32, #tpu.memory_space<hbm>> -> memref<16x128xf32, #tpu.memory_space<hbm>>
      %dma_start3A_1443 = arith.constant 0 : i32
      %dma_start3A_1444 = arith.constant 0 : i32
      %dma_start3A_1445 = tpu.memref_slice %arg12[%dma_start3A_1435, %dma_start3A_1436, %dma_start3A_1443, %dma_start3A_1444] : memref<2x8x16x128xf32, #tpu.memory_space<vmem>> -> memref<1x1x16x128xf32, #tpu.memory_space<vmem>>
      %dma_start3A_1446 = tpu.memref_squeeze %dma_start3A_1445 : memref<1x1x16x128xf32, #tpu.memory_space<vmem>> -> memref<16x128xf32, #tpu.memory_space<vmem>>
      %dma_start3A_1447 = arith.constant 0 : i32
      %dma_start3A_1448 = tpu.memref_slice %arg5[%dma_start3A_1447, %multiple_of3A_1420] : memref<16x1000000xf32, #tpu.memory_space<hbm>> -> memref<16x128xf32, #tpu.memory_space<hbm>>
      tpu.enqueue_dma source(%dma_start3A_1448 : memref<16x128xf32, #tpu.memory_space<hbm>>) target(%dma_start3A_1446 : memref<16x128xf32, #tpu.memory_space<vmem>>) target_semaphore(%arg16 : memref<!tpu.dma_semaphore, #tpu.memory_space<semaphore_mem>>)
      %select_n3A_1449 = arith.select %eq3A_50, %get3A_798, %broadcast_in_dim3A_51 : vector<16xi1>, vector<16xi32>
      %reduce_sum3A_1450 = arith.constant true
      %reduce_sum3A_1451 = vector.broadcast %reduce_sum3A_1450 : i1 to vector<16xi1>
      %reduce_sum3A_1452 = tpu.scan <sum>, %select_n3A_1449 masked %reduce_sum3A_1451 : vector<16xi32>, vector<16xi1> -> vector<16xi32>
      %reduce_sum3A_1453 = vector.extract %reduce_sum3A_1452[15] : i32 from vector<16xi32>
      %select_n3A_1454 = arith.select %eq3A_50, %get3A_804, %broadcast_in_dim3A_51 : vector<16xi1>, vector<16xi32>
      %reduce_sum3A_1455 = arith.constant true
      %reduce_sum3A_1456 = vector.broadcast %reduce_sum3A_1455 : i1 to vector<16xi1>
      %reduce_sum3A_1457 = tpu.scan <sum>, %select_n3A_1454 masked %reduce_sum3A_1456 : vector<16xi32>, vector<16xi1> -> vector<16xi32>
      %reduce_sum3A_1458 = vector.extract %reduce_sum3A_1457[15] : i32 from vector<16xi32>
      %jit3A_1459 = arith.constant 128 : i32
      %div3A_1460 = arith.divsi %reduce_sum3A_1453, %jit3A_1459 : i32
      %sign3A_1461 = arith.constant 0 : i32
      %sign3A_1462 = arith.cmpi sgt, %reduce_sum3A_1453, %sign3A_1461 : i32
      %sign3A_1463 = arith.extui %sign3A_1462 : i1 to i32
      %sign3A_1464 = arith.constant 0 : i32
      %sign3A_1465 = arith.cmpi slt, %reduce_sum3A_1453, %sign3A_1464 : i32
      %sign3A_1466 = arith.extui %sign3A_1465 : i1 to i32
      %sign3A_1467 = arith.subi %sign3A_1463, %sign3A_1466 : i32
      %sign3A_1468 = arith.constant 0 : i32
      %sign3A_1469 = arith.cmpi sgt, %jit3A_1459, %sign3A_1468 : i32
      %sign3A_1470 = arith.extui %sign3A_1469 : i1 to i32
      %sign3A_1471 = arith.constant 0 : i32
      %sign3A_1472 = arith.cmpi slt, %jit3A_1459, %sign3A_1471 : i32
      %sign3A_1473 = arith.extui %sign3A_1472 : i1 to i32
      %sign3A_1474 = arith.subi %sign3A_1470, %sign3A_1473 : i32
      %ne3A_1475 = arith.cmpi ne, %sign3A_1467, %sign3A_1474 : i32
      %rem3A_1476 = arith.remsi %reduce_sum3A_1453, %jit3A_1459 : i32
      %ne3A_1477 = arith.constant 0 : i32
      %ne3A_1478 = arith.cmpi ne, %rem3A_1476, %ne3A_1477 : i32
      %and3A_1479 = arith.andi %ne3A_1475, %ne3A_1478 : i1
      %sub3A_1480 = arith.constant 1 : i32
      %sub3A_1481 = arith.subi %div3A_1460, %sub3A_1480 : i32
      %select_n3A_1482 = arith.select %and3A_1479, %sub3A_1481, %div3A_1460 : i32
      %mul3A_1483 = arith.constant 128 : i32
      %mul3A_1484 = arith.muli %select_n3A_1482, %mul3A_1483 : i32
      %multiple_of3A_1485 = tpu.assume_multiple %mul3A_1484, 128 : i32
      %jit3A_1486 = arith.constant 128 : i32
      %div3A_1487 = arith.divsi %reduce_sum3A_1458, %jit3A_1486 : i32
      %sign3A_1488 = arith.constant 0 : i32
      %sign3A_1489 = arith.cmpi sgt, %reduce_sum3A_1458, %sign3A_1488 : i32
      %sign3A_1490 = arith.extui %sign3A_1489 : i1 to i32
      %sign3A_1491 = arith.constant 0 : i32
      %sign3A_1492 = arith.cmpi slt, %reduce_sum3A_1458, %sign3A_1491 : i32
      %sign3A_1493 = arith.extui %sign3A_1492 : i1 to i32
      %sign3A_1494 = arith.subi %sign3A_1490, %sign3A_1493 : i32
      %sign3A_1495 = arith.constant 0 : i32
      %sign3A_1496 = arith.cmpi sgt, %jit3A_1486, %sign3A_1495 : i32
      %sign3A_1497 = arith.extui %sign3A_1496 : i1 to i32
      %sign3A_1498 = arith.constant 0 : i32
      %sign3A_1499 = arith.cmpi slt, %jit3A_1486, %sign3A_1498 : i32
      %sign3A_1500 = arith.extui %sign3A_1499 : i1 to i32
      %sign3A_1501 = arith.subi %sign3A_1497, %sign3A_1500 : i32
      %ne3A_1502 = arith.cmpi ne, %sign3A_1494, %sign3A_1501 : i32
      %rem3A_1503 = arith.remsi %reduce_sum3A_1458, %jit3A_1486 : i32
      %ne3A_1504 = arith.constant 0 : i32
      %ne3A_1505 = arith.cmpi ne, %rem3A_1503, %ne3A_1504 : i32
      %and3A_1506 = arith.andi %ne3A_1502, %ne3A_1505 : i1
      %sub3A_1507 = arith.constant 1 : i32
      %sub3A_1508 = arith.subi %div3A_1487, %sub3A_1507 : i32
      %select_n3A_1509 = arith.select %and3A_1506, %sub3A_1508, %div3A_1487 : i32
      %mul3A_1510 = arith.constant 128 : i32
      %mul3A_1511 = arith.muli %select_n3A_1509, %mul3A_1510 : i32
      %multiple_of3A_1512 = tpu.assume_multiple %mul3A_1511, 128 : i32
      %dma_start3A_1513 = arith.constant 1 : i32
      %dma_start3A_1514 = arith.constant 7 : i32
      %dma_start3A_1515 = arith.constant 0 : i32
      %dma_start3A_1516 = arith.constant 0 : i32
      %dma_start3A_1517 = tpu.memref_slice %arg11[%dma_start3A_1513, %dma_start3A_1514, %dma_start3A_1515, %dma_start3A_1516] : memref<2x8x16x128xf32, #tpu.memory_space<vmem>> -> memref<1x1x16x128xf32, #tpu.memory_space<vmem>>
      %dma_start3A_1518 = tpu.memref_squeeze %dma_start3A_1517 : memref<1x1x16x128xf32, #tpu.memory_space<vmem>> -> memref<16x128xf32, #tpu.memory_space<vmem>>
      %dma_start3A_1519 = arith.constant 0 : i32
      %dma_start3A_1520 = tpu.memref_slice %arg4[%dma_start3A_1519, %multiple_of3A_1485] : memref<16x1000000xf32, #tpu.memory_space<hbm>> -> memref<16x128xf32, #tpu.memory_space<hbm>>
      %dma_start3A_1521 = arith.constant 0 : i32
      %dma_start3A_1522 = arith.constant 0 : i32
      %dma_start3A_1523 = tpu.memref_slice %arg11[%dma_start3A_1513, %dma_start3A_1514, %dma_start3A_1521, %dma_start3A_1522] : memref<2x8x16x128xf32, #tpu.memory_space<vmem>> -> memref<1x1x16x128xf32, #tpu.memory_space<vmem>>
      %dma_start3A_1524 = tpu.memref_squeeze %dma_start3A_1523 : memref<1x1x16x128xf32, #tpu.memory_space<vmem>> -> memref<16x128xf32, #tpu.memory_space<vmem>>
      %dma_start3A_1525 = arith.constant 0 : i32
      %dma_start3A_1526 = tpu.memref_slice %arg4[%dma_start3A_1525, %multiple_of3A_1485] : memref<16x1000000xf32, #tpu.memory_space<hbm>> -> memref<16x128xf32, #tpu.memory_space<hbm>>
      tpu.enqueue_dma source(%dma_start3A_1526 : memref<16x128xf32, #tpu.memory_space<hbm>>) target(%dma_start3A_1524 : memref<16x128xf32, #tpu.memory_space<vmem>>) target_semaphore(%arg16 : memref<!tpu.dma_semaphore, #tpu.memory_space<semaphore_mem>>)
      %dma_start3A_1527 = arith.constant 1 : i32
      %dma_start3A_1528 = arith.constant 7 : i32
      %dma_start3A_1529 = arith.constant 0 : i32
      %dma_start3A_1530 = arith.constant 0 : i32
      %dma_start3A_1531 = tpu.memref_slice %arg12[%dma_start3A_1527, %dma_start3A_1528, %dma_start3A_1529, %dma_start3A_1530] : memref<2x8x16x128xf32, #tpu.memory_space<vmem>> -> memref<1x1x16x128xf32, #tpu.memory_space<vmem>>
      %dma_start3A_1532 = tpu.memref_squeeze %dma_start3A_1531 : memref<1x1x16x128xf32, #tpu.memory_space<vmem>> -> memref<16x128xf32, #tpu.memory_space<vmem>>
      %dma_start3A_1533 = arith.constant 0 : i32
      %dma_start3A_1534 = tpu.memref_slice %arg5[%dma_start3A_1533, %multiple_of3A_1512] : memref<16x1000000xf32, #tpu.memory_space<hbm>> -> memref<16x128xf32, #tpu.memory_space<hbm>>
      %dma_start3A_1535 = arith.constant 0 : i32
      %dma_start3A_1536 = arith.constant 0 : i32
      %dma_start3A_1537 = tpu.memref_slice %arg12[%dma_start3A_1527, %dma_start3A_1528, %dma_start3A_1535, %dma_start3A_1536] : memref<2x8x16x128xf32, #tpu.memory_space<vmem>> -> memref<1x1x16x128xf32, #tpu.memory_space<vmem>>
      %dma_start3A_1538 = tpu.memref_squeeze %dma_start3A_1537 : memref<1x1x16x128xf32, #tpu.memory_space<vmem>> -> memref<16x128xf32, #tpu.memory_space<vmem>>
      %dma_start3A_1539 = arith.constant 0 : i32
      %dma_start3A_1540 = tpu.memref_slice %arg5[%dma_start3A_1539, %multiple_of3A_1512] : memref<16x1000000xf32, #tpu.memory_space<hbm>> -> memref<16x128xf32, #tpu.memory_space<hbm>>
      tpu.enqueue_dma source(%dma_start3A_1540 : memref<16x128xf32, #tpu.memory_space<hbm>>) target(%dma_start3A_1538 : memref<16x128xf32, #tpu.memory_space<vmem>>) target_semaphore(%arg16 : memref<!tpu.dma_semaphore, #tpu.memory_space<semaphore_mem>>)
      %dma_wait3A = arith.constant 0 : i32
      %dma_wait3A_1541 = arith.constant 0 : i32
      %dma_wait3A_1542 = arith.constant 0 : i32
      %dma_wait3A_1543 = arith.constant 0 : i32
      %dma_wait3A_1544 = tpu.memref_slice %arg11[%dma_wait3A, %dma_wait3A_1541, %dma_wait3A_1542, %dma_wait3A_1543] : memref<2x8x16x128xf32, #tpu.memory_space<vmem>> -> memref<1x1x16x128xf32, #tpu.memory_space<vmem>>
      %dma_wait3A_1545 = tpu.memref_squeeze %dma_wait3A_1544 : memref<1x1x16x128xf32, #tpu.memory_space<vmem>> -> memref<16x128xf32, #tpu.memory_space<vmem>>
      %dma_wait3A_1546 = arith.constant 0 : i32
      %dma_wait3A_1547 = arith.constant 0 : i32
      %dma_wait3A_1548 = tpu.memref_slice %arg4[%dma_wait3A_1546, %dma_wait3A_1547] : memref<16x1000000xf32, #tpu.memory_space<hbm>> -> memref<16x128xf32, #tpu.memory_space<hbm>>
      %dma_wait3A_1549 = arith.constant 0 : i32
      %dma_wait3A_1550 = arith.constant 0 : i32
      %dma_wait3A_1551 = tpu.memref_slice %arg11[%dma_wait3A, %dma_wait3A_1541, %dma_wait3A_1549, %dma_wait3A_1550] : memref<2x8x16x128xf32, #tpu.memory_space<vmem>> -> memref<1x1x16x128xf32, #tpu.memory_space<vmem>>
      %dma_wait3A_1552 = tpu.memref_squeeze %dma_wait3A_1551 : memref<1x1x16x128xf32, #tpu.memory_space<vmem>> -> memref<16x128xf32, #tpu.memory_space<vmem>>
      %dma_wait3A_1553 = arith.constant 0 : i32
      %dma_wait3A_1554 = arith.constant 0 : i32
      %dma_wait3A_1555 = tpu.memref_slice %arg4[%dma_wait3A_1553, %dma_wait3A_1554] : memref<16x1000000xf32, #tpu.memory_space<hbm>> -> memref<16x128xf32, #tpu.memory_space<hbm>>
      tpu.wait_dma2 semaphore(%arg16 : memref<!tpu.dma_semaphore, #tpu.memory_space<semaphore_mem>>) src(%dma_wait3A_1555 : memref<16x128xf32, #tpu.memory_space<hbm>>) dst(%dma_wait3A_1552 : memref<16x128xf32, #tpu.memory_space<vmem>>)
      %dma_wait3A_1556 = arith.constant 0 : i32
      %dma_wait3A_1557 = arith.constant 0 : i32
      %dma_wait3A_1558 = arith.constant 0 : i32
      %dma_wait3A_1559 = arith.constant 0 : i32
      %dma_wait3A_1560 = tpu.memref_slice %arg12[%dma_wait3A_1556, %dma_wait3A_1557, %dma_wait3A_1558, %dma_wait3A_1559] : memref<2x8x16x128xf32, #tpu.memory_space<vmem>> -> memref<1x1x16x128xf32, #tpu.memory_space<vmem>>
      %dma_wait3A_1561 = tpu.memref_squeeze %dma_wait3A_1560 : memref<1x1x16x128xf32, #tpu.memory_space<vmem>> -> memref<16x128xf32, #tpu.memory_space<vmem>>
      %dma_wait3A_1562 = arith.constant 0 : i32
      %dma_wait3A_1563 = arith.constant 0 : i32
      %dma_wait3A_1564 = tpu.memref_slice %arg5[%dma_wait3A_1562, %dma_wait3A_1563] : memref<16x1000000xf32, #tpu.memory_space<hbm>> -> memref<16x128xf32, #tpu.memory_space<hbm>>
      %dma_wait3A_1565 = arith.constant 0 : i32
      %dma_wait3A_1566 = arith.constant 0 : i32
      %dma_wait3A_1567 = tpu.memref_slice %arg12[%dma_wait3A_1556, %dma_wait3A_1557, %dma_wait3A_1565, %dma_wait3A_1566] : memref<2x8x16x128xf32, #tpu.memory_space<vmem>> -> memref<1x1x16x128xf32, #tpu.memory_space<vmem>>
      %dma_wait3A_1568 = tpu.memref_squeeze %dma_wait3A_1567 : memref<1x1x16x128xf32, #tpu.memory_space<vmem>> -> memref<16x128xf32, #tpu.memory_space<vmem>>
      %dma_wait3A_1569 = arith.constant 0 : i32
      %dma_wait3A_1570 = arith.constant 0 : i32
      %dma_wait3A_1571 = tpu.memref_slice %arg5[%dma_wait3A_1569, %dma_wait3A_1570] : memref<16x1000000xf32, #tpu.memory_space<hbm>> -> memref<16x128xf32, #tpu.memory_space<hbm>>
      tpu.wait_dma2 semaphore(%arg16 : memref<!tpu.dma_semaphore, #tpu.memory_space<semaphore_mem>>) src(%dma_wait3A_1571 : memref<16x128xf32, #tpu.memory_space<hbm>>) dst(%dma_wait3A_1568 : memref<16x128xf32, #tpu.memory_space<vmem>>)
      %dma_wait3A_1572 = arith.constant 0 : i32
      %dma_wait3A_1573 = arith.constant 1 : i32
      %dma_wait3A_1574 = arith.constant 0 : i32
      %dma_wait3A_1575 = arith.constant 0 : i32
      %dma_wait3A_1576 = tpu.memref_slice %arg11[%dma_wait3A_1572, %dma_wait3A_1573, %dma_wait3A_1574, %dma_wait3A_1575] : memref<2x8x16x128xf32, #tpu.memory_space<vmem>> -> memref<1x1x16x128xf32, #tpu.memory_space<vmem>>
      %dma_wait3A_1577 = tpu.memref_squeeze %dma_wait3A_1576 : memref<1x1x16x128xf32, #tpu.memory_space<vmem>> -> memref<16x128xf32, #tpu.memory_space<vmem>>
      %dma_wait3A_1578 = arith.constant 0 : i32
      %dma_wait3A_1579 = arith.constant 0 : i32
      %dma_wait3A_1580 = tpu.memref_slice %arg4[%dma_wait3A_1578, %dma_wait3A_1579] : memref<16x1000000xf32, #tpu.memory_space<hbm>> -> memref<16x128xf32, #tpu.memory_space<hbm>>
      %dma_wait3A_1581 = arith.constant 0 : i32
      %dma_wait3A_1582 = arith.constant 0 : i32
      %dma_wait3A_1583 = tpu.memref_slice %arg11[%dma_wait3A_1572, %dma_wait3A_1573, %dma_wait3A_1581, %dma_wait3A_1582] : memref<2x8x16x128xf32, #tpu.memory_space<vmem>> -> memref<1x1x16x128xf32, #tpu.memory_space<vmem>>
      %dma_wait3A_1584 = tpu.memref_squeeze %dma_wait3A_1583 : memref<1x1x16x128xf32, #tpu.memory_space<vmem>> -> memref<16x128xf32, #tpu.memory_space<vmem>>
      %dma_wait3A_1585 = arith.constant 0 : i32
      %dma_wait3A_1586 = arith.constant 0 : i32
      %dma_wait3A_1587 = tpu.memref_slice %arg4[%dma_wait3A_1585, %dma_wait3A_1586] : memref<16x1000000xf32, #tpu.memory_space<hbm>> -> memref<16x128xf32, #tpu.memory_space<hbm>>
      tpu.wait_dma2 semaphore(%arg16 : memref<!tpu.dma_semaphore, #tpu.memory_space<semaphore_mem>>) src(%dma_wait3A_1587 : memref<16x128xf32, #tpu.memory_space<hbm>>) dst(%dma_wait3A_1584 : memref<16x128xf32, #tpu.memory_space<vmem>>)
      %dma_wait3A_1588 = arith.constant 0 : i32
      %dma_wait3A_1589 = arith.constant 1 : i32
      %dma_wait3A_1590 = arith.constant 0 : i32
      %dma_wait3A_1591 = arith.constant 0 : i32
      %dma_wait3A_1592 = tpu.memref_slice %arg12[%dma_wait3A_1588, %dma_wait3A_1589, %dma_wait3A_1590, %dma_wait3A_1591] : memref<2x8x16x128xf32, #tpu.memory_space<vmem>> -> memref<1x1x16x128xf32, #tpu.memory_space<vmem>>
      %dma_wait3A_1593 = tpu.memref_squeeze %dma_wait3A_1592 : memref<1x1x16x128xf32, #tpu.memory_space<vmem>> -> memref<16x128xf32, #tpu.memory_space<vmem>>
      %dma_wait3A_1594 = arith.constant 0 : i32
      %dma_wait3A_1595 = arith.constant 0 : i32
      %dma_wait3A_1596 = tpu.memref_slice %arg5[%dma_wait3A_1594, %dma_wait3A_1595] : memref<16x1000000xf32, #tpu.memory_space<hbm>> -> memref<16x128xf32, #tpu.memory_space<hbm>>
      %dma_wait3A_1597 = arith.constant 0 : i32
      %dma_wait3A_1598 = arith.constant 0 : i32
      %dma_wait3A_1599 = tpu.memref_slice %arg12[%dma_wait3A_1588, %dma_wait3A_1589, %dma_wait3A_1597, %dma_wait3A_1598] : memref<2x8x16x128xf32, #tpu.memory_space<vmem>> -> memref<1x1x16x128xf32, #tpu.memory_space<vmem>>
      %dma_wait3A_1600 = tpu.memref_squeeze %dma_wait3A_1599 : memref<1x1x16x128xf32, #tpu.memory_space<vmem>> -> memref<16x128xf32, #tpu.memory_space<vmem>>
      %dma_wait3A_1601 = arith.constant 0 : i32
      %dma_wait3A_1602 = arith.constant 0 : i32
      %dma_wait3A_1603 = tpu.memref_slice %arg5[%dma_wait3A_1601, %dma_wait3A_1602] : memref<16x1000000xf32, #tpu.memory_space<hbm>> -> memref<16x128xf32, #tpu.memory_space<hbm>>
      tpu.wait_dma2 semaphore(%arg16 : memref<!tpu.dma_semaphore, #tpu.memory_space<semaphore_mem>>) src(%dma_wait3A_1603 : memref<16x128xf32, #tpu.memory_space<hbm>>) dst(%dma_wait3A_1600 : memref<16x128xf32, #tpu.memory_space<vmem>>)
      %dma_wait3A_1604 = arith.constant 0 : i32
      %dma_wait3A_1605 = arith.constant 2 : i32
      %dma_wait3A_1606 = arith.constant 0 : i32
      %dma_wait3A_1607 = arith.constant 0 : i32
      %dma_wait3A_1608 = tpu.memref_slice %arg11[%dma_wait3A_1604, %dma_wait3A_1605, %dma_wait3A_1606, %dma_wait3A_1607] : memref<2x8x16x128xf32, #tpu.memory_space<vmem>> -> memref<1x1x16x128xf32, #tpu.memory_space<vmem>>
      %dma_wait3A_1609 = tpu.memref_squeeze %dma_wait3A_1608 : memref<1x1x16x128xf32, #tpu.memory_space<vmem>> -> memref<16x128xf32, #tpu.memory_space<vmem>>
      %dma_wait3A_1610 = arith.constant 0 : i32
      %dma_wait3A_1611 = arith.constant 0 : i32
      %dma_wait3A_1612 = tpu.memref_slice %arg4[%dma_wait3A_1610, %dma_wait3A_1611] : memref<16x1000000xf32, #tpu.memory_space<hbm>> -> memref<16x128xf32, #tpu.memory_space<hbm>>
      %dma_wait3A_1613 = arith.constant 0 : i32
      %dma_wait3A_1614 = arith.constant 0 : i32
      %dma_wait3A_1615 = tpu.memref_slice %arg11[%dma_wait3A_1604, %dma_wait3A_1605, %dma_wait3A_1613, %dma_wait3A_1614] : memref<2x8x16x128xf32, #tpu.memory_space<vmem>> -> memref<1x1x16x128xf32, #tpu.memory_space<vmem>>
      %dma_wait3A_1616 = tpu.memref_squeeze %dma_wait3A_1615 : memref<1x1x16x128xf32, #tpu.memory_space<vmem>> -> memref<16x128xf32, #tpu.memory_space<vmem>>
      %dma_wait3A_1617 = arith.constant 0 : i32
      %dma_wait3A_1618 = arith.constant 0 : i32
      %dma_wait3A_1619 = tpu.memref_slice %arg4[%dma_wait3A_1617, %dma_wait3A_1618] : memref<16x1000000xf32, #tpu.memory_space<hbm>> -> memref<16x128xf32, #tpu.memory_space<hbm>>
      tpu.wait_dma2 semaphore(%arg16 : memref<!tpu.dma_semaphore, #tpu.memory_space<semaphore_mem>>) src(%dma_wait3A_1619 : memref<16x128xf32, #tpu.memory_space<hbm>>) dst(%dma_wait3A_1616 : memref<16x128xf32, #tpu.memory_space<vmem>>)
      %dma_wait3A_1620 = arith.constant 0 : i32
      %dma_wait3A_1621 = arith.constant 2 : i32
      %dma_wait3A_1622 = arith.constant 0 : i32
      %dma_wait3A_1623 = arith.constant 0 : i32
      %dma_wait3A_1624 = tpu.memref_slice %arg12[%dma_wait3A_1620, %dma_wait3A_1621, %dma_wait3A_1622, %dma_wait3A_1623] : memref<2x8x16x128xf32, #tpu.memory_space<vmem>> -> memref<1x1x16x128xf32, #tpu.memory_space<vmem>>
      %dma_wait3A_1625 = tpu.memref_squeeze %dma_wait3A_1624 : memref<1x1x16x128xf32, #tpu.memory_space<vmem>> -> memref<16x128xf32, #tpu.memory_space<vmem>>
      %dma_wait3A_1626 = arith.constant 0 : i32
      %dma_wait3A_1627 = arith.constant 0 : i32
      %dma_wait3A_1628 = tpu.memref_slice %arg5[%dma_wait3A_1626, %dma_wait3A_1627] : memref<16x1000000xf32, #tpu.memory_space<hbm>> -> memref<16x128xf32, #tpu.memory_space<hbm>>
      %dma_wait3A_1629 = arith.constant 0 : i32
      %dma_wait3A_1630 = arith.constant 0 : i32
      %dma_wait3A_1631 = tpu.memref_slice %arg12[%dma_wait3A_1620, %dma_wait3A_1621, %dma_wait3A_1629, %dma_wait3A_1630] : memref<2x8x16x128xf32, #tpu.memory_space<vmem>> -> memref<1x1x16x128xf32, #tpu.memory_space<vmem>>
      %dma_wait3A_1632 = tpu.memref_squeeze %dma_wait3A_1631 : memref<1x1x16x128xf32, #tpu.memory_space<vmem>> -> memref<16x128xf32, #tpu.memory_space<vmem>>
      %dma_wait3A_1633 = arith.constant 0 : i32
      %dma_wait3A_1634 = arith.constant 0 : i32
      %dma_wait3A_1635 = tpu.memref_slice %arg5[%dma_wait3A_1633, %dma_wait3A_1634] : memref<16x1000000xf32, #tpu.memory_space<hbm>> -> memref<16x128xf32, #tpu.memory_space<hbm>>
      tpu.wait_dma2 semaphore(%arg16 : memref<!tpu.dma_semaphore, #tpu.memory_space<semaphore_mem>>) src(%dma_wait3A_1635 : memref<16x128xf32, #tpu.memory_space<hbm>>) dst(%dma_wait3A_1632 : memref<16x128xf32, #tpu.memory_space<vmem>>)
      %dma_wait3A_1636 = arith.constant 0 : i32
      %dma_wait3A_1637 = arith.constant 3 : i32
      %dma_wait3A_1638 = arith.constant 0 : i32
      %dma_wait3A_1639 = arith.constant 0 : i32
      %dma_wait3A_1640 = tpu.memref_slice %arg11[%dma_wait3A_1636, %dma_wait3A_1637, %dma_wait3A_1638, %dma_wait3A_1639] : memref<2x8x16x128xf32, #tpu.memory_space<vmem>> -> memref<1x1x16x128xf32, #tpu.memory_space<vmem>>
      %dma_wait3A_1641 = tpu.memref_squeeze %dma_wait3A_1640 : memref<1x1x16x128xf32, #tpu.memory_space<vmem>> -> memref<16x128xf32, #tpu.memory_space<vmem>>
      %dma_wait3A_1642 = arith.constant 0 : i32
      %dma_wait3A_1643 = arith.constant 0 : i32
      %dma_wait3A_1644 = tpu.memref_slice %arg4[%dma_wait3A_1642, %dma_wait3A_1643] : memref<16x1000000xf32, #tpu.memory_space<hbm>> -> memref<16x128xf32, #tpu.memory_space<hbm>>
      %dma_wait3A_1645 = arith.constant 0 : i32
      %dma_wait3A_1646 = arith.constant 0 : i32
      %dma_wait3A_1647 = tpu.memref_slice %arg11[%dma_wait3A_1636, %dma_wait3A_1637, %dma_wait3A_1645, %dma_wait3A_1646] : memref<2x8x16x128xf32, #tpu.memory_space<vmem>> -> memref<1x1x16x128xf32, #tpu.memory_space<vmem>>
      %dma_wait3A_1648 = tpu.memref_squeeze %dma_wait3A_1647 : memref<1x1x16x128xf32, #tpu.memory_space<vmem>> -> memref<16x128xf32, #tpu.memory_space<vmem>>
      %dma_wait3A_1649 = arith.constant 0 : i32
      %dma_wait3A_1650 = arith.constant 0 : i32
      %dma_wait3A_1651 = tpu.memref_slice %arg4[%dma_wait3A_1649, %dma_wait3A_1650] : memref<16x1000000xf32, #tpu.memory_space<hbm>> -> memref<16x128xf32, #tpu.memory_space<hbm>>
      tpu.wait_dma2 semaphore(%arg16 : memref<!tpu.dma_semaphore, #tpu.memory_space<semaphore_mem>>) src(%dma_wait3A_1651 : memref<16x128xf32, #tpu.memory_space<hbm>>) dst(%dma_wait3A_1648 : memref<16x128xf32, #tpu.memory_space<vmem>>)
      %dma_wait3A_1652 = arith.constant 0 : i32
      %dma_wait3A_1653 = arith.constant 3 : i32
      %dma_wait3A_1654 = arith.constant 0 : i32
      %dma_wait3A_1655 = arith.constant 0 : i32
      %dma_wait3A_1656 = tpu.memref_slice %arg12[%dma_wait3A_1652, %dma_wait3A_1653, %dma_wait3A_1654, %dma_wait3A_1655] : memref<2x8x16x128xf32, #tpu.memory_space<vmem>> -> memref<1x1x16x128xf32, #tpu.memory_space<vmem>>
      %dma_wait3A_1657 = tpu.memref_squeeze %dma_wait3A_1656 : memref<1x1x16x128xf32, #tpu.memory_space<vmem>> -> memref<16x128xf32, #tpu.memory_space<vmem>>
      %dma_wait3A_1658 = arith.constant 0 : i32
      %dma_wait3A_1659 = arith.constant 0 : i32
      %dma_wait3A_1660 = tpu.memref_slice %arg5[%dma_wait3A_1658, %dma_wait3A_1659] : memref<16x1000000xf32, #tpu.memory_space<hbm>> -> memref<16x128xf32, #tpu.memory_space<hbm>>
      %dma_wait3A_1661 = arith.constant 0 : i32
      %dma_wait3A_1662 = arith.constant 0 : i32
      %dma_wait3A_1663 = tpu.memref_slice %arg12[%dma_wait3A_1652, %dma_wait3A_1653, %dma_wait3A_1661, %dma_wait3A_1662] : memref<2x8x16x128xf32, #tpu.memory_space<vmem>> -> memref<1x1x16x128xf32, #tpu.memory_space<vmem>>
      %dma_wait3A_1664 = tpu.memref_squeeze %dma_wait3A_1663 : memref<1x1x16x128xf32, #tpu.memory_space<vmem>> -> memref<16x128xf32, #tpu.memory_space<vmem>>
      %dma_wait3A_1665 = arith.constant 0 : i32
      %dma_wait3A_1666 = arith.constant 0 : i32
      %dma_wait3A_1667 = tpu.memref_slice %arg5[%dma_wait3A_1665, %dma_wait3A_1666] : memref<16x1000000xf32, #tpu.memory_space<hbm>> -> memref<16x128xf32, #tpu.memory_space<hbm>>
      tpu.wait_dma2 semaphore(%arg16 : memref<!tpu.dma_semaphore, #tpu.memory_space<semaphore_mem>>) src(%dma_wait3A_1667 : memref<16x128xf32, #tpu.memory_space<hbm>>) dst(%dma_wait3A_1664 : memref<16x128xf32, #tpu.memory_space<vmem>>)
      %dma_wait3A_1668 = arith.constant 0 : i32
      %dma_wait3A_1669 = arith.constant 4 : i32
      %dma_wait3A_1670 = arith.constant 0 : i32
      %dma_wait3A_1671 = arith.constant 0 : i32
      %dma_wait3A_1672 = tpu.memref_slice %arg11[%dma_wait3A_1668, %dma_wait3A_1669, %dma_wait3A_1670, %dma_wait3A_1671] : memref<2x8x16x128xf32, #tpu.memory_space<vmem>> -> memref<1x1x16x128xf32, #tpu.memory_space<vmem>>
      %dma_wait3A_1673 = tpu.memref_squeeze %dma_wait3A_1672 : memref<1x1x16x128xf32, #tpu.memory_space<vmem>> -> memref<16x128xf32, #tpu.memory_space<vmem>>
      %dma_wait3A_1674 = arith.constant 0 : i32
      %dma_wait3A_1675 = arith.constant 0 : i32
      %dma_wait3A_1676 = tpu.memref_slice %arg4[%dma_wait3A_1674, %dma_wait3A_1675] : memref<16x1000000xf32, #tpu.memory_space<hbm>> -> memref<16x128xf32, #tpu.memory_space<hbm>>
      %dma_wait3A_1677 = arith.constant 0 : i32
      %dma_wait3A_1678 = arith.constant 0 : i32
      %dma_wait3A_1679 = tpu.memref_slice %arg11[%dma_wait3A_1668, %dma_wait3A_1669, %dma_wait3A_1677, %dma_wait3A_1678] : memref<2x8x16x128xf32, #tpu.memory_space<vmem>> -> memref<1x1x16x128xf32, #tpu.memory_space<vmem>>
      %dma_wait3A_1680 = tpu.memref_squeeze %dma_wait3A_1679 : memref<1x1x16x128xf32, #tpu.memory_space<vmem>> -> memref<16x128xf32, #tpu.memory_space<vmem>>
      %dma_wait3A_1681 = arith.constant 0 : i32
      %dma_wait3A_1682 = arith.constant 0 : i32
      %dma_wait3A_1683 = tpu.memref_slice %arg4[%dma_wait3A_1681, %dma_wait3A_1682] : memref<16x1000000xf32, #tpu.memory_space<hbm>> -> memref<16x128xf32, #tpu.memory_space<hbm>>
      tpu.wait_dma2 semaphore(%arg16 : memref<!tpu.dma_semaphore, #tpu.memory_space<semaphore_mem>>) src(%dma_wait3A_1683 : memref<16x128xf32, #tpu.memory_space<hbm>>) dst(%dma_wait3A_1680 : memref<16x128xf32, #tpu.memory_space<vmem>>)
      %dma_wait3A_1684 = arith.constant 0 : i32
      %dma_wait3A_1685 = arith.constant 4 : i32
      %dma_wait3A_1686 = arith.constant 0 : i32
      %dma_wait3A_1687 = arith.constant 0 : i32
      %dma_wait3A_1688 = tpu.memref_slice %arg12[%dma_wait3A_1684, %dma_wait3A_1685, %dma_wait3A_1686, %dma_wait3A_1687] : memref<2x8x16x128xf32, #tpu.memory_space<vmem>> -> memref<1x1x16x128xf32, #tpu.memory_space<vmem>>
      %dma_wait3A_1689 = tpu.memref_squeeze %dma_wait3A_1688 : memref<1x1x16x128xf32, #tpu.memory_space<vmem>> -> memref<16x128xf32, #tpu.memory_space<vmem>>
      %dma_wait3A_1690 = arith.constant 0 : i32
      %dma_wait3A_1691 = arith.constant 0 : i32
      %dma_wait3A_1692 = tpu.memref_slice %arg5[%dma_wait3A_1690, %dma_wait3A_1691] : memref<16x1000000xf32, #tpu.memory_space<hbm>> -> memref<16x128xf32, #tpu.memory_space<hbm>>
      %dma_wait3A_1693 = arith.constant 0 : i32
      %dma_wait3A_1694 = arith.constant 0 : i32
      %dma_wait3A_1695 = tpu.memref_slice %arg12[%dma_wait3A_1684, %dma_wait3A_1685, %dma_wait3A_1693, %dma_wait3A_1694] : memref<2x8x16x128xf32, #tpu.memory_space<vmem>> -> memref<1x1x16x128xf32, #tpu.memory_space<vmem>>
      %dma_wait3A_1696 = tpu.memref_squeeze %dma_wait3A_1695 : memref<1x1x16x128xf32, #tpu.memory_space<vmem>> -> memref<16x128xf32, #tpu.memory_space<vmem>>
      %dma_wait3A_1697 = arith.constant 0 : i32
      %dma_wait3A_1698 = arith.constant 0 : i32
      %dma_wait3A_1699 = tpu.memref_slice %arg5[%dma_wait3A_1697, %dma_wait3A_1698] : memref<16x1000000xf32, #tpu.memory_space<hbm>> -> memref<16x128xf32, #tpu.memory_space<hbm>>
      tpu.wait_dma2 semaphore(%arg16 : memref<!tpu.dma_semaphore, #tpu.memory_space<semaphore_mem>>) src(%dma_wait3A_1699 : memref<16x128xf32, #tpu.memory_space<hbm>>) dst(%dma_wait3A_1696 : memref<16x128xf32, #tpu.memory_space<vmem>>)
      %dma_wait3A_1700 = arith.constant 0 : i32
      %dma_wait3A_1701 = arith.constant 5 : i32
      %dma_wait3A_1702 = arith.constant 0 : i32
      %dma_wait3A_1703 = arith.constant 0 : i32
      %dma_wait3A_1704 = tpu.memref_slice %arg11[%dma_wait3A_1700, %dma_wait3A_1701, %dma_wait3A_1702, %dma_wait3A_1703] : memref<2x8x16x128xf32, #tpu.memory_space<vmem>> -> memref<1x1x16x128xf32, #tpu.memory_space<vmem>>
      %dma_wait3A_1705 = tpu.memref_squeeze %dma_wait3A_1704 : memref<1x1x16x128xf32, #tpu.memory_space<vmem>> -> memref<16x128xf32, #tpu.memory_space<vmem>>
      %dma_wait3A_1706 = arith.constant 0 : i32
      %dma_wait3A_1707 = arith.constant 0 : i32
      %dma_wait3A_1708 = tpu.memref_slice %arg4[%dma_wait3A_1706, %dma_wait3A_1707] : memref<16x1000000xf32, #tpu.memory_space<hbm>> -> memref<16x128xf32, #tpu.memory_space<hbm>>
      %dma_wait3A_1709 = arith.constant 0 : i32
      %dma_wait3A_1710 = arith.constant 0 : i32
      %dma_wait3A_1711 = tpu.memref_slice %arg11[%dma_wait3A_1700, %dma_wait3A_1701, %dma_wait3A_1709, %dma_wait3A_1710] : memref<2x8x16x128xf32, #tpu.memory_space<vmem>> -> memref<1x1x16x128xf32, #tpu.memory_space<vmem>>
      %dma_wait3A_1712 = tpu.memref_squeeze %dma_wait3A_1711 : memref<1x1x16x128xf32, #tpu.memory_space<vmem>> -> memref<16x128xf32, #tpu.memory_space<vmem>>
      %dma_wait3A_1713 = arith.constant 0 : i32
      %dma_wait3A_1714 = arith.constant 0 : i32
      %dma_wait3A_1715 = tpu.memref_slice %arg4[%dma_wait3A_1713, %dma_wait3A_1714] : memref<16x1000000xf32, #tpu.memory_space<hbm>> -> memref<16x128xf32, #tpu.memory_space<hbm>>
      tpu.wait_dma2 semaphore(%arg16 : memref<!tpu.dma_semaphore, #tpu.memory_space<semaphore_mem>>) src(%dma_wait3A_1715 : memref<16x128xf32, #tpu.memory_space<hbm>>) dst(%dma_wait3A_1712 : memref<16x128xf32, #tpu.memory_space<vmem>>)
      %dma_wait3A_1716 = arith.constant 0 : i32
      %dma_wait3A_1717 = arith.constant 5 : i32
      %dma_wait3A_1718 = arith.constant 0 : i32
      %dma_wait3A_1719 = arith.constant 0 : i32
      %dma_wait3A_1720 = tpu.memref_slice %arg12[%dma_wait3A_1716, %dma_wait3A_1717, %dma_wait3A_1718, %dma_wait3A_1719] : memref<2x8x16x128xf32, #tpu.memory_space<vmem>> -> memref<1x1x16x128xf32, #tpu.memory_space<vmem>>
      %dma_wait3A_1721 = tpu.memref_squeeze %dma_wait3A_1720 : memref<1x1x16x128xf32, #tpu.memory_space<vmem>> -> memref<16x128xf32, #tpu.memory_space<vmem>>
      %dma_wait3A_1722 = arith.constant 0 : i32
      %dma_wait3A_1723 = arith.constant 0 : i32
      %dma_wait3A_1724 = tpu.memref_slice %arg5[%dma_wait3A_1722, %dma_wait3A_1723] : memref<16x1000000xf32, #tpu.memory_space<hbm>> -> memref<16x128xf32, #tpu.memory_space<hbm>>
      %dma_wait3A_1725 = arith.constant 0 : i32
      %dma_wait3A_1726 = arith.constant 0 : i32
      %dma_wait3A_1727 = tpu.memref_slice %arg12[%dma_wait3A_1716, %dma_wait3A_1717, %dma_wait3A_1725, %dma_wait3A_1726] : memref<2x8x16x128xf32, #tpu.memory_space<vmem>> -> memref<1x1x16x128xf32, #tpu.memory_space<vmem>>
      %dma_wait3A_1728 = tpu.memref_squeeze %dma_wait3A_1727 : memref<1x1x16x128xf32, #tpu.memory_space<vmem>> -> memref<16x128xf32, #tpu.memory_space<vmem>>
      %dma_wait3A_1729 = arith.constant 0 : i32
      %dma_wait3A_1730 = arith.constant 0 : i32
      %dma_wait3A_1731 = tpu.memref_slice %arg5[%dma_wait3A_1729, %dma_wait3A_1730] : memref<16x1000000xf32, #tpu.memory_space<hbm>> -> memref<16x128xf32, #tpu.memory_space<hbm>>
      tpu.wait_dma2 semaphore(%arg16 : memref<!tpu.dma_semaphore, #tpu.memory_space<semaphore_mem>>) src(%dma_wait3A_1731 : memref<16x128xf32, #tpu.memory_space<hbm>>) dst(%dma_wait3A_1728 : memref<16x128xf32, #tpu.memory_space<vmem>>)
      %dma_wait3A_1732 = arith.constant 0 : i32
      %dma_wait3A_1733 = arith.constant 6 : i32
      %dma_wait3A_1734 = arith.constant 0 : i32
      %dma_wait3A_1735 = arith.constant 0 : i32
      %dma_wait3A_1736 = tpu.memref_slice %arg11[%dma_wait3A_1732, %dma_wait3A_1733, %dma_wait3A_1734, %dma_wait3A_1735] : memref<2x8x16x128xf32, #tpu.memory_space<vmem>> -> memref<1x1x16x128xf32, #tpu.memory_space<vmem>>
      %dma_wait3A_1737 = tpu.memref_squeeze %dma_wait3A_1736 : memref<1x1x16x128xf32, #tpu.memory_space<vmem>> -> memref<16x128xf32, #tpu.memory_space<vmem>>
      %dma_wait3A_1738 = arith.constant 0 : i32
      %dma_wait3A_1739 = arith.constant 0 : i32
      %dma_wait3A_1740 = tpu.memref_slice %arg4[%dma_wait3A_1738, %dma_wait3A_1739] : memref<16x1000000xf32, #tpu.memory_space<hbm>> -> memref<16x128xf32, #tpu.memory_space<hbm>>
      %dma_wait3A_1741 = arith.constant 0 : i32
      %dma_wait3A_1742 = arith.constant 0 : i32
      %dma_wait3A_1743 = tpu.memref_slice %arg11[%dma_wait3A_1732, %dma_wait3A_1733, %dma_wait3A_1741, %dma_wait3A_1742] : memref<2x8x16x128xf32, #tpu.memory_space<vmem>> -> memref<1x1x16x128xf32, #tpu.memory_space<vmem>>
      %dma_wait3A_1744 = tpu.memref_squeeze %dma_wait3A_1743 : memref<1x1x16x128xf32, #tpu.memory_space<vmem>> -> memref<16x128xf32, #tpu.memory_space<vmem>>
      %dma_wait3A_1745 = arith.constant 0 : i32
      %dma_wait3A_1746 = arith.constant 0 : i32
      %dma_wait3A_1747 = tpu.memref_slice %arg4[%dma_wait3A_1745, %dma_wait3A_1746] : memref<16x1000000xf32, #tpu.memory_space<hbm>> -> memref<16x128xf32, #tpu.memory_space<hbm>>
      tpu.wait_dma2 semaphore(%arg16 : memref<!tpu.dma_semaphore, #tpu.memory_space<semaphore_mem>>) src(%dma_wait3A_1747 : memref<16x128xf32, #tpu.memory_space<hbm>>) dst(%dma_wait3A_1744 : memref<16x128xf32, #tpu.memory_space<vmem>>)
      %dma_wait3A_1748 = arith.constant 0 : i32
      %dma_wait3A_1749 = arith.constant 6 : i32
      %dma_wait3A_1750 = arith.constant 0 : i32
      %dma_wait3A_1751 = arith.constant 0 : i32
      %dma_wait3A_1752 = tpu.memref_slice %arg12[%dma_wait3A_1748, %dma_wait3A_1749, %dma_wait3A_1750, %dma_wait3A_1751] : memref<2x8x16x128xf32, #tpu.memory_space<vmem>> -> memref<1x1x16x128xf32, #tpu.memory_space<vmem>>
      %dma_wait3A_1753 = tpu.memref_squeeze %dma_wait3A_1752 : memref<1x1x16x128xf32, #tpu.memory_space<vmem>> -> memref<16x128xf32, #tpu.memory_space<vmem>>
      %dma_wait3A_1754 = arith.constant 0 : i32
      %dma_wait3A_1755 = arith.constant 0 : i32
      %dma_wait3A_1756 = tpu.memref_slice %arg5[%dma_wait3A_1754, %dma_wait3A_1755] : memref<16x1000000xf32, #tpu.memory_space<hbm>> -> memref<16x128xf32, #tpu.memory_space<hbm>>
      %dma_wait3A_1757 = arith.constant 0 : i32
      %dma_wait3A_1758 = arith.constant 0 : i32
      %dma_wait3A_1759 = tpu.memref_slice %arg12[%dma_wait3A_1748, %dma_wait3A_1749, %dma_wait3A_1757, %dma_wait3A_1758] : memref<2x8x16x128xf32, #tpu.memory_space<vmem>> -> memref<1x1x16x128xf32, #tpu.memory_space<vmem>>
      %dma_wait3A_1760 = tpu.memref_squeeze %dma_wait3A_1759 : memref<1x1x16x128xf32, #tpu.memory_space<vmem>> -> memref<16x128xf32, #tpu.memory_space<vmem>>
      %dma_wait3A_1761 = arith.constant 0 : i32
      %dma_wait3A_1762 = arith.constant 0 : i32
      %dma_wait3A_1763 = tpu.memref_slice %arg5[%dma_wait3A_1761, %dma_wait3A_1762] : memref<16x1000000xf32, #tpu.memory_space<hbm>> -> memref<16x128xf32, #tpu.memory_space<hbm>>
      tpu.wait_dma2 semaphore(%arg16 : memref<!tpu.dma_semaphore, #tpu.memory_space<semaphore_mem>>) src(%dma_wait3A_1763 : memref<16x128xf32, #tpu.memory_space<hbm>>) dst(%dma_wait3A_1760 : memref<16x128xf32, #tpu.memory_space<vmem>>)
      %dma_wait3A_1764 = arith.constant 0 : i32
      %dma_wait3A_1765 = arith.constant 7 : i32
      %dma_wait3A_1766 = arith.constant 0 : i32
      %dma_wait3A_1767 = arith.constant 0 : i32
      %dma_wait3A_1768 = tpu.memref_slice %arg11[%dma_wait3A_1764, %dma_wait3A_1765, %dma_wait3A_1766, %dma_wait3A_1767] : memref<2x8x16x128xf32, #tpu.memory_space<vmem>> -> memref<1x1x16x128xf32, #tpu.memory_space<vmem>>
      %dma_wait3A_1769 = tpu.memref_squeeze %dma_wait3A_1768 : memref<1x1x16x128xf32, #tpu.memory_space<vmem>> -> memref<16x128xf32, #tpu.memory_space<vmem>>
      %dma_wait3A_1770 = arith.constant 0 : i32
      %dma_wait3A_1771 = arith.constant 0 : i32
      %dma_wait3A_1772 = tpu.memref_slice %arg4[%dma_wait3A_1770, %dma_wait3A_1771] : memref<16x1000000xf32, #tpu.memory_space<hbm>> -> memref<16x128xf32, #tpu.memory_space<hbm>>
      %dma_wait3A_1773 = arith.constant 0 : i32
      %dma_wait3A_1774 = arith.constant 0 : i32
      %dma_wait3A_1775 = tpu.memref_slice %arg11[%dma_wait3A_1764, %dma_wait3A_1765, %dma_wait3A_1773, %dma_wait3A_1774] : memref<2x8x16x128xf32, #tpu.memory_space<vmem>> -> memref<1x1x16x128xf32, #tpu.memory_space<vmem>>
      %dma_wait3A_1776 = tpu.memref_squeeze %dma_wait3A_1775 : memref<1x1x16x128xf32, #tpu.memory_space<vmem>> -> memref<16x128xf32, #tpu.memory_space<vmem>>
      %dma_wait3A_1777 = arith.constant 0 : i32
      %dma_wait3A_1778 = arith.constant 0 : i32
      %dma_wait3A_1779 = tpu.memref_slice %arg4[%dma_wait3A_1777, %dma_wait3A_1778] : memref<16x1000000xf32, #tpu.memory_space<hbm>> -> memref<16x128xf32, #tpu.memory_space<hbm>>
      tpu.wait_dma2 semaphore(%arg16 : memref<!tpu.dma_semaphore, #tpu.memory_space<semaphore_mem>>) src(%dma_wait3A_1779 : memref<16x128xf32, #tpu.memory_space<hbm>>) dst(%dma_wait3A_1776 : memref<16x128xf32, #tpu.memory_space<vmem>>)
      %dma_wait3A_1780 = arith.constant 0 : i32
      %dma_wait3A_1781 = arith.constant 7 : i32
      %dma_wait3A_1782 = arith.constant 0 : i32
      %dma_wait3A_1783 = arith.constant 0 : i32
      %dma_wait3A_1784 = tpu.memref_slice %arg12[%dma_wait3A_1780, %dma_wait3A_1781, %dma_wait3A_1782, %dma_wait3A_1783] : memref<2x8x16x128xf32, #tpu.memory_space<vmem>> -> memref<1x1x16x128xf32, #tpu.memory_space<vmem>>
      %dma_wait3A_1785 = tpu.memref_squeeze %dma_wait3A_1784 : memref<1x1x16x128xf32, #tpu.memory_space<vmem>> -> memref<16x128xf32, #tpu.memory_space<vmem>>
      %dma_wait3A_1786 = arith.constant 0 : i32
      %dma_wait3A_1787 = arith.constant 0 : i32
      %dma_wait3A_1788 = tpu.memref_slice %arg5[%dma_wait3A_1786, %dma_wait3A_1787] : memref<16x1000000xf32, #tpu.memory_space<hbm>> -> memref<16x128xf32, #tpu.memory_space<hbm>>
      %dma_wait3A_1789 = arith.constant 0 : i32
      %dma_wait3A_1790 = arith.constant 0 : i32
      %dma_wait3A_1791 = tpu.memref_slice %arg12[%dma_wait3A_1780, %dma_wait3A_1781, %dma_wait3A_1789, %dma_wait3A_1790] : memref<2x8x16x128xf32, #tpu.memory_space<vmem>> -> memref<1x1x16x128xf32, #tpu.memory_space<vmem>>
      %dma_wait3A_1792 = tpu.memref_squeeze %dma_wait3A_1791 : memref<1x1x16x128xf32, #tpu.memory_space<vmem>> -> memref<16x128xf32, #tpu.memory_space<vmem>>
      %dma_wait3A_1793 = arith.constant 0 : i32
      %dma_wait3A_1794 = arith.constant 0 : i32
      %dma_wait3A_1795 = tpu.memref_slice %arg5[%dma_wait3A_1793, %dma_wait3A_1794] : memref<16x1000000xf32, #tpu.memory_space<hbm>> -> memref<16x128xf32, #tpu.memory_space<hbm>>
      tpu.wait_dma2 semaphore(%arg16 : memref<!tpu.dma_semaphore, #tpu.memory_space<semaphore_mem>>) src(%dma_wait3A_1795 : memref<16x128xf32, #tpu.memory_space<hbm>>) dst(%dma_wait3A_1792 : memref<16x128xf32, #tpu.memory_space<vmem>>)
      %sub3A_1796 = arith.constant 0 : i32
      %sub3A_1797 = arith.subi %mul3A_790, %sub3A_1796 : i32
      %mul3A_1798 = arith.constant 8 : i32
      %mul3A_1799 = arith.muli %sub3A_1797, %mul3A_1798 : i32
      %get3A_1800 = arith.index_cast %mul3A_1799 : i32 to index
      %get3A_1801 = tpu.vector_load %arg9[%get3A_1800] {strides = array<i32>} : memref<512xi32, #tpu.memory_space<vmem>>, vector<16xi32>,
      %sub3A_1802 = arith.constant 0 : i32
      %sub3A_1803 = arith.subi %mul3A_790, %sub3A_1802 : i32
      %mul3A_1804 = arith.constant 8 : i32
      %mul3A_1805 = arith.muli %sub3A_1803, %mul3A_1804 : i32
      %get3A_1806 = arith.index_cast %mul3A_1805 : i32 to index
      %get3A_1807 = tpu.vector_load %arg10[%get3A_1806] {strides = array<i32>} : memref<512xi32, #tpu.memory_space<vmem>>, vector<16xi32>,
      %broadcast_in_dim3A_1808 = arith.constant 0 : i32
      %broadcast_in_dim3A_1809 = vector.broadcast %broadcast_in_dim3A_1808 : i32 to vector<16xi32>
      %select_n3A_1810 = arith.select %eq3A_5, %get3A_1801, %broadcast_in_dim3A_51 : vector<16xi1>, vector<16xi32>
      %reduce_sum3A_1811 = arith.constant true
      %reduce_sum3A_1812 = vector.broadcast %reduce_sum3A_1811 : i1 to vector<16xi1>
      %reduce_sum3A_1813 = tpu.scan <sum>, %select_n3A_1810 masked %reduce_sum3A_1812 : vector<16xi32>, vector<16xi1> -> vector<16xi32>
      %reduce_sum3A_1814 = vector.extract %reduce_sum3A_1813[15] : i32 from vector<16xi32>
      %select_n3A_1815 = arith.select %eq3A_5, %get3A_1807, %broadcast_in_dim3A_51 : vector<16xi1>, vector<16xi32>
      %reduce_sum3A_1816 = arith.constant true
      %reduce_sum3A_1817 = vector.broadcast %reduce_sum3A_1816 : i1 to vector<16xi1>
      %reduce_sum3A_1818 = tpu.scan <sum>, %select_n3A_1815 masked %reduce_sum3A_1817 : vector<16xi32>, vector<16xi1> -> vector<16xi32>
      %reduce_sum3A_1819 = vector.extract %reduce_sum3A_1818[15] : i32 from vector<16xi32>
      %rem3A_1820 = arith.constant 128 : i32
      %rem3A_1821 = arith.remsi %reduce_sum3A_1814, %rem3A_1820 : i32
      %broadcast_in_dim3A_1822 = vector.broadcast %rem3A_1821 : i32 to vector<16xi32>
      %rem3A_1823 = arith.constant 128 : i32
      %rem3A_1824 = arith.remsi %reduce_sum3A_1819, %rem3A_1823 : i32
      %broadcast_in_dim3A_1825 = vector.broadcast %rem3A_1824 : i32 to vector<16xi32>
      %broadcast_in_dim3A_1826 = arith.constant 0 : i32
      %broadcast_in_dim3A_1827 = vector.broadcast %broadcast_in_dim3A_1826 : i32 to vector<16xi32>
      %gather3A = tpu.vector_load_idx %arg11[%broadcast_in_dim3A_1809, %broadcast_in_dim3A_1827, %iota3A, %broadcast_in_dim3A_1822] : memref<2x8x16x128xf32, #tpu.memory_space<vmem>>[vector<16xi32>, vector<16xi32>, vector<16xi32>, vector<16xi32>], vector<16xf32>,
      %gather3A_1828 = tpu.vector_load_idx %arg12[%broadcast_in_dim3A_1809, %broadcast_in_dim3A_1827, %iota3A, %broadcast_in_dim3A_1825] : memref<2x8x16x128xf32, #tpu.memory_space<vmem>>[vector<16xi32>, vector<16xi32>, vector<16xi32>, vector<16xi32>], vector<16xf32>,
      %mul3A_1829 = arith.mulf %gather3A, %gather3A_1828 : vector<16xf32>
      %mul3A_1830 = arith.mulf %mul3A_1829, %get3A_53 : vector<16xf32>
      %reduce_sum3A_1831 = arith.constant true
      %reduce_sum3A_1832 = vector.broadcast %reduce_sum3A_1831 : i1 to vector<16xi1>
      %reduce_sum3A_1833 = tpu.scan <sum>, %mul3A_1830 masked %reduce_sum3A_1832 : vector<16xf32>, vector<16xi1> -> vector<16xf32>
      %reduce_sum3A_1834 = vector.extract %reduce_sum3A_1833[15] : f32 from vector<16xf32>
      %broadcast_in_dim3A_1835 = vector.broadcast %reduce_sum3A_1834 : f32 to vector<16xf32>
      %select_n3A_1836 = arith.select %eq3A_5, %broadcast_in_dim3A_1835, %get3A_3 : vector<16xi1>, vector<16xf32>
      %select_n3A_1837 = arith.select %eq3A_8, %get3A_1801, %broadcast_in_dim3A_51 : vector<16xi1>, vector<16xi32>
      %reduce_sum3A_1838 = arith.constant true
      %reduce_sum3A_1839 = vector.broadcast %reduce_sum3A_1838 : i1 to vector<16xi1>
      %reduce_sum3A_1840 = tpu.scan <sum>, %select_n3A_1837 masked %reduce_sum3A_1839 : vector<16xi32>, vector<16xi1> -> vector<16xi32>
      %reduce_sum3A_1841 = vector.extract %reduce_sum3A_1840[15] : i32 from vector<16xi32>
      %select_n3A_1842 = arith.select %eq3A_8, %get3A_1807, %broadcast_in_dim3A_51 : vector<16xi1>, vector<16xi32>
      %reduce_sum3A_1843 = arith.constant true
      %reduce_sum3A_1844 = vector.broadcast %reduce_sum3A_1843 : i1 to vector<16xi1>
      %reduce_sum3A_1845 = tpu.scan <sum>, %select_n3A_1842 masked %reduce_sum3A_1844 : vector<16xi32>, vector<16xi1> -> vector<16xi32>
      %reduce_sum3A_1846 = vector.extract %reduce_sum3A_1845[15] : i32 from vector<16xi32>
      %rem3A_1847 = arith.constant 128 : i32
      %rem3A_1848 = arith.remsi %reduce_sum3A_1841, %rem3A_1847 : i32
      %broadcast_in_dim3A_1849 = vector.broadcast %rem3A_1848 : i32 to vector<16xi32>
      %rem3A_1850 = arith.constant 128 : i32
      %rem3A_1851 = arith.remsi %reduce_sum3A_1846, %rem3A_1850 : i32
      %broadcast_in_dim3A_1852 = vector.broadcast %rem3A_1851 : i32 to vector<16xi32>
      %broadcast_in_dim3A_1853 = arith.constant 1 : i32
      %broadcast_in_dim3A_1854 = vector.broadcast %broadcast_in_dim3A_1853 : i32 to vector<16xi32>
      %gather3A_1855 = tpu.vector_load_idx %arg11[%broadcast_in_dim3A_1809, %broadcast_in_dim3A_1854, %iota3A, %broadcast_in_dim3A_1849] : memref<2x8x16x128xf32, #tpu.memory_space<vmem>>[vector<16xi32>, vector<16xi32>, vector<16xi32>, vector<16xi32>], vector<16xf32>,
      %gather3A_1856 = tpu.vector_load_idx %arg12[%broadcast_in_dim3A_1809, %broadcast_in_dim3A_1854, %iota3A, %broadcast_in_dim3A_1852] : memref<2x8x16x128xf32, #tpu.memory_space<vmem>>[vector<16xi32>, vector<16xi32>, vector<16xi32>, vector<16xi32>], vector<16xf32>,
      %mul3A_1857 = arith.mulf %gather3A_1855, %gather3A_1856 : vector<16xf32>
      %mul3A_1858 = arith.mulf %mul3A_1857, %get3A_53 : vector<16xf32>
      %reduce_sum3A_1859 = arith.constant true
      %reduce_sum3A_1860 = vector.broadcast %reduce_sum3A_1859 : i1 to vector<16xi1>
      %reduce_sum3A_1861 = tpu.scan <sum>, %mul3A_1858 masked %reduce_sum3A_1860 : vector<16xf32>, vector<16xi1> -> vector<16xf32>
      %reduce_sum3A_1862 = vector.extract %reduce_sum3A_1861[15] : f32 from vector<16xf32>
      %broadcast_in_dim3A_1863 = vector.broadcast %reduce_sum3A_1862 : f32 to vector<16xf32>
      %select_n3A_1864 = arith.select %eq3A_8, %broadcast_in_dim3A_1863, %select_n3A_1836 : vector<16xi1>, vector<16xf32>
      %select_n3A_1865 = arith.select %eq3A_11, %get3A_1801, %broadcast_in_dim3A_51 : vector<16xi1>, vector<16xi32>
      %reduce_sum3A_1866 = arith.constant true
      %reduce_sum3A_1867 = vector.broadcast %reduce_sum3A_1866 : i1 to vector<16xi1>
      %reduce_sum3A_1868 = tpu.scan <sum>, %select_n3A_1865 masked %reduce_sum3A_1867 : vector<16xi32>, vector<16xi1> -> vector<16xi32>
      %reduce_sum3A_1869 = vector.extract %reduce_sum3A_1868[15] : i32 from vector<16xi32>
      %select_n3A_1870 = arith.select %eq3A_11, %get3A_1807, %broadcast_in_dim3A_51 : vector<16xi1>, vector<16xi32>
      %reduce_sum3A_1871 = arith.constant true
      %reduce_sum3A_1872 = vector.broadcast %reduce_sum3A_1871 : i1 to vector<16xi1>
      %reduce_sum3A_1873 = tpu.scan <sum>, %select_n3A_1870 masked %reduce_sum3A_1872 : vector<16xi32>, vector<16xi1> -> vector<16xi32>
      %reduce_sum3A_1874 = vector.extract %reduce_sum3A_1873[15] : i32 from vector<16xi32>
      %rem3A_1875 = arith.constant 128 : i32
      %rem3A_1876 = arith.remsi %reduce_sum3A_1869, %rem3A_1875 : i32
      %broadcast_in_dim3A_1877 = vector.broadcast %rem3A_1876 : i32 to vector<16xi32>
      %rem3A_1878 = arith.constant 128 : i32
      %rem3A_1879 = arith.remsi %reduce_sum3A_1874, %rem3A_1878 : i32
      %broadcast_in_dim3A_1880 = vector.broadcast %rem3A_1879 : i32 to vector<16xi32>
      %broadcast_in_dim3A_1881 = arith.constant 2 : i32
      %broadcast_in_dim3A_1882 = vector.broadcast %broadcast_in_dim3A_1881 : i32 to vector<16xi32>
      %gather3A_1883 = tpu.vector_load_idx %arg11[%broadcast_in_dim3A_1809, %broadcast_in_dim3A_1882, %iota3A, %broadcast_in_dim3A_1877] : memref<2x8x16x128xf32, #tpu.memory_space<vmem>>[vector<16xi32>, vector<16xi32>, vector<16xi32>, vector<16xi32>], vector<16xf32>,
      %gather3A_1884 = tpu.vector_load_idx %arg12[%broadcast_in_dim3A_1809, %broadcast_in_dim3A_1882, %iota3A, %broadcast_in_dim3A_1880] : memref<2x8x16x128xf32, #tpu.memory_space<vmem>>[vector<16xi32>, vector<16xi32>, vector<16xi32>, vector<16xi32>], vector<16xf32>,
      %mul3A_1885 = arith.mulf %gather3A_1883, %gather3A_1884 : vector<16xf32>
      %mul3A_1886 = arith.mulf %mul3A_1885, %get3A_53 : vector<16xf32>
      %reduce_sum3A_1887 = arith.constant true
      %reduce_sum3A_1888 = vector.broadcast %reduce_sum3A_1887 : i1 to vector<16xi1>
      %reduce_sum3A_1889 = tpu.scan <sum>, %mul3A_1886 masked %reduce_sum3A_1888 : vector<16xf32>, vector<16xi1> -> vector<16xf32>
      %reduce_sum3A_1890 = vector.extract %reduce_sum3A_1889[15] : f32 from vector<16xf32>
      %broadcast_in_dim3A_1891 = vector.broadcast %reduce_sum3A_1890 : f32 to vector<16xf32>
      %select_n3A_1892 = arith.select %eq3A_11, %broadcast_in_dim3A_1891, %select_n3A_1864 : vector<16xi1>, vector<16xf32>
      %select_n3A_1893 = arith.select %eq3A_14, %get3A_1801, %broadcast_in_dim3A_51 : vector<16xi1>, vector<16xi32>
      %reduce_sum3A_1894 = arith.constant true
      %reduce_sum3A_1895 = vector.broadcast %reduce_sum3A_1894 : i1 to vector<16xi1>
      %reduce_sum3A_1896 = tpu.scan <sum>, %select_n3A_1893 masked %reduce_sum3A_1895 : vector<16xi32>, vector<16xi1> -> vector<16xi32>
      %reduce_sum3A_1897 = vector.extract %reduce_sum3A_1896[15] : i32 from vector<16xi32>
      %select_n3A_1898 = arith.select %eq3A_14, %get3A_1807, %broadcast_in_dim3A_51 : vector<16xi1>, vector<16xi32>
      %reduce_sum3A_1899 = arith.constant true
      %reduce_sum3A_1900 = vector.broadcast %reduce_sum3A_1899 : i1 to vector<16xi1>
      %reduce_sum3A_1901 = tpu.scan <sum>, %select_n3A_1898 masked %reduce_sum3A_1900 : vector<16xi32>, vector<16xi1> -> vector<16xi32>
      %reduce_sum3A_1902 = vector.extract %reduce_sum3A_1901[15] : i32 from vector<16xi32>
      %rem3A_1903 = arith.constant 128 : i32
      %rem3A_1904 = arith.remsi %reduce_sum3A_1897, %rem3A_1903 : i32
      %broadcast_in_dim3A_1905 = vector.broadcast %rem3A_1904 : i32 to vector<16xi32>
      %rem3A_1906 = arith.constant 128 : i32
      %rem3A_1907 = arith.remsi %reduce_sum3A_1902, %rem3A_1906 : i32
      %broadcast_in_dim3A_1908 = vector.broadcast %rem3A_1907 : i32 to vector<16xi32>
      %broadcast_in_dim3A_1909 = arith.constant 3 : i32
      %broadcast_in_dim3A_1910 = vector.broadcast %broadcast_in_dim3A_1909 : i32 to vector<16xi32>
      %gather3A_1911 = tpu.vector_load_idx %arg11[%broadcast_in_dim3A_1809, %broadcast_in_dim3A_1910, %iota3A, %broadcast_in_dim3A_1905] : memref<2x8x16x128xf32, #tpu.memory_space<vmem>>[vector<16xi32>, vector<16xi32>, vector<16xi32>, vector<16xi32>], vector<16xf32>,
      %gather3A_1912 = tpu.vector_load_idx %arg12[%broadcast_in_dim3A_1809, %broadcast_in_dim3A_1910, %iota3A, %broadcast_in_dim3A_1908] : memref<2x8x16x128xf32, #tpu.memory_space<vmem>>[vector<16xi32>, vector<16xi32>, vector<16xi32>, vector<16xi32>], vector<16xf32>,
      %mul3A_1913 = arith.mulf %gather3A_1911, %gather3A_1912 : vector<16xf32>
      %mul3A_1914 = arith.mulf %mul3A_1913, %get3A_53 : vector<16xf32>
      %reduce_sum3A_1915 = arith.constant true
      %reduce_sum3A_1916 = vector.broadcast %reduce_sum3A_1915 : i1 to vector<16xi1>
      %reduce_sum3A_1917 = tpu.scan <sum>, %mul3A_1914 masked %reduce_sum3A_1916 : vector<16xf32>, vector<16xi1> -> vector<16xf32>
      %reduce_sum3A_1918 = vector.extract %reduce_sum3A_1917[15] : f32 from vector<16xf32>
      %broadcast_in_dim3A_1919 = vector.broadcast %reduce_sum3A_1918 : f32 to vector<16xf32>
      %select_n3A_1920 = arith.select %eq3A_14, %broadcast_in_dim3A_1919, %select_n3A_1892 : vector<16xi1>, vector<16xf32>
      %select_n3A_1921 = arith.select %eq3A_17, %get3A_1801, %broadcast_in_dim3A_51 : vector<16xi1>, vector<16xi32>
      %reduce_sum3A_1922 = arith.constant true
      %reduce_sum3A_1923 = vector.broadcast %reduce_sum3A_1922 : i1 to vector<16xi1>
      %reduce_sum3A_1924 = tpu.scan <sum>, %select_n3A_1921 masked %reduce_sum3A_1923 : vector<16xi32>, vector<16xi1> -> vector<16xi32>
      %reduce_sum3A_1925 = vector.extract %reduce_sum3A_1924[15] : i32 from vector<16xi32>
      %select_n3A_1926 = arith.select %eq3A_17, %get3A_1807, %broadcast_in_dim3A_51 : vector<16xi1>, vector<16xi32>
      %reduce_sum3A_1927 = arith.constant true
      %reduce_sum3A_1928 = vector.broadcast %reduce_sum3A_1927 : i1 to vector<16xi1>
      %reduce_sum3A_1929 = tpu.scan <sum>, %select_n3A_1926 masked %reduce_sum3A_1928 : vector<16xi32>, vector<16xi1> -> vector<16xi32>
      %reduce_sum3A_1930 = vector.extract %reduce_sum3A_1929[15] : i32 from vector<16xi32>
      %rem3A_1931 = arith.constant 128 : i32
      %rem3A_1932 = arith.remsi %reduce_sum3A_1925, %rem3A_1931 : i32
      %broadcast_in_dim3A_1933 = vector.broadcast %rem3A_1932 : i32 to vector<16xi32>
      %rem3A_1934 = arith.constant 128 : i32
      %rem3A_1935 = arith.remsi %reduce_sum3A_1930, %rem3A_1934 : i32
      %broadcast_in_dim3A_1936 = vector.broadcast %rem3A_1935 : i32 to vector<16xi32>
      %broadcast_in_dim3A_1937 = arith.constant 4 : i32
      %broadcast_in_dim3A_1938 = vector.broadcast %broadcast_in_dim3A_1937 : i32 to vector<16xi32>
      %gather3A_1939 = tpu.vector_load_idx %arg11[%broadcast_in_dim3A_1809, %broadcast_in_dim3A_1938, %iota3A, %broadcast_in_dim3A_1933] : memref<2x8x16x128xf32, #tpu.memory_space<vmem>>[vector<16xi32>, vector<16xi32>, vector<16xi32>, vector<16xi32>], vector<16xf32>,
      %gather3A_1940 = tpu.vector_load_idx %arg12[%broadcast_in_dim3A_1809, %broadcast_in_dim3A_1938, %iota3A, %broadcast_in_dim3A_1936] : memref<2x8x16x128xf32, #tpu.memory_space<vmem>>[vector<16xi32>, vector<16xi32>, vector<16xi32>, vector<16xi32>], vector<16xf32>,
      %mul3A_1941 = arith.mulf %gather3A_1939, %gather3A_1940 : vector<16xf32>
      %mul3A_1942 = arith.mulf %mul3A_1941, %get3A_53 : vector<16xf32>
      %reduce_sum3A_1943 = arith.constant true
      %reduce_sum3A_1944 = vector.broadcast %reduce_sum3A_1943 : i1 to vector<16xi1>
      %reduce_sum3A_1945 = tpu.scan <sum>, %mul3A_1942 masked %reduce_sum3A_1944 : vector<16xf32>, vector<16xi1> -> vector<16xf32>
      %reduce_sum3A_1946 = vector.extract %reduce_sum3A_1945[15] : f32 from vector<16xf32>
      %broadcast_in_dim3A_1947 = vector.broadcast %reduce_sum3A_1946 : f32 to vector<16xf32>
      %select_n3A_1948 = arith.select %eq3A_17, %broadcast_in_dim3A_1947, %select_n3A_1920 : vector<16xi1>, vector<16xf32>
      %select_n3A_1949 = arith.select %eq3A_20, %get3A_1801, %broadcast_in_dim3A_51 : vector<16xi1>, vector<16xi32>
      %reduce_sum3A_1950 = arith.constant true
      %reduce_sum3A_1951 = vector.broadcast %reduce_sum3A_1950 : i1 to vector<16xi1>
      %reduce_sum3A_1952 = tpu.scan <sum>, %select_n3A_1949 masked %reduce_sum3A_1951 : vector<16xi32>, vector<16xi1> -> vector<16xi32>
      %reduce_sum3A_1953 = vector.extract %reduce_sum3A_1952[15] : i32 from vector<16xi32>
      %select_n3A_1954 = arith.select %eq3A_20, %get3A_1807, %broadcast_in_dim3A_51 : vector<16xi1>, vector<16xi32>
      %reduce_sum3A_1955 = arith.constant true
      %reduce_sum3A_1956 = vector.broadcast %reduce_sum3A_1955 : i1 to vector<16xi1>
      %reduce_sum3A_1957 = tpu.scan <sum>, %select_n3A_1954 masked %reduce_sum3A_1956 : vector<16xi32>, vector<16xi1> -> vector<16xi32>
      %reduce_sum3A_1958 = vector.extract %reduce_sum3A_1957[15] : i32 from vector<16xi32>
      %rem3A_1959 = arith.constant 128 : i32
      %rem3A_1960 = arith.remsi %reduce_sum3A_1953, %rem3A_1959 : i32
      %broadcast_in_dim3A_1961 = vector.broadcast %rem3A_1960 : i32 to vector<16xi32>
      %rem3A_1962 = arith.constant 128 : i32
      %rem3A_1963 = arith.remsi %reduce_sum3A_1958, %rem3A_1962 : i32
      %broadcast_in_dim3A_1964 = vector.broadcast %rem3A_1963 : i32 to vector<16xi32>
      %broadcast_in_dim3A_1965 = arith.constant 5 : i32
      %broadcast_in_dim3A_1966 = vector.broadcast %broadcast_in_dim3A_1965 : i32 to vector<16xi32>
      %gather3A_1967 = tpu.vector_load_idx %arg11[%broadcast_in_dim3A_1809, %broadcast_in_dim3A_1966, %iota3A, %broadcast_in_dim3A_1961] : memref<2x8x16x128xf32, #tpu.memory_space<vmem>>[vector<16xi32>, vector<16xi32>, vector<16xi32>, vector<16xi32>], vector<16xf32>,
      %gather3A_1968 = tpu.vector_load_idx %arg12[%broadcast_in_dim3A_1809, %broadcast_in_dim3A_1966, %iota3A, %broadcast_in_dim3A_1964] : memref<2x8x16x128xf32, #tpu.memory_space<vmem>>[vector<16xi32>, vector<16xi32>, vector<16xi32>, vector<16xi32>], vector<16xf32>,
      %mul3A_1969 = arith.mulf %gather3A_1967, %gather3A_1968 : vector<16xf32>
      %mul3A_1970 = arith.mulf %mul3A_1969, %get3A_53 : vector<16xf32>
      %reduce_sum3A_1971 = arith.constant true
      %reduce_sum3A_1972 = vector.broadcast %reduce_sum3A_1971 : i1 to vector<16xi1>
      %reduce_sum3A_1973 = tpu.scan <sum>, %mul3A_1970 masked %reduce_sum3A_1972 : vector<16xf32>, vector<16xi1> -> vector<16xf32>
      %reduce_sum3A_1974 = vector.extract %reduce_sum3A_1973[15] : f32 from vector<16xf32>
      %broadcast_in_dim3A_1975 = vector.broadcast %reduce_sum3A_1974 : f32 to vector<16xf32>
      %select_n3A_1976 = arith.select %eq3A_20, %broadcast_in_dim3A_1975, %select_n3A_1948 : vector<16xi1>, vector<16xf32>
      %select_n3A_1977 = arith.select %eq3A_23, %get3A_1801, %broadcast_in_dim3A_51 : vector<16xi1>, vector<16xi32>
      %reduce_sum3A_1978 = arith.constant true
      %reduce_sum3A_1979 = vector.broadcast %reduce_sum3A_1978 : i1 to vector<16xi1>
      %reduce_sum3A_1980 = tpu.scan <sum>, %select_n3A_1977 masked %reduce_sum3A_1979 : vector<16xi32>, vector<16xi1> -> vector<16xi32>
      %reduce_sum3A_1981 = vector.extract %reduce_sum3A_1980[15] : i32 from vector<16xi32>
      %select_n3A_1982 = arith.select %eq3A_23, %get3A_1807, %broadcast_in_dim3A_51 : vector<16xi1>, vector<16xi32>
      %reduce_sum3A_1983 = arith.constant true
      %reduce_sum3A_1984 = vector.broadcast %reduce_sum3A_1983 : i1 to vector<16xi1>
      %reduce_sum3A_1985 = tpu.scan <sum>, %select_n3A_1982 masked %reduce_sum3A_1984 : vector<16xi32>, vector<16xi1> -> vector<16xi32>
      %reduce_sum3A_1986 = vector.extract %reduce_sum3A_1985[15] : i32 from vector<16xi32>
      %rem3A_1987 = arith.constant 128 : i32
      %rem3A_1988 = arith.remsi %reduce_sum3A_1981, %rem3A_1987 : i32
      %broadcast_in_dim3A_1989 = vector.broadcast %rem3A_1988 : i32 to vector<16xi32>
      %rem3A_1990 = arith.constant 128 : i32
      %rem3A_1991 = arith.remsi %reduce_sum3A_1986, %rem3A_1990 : i32
      %broadcast_in_dim3A_1992 = vector.broadcast %rem3A_1991 : i32 to vector<16xi32>
      %broadcast_in_dim3A_1993 = arith.constant 6 : i32
      %broadcast_in_dim3A_1994 = vector.broadcast %broadcast_in_dim3A_1993 : i32 to vector<16xi32>
      %gather3A_1995 = tpu.vector_load_idx %arg11[%broadcast_in_dim3A_1809, %broadcast_in_dim3A_1994, %iota3A, %broadcast_in_dim3A_1989] : memref<2x8x16x128xf32, #tpu.memory_space<vmem>>[vector<16xi32>, vector<16xi32>, vector<16xi32>, vector<16xi32>], vector<16xf32>,
      %gather3A_1996 = tpu.vector_load_idx %arg12[%broadcast_in_dim3A_1809, %broadcast_in_dim3A_1994, %iota3A, %broadcast_in_dim3A_1992] : memref<2x8x16x128xf32, #tpu.memory_space<vmem>>[vector<16xi32>, vector<16xi32>, vector<16xi32>, vector<16xi32>], vector<16xf32>,
      %mul3A_1997 = arith.mulf %gather3A_1995, %gather3A_1996 : vector<16xf32>
      %mul3A_1998 = arith.mulf %mul3A_1997, %get3A_53 : vector<16xf32>
      %reduce_sum3A_1999 = arith.constant true
      %reduce_sum3A_2000 = vector.broadcast %reduce_sum3A_1999 : i1 to vector<16xi1>
      %reduce_sum3A_2001 = tpu.scan <sum>, %mul3A_1998 masked %reduce_sum3A_2000 : vector<16xf32>, vector<16xi1> -> vector<16xf32>
      %reduce_sum3A_2002 = vector.extract %reduce_sum3A_2001[15] : f32 from vector<16xf32>
      %broadcast_in_dim3A_2003 = vector.broadcast %reduce_sum3A_2002 : f32 to vector<16xf32>
      %select_n3A_2004 = arith.select %eq3A_23, %broadcast_in_dim3A_2003, %select_n3A_1976 : vector<16xi1>, vector<16xf32>
      %select_n3A_2005 = arith.select %eq3A_26, %get3A_1801, %broadcast_in_dim3A_51 : vector<16xi1>, vector<16xi32>
      %reduce_sum3A_2006 = arith.constant true
      %reduce_sum3A_2007 = vector.broadcast %reduce_sum3A_2006 : i1 to vector<16xi1>
      %reduce_sum3A_2008 = tpu.scan <sum>, %select_n3A_2005 masked %reduce_sum3A_2007 : vector<16xi32>, vector<16xi1> -> vector<16xi32>
      %reduce_sum3A_2009 = vector.extract %reduce_sum3A_2008[15] : i32 from vector<16xi32>
      %select_n3A_2010 = arith.select %eq3A_26, %get3A_1807, %broadcast_in_dim3A_51 : vector<16xi1>, vector<16xi32>
      %reduce_sum3A_2011 = arith.constant true
      %reduce_sum3A_2012 = vector.broadcast %reduce_sum3A_2011 : i1 to vector<16xi1>
      %reduce_sum3A_2013 = tpu.scan <sum>, %select_n3A_2010 masked %reduce_sum3A_2012 : vector<16xi32>, vector<16xi1> -> vector<16xi32>
      %reduce_sum3A_2014 = vector.extract %reduce_sum3A_2013[15] : i32 from vector<16xi32>
      %rem3A_2015 = arith.constant 128 : i32
      %rem3A_2016 = arith.remsi %reduce_sum3A_2009, %rem3A_2015 : i32
      %broadcast_in_dim3A_2017 = vector.broadcast %rem3A_2016 : i32 to vector<16xi32>
      %rem3A_2018 = arith.constant 128 : i32
      %rem3A_2019 = arith.remsi %reduce_sum3A_2014, %rem3A_2018 : i32
      %broadcast_in_dim3A_2020 = vector.broadcast %rem3A_2019 : i32 to vector<16xi32>
      %broadcast_in_dim3A_2021 = arith.constant 7 : i32
      %broadcast_in_dim3A_2022 = vector.broadcast %broadcast_in_dim3A_2021 : i32 to vector<16xi32>
      %gather3A_2023 = tpu.vector_load_idx %arg11[%broadcast_in_dim3A_1809, %broadcast_in_dim3A_2022, %iota3A, %broadcast_in_dim3A_2017] : memref<2x8x16x128xf32, #tpu.memory_space<vmem>>[vector<16xi32>, vector<16xi32>, vector<16xi32>, vector<16xi32>], vector<16xf32>,
      %gather3A_2024 = tpu.vector_load_idx %arg12[%broadcast_in_dim3A_1809, %broadcast_in_dim3A_2022, %iota3A, %broadcast_in_dim3A_2020] : memref<2x8x16x128xf32, #tpu.memory_space<vmem>>[vector<16xi32>, vector<16xi32>, vector<16xi32>, vector<16xi32>], vector<16xf32>,
      %mul3A_2025 = arith.mulf %gather3A_2023, %gather3A_2024 : vector<16xf32>
      %mul3A_2026 = arith.mulf %mul3A_2025, %get3A_53 : vector<16xf32>
      %reduce_sum3A_2027 = arith.constant true
      %reduce_sum3A_2028 = vector.broadcast %reduce_sum3A_2027 : i1 to vector<16xi1>
      %reduce_sum3A_2029 = tpu.scan <sum>, %mul3A_2026 masked %reduce_sum3A_2028 : vector<16xf32>, vector<16xi1> -> vector<16xf32>
      %reduce_sum3A_2030 = vector.extract %reduce_sum3A_2029[15] : f32 from vector<16xf32>
      %broadcast_in_dim3A_2031 = vector.broadcast %reduce_sum3A_2030 : f32 to vector<16xf32>
      %select_n3A_2032 = arith.select %eq3A_26, %broadcast_in_dim3A_2031, %select_n3A_2004 : vector<16xi1>, vector<16xf32>
      %lt3A = arith.constant 31 : i32
      %lt3A_2033 = arith.cmpi slt, %scan3A_788, %lt3A : i32
      %convert_element_type3A = arith.extui %lt3A_2033 : i1 to i32
      %cond3A = arith.constant 0 : i32
      %cond3A_2034 = arith.cmpi ne, %convert_element_type3A, %cond3A : i32
      scf.if %cond3A_2034 {
        %add3A_2543 = arith.constant 2 : i32
        %add3A_2544 = arith.addi %mul3A_790, %add3A_2543 : i32
        %sub3A_2545 = arith.constant 0 : i32
        %sub3A_2546 = arith.subi %add3A_2544, %sub3A_2545 : i32
        %mul3A_2547 = arith.constant 8 : i32
        %mul3A_2548 = arith.muli %sub3A_2546, %mul3A_2547 : i32
        %get3A_2549 = arith.index_cast %mul3A_2548 : i32 to index
        %get3A_2550 = tpu.vector_load %arg9[%get3A_2549] {strides = array<i32>} : memref<512xi32, #tpu.memory_space<vmem>>, vector<16xi32>,
        %sub3A_2551 = arith.constant 0 : i32
        %sub3A_2552 = arith.subi %add3A_2544, %sub3A_2551 : i32
        %mul3A_2553 = arith.constant 8 : i32
        %mul3A_2554 = arith.muli %sub3A_2552, %mul3A_2553 : i32
        %get3A_2555 = arith.index_cast %mul3A_2554 : i32 to index
        %get3A_2556 = tpu.vector_load %arg10[%get3A_2555] {strides = array<i32>} : memref<512xi32, #tpu.memory_space<vmem>>, vector<16xi32>,
        %select_n3A_2557 = arith.select %eq3A_5, %get3A_2550, %broadcast_in_dim3A_51 : vector<16xi1>, vector<16xi32>
        %reduce_sum3A_2558 = arith.constant true
        %reduce_sum3A_2559 = vector.broadcast %reduce_sum3A_2558 : i1 to vector<16xi1>
        %reduce_sum3A_2560 = tpu.scan <sum>, %select_n3A_2557 masked %reduce_sum3A_2559 : vector<16xi32>, vector<16xi1> -> vector<16xi32>
        %reduce_sum3A_2561 = vector.extract %reduce_sum3A_2560[15] : i32 from vector<16xi32>
        %select_n3A_2562 = arith.select %eq3A_5, %get3A_2556, %broadcast_in_dim3A_51 : vector<16xi1>, vector<16xi32>
        %reduce_sum3A_2563 = arith.constant true
        %reduce_sum3A_2564 = vector.broadcast %reduce_sum3A_2563 : i1 to vector<16xi1>
        %reduce_sum3A_2565 = tpu.scan <sum>, %select_n3A_2562 masked %reduce_sum3A_2564 : vector<16xi32>, vector<16xi1> -> vector<16xi32>
        %reduce_sum3A_2566 = vector.extract %reduce_sum3A_2565[15] : i32 from vector<16xi32>
        %jit3A_2567 = arith.constant 128 : i32
        %div3A_2568 = arith.divsi %reduce_sum3A_2561, %jit3A_2567 : i32
        %sign3A_2569 = arith.constant 0 : i32
        %sign3A_2570 = arith.cmpi sgt, %reduce_sum3A_2561, %sign3A_2569 : i32
        %sign3A_2571 = arith.extui %sign3A_2570 : i1 to i32
        %sign3A_2572 = arith.constant 0 : i32
        %sign3A_2573 = arith.cmpi slt, %reduce_sum3A_2561, %sign3A_2572 : i32
        %sign3A_2574 = arith.extui %sign3A_2573 : i1 to i32
        %sign3A_2575 = arith.subi %sign3A_2571, %sign3A_2574 : i32
        %sign3A_2576 = arith.constant 0 : i32
        %sign3A_2577 = arith.cmpi sgt, %jit3A_2567, %sign3A_2576 : i32
        %sign3A_2578 = arith.extui %sign3A_2577 : i1 to i32
        %sign3A_2579 = arith.constant 0 : i32
        %sign3A_2580 = arith.cmpi slt, %jit3A_2567, %sign3A_2579 : i32
        %sign3A_2581 = arith.extui %sign3A_2580 : i1 to i32
        %sign3A_2582 = arith.subi %sign3A_2578, %sign3A_2581 : i32
        %ne3A_2583 = arith.cmpi ne, %sign3A_2575, %sign3A_2582 : i32
        %rem3A_2584 = arith.remsi %reduce_sum3A_2561, %jit3A_2567 : i32
        %ne3A_2585 = arith.constant 0 : i32
        %ne3A_2586 = arith.cmpi ne, %rem3A_2584, %ne3A_2585 : i32
        %and3A_2587 = arith.andi %ne3A_2583, %ne3A_2586 : i1
        %sub3A_2588 = arith.constant 1 : i32
        %sub3A_2589 = arith.subi %div3A_2568, %sub3A_2588 : i32
        %select_n3A_2590 = arith.select %and3A_2587, %sub3A_2589, %div3A_2568 : i32
        %mul3A_2591 = arith.constant 128 : i32
        %mul3A_2592 = arith.muli %select_n3A_2590, %mul3A_2591 : i32
        %multiple_of3A_2593 = tpu.assume_multiple %mul3A_2592, 128 : i32
        %jit3A_2594 = arith.constant 128 : i32
        %div3A_2595 = arith.divsi %reduce_sum3A_2566, %jit3A_2594 : i32
        %sign3A_2596 = arith.constant 0 : i32
        %sign3A_2597 = arith.cmpi sgt, %reduce_sum3A_2566, %sign3A_2596 : i32
        %sign3A_2598 = arith.extui %sign3A_2597 : i1 to i32
        %sign3A_2599 = arith.constant 0 : i32
        %sign3A_2600 = arith.cmpi slt, %reduce_sum3A_2566, %sign3A_2599 : i32
        %sign3A_2601 = arith.extui %sign3A_2600 : i1 to i32
        %sign3A_2602 = arith.subi %sign3A_2598, %sign3A_2601 : i32
        %sign3A_2603 = arith.constant 0 : i32
        %sign3A_2604 = arith.cmpi sgt, %jit3A_2594, %sign3A_2603 : i32
        %sign3A_2605 = arith.extui %sign3A_2604 : i1 to i32
        %sign3A_2606 = arith.constant 0 : i32
        %sign3A_2607 = arith.cmpi slt, %jit3A_2594, %sign3A_2606 : i32
        %sign3A_2608 = arith.extui %sign3A_2607 : i1 to i32
        %sign3A_2609 = arith.subi %sign3A_2605, %sign3A_2608 : i32
        %ne3A_2610 = arith.cmpi ne, %sign3A_2602, %sign3A_2609 : i32
        %rem3A_2611 = arith.remsi %reduce_sum3A_2566, %jit3A_2594 : i32
        %ne3A_2612 = arith.constant 0 : i32
        %ne3A_2613 = arith.cmpi ne, %rem3A_2611, %ne3A_2612 : i32
        %and3A_2614 = arith.andi %ne3A_2610, %ne3A_2613 : i1
        %sub3A_2615 = arith.constant 1 : i32
        %sub3A_2616 = arith.subi %div3A_2595, %sub3A_2615 : i32
        %select_n3A_2617 = arith.select %and3A_2614, %sub3A_2616, %div3A_2595 : i32
        %mul3A_2618 = arith.constant 128 : i32
        %mul3A_2619 = arith.muli %select_n3A_2617, %mul3A_2618 : i32
        %multiple_of3A_2620 = tpu.assume_multiple %mul3A_2619, 128 : i32
        %dma_start3A_2621 = arith.constant 0 : i32
        %dma_start3A_2622 = arith.constant 0 : i32
        %dma_start3A_2623 = arith.constant 0 : i32
        %dma_start3A_2624 = arith.constant 0 : i32
        %dma_start3A_2625 = tpu.memref_slice %arg11[%dma_start3A_2621, %dma_start3A_2622, %dma_start3A_2623, %dma_start3A_2624] : memref<2x8x16x128xf32, #tpu.memory_space<vmem>> -> memref<1x1x16x128xf32, #tpu.memory_space<vmem>>
        %dma_start3A_2626 = tpu.memref_squeeze %dma_start3A_2625 : memref<1x1x16x128xf32, #tpu.memory_space<vmem>> -> memref<16x128xf32, #tpu.memory_space<vmem>>
        %dma_start3A_2627 = arith.constant 0 : i32
        %dma_start3A_2628 = tpu.memref_slice %arg4[%dma_start3A_2627, %multiple_of3A_2593] : memref<16x1000000xf32, #tpu.memory_space<hbm>> -> memref<16x128xf32, #tpu.memory_space<hbm>>
        %dma_start3A_2629 = arith.constant 0 : i32
        %dma_start3A_2630 = arith.constant 0 : i32
        %dma_start3A_2631 = tpu.memref_slice %arg11[%dma_start3A_2621, %dma_start3A_2622, %dma_start3A_2629, %dma_start3A_2630] : memref<2x8x16x128xf32, #tpu.memory_space<vmem>> -> memref<1x1x16x128xf32, #tpu.memory_space<vmem>>
        %dma_start3A_2632 = tpu.memref_squeeze %dma_start3A_2631 : memref<1x1x16x128xf32, #tpu.memory_space<vmem>> -> memref<16x128xf32, #tpu.memory_space<vmem>>
        %dma_start3A_2633 = arith.constant 0 : i32
        %dma_start3A_2634 = tpu.memref_slice %arg4[%dma_start3A_2633, %multiple_of3A_2593] : memref<16x1000000xf32, #tpu.memory_space<hbm>> -> memref<16x128xf32, #tpu.memory_space<hbm>>
        tpu.enqueue_dma source(%dma_start3A_2634 : memref<16x128xf32, #tpu.memory_space<hbm>>) target(%dma_start3A_2632 : memref<16x128xf32, #tpu.memory_space<vmem>>) target_semaphore(%arg16 : memref<!tpu.dma_semaphore, #tpu.memory_space<semaphore_mem>>)
        %dma_start3A_2635 = arith.constant 0 : i32
        %dma_start3A_2636 = arith.constant 0 : i32
        %dma_start3A_2637 = arith.constant 0 : i32
        %dma_start3A_2638 = arith.constant 0 : i32
        %dma_start3A_2639 = tpu.memref_slice %arg12[%dma_start3A_2635, %dma_start3A_2636, %dma_start3A_2637, %dma_start3A_2638] : memref<2x8x16x128xf32, #tpu.memory_space<vmem>> -> memref<1x1x16x128xf32, #tpu.memory_space<vmem>>
        %dma_start3A_2640 = tpu.memref_squeeze %dma_start3A_2639 : memref<1x1x16x128xf32, #tpu.memory_space<vmem>> -> memref<16x128xf32, #tpu.memory_space<vmem>>
        %dma_start3A_2641 = arith.constant 0 : i32
        %dma_start3A_2642 = tpu.memref_slice %arg5[%dma_start3A_2641, %multiple_of3A_2620] : memref<16x1000000xf32, #tpu.memory_space<hbm>> -> memref<16x128xf32, #tpu.memory_space<hbm>>
        %dma_start3A_2643 = arith.constant 0 : i32
        %dma_start3A_2644 = arith.constant 0 : i32
        %dma_start3A_2645 = tpu.memref_slice %arg12[%dma_start3A_2635, %dma_start3A_2636, %dma_start3A_2643, %dma_start3A_2644] : memref<2x8x16x128xf32, #tpu.memory_space<vmem>> -> memref<1x1x16x128xf32, #tpu.memory_space<vmem>>
        %dma_start3A_2646 = tpu.memref_squeeze %dma_start3A_2645 : memref<1x1x16x128xf32, #tpu.memory_space<vmem>> -> memref<16x128xf32, #tpu.memory_space<vmem>>
        %dma_start3A_2647 = arith.constant 0 : i32
        %dma_start3A_2648 = tpu.memref_slice %arg5[%dma_start3A_2647, %multiple_of3A_2620] : memref<16x1000000xf32, #tpu.memory_space<hbm>> -> memref<16x128xf32, #tpu.memory_space<hbm>>
        tpu.enqueue_dma source(%dma_start3A_2648 : memref<16x128xf32, #tpu.memory_space<hbm>>) target(%dma_start3A_2646 : memref<16x128xf32, #tpu.memory_space<vmem>>) target_semaphore(%arg16 : memref<!tpu.dma_semaphore, #tpu.memory_space<semaphore_mem>>)
        %select_n3A_2649 = arith.select %eq3A_8, %get3A_2550, %broadcast_in_dim3A_51 : vector<16xi1>, vector<16xi32>
        %reduce_sum3A_2650 = arith.constant true
        %reduce_sum3A_2651 = vector.broadcast %reduce_sum3A_2650 : i1 to vector<16xi1>
        %reduce_sum3A_2652 = tpu.scan <sum>, %select_n3A_2649 masked %reduce_sum3A_2651 : vector<16xi32>, vector<16xi1> -> vector<16xi32>
        %reduce_sum3A_2653 = vector.extract %reduce_sum3A_2652[15] : i32 from vector<16xi32>
        %select_n3A_2654 = arith.select %eq3A_8, %get3A_2556, %broadcast_in_dim3A_51 : vector<16xi1>, vector<16xi32>
        %reduce_sum3A_2655 = arith.constant true
        %reduce_sum3A_2656 = vector.broadcast %reduce_sum3A_2655 : i1 to vector<16xi1>
        %reduce_sum3A_2657 = tpu.scan <sum>, %select_n3A_2654 masked %reduce_sum3A_2656 : vector<16xi32>, vector<16xi1> -> vector<16xi32>
        %reduce_sum3A_2658 = vector.extract %reduce_sum3A_2657[15] : i32 from vector<16xi32>
        %jit3A_2659 = arith.constant 128 : i32
        %div3A_2660 = arith.divsi %reduce_sum3A_2653, %jit3A_2659 : i32
        %sign3A_2661 = arith.constant 0 : i32
        %sign3A_2662 = arith.cmpi sgt, %reduce_sum3A_2653, %sign3A_2661 : i32
        %sign3A_2663 = arith.extui %sign3A_2662 : i1 to i32
        %sign3A_2664 = arith.constant 0 : i32
        %sign3A_2665 = arith.cmpi slt, %reduce_sum3A_2653, %sign3A_2664 : i32
        %sign3A_2666 = arith.extui %sign3A_2665 : i1 to i32
        %sign3A_2667 = arith.subi %sign3A_2663, %sign3A_2666 : i32
        %sign3A_2668 = arith.constant 0 : i32
        %sign3A_2669 = arith.cmpi sgt, %jit3A_2659, %sign3A_2668 : i32
        %sign3A_2670 = arith.extui %sign3A_2669 : i1 to i32
        %sign3A_2671 = arith.constant 0 : i32
        %sign3A_2672 = arith.cmpi slt, %jit3A_2659, %sign3A_2671 : i32
        %sign3A_2673 = arith.extui %sign3A_2672 : i1 to i32
        %sign3A_2674 = arith.subi %sign3A_2670, %sign3A_2673 : i32
        %ne3A_2675 = arith.cmpi ne, %sign3A_2667, %sign3A_2674 : i32
        %rem3A_2676 = arith.remsi %reduce_sum3A_2653, %jit3A_2659 : i32
        %ne3A_2677 = arith.constant 0 : i32
        %ne3A_2678 = arith.cmpi ne, %rem3A_2676, %ne3A_2677 : i32
        %and3A_2679 = arith.andi %ne3A_2675, %ne3A_2678 : i1
        %sub3A_2680 = arith.constant 1 : i32
        %sub3A_2681 = arith.subi %div3A_2660, %sub3A_2680 : i32
        %select_n3A_2682 = arith.select %and3A_2679, %sub3A_2681, %div3A_2660 : i32
        %mul3A_2683 = arith.constant 128 : i32
        %mul3A_2684 = arith.muli %select_n3A_2682, %mul3A_2683 : i32
        %multiple_of3A_2685 = tpu.assume_multiple %mul3A_2684, 128 : i32
        %jit3A_2686 = arith.constant 128 : i32
        %div3A_2687 = arith.divsi %reduce_sum3A_2658, %jit3A_2686 : i32
        %sign3A_2688 = arith.constant 0 : i32
        %sign3A_2689 = arith.cmpi sgt, %reduce_sum3A_2658, %sign3A_2688 : i32
        %sign3A_2690 = arith.extui %sign3A_2689 : i1 to i32
        %sign3A_2691 = arith.constant 0 : i32
        %sign3A_2692 = arith.cmpi slt, %reduce_sum3A_2658, %sign3A_2691 : i32
        %sign3A_2693 = arith.extui %sign3A_2692 : i1 to i32
        %sign3A_2694 = arith.subi %sign3A_2690, %sign3A_2693 : i32
        %sign3A_2695 = arith.constant 0 : i32
        %sign3A_2696 = arith.cmpi sgt, %jit3A_2686, %sign3A_2695 : i32
        %sign3A_2697 = arith.extui %sign3A_2696 : i1 to i32
        %sign3A_2698 = arith.constant 0 : i32
        %sign3A_2699 = arith.cmpi slt, %jit3A_2686, %sign3A_2698 : i32
        %sign3A_2700 = arith.extui %sign3A_2699 : i1 to i32
        %sign3A_2701 = arith.subi %sign3A_2697, %sign3A_2700 : i32
        %ne3A_2702 = arith.cmpi ne, %sign3A_2694, %sign3A_2701 : i32
        %rem3A_2703 = arith.remsi %reduce_sum3A_2658, %jit3A_2686 : i32
        %ne3A_2704 = arith.constant 0 : i32
        %ne3A_2705 = arith.cmpi ne, %rem3A_2703, %ne3A_2704 : i32
        %and3A_2706 = arith.andi %ne3A_2702, %ne3A_2705 : i1
        %sub3A_2707 = arith.constant 1 : i32
        %sub3A_2708 = arith.subi %div3A_2687, %sub3A_2707 : i32
        %select_n3A_2709 = arith.select %and3A_2706, %sub3A_2708, %div3A_2687 : i32
        %mul3A_2710 = arith.constant 128 : i32
        %mul3A_2711 = arith.muli %select_n3A_2709, %mul3A_2710 : i32
        %multiple_of3A_2712 = tpu.assume_multiple %mul3A_2711, 128 : i32
        %dma_start3A_2713 = arith.constant 0 : i32
        %dma_start3A_2714 = arith.constant 1 : i32
        %dma_start3A_2715 = arith.constant 0 : i32
        %dma_start3A_2716 = arith.constant 0 : i32
        %dma_start3A_2717 = tpu.memref_slice %arg11[%dma_start3A_2713, %dma_start3A_2714, %dma_start3A_2715, %dma_start3A_2716] : memref<2x8x16x128xf32, #tpu.memory_space<vmem>> -> memref<1x1x16x128xf32, #tpu.memory_space<vmem>>
        %dma_start3A_2718 = tpu.memref_squeeze %dma_start3A_2717 : memref<1x1x16x128xf32, #tpu.memory_space<vmem>> -> memref<16x128xf32, #tpu.memory_space<vmem>>
        %dma_start3A_2719 = arith.constant 0 : i32
        %dma_start3A_2720 = tpu.memref_slice %arg4[%dma_start3A_2719, %multiple_of3A_2685] : memref<16x1000000xf32, #tpu.memory_space<hbm>> -> memref<16x128xf32, #tpu.memory_space<hbm>>
        %dma_start3A_2721 = arith.constant 0 : i32
        %dma_start3A_2722 = arith.constant 0 : i32
        %dma_start3A_2723 = tpu.memref_slice %arg11[%dma_start3A_2713, %dma_start3A_2714, %dma_start3A_2721, %dma_start3A_2722] : memref<2x8x16x128xf32, #tpu.memory_space<vmem>> -> memref<1x1x16x128xf32, #tpu.memory_space<vmem>>
        %dma_start3A_2724 = tpu.memref_squeeze %dma_start3A_2723 : memref<1x1x16x128xf32, #tpu.memory_space<vmem>> -> memref<16x128xf32, #tpu.memory_space<vmem>>
        %dma_start3A_2725 = arith.constant 0 : i32
        %dma_start3A_2726 = tpu.memref_slice %arg4[%dma_start3A_2725, %multiple_of3A_2685] : memref<16x1000000xf32, #tpu.memory_space<hbm>> -> memref<16x128xf32, #tpu.memory_space<hbm>>
        tpu.enqueue_dma source(%dma_start3A_2726 : memref<16x128xf32, #tpu.memory_space<hbm>>) target(%dma_start3A_2724 : memref<16x128xf32, #tpu.memory_space<vmem>>) target_semaphore(%arg16 : memref<!tpu.dma_semaphore, #tpu.memory_space<semaphore_mem>>)
        %dma_start3A_2727 = arith.constant 0 : i32
        %dma_start3A_2728 = arith.constant 1 : i32
        %dma_start3A_2729 = arith.constant 0 : i32
        %dma_start3A_2730 = arith.constant 0 : i32
        %dma_start3A_2731 = tpu.memref_slice %arg12[%dma_start3A_2727, %dma_start3A_2728, %dma_start3A_2729, %dma_start3A_2730] : memref<2x8x16x128xf32, #tpu.memory_space<vmem>> -> memref<1x1x16x128xf32, #tpu.memory_space<vmem>>
        %dma_start3A_2732 = tpu.memref_squeeze %dma_start3A_2731 : memref<1x1x16x128xf32, #tpu.memory_space<vmem>> -> memref<16x128xf32, #tpu.memory_space<vmem>>
        %dma_start3A_2733 = arith.constant 0 : i32
        %dma_start3A_2734 = tpu.memref_slice %arg5[%dma_start3A_2733, %multiple_of3A_2712] : memref<16x1000000xf32, #tpu.memory_space<hbm>> -> memref<16x128xf32, #tpu.memory_space<hbm>>
        %dma_start3A_2735 = arith.constant 0 : i32
        %dma_start3A_2736 = arith.constant 0 : i32
        %dma_start3A_2737 = tpu.memref_slice %arg12[%dma_start3A_2727, %dma_start3A_2728, %dma_start3A_2735, %dma_start3A_2736] : memref<2x8x16x128xf32, #tpu.memory_space<vmem>> -> memref<1x1x16x128xf32, #tpu.memory_space<vmem>>
        %dma_start3A_2738 = tpu.memref_squeeze %dma_start3A_2737 : memref<1x1x16x128xf32, #tpu.memory_space<vmem>> -> memref<16x128xf32, #tpu.memory_space<vmem>>
        %dma_start3A_2739 = arith.constant 0 : i32
        %dma_start3A_2740 = tpu.memref_slice %arg5[%dma_start3A_2739, %multiple_of3A_2712] : memref<16x1000000xf32, #tpu.memory_space<hbm>> -> memref<16x128xf32, #tpu.memory_space<hbm>>
        tpu.enqueue_dma source(%dma_start3A_2740 : memref<16x128xf32, #tpu.memory_space<hbm>>) target(%dma_start3A_2738 : memref<16x128xf32, #tpu.memory_space<vmem>>) target_semaphore(%arg16 : memref<!tpu.dma_semaphore, #tpu.memory_space<semaphore_mem>>)
        %select_n3A_2741 = arith.select %eq3A_11, %get3A_2550, %broadcast_in_dim3A_51 : vector<16xi1>, vector<16xi32>
        %reduce_sum3A_2742 = arith.constant true
        %reduce_sum3A_2743 = vector.broadcast %reduce_sum3A_2742 : i1 to vector<16xi1>
        %reduce_sum3A_2744 = tpu.scan <sum>, %select_n3A_2741 masked %reduce_sum3A_2743 : vector<16xi32>, vector<16xi1> -> vector<16xi32>
        %reduce_sum3A_2745 = vector.extract %reduce_sum3A_2744[15] : i32 from vector<16xi32>
        %select_n3A_2746 = arith.select %eq3A_11, %get3A_2556, %broadcast_in_dim3A_51 : vector<16xi1>, vector<16xi32>
        %reduce_sum3A_2747 = arith.constant true
        %reduce_sum3A_2748 = vector.broadcast %reduce_sum3A_2747 : i1 to vector<16xi1>
        %reduce_sum3A_2749 = tpu.scan <sum>, %select_n3A_2746 masked %reduce_sum3A_2748 : vector<16xi32>, vector<16xi1> -> vector<16xi32>
        %reduce_sum3A_2750 = vector.extract %reduce_sum3A_2749[15] : i32 from vector<16xi32>
        %jit3A_2751 = arith.constant 128 : i32
        %div3A_2752 = arith.divsi %reduce_sum3A_2745, %jit3A_2751 : i32
        %sign3A_2753 = arith.constant 0 : i32
        %sign3A_2754 = arith.cmpi sgt, %reduce_sum3A_2745, %sign3A_2753 : i32
        %sign3A_2755 = arith.extui %sign3A_2754 : i1 to i32
        %sign3A_2756 = arith.constant 0 : i32
        %sign3A_2757 = arith.cmpi slt, %reduce_sum3A_2745, %sign3A_2756 : i32
        %sign3A_2758 = arith.extui %sign3A_2757 : i1 to i32
        %sign3A_2759 = arith.subi %sign3A_2755, %sign3A_2758 : i32
        %sign3A_2760 = arith.constant 0 : i32
        %sign3A_2761 = arith.cmpi sgt, %jit3A_2751, %sign3A_2760 : i32
        %sign3A_2762 = arith.extui %sign3A_2761 : i1 to i32
        %sign3A_2763 = arith.constant 0 : i32
        %sign3A_2764 = arith.cmpi slt, %jit3A_2751, %sign3A_2763 : i32
        %sign3A_2765 = arith.extui %sign3A_2764 : i1 to i32
        %sign3A_2766 = arith.subi %sign3A_2762, %sign3A_2765 : i32
        %ne3A_2767 = arith.cmpi ne, %sign3A_2759, %sign3A_2766 : i32
        %rem3A_2768 = arith.remsi %reduce_sum3A_2745, %jit3A_2751 : i32
        %ne3A_2769 = arith.constant 0 : i32
        %ne3A_2770 = arith.cmpi ne, %rem3A_2768, %ne3A_2769 : i32
        %and3A_2771 = arith.andi %ne3A_2767, %ne3A_2770 : i1
        %sub3A_2772 = arith.constant 1 : i32
        %sub3A_2773 = arith.subi %div3A_2752, %sub3A_2772 : i32
        %select_n3A_2774 = arith.select %and3A_2771, %sub3A_2773, %div3A_2752 : i32
        %mul3A_2775 = arith.constant 128 : i32
        %mul3A_2776 = arith.muli %select_n3A_2774, %mul3A_2775 : i32
        %multiple_of3A_2777 = tpu.assume_multiple %mul3A_2776, 128 : i32
        %jit3A_2778 = arith.constant 128 : i32
        %div3A_2779 = arith.divsi %reduce_sum3A_2750, %jit3A_2778 : i32
        %sign3A_2780 = arith.constant 0 : i32
        %sign3A_2781 = arith.cmpi sgt, %reduce_sum3A_2750, %sign3A_2780 : i32
        %sign3A_2782 = arith.extui %sign3A_2781 : i1 to i32
        %sign3A_2783 = arith.constant 0 : i32
        %sign3A_2784 = arith.cmpi slt, %reduce_sum3A_2750, %sign3A_2783 : i32
        %sign3A_2785 = arith.extui %sign3A_2784 : i1 to i32
        %sign3A_2786 = arith.subi %sign3A_2782, %sign3A_2785 : i32
        %sign3A_2787 = arith.constant 0 : i32
        %sign3A_2788 = arith.cmpi sgt, %jit3A_2778, %sign3A_2787 : i32
        %sign3A_2789 = arith.extui %sign3A_2788 : i1 to i32
        %sign3A_2790 = arith.constant 0 : i32
        %sign3A_2791 = arith.cmpi slt, %jit3A_2778, %sign3A_2790 : i32
        %sign3A_2792 = arith.extui %sign3A_2791 : i1 to i32
        %sign3A_2793 = arith.subi %sign3A_2789, %sign3A_2792 : i32
        %ne3A_2794 = arith.cmpi ne, %sign3A_2786, %sign3A_2793 : i32
        %rem3A_2795 = arith.remsi %reduce_sum3A_2750, %jit3A_2778 : i32
        %ne3A_2796 = arith.constant 0 : i32
        %ne3A_2797 = arith.cmpi ne, %rem3A_2795, %ne3A_2796 : i32
        %and3A_2798 = arith.andi %ne3A_2794, %ne3A_2797 : i1
        %sub3A_2799 = arith.constant 1 : i32
        %sub3A_2800 = arith.subi %div3A_2779, %sub3A_2799 : i32
        %select_n3A_2801 = arith.select %and3A_2798, %sub3A_2800, %div3A_2779 : i32
        %mul3A_2802 = arith.constant 128 : i32
        %mul3A_2803 = arith.muli %select_n3A_2801, %mul3A_2802 : i32
        %multiple_of3A_2804 = tpu.assume_multiple %mul3A_2803, 128 : i32
        %dma_start3A_2805 = arith.constant 0 : i32
        %dma_start3A_2806 = arith.constant 2 : i32
        %dma_start3A_2807 = arith.constant 0 : i32
        %dma_start3A_2808 = arith.constant 0 : i32
        %dma_start3A_2809 = tpu.memref_slice %arg11[%dma_start3A_2805, %dma_start3A_2806, %dma_start3A_2807, %dma_start3A_2808] : memref<2x8x16x128xf32, #tpu.memory_space<vmem>> -> memref<1x1x16x128xf32, #tpu.memory_space<vmem>>
        %dma_start3A_2810 = tpu.memref_squeeze %dma_start3A_2809 : memref<1x1x16x128xf32, #tpu.memory_space<vmem>> -> memref<16x128xf32, #tpu.memory_space<vmem>>
        %dma_start3A_2811 = arith.constant 0 : i32
        %dma_start3A_2812 = tpu.memref_slice %arg4[%dma_start3A_2811, %multiple_of3A_2777] : memref<16x1000000xf32, #tpu.memory_space<hbm>> -> memref<16x128xf32, #tpu.memory_space<hbm>>
        %dma_start3A_2813 = arith.constant 0 : i32
        %dma_start3A_2814 = arith.constant 0 : i32
        %dma_start3A_2815 = tpu.memref_slice %arg11[%dma_start3A_2805, %dma_start3A_2806, %dma_start3A_2813, %dma_start3A_2814] : memref<2x8x16x128xf32, #tpu.memory_space<vmem>> -> memref<1x1x16x128xf32, #tpu.memory_space<vmem>>
        %dma_start3A_2816 = tpu.memref_squeeze %dma_start3A_2815 : memref<1x1x16x128xf32, #tpu.memory_space<vmem>> -> memref<16x128xf32, #tpu.memory_space<vmem>>
        %dma_start3A_2817 = arith.constant 0 : i32
        %dma_start3A_2818 = tpu.memref_slice %arg4[%dma_start3A_2817, %multiple_of3A_2777] : memref<16x1000000xf32, #tpu.memory_space<hbm>> -> memref<16x128xf32, #tpu.memory_space<hbm>>
        tpu.enqueue_dma source(%dma_start3A_2818 : memref<16x128xf32, #tpu.memory_space<hbm>>) target(%dma_start3A_2816 : memref<16x128xf32, #tpu.memory_space<vmem>>) target_semaphore(%arg16 : memref<!tpu.dma_semaphore, #tpu.memory_space<semaphore_mem>>)
        %dma_start3A_2819 = arith.constant 0 : i32
        %dma_start3A_2820 = arith.constant 2 : i32
        %dma_start3A_2821 = arith.constant 0 : i32
        %dma_start3A_2822 = arith.constant 0 : i32
        %dma_start3A_2823 = tpu.memref_slice %arg12[%dma_start3A_2819, %dma_start3A_2820, %dma_start3A_2821, %dma_start3A_2822] : memref<2x8x16x128xf32, #tpu.memory_space<vmem>> -> memref<1x1x16x128xf32, #tpu.memory_space<vmem>>
        %dma_start3A_2824 = tpu.memref_squeeze %dma_start3A_2823 : memref<1x1x16x128xf32, #tpu.memory_space<vmem>> -> memref<16x128xf32, #tpu.memory_space<vmem>>
        %dma_start3A_2825 = arith.constant 0 : i32
        %dma_start3A_2826 = tpu.memref_slice %arg5[%dma_start3A_2825, %multiple_of3A_2804] : memref<16x1000000xf32, #tpu.memory_space<hbm>> -> memref<16x128xf32, #tpu.memory_space<hbm>>
        %dma_start3A_2827 = arith.constant 0 : i32
        %dma_start3A_2828 = arith.constant 0 : i32
        %dma_start3A_2829 = tpu.memref_slice %arg12[%dma_start3A_2819, %dma_start3A_2820, %dma_start3A_2827, %dma_start3A_2828] : memref<2x8x16x128xf32, #tpu.memory_space<vmem>> -> memref<1x1x16x128xf32, #tpu.memory_space<vmem>>
        %dma_start3A_2830 = tpu.memref_squeeze %dma_start3A_2829 : memref<1x1x16x128xf32, #tpu.memory_space<vmem>> -> memref<16x128xf32, #tpu.memory_space<vmem>>
        %dma_start3A_2831 = arith.constant 0 : i32
        %dma_start3A_2832 = tpu.memref_slice %arg5[%dma_start3A_2831, %multiple_of3A_2804] : memref<16x1000000xf32, #tpu.memory_space<hbm>> -> memref<16x128xf32, #tpu.memory_space<hbm>>
        tpu.enqueue_dma source(%dma_start3A_2832 : memref<16x128xf32, #tpu.memory_space<hbm>>) target(%dma_start3A_2830 : memref<16x128xf32, #tpu.memory_space<vmem>>) target_semaphore(%arg16 : memref<!tpu.dma_semaphore, #tpu.memory_space<semaphore_mem>>)
        %select_n3A_2833 = arith.select %eq3A_14, %get3A_2550, %broadcast_in_dim3A_51 : vector<16xi1>, vector<16xi32>
        %reduce_sum3A_2834 = arith.constant true
        %reduce_sum3A_2835 = vector.broadcast %reduce_sum3A_2834 : i1 to vector<16xi1>
        %reduce_sum3A_2836 = tpu.scan <sum>, %select_n3A_2833 masked %reduce_sum3A_2835 : vector<16xi32>, vector<16xi1> -> vector<16xi32>
        %reduce_sum3A_2837 = vector.extract %reduce_sum3A_2836[15] : i32 from vector<16xi32>
        %select_n3A_2838 = arith.select %eq3A_14, %get3A_2556, %broadcast_in_dim3A_51 : vector<16xi1>, vector<16xi32>
        %reduce_sum3A_2839 = arith.constant true
        %reduce_sum3A_2840 = vector.broadcast %reduce_sum3A_2839 : i1 to vector<16xi1>
        %reduce_sum3A_2841 = tpu.scan <sum>, %select_n3A_2838 masked %reduce_sum3A_2840 : vector<16xi32>, vector<16xi1> -> vector<16xi32>
        %reduce_sum3A_2842 = vector.extract %reduce_sum3A_2841[15] : i32 from vector<16xi32>
        %jit3A_2843 = arith.constant 128 : i32
        %div3A_2844 = arith.divsi %reduce_sum3A_2837, %jit3A_2843 : i32
        %sign3A_2845 = arith.constant 0 : i32
        %sign3A_2846 = arith.cmpi sgt, %reduce_sum3A_2837, %sign3A_2845 : i32
        %sign3A_2847 = arith.extui %sign3A_2846 : i1 to i32
        %sign3A_2848 = arith.constant 0 : i32
        %sign3A_2849 = arith.cmpi slt, %reduce_sum3A_2837, %sign3A_2848 : i32
        %sign3A_2850 = arith.extui %sign3A_2849 : i1 to i32
        %sign3A_2851 = arith.subi %sign3A_2847, %sign3A_2850 : i32
        %sign3A_2852 = arith.constant 0 : i32
        %sign3A_2853 = arith.cmpi sgt, %jit3A_2843, %sign3A_2852 : i32
        %sign3A_2854 = arith.extui %sign3A_2853 : i1 to i32
        %sign3A_2855 = arith.constant 0 : i32
        %sign3A_2856 = arith.cmpi slt, %jit3A_2843, %sign3A_2855 : i32
        %sign3A_2857 = arith.extui %sign3A_2856 : i1 to i32
        %sign3A_2858 = arith.subi %sign3A_2854, %sign3A_2857 : i32
        %ne3A_2859 = arith.cmpi ne, %sign3A_2851, %sign3A_2858 : i32
        %rem3A_2860 = arith.remsi %reduce_sum3A_2837, %jit3A_2843 : i32
        %ne3A_2861 = arith.constant 0 : i32
        %ne3A_2862 = arith.cmpi ne, %rem3A_2860, %ne3A_2861 : i32
        %and3A_2863 = arith.andi %ne3A_2859, %ne3A_2862 : i1
        %sub3A_2864 = arith.constant 1 : i32
        %sub3A_2865 = arith.subi %div3A_2844, %sub3A_2864 : i32
        %select_n3A_2866 = arith.select %and3A_2863, %sub3A_2865, %div3A_2844 : i32
        %mul3A_2867 = arith.constant 128 : i32
        %mul3A_2868 = arith.muli %select_n3A_2866, %mul3A_2867 : i32
        %multiple_of3A_2869 = tpu.assume_multiple %mul3A_2868, 128 : i32
        %jit3A_2870 = arith.constant 128 : i32
        %div3A_2871 = arith.divsi %reduce_sum3A_2842, %jit3A_2870 : i32
        %sign3A_2872 = arith.constant 0 : i32
        %sign3A_2873 = arith.cmpi sgt, %reduce_sum3A_2842, %sign3A_2872 : i32
        %sign3A_2874 = arith.extui %sign3A_2873 : i1 to i32
        %sign3A_2875 = arith.constant 0 : i32
        %sign3A_2876 = arith.cmpi slt, %reduce_sum3A_2842, %sign3A_2875 : i32
        %sign3A_2877 = arith.extui %sign3A_2876 : i1 to i32
        %sign3A_2878 = arith.subi %sign3A_2874, %sign3A_2877 : i32
        %sign3A_2879 = arith.constant 0 : i32
        %sign3A_2880 = arith.cmpi sgt, %jit3A_2870, %sign3A_2879 : i32
        %sign3A_2881 = arith.extui %sign3A_2880 : i1 to i32
        %sign3A_2882 = arith.constant 0 : i32
        %sign3A_2883 = arith.cmpi slt, %jit3A_2870, %sign3A_2882 : i32
        %sign3A_2884 = arith.extui %sign3A_2883 : i1 to i32
        %sign3A_2885 = arith.subi %sign3A_2881, %sign3A_2884 : i32
        %ne3A_2886 = arith.cmpi ne, %sign3A_2878, %sign3A_2885 : i32
        %rem3A_2887 = arith.remsi %reduce_sum3A_2842, %jit3A_2870 : i32
        %ne3A_2888 = arith.constant 0 : i32
        %ne3A_2889 = arith.cmpi ne, %rem3A_2887, %ne3A_2888 : i32
        %and3A_2890 = arith.andi %ne3A_2886, %ne3A_2889 : i1
        %sub3A_2891 = arith.constant 1 : i32
        %sub3A_2892 = arith.subi %div3A_2871, %sub3A_2891 : i32
        %select_n3A_2893 = arith.select %and3A_2890, %sub3A_2892, %div3A_2871 : i32
        %mul3A_2894 = arith.constant 128 : i32
        %mul3A_2895 = arith.muli %select_n3A_2893, %mul3A_2894 : i32
        %multiple_of3A_2896 = tpu.assume_multiple %mul3A_2895, 128 : i32
        %dma_start3A_2897 = arith.constant 0 : i32
        %dma_start3A_2898 = arith.constant 3 : i32
        %dma_start3A_2899 = arith.constant 0 : i32
        %dma_start3A_2900 = arith.constant 0 : i32
        %dma_start3A_2901 = tpu.memref_slice %arg11[%dma_start3A_2897, %dma_start3A_2898, %dma_start3A_2899, %dma_start3A_2900] : memref<2x8x16x128xf32, #tpu.memory_space<vmem>> -> memref<1x1x16x128xf32, #tpu.memory_space<vmem>>
        %dma_start3A_2902 = tpu.memref_squeeze %dma_start3A_2901 : memref<1x1x16x128xf32, #tpu.memory_space<vmem>> -> memref<16x128xf32, #tpu.memory_space<vmem>>
        %dma_start3A_2903 = arith.constant 0 : i32
        %dma_start3A_2904 = tpu.memref_slice %arg4[%dma_start3A_2903, %multiple_of3A_2869] : memref<16x1000000xf32, #tpu.memory_space<hbm>> -> memref<16x128xf32, #tpu.memory_space<hbm>>
        %dma_start3A_2905 = arith.constant 0 : i32
        %dma_start3A_2906 = arith.constant 0 : i32
        %dma_start3A_2907 = tpu.memref_slice %arg11[%dma_start3A_2897, %dma_start3A_2898, %dma_start3A_2905, %dma_start3A_2906] : memref<2x8x16x128xf32, #tpu.memory_space<vmem>> -> memref<1x1x16x128xf32, #tpu.memory_space<vmem>>
        %dma_start3A_2908 = tpu.memref_squeeze %dma_start3A_2907 : memref<1x1x16x128xf32, #tpu.memory_space<vmem>> -> memref<16x128xf32, #tpu.memory_space<vmem>>
        %dma_start3A_2909 = arith.constant 0 : i32
        %dma_start3A_2910 = tpu.memref_slice %arg4[%dma_start3A_2909, %multiple_of3A_2869] : memref<16x1000000xf32, #tpu.memory_space<hbm>> -> memref<16x128xf32, #tpu.memory_space<hbm>>
        tpu.enqueue_dma source(%dma_start3A_2910 : memref<16x128xf32, #tpu.memory_space<hbm>>) target(%dma_start3A_2908 : memref<16x128xf32, #tpu.memory_space<vmem>>) target_semaphore(%arg16 : memref<!tpu.dma_semaphore, #tpu.memory_space<semaphore_mem>>)
        %dma_start3A_2911 = arith.constant 0 : i32
        %dma_start3A_2912 = arith.constant 3 : i32
        %dma_start3A_2913 = arith.constant 0 : i32
        %dma_start3A_2914 = arith.constant 0 : i32
        %dma_start3A_2915 = tpu.memref_slice %arg12[%dma_start3A_2911, %dma_start3A_2912, %dma_start3A_2913, %dma_start3A_2914] : memref<2x8x16x128xf32, #tpu.memory_space<vmem>> -> memref<1x1x16x128xf32, #tpu.memory_space<vmem>>
        %dma_start3A_2916 = tpu.memref_squeeze %dma_start3A_2915 : memref<1x1x16x128xf32, #tpu.memory_space<vmem>> -> memref<16x128xf32, #tpu.memory_space<vmem>>
        %dma_start3A_2917 = arith.constant 0 : i32
        %dma_start3A_2918 = tpu.memref_slice %arg5[%dma_start3A_2917, %multiple_of3A_2896] : memref<16x1000000xf32, #tpu.memory_space<hbm>> -> memref<16x128xf32, #tpu.memory_space<hbm>>
        %dma_start3A_2919 = arith.constant 0 : i32
        %dma_start3A_2920 = arith.constant 0 : i32
        %dma_start3A_2921 = tpu.memref_slice %arg12[%dma_start3A_2911, %dma_start3A_2912, %dma_start3A_2919, %dma_start3A_2920] : memref<2x8x16x128xf32, #tpu.memory_space<vmem>> -> memref<1x1x16x128xf32, #tpu.memory_space<vmem>>
        %dma_start3A_2922 = tpu.memref_squeeze %dma_start3A_2921 : memref<1x1x16x128xf32, #tpu.memory_space<vmem>> -> memref<16x128xf32, #tpu.memory_space<vmem>>
        %dma_start3A_2923 = arith.constant 0 : i32
        %dma_start3A_2924 = tpu.memref_slice %arg5[%dma_start3A_2923, %multiple_of3A_2896] : memref<16x1000000xf32, #tpu.memory_space<hbm>> -> memref<16x128xf32, #tpu.memory_space<hbm>>
        tpu.enqueue_dma source(%dma_start3A_2924 : memref<16x128xf32, #tpu.memory_space<hbm>>) target(%dma_start3A_2922 : memref<16x128xf32, #tpu.memory_space<vmem>>) target_semaphore(%arg16 : memref<!tpu.dma_semaphore, #tpu.memory_space<semaphore_mem>>)
        %select_n3A_2925 = arith.select %eq3A_17, %get3A_2550, %broadcast_in_dim3A_51 : vector<16xi1>, vector<16xi32>
        %reduce_sum3A_2926 = arith.constant true
        %reduce_sum3A_2927 = vector.broadcast %reduce_sum3A_2926 : i1 to vector<16xi1>
        %reduce_sum3A_2928 = tpu.scan <sum>, %select_n3A_2925 masked %reduce_sum3A_2927 : vector<16xi32>, vector<16xi1> -> vector<16xi32>
        %reduce_sum3A_2929 = vector.extract %reduce_sum3A_2928[15] : i32 from vector<16xi32>
        %select_n3A_2930 = arith.select %eq3A_17, %get3A_2556, %broadcast_in_dim3A_51 : vector<16xi1>, vector<16xi32>
        %reduce_sum3A_2931 = arith.constant true
        %reduce_sum3A_2932 = vector.broadcast %reduce_sum3A_2931 : i1 to vector<16xi1>
        %reduce_sum3A_2933 = tpu.scan <sum>, %select_n3A_2930 masked %reduce_sum3A_2932 : vector<16xi32>, vector<16xi1> -> vector<16xi32>
        %reduce_sum3A_2934 = vector.extract %reduce_sum3A_2933[15] : i32 from vector<16xi32>
        %jit3A_2935 = arith.constant 128 : i32
        %div3A_2936 = arith.divsi %reduce_sum3A_2929, %jit3A_2935 : i32
        %sign3A_2937 = arith.constant 0 : i32
        %sign3A_2938 = arith.cmpi sgt, %reduce_sum3A_2929, %sign3A_2937 : i32
        %sign3A_2939 = arith.extui %sign3A_2938 : i1 to i32
        %sign3A_2940 = arith.constant 0 : i32
        %sign3A_2941 = arith.cmpi slt, %reduce_sum3A_2929, %sign3A_2940 : i32
        %sign3A_2942 = arith.extui %sign3A_2941 : i1 to i32
        %sign3A_2943 = arith.subi %sign3A_2939, %sign3A_2942 : i32
        %sign3A_2944 = arith.constant 0 : i32
        %sign3A_2945 = arith.cmpi sgt, %jit3A_2935, %sign3A_2944 : i32
        %sign3A_2946 = arith.extui %sign3A_2945 : i1 to i32
        %sign3A_2947 = arith.constant 0 : i32
        %sign3A_2948 = arith.cmpi slt, %jit3A_2935, %sign3A_2947 : i32
        %sign3A_2949 = arith.extui %sign3A_2948 : i1 to i32
        %sign3A_2950 = arith.subi %sign3A_2946, %sign3A_2949 : i32
        %ne3A_2951 = arith.cmpi ne, %sign3A_2943, %sign3A_2950 : i32
        %rem3A_2952 = arith.remsi %reduce_sum3A_2929, %jit3A_2935 : i32
        %ne3A_2953 = arith.constant 0 : i32
        %ne3A_2954 = arith.cmpi ne, %rem3A_2952, %ne3A_2953 : i32
        %and3A_2955 = arith.andi %ne3A_2951, %ne3A_2954 : i1
        %sub3A_2956 = arith.constant 1 : i32
        %sub3A_2957 = arith.subi %div3A_2936, %sub3A_2956 : i32
        %select_n3A_2958 = arith.select %and3A_2955, %sub3A_2957, %div3A_2936 : i32
        %mul3A_2959 = arith.constant 128 : i32
        %mul3A_2960 = arith.muli %select_n3A_2958, %mul3A_2959 : i32
        %multiple_of3A_2961 = tpu.assume_multiple %mul3A_2960, 128 : i32
        %jit3A_2962 = arith.constant 128 : i32
        %div3A_2963 = arith.divsi %reduce_sum3A_2934, %jit3A_2962 : i32
        %sign3A_2964 = arith.constant 0 : i32
        %sign3A_2965 = arith.cmpi sgt, %reduce_sum3A_2934, %sign3A_2964 : i32
        %sign3A_2966 = arith.extui %sign3A_2965 : i1 to i32
        %sign3A_2967 = arith.constant 0 : i32
        %sign3A_2968 = arith.cmpi slt, %reduce_sum3A_2934, %sign3A_2967 : i32
        %sign3A_2969 = arith.extui %sign3A_2968 : i1 to i32
        %sign3A_2970 = arith.subi %sign3A_2966, %sign3A_2969 : i32
        %sign3A_2971 = arith.constant 0 : i32
        %sign3A_2972 = arith.cmpi sgt, %jit3A_2962, %sign3A_2971 : i32
        %sign3A_2973 = arith.extui %sign3A_2972 : i1 to i32
        %sign3A_2974 = arith.constant 0 : i32
        %sign3A_2975 = arith.cmpi slt, %jit3A_2962, %sign3A_2974 : i32
        %sign3A_2976 = arith.extui %sign3A_2975 : i1 to i32
        %sign3A_2977 = arith.subi %sign3A_2973, %sign3A_2976 : i32
        %ne3A_2978 = arith.cmpi ne, %sign3A_2970, %sign3A_2977 : i32
        %rem3A_2979 = arith.remsi %reduce_sum3A_2934, %jit3A_2962 : i32
        %ne3A_2980 = arith.constant 0 : i32
        %ne3A_2981 = arith.cmpi ne, %rem3A_2979, %ne3A_2980 : i32
        %and3A_2982 = arith.andi %ne3A_2978, %ne3A_2981 : i1
        %sub3A_2983 = arith.constant 1 : i32
        %sub3A_2984 = arith.subi %div3A_2963, %sub3A_2983 : i32
        %select_n3A_2985 = arith.select %and3A_2982, %sub3A_2984, %div3A_2963 : i32
        %mul3A_2986 = arith.constant 128 : i32
        %mul3A_2987 = arith.muli %select_n3A_2985, %mul3A_2986 : i32
        %multiple_of3A_2988 = tpu.assume_multiple %mul3A_2987, 128 : i32
        %dma_start3A_2989 = arith.constant 0 : i32
        %dma_start3A_2990 = arith.constant 4 : i32
        %dma_start3A_2991 = arith.constant 0 : i32
        %dma_start3A_2992 = arith.constant 0 : i32
        %dma_start3A_2993 = tpu.memref_slice %arg11[%dma_start3A_2989, %dma_start3A_2990, %dma_start3A_2991, %dma_start3A_2992] : memref<2x8x16x128xf32, #tpu.memory_space<vmem>> -> memref<1x1x16x128xf32, #tpu.memory_space<vmem>>
        %dma_start3A_2994 = tpu.memref_squeeze %dma_start3A_2993 : memref<1x1x16x128xf32, #tpu.memory_space<vmem>> -> memref<16x128xf32, #tpu.memory_space<vmem>>
        %dma_start3A_2995 = arith.constant 0 : i32
        %dma_start3A_2996 = tpu.memref_slice %arg4[%dma_start3A_2995, %multiple_of3A_2961] : memref<16x1000000xf32, #tpu.memory_space<hbm>> -> memref<16x128xf32, #tpu.memory_space<hbm>>
        %dma_start3A_2997 = arith.constant 0 : i32
        %dma_start3A_2998 = arith.constant 0 : i32
        %dma_start3A_2999 = tpu.memref_slice %arg11[%dma_start3A_2989, %dma_start3A_2990, %dma_start3A_2997, %dma_start3A_2998] : memref<2x8x16x128xf32, #tpu.memory_space<vmem>> -> memref<1x1x16x128xf32, #tpu.memory_space<vmem>>
        %dma_start3A_3000 = tpu.memref_squeeze %dma_start3A_2999 : memref<1x1x16x128xf32, #tpu.memory_space<vmem>> -> memref<16x128xf32, #tpu.memory_space<vmem>>
        %dma_start3A_3001 = arith.constant 0 : i32
        %dma_start3A_3002 = tpu.memref_slice %arg4[%dma_start3A_3001, %multiple_of3A_2961] : memref<16x1000000xf32, #tpu.memory_space<hbm>> -> memref<16x128xf32, #tpu.memory_space<hbm>>
        tpu.enqueue_dma source(%dma_start3A_3002 : memref<16x128xf32, #tpu.memory_space<hbm>>) target(%dma_start3A_3000 : memref<16x128xf32, #tpu.memory_space<vmem>>) target_semaphore(%arg16 : memref<!tpu.dma_semaphore, #tpu.memory_space<semaphore_mem>>)
        %dma_start3A_3003 = arith.constant 0 : i32
        %dma_start3A_3004 = arith.constant 4 : i32
        %dma_start3A_3005 = arith.constant 0 : i32
        %dma_start3A_3006 = arith.constant 0 : i32
        %dma_start3A_3007 = tpu.memref_slice %arg12[%dma_start3A_3003, %dma_start3A_3004, %dma_start3A_3005, %dma_start3A_3006] : memref<2x8x16x128xf32, #tpu.memory_space<vmem>> -> memref<1x1x16x128xf32, #tpu.memory_space<vmem>>
        %dma_start3A_3008 = tpu.memref_squeeze %dma_start3A_3007 : memref<1x1x16x128xf32, #tpu.memory_space<vmem>> -> memref<16x128xf32, #tpu.memory_space<vmem>>
        %dma_start3A_3009 = arith.constant 0 : i32
        %dma_start3A_3010 = tpu.memref_slice %arg5[%dma_start3A_3009, %multiple_of3A_2988] : memref<16x1000000xf32, #tpu.memory_space<hbm>> -> memref<16x128xf32, #tpu.memory_space<hbm>>
        %dma_start3A_3011 = arith.constant 0 : i32
        %dma_start3A_3012 = arith.constant 0 : i32
        %dma_start3A_3013 = tpu.memref_slice %arg12[%dma_start3A_3003, %dma_start3A_3004, %dma_start3A_3011, %dma_start3A_3012] : memref<2x8x16x128xf32, #tpu.memory_space<vmem>> -> memref<1x1x16x128xf32, #tpu.memory_space<vmem>>
        %dma_start3A_3014 = tpu.memref_squeeze %dma_start3A_3013 : memref<1x1x16x128xf32, #tpu.memory_space<vmem>> -> memref<16x128xf32, #tpu.memory_space<vmem>>
        %dma_start3A_3015 = arith.constant 0 : i32
        %dma_start3A_3016 = tpu.memref_slice %arg5[%dma_start3A_3015, %multiple_of3A_2988] : memref<16x1000000xf32, #tpu.memory_space<hbm>> -> memref<16x128xf32, #tpu.memory_space<hbm>>
        tpu.enqueue_dma source(%dma_start3A_3016 : memref<16x128xf32, #tpu.memory_space<hbm>>) target(%dma_start3A_3014 : memref<16x128xf32, #tpu.memory_space<vmem>>) target_semaphore(%arg16 : memref<!tpu.dma_semaphore, #tpu.memory_space<semaphore_mem>>)
        %select_n3A_3017 = arith.select %eq3A_20, %get3A_2550, %broadcast_in_dim3A_51 : vector<16xi1>, vector<16xi32>
        %reduce_sum3A_3018 = arith.constant true
        %reduce_sum3A_3019 = vector.broadcast %reduce_sum3A_3018 : i1 to vector<16xi1>
        %reduce_sum3A_3020 = tpu.scan <sum>, %select_n3A_3017 masked %reduce_sum3A_3019 : vector<16xi32>, vector<16xi1> -> vector<16xi32>
        %reduce_sum3A_3021 = vector.extract %reduce_sum3A_3020[15] : i32 from vector<16xi32>
        %select_n3A_3022 = arith.select %eq3A_20, %get3A_2556, %broadcast_in_dim3A_51 : vector<16xi1>, vector<16xi32>
        %reduce_sum3A_3023 = arith.constant true
        %reduce_sum3A_3024 = vector.broadcast %reduce_sum3A_3023 : i1 to vector<16xi1>
        %reduce_sum3A_3025 = tpu.scan <sum>, %select_n3A_3022 masked %reduce_sum3A_3024 : vector<16xi32>, vector<16xi1> -> vector<16xi32>
        %reduce_sum3A_3026 = vector.extract %reduce_sum3A_3025[15] : i32 from vector<16xi32>
        %jit3A_3027 = arith.constant 128 : i32
        %div3A_3028 = arith.divsi %reduce_sum3A_3021, %jit3A_3027 : i32
        %sign3A_3029 = arith.constant 0 : i32
        %sign3A_3030 = arith.cmpi sgt, %reduce_sum3A_3021, %sign3A_3029 : i32
        %sign3A_3031 = arith.extui %sign3A_3030 : i1 to i32
        %sign3A_3032 = arith.constant 0 : i32
        %sign3A_3033 = arith.cmpi slt, %reduce_sum3A_3021, %sign3A_3032 : i32
        %sign3A_3034 = arith.extui %sign3A_3033 : i1 to i32
        %sign3A_3035 = arith.subi %sign3A_3031, %sign3A_3034 : i32
        %sign3A_3036 = arith.constant 0 : i32
        %sign3A_3037 = arith.cmpi sgt, %jit3A_3027, %sign3A_3036 : i32
        %sign3A_3038 = arith.extui %sign3A_3037 : i1 to i32
        %sign3A_3039 = arith.constant 0 : i32
        %sign3A_3040 = arith.cmpi slt, %jit3A_3027, %sign3A_3039 : i32
        %sign3A_3041 = arith.extui %sign3A_3040 : i1 to i32
        %sign3A_3042 = arith.subi %sign3A_3038, %sign3A_3041 : i32
        %ne3A_3043 = arith.cmpi ne, %sign3A_3035, %sign3A_3042 : i32
        %rem3A_3044 = arith.remsi %reduce_sum3A_3021, %jit3A_3027 : i32
        %ne3A_3045 = arith.constant 0 : i32
        %ne3A_3046 = arith.cmpi ne, %rem3A_3044, %ne3A_3045 : i32
        %and3A_3047 = arith.andi %ne3A_3043, %ne3A_3046 : i1
        %sub3A_3048 = arith.constant 1 : i32
        %sub3A_3049 = arith.subi %div3A_3028, %sub3A_3048 : i32
        %select_n3A_3050 = arith.select %and3A_3047, %sub3A_3049, %div3A_3028 : i32
        %mul3A_3051 = arith.constant 128 : i32
        %mul3A_3052 = arith.muli %select_n3A_3050, %mul3A_3051 : i32
        %multiple_of3A_3053 = tpu.assume_multiple %mul3A_3052, 128 : i32
        %jit3A_3054 = arith.constant 128 : i32
        %div3A_3055 = arith.divsi %reduce_sum3A_3026, %jit3A_3054 : i32
        %sign3A_3056 = arith.constant 0 : i32
        %sign3A_3057 = arith.cmpi sgt, %reduce_sum3A_3026, %sign3A_3056 : i32
        %sign3A_3058 = arith.extui %sign3A_3057 : i1 to i32
        %sign3A_3059 = arith.constant 0 : i32
        %sign3A_3060 = arith.cmpi slt, %reduce_sum3A_3026, %sign3A_3059 : i32
        %sign3A_3061 = arith.extui %sign3A_3060 : i1 to i32
        %sign3A_3062 = arith.subi %sign3A_3058, %sign3A_3061 : i32
        %sign3A_3063 = arith.constant 0 : i32
        %sign3A_3064 = arith.cmpi sgt, %jit3A_3054, %sign3A_3063 : i32
        %sign3A_3065 = arith.extui %sign3A_3064 : i1 to i32
        %sign3A_3066 = arith.constant 0 : i32
        %sign3A_3067 = arith.cmpi slt, %jit3A_3054, %sign3A_3066 : i32
        %sign3A_3068 = arith.extui %sign3A_3067 : i1 to i32
        %sign3A_3069 = arith.subi %sign3A_3065, %sign3A_3068 : i32
        %ne3A_3070 = arith.cmpi ne, %sign3A_3062, %sign3A_3069 : i32
        %rem3A_3071 = arith.remsi %reduce_sum3A_3026, %jit3A_3054 : i32
        %ne3A_3072 = arith.constant 0 : i32
        %ne3A_3073 = arith.cmpi ne, %rem3A_3071, %ne3A_3072 : i32
        %and3A_3074 = arith.andi %ne3A_3070, %ne3A_3073 : i1
        %sub3A_3075 = arith.constant 1 : i32
        %sub3A_3076 = arith.subi %div3A_3055, %sub3A_3075 : i32
        %select_n3A_3077 = arith.select %and3A_3074, %sub3A_3076, %div3A_3055 : i32
        %mul3A_3078 = arith.constant 128 : i32
        %mul3A_3079 = arith.muli %select_n3A_3077, %mul3A_3078 : i32
        %multiple_of3A_3080 = tpu.assume_multiple %mul3A_3079, 128 : i32
        %dma_start3A_3081 = arith.constant 0 : i32
        %dma_start3A_3082 = arith.constant 5 : i32
        %dma_start3A_3083 = arith.constant 0 : i32
        %dma_start3A_3084 = arith.constant 0 : i32
        %dma_start3A_3085 = tpu.memref_slice %arg11[%dma_start3A_3081, %dma_start3A_3082, %dma_start3A_3083, %dma_start3A_3084] : memref<2x8x16x128xf32, #tpu.memory_space<vmem>> -> memref<1x1x16x128xf32, #tpu.memory_space<vmem>>
        %dma_start3A_3086 = tpu.memref_squeeze %dma_start3A_3085 : memref<1x1x16x128xf32, #tpu.memory_space<vmem>> -> memref<16x128xf32, #tpu.memory_space<vmem>>
        %dma_start3A_3087 = arith.constant 0 : i32
        %dma_start3A_3088 = tpu.memref_slice %arg4[%dma_start3A_3087, %multiple_of3A_3053] : memref<16x1000000xf32, #tpu.memory_space<hbm>> -> memref<16x128xf32, #tpu.memory_space<hbm>>
        %dma_start3A_3089 = arith.constant 0 : i32
        %dma_start3A_3090 = arith.constant 0 : i32
        %dma_start3A_3091 = tpu.memref_slice %arg11[%dma_start3A_3081, %dma_start3A_3082, %dma_start3A_3089, %dma_start3A_3090] : memref<2x8x16x128xf32, #tpu.memory_space<vmem>> -> memref<1x1x16x128xf32, #tpu.memory_space<vmem>>
        %dma_start3A_3092 = tpu.memref_squeeze %dma_start3A_3091 : memref<1x1x16x128xf32, #tpu.memory_space<vmem>> -> memref<16x128xf32, #tpu.memory_space<vmem>>
        %dma_start3A_3093 = arith.constant 0 : i32
        %dma_start3A_3094 = tpu.memref_slice %arg4[%dma_start3A_3093, %multiple_of3A_3053] : memref<16x1000000xf32, #tpu.memory_space<hbm>> -> memref<16x128xf32, #tpu.memory_space<hbm>>
        tpu.enqueue_dma source(%dma_start3A_3094 : memref<16x128xf32, #tpu.memory_space<hbm>>) target(%dma_start3A_3092 : memref<16x128xf32, #tpu.memory_space<vmem>>) target_semaphore(%arg16 : memref<!tpu.dma_semaphore, #tpu.memory_space<semaphore_mem>>)
        %dma_start3A_3095 = arith.constant 0 : i32
        %dma_start3A_3096 = arith.constant 5 : i32
        %dma_start3A_3097 = arith.constant 0 : i32
        %dma_start3A_3098 = arith.constant 0 : i32
        %dma_start3A_3099 = tpu.memref_slice %arg12[%dma_start3A_3095, %dma_start3A_3096, %dma_start3A_3097, %dma_start3A_3098] : memref<2x8x16x128xf32, #tpu.memory_space<vmem>> -> memref<1x1x16x128xf32, #tpu.memory_space<vmem>>
        %dma_start3A_3100 = tpu.memref_squeeze %dma_start3A_3099 : memref<1x1x16x128xf32, #tpu.memory_space<vmem>> -> memref<16x128xf32, #tpu.memory_space<vmem>>
        %dma_start3A_3101 = arith.constant 0 : i32
        %dma_start3A_3102 = tpu.memref_slice %arg5[%dma_start3A_3101, %multiple_of3A_3080] : memref<16x1000000xf32, #tpu.memory_space<hbm>> -> memref<16x128xf32, #tpu.memory_space<hbm>>
        %dma_start3A_3103 = arith.constant 0 : i32
        %dma_start3A_3104 = arith.constant 0 : i32
        %dma_start3A_3105 = tpu.memref_slice %arg12[%dma_start3A_3095, %dma_start3A_3096, %dma_start3A_3103, %dma_start3A_3104] : memref<2x8x16x128xf32, #tpu.memory_space<vmem>> -> memref<1x1x16x128xf32, #tpu.memory_space<vmem>>
        %dma_start3A_3106 = tpu.memref_squeeze %dma_start3A_3105 : memref<1x1x16x128xf32, #tpu.memory_space<vmem>> -> memref<16x128xf32, #tpu.memory_space<vmem>>
        %dma_start3A_3107 = arith.constant 0 : i32
        %dma_start3A_3108 = tpu.memref_slice %arg5[%dma_start3A_3107, %multiple_of3A_3080] : memref<16x1000000xf32, #tpu.memory_space<hbm>> -> memref<16x128xf32, #tpu.memory_space<hbm>>
        tpu.enqueue_dma source(%dma_start3A_3108 : memref<16x128xf32, #tpu.memory_space<hbm>>) target(%dma_start3A_3106 : memref<16x128xf32, #tpu.memory_space<vmem>>) target_semaphore(%arg16 : memref<!tpu.dma_semaphore, #tpu.memory_space<semaphore_mem>>)
        %select_n3A_3109 = arith.select %eq3A_23, %get3A_2550, %broadcast_in_dim3A_51 : vector<16xi1>, vector<16xi32>
        %reduce_sum3A_3110 = arith.constant true
        %reduce_sum3A_3111 = vector.broadcast %reduce_sum3A_3110 : i1 to vector<16xi1>
        %reduce_sum3A_3112 = tpu.scan <sum>, %select_n3A_3109 masked %reduce_sum3A_3111 : vector<16xi32>, vector<16xi1> -> vector<16xi32>
        %reduce_sum3A_3113 = vector.extract %reduce_sum3A_3112[15] : i32 from vector<16xi32>
        %select_n3A_3114 = arith.select %eq3A_23, %get3A_2556, %broadcast_in_dim3A_51 : vector<16xi1>, vector<16xi32>
        %reduce_sum3A_3115 = arith.constant true
        %reduce_sum3A_3116 = vector.broadcast %reduce_sum3A_3115 : i1 to vector<16xi1>
        %reduce_sum3A_3117 = tpu.scan <sum>, %select_n3A_3114 masked %reduce_sum3A_3116 : vector<16xi32>, vector<16xi1> -> vector<16xi32>
        %reduce_sum3A_3118 = vector.extract %reduce_sum3A_3117[15] : i32 from vector<16xi32>
        %jit3A_3119 = arith.constant 128 : i32
        %div3A_3120 = arith.divsi %reduce_sum3A_3113, %jit3A_3119 : i32
        %sign3A_3121 = arith.constant 0 : i32
        %sign3A_3122 = arith.cmpi sgt, %reduce_sum3A_3113, %sign3A_3121 : i32
        %sign3A_3123 = arith.extui %sign3A_3122 : i1 to i32
        %sign3A_3124 = arith.constant 0 : i32
        %sign3A_3125 = arith.cmpi slt, %reduce_sum3A_3113, %sign3A_3124 : i32
        %sign3A_3126 = arith.extui %sign3A_3125 : i1 to i32
        %sign3A_3127 = arith.subi %sign3A_3123, %sign3A_3126 : i32
        %sign3A_3128 = arith.constant 0 : i32
        %sign3A_3129 = arith.cmpi sgt, %jit3A_3119, %sign3A_3128 : i32
        %sign3A_3130 = arith.extui %sign3A_3129 : i1 to i32
        %sign3A_3131 = arith.constant 0 : i32
        %sign3A_3132 = arith.cmpi slt, %jit3A_3119, %sign3A_3131 : i32
        %sign3A_3133 = arith.extui %sign3A_3132 : i1 to i32
        %sign3A_3134 = arith.subi %sign3A_3130, %sign3A_3133 : i32
        %ne3A_3135 = arith.cmpi ne, %sign3A_3127, %sign3A_3134 : i32
        %rem3A_3136 = arith.remsi %reduce_sum3A_3113, %jit3A_3119 : i32
        %ne3A_3137 = arith.constant 0 : i32
        %ne3A_3138 = arith.cmpi ne, %rem3A_3136, %ne3A_3137 : i32
        %and3A_3139 = arith.andi %ne3A_3135, %ne3A_3138 : i1
        %sub3A_3140 = arith.constant 1 : i32
        %sub3A_3141 = arith.subi %div3A_3120, %sub3A_3140 : i32
        %select_n3A_3142 = arith.select %and3A_3139, %sub3A_3141, %div3A_3120 : i32
        %mul3A_3143 = arith.constant 128 : i32
        %mul3A_3144 = arith.muli %select_n3A_3142, %mul3A_3143 : i32
        %multiple_of3A_3145 = tpu.assume_multiple %mul3A_3144, 128 : i32
        %jit3A_3146 = arith.constant 128 : i32
        %div3A_3147 = arith.divsi %reduce_sum3A_3118, %jit3A_3146 : i32
        %sign3A_3148 = arith.constant 0 : i32
        %sign3A_3149 = arith.cmpi sgt, %reduce_sum3A_3118, %sign3A_3148 : i32
        %sign3A_3150 = arith.extui %sign3A_3149 : i1 to i32
        %sign3A_3151 = arith.constant 0 : i32
        %sign3A_3152 = arith.cmpi slt, %reduce_sum3A_3118, %sign3A_3151 : i32
        %sign3A_3153 = arith.extui %sign3A_3152 : i1 to i32
        %sign3A_3154 = arith.subi %sign3A_3150, %sign3A_3153 : i32
        %sign3A_3155 = arith.constant 0 : i32
        %sign3A_3156 = arith.cmpi sgt, %jit3A_3146, %sign3A_3155 : i32
        %sign3A_3157 = arith.extui %sign3A_3156 : i1 to i32
        %sign3A_3158 = arith.constant 0 : i32
        %sign3A_3159 = arith.cmpi slt, %jit3A_3146, %sign3A_3158 : i32
        %sign3A_3160 = arith.extui %sign3A_3159 : i1 to i32
        %sign3A_3161 = arith.subi %sign3A_3157, %sign3A_3160 : i32
        %ne3A_3162 = arith.cmpi ne, %sign3A_3154, %sign3A_3161 : i32
        %rem3A_3163 = arith.remsi %reduce_sum3A_3118, %jit3A_3146 : i32
        %ne3A_3164 = arith.constant 0 : i32
        %ne3A_3165 = arith.cmpi ne, %rem3A_3163, %ne3A_3164 : i32
        %and3A_3166 = arith.andi %ne3A_3162, %ne3A_3165 : i1
        %sub3A_3167 = arith.constant 1 : i32
        %sub3A_3168 = arith.subi %div3A_3147, %sub3A_3167 : i32
        %select_n3A_3169 = arith.select %and3A_3166, %sub3A_3168, %div3A_3147 : i32
        %mul3A_3170 = arith.constant 128 : i32
        %mul3A_3171 = arith.muli %select_n3A_3169, %mul3A_3170 : i32
        %multiple_of3A_3172 = tpu.assume_multiple %mul3A_3171, 128 : i32
        %dma_start3A_3173 = arith.constant 0 : i32
        %dma_start3A_3174 = arith.constant 6 : i32
        %dma_start3A_3175 = arith.constant 0 : i32
        %dma_start3A_3176 = arith.constant 0 : i32
        %dma_start3A_3177 = tpu.memref_slice %arg11[%dma_start3A_3173, %dma_start3A_3174, %dma_start3A_3175, %dma_start3A_3176] : memref<2x8x16x128xf32, #tpu.memory_space<vmem>> -> memref<1x1x16x128xf32, #tpu.memory_space<vmem>>
        %dma_start3A_3178 = tpu.memref_squeeze %dma_start3A_3177 : memref<1x1x16x128xf32, #tpu.memory_space<vmem>> -> memref<16x128xf32, #tpu.memory_space<vmem>>
        %dma_start3A_3179 = arith.constant 0 : i32
        %dma_start3A_3180 = tpu.memref_slice %arg4[%dma_start3A_3179, %multiple_of3A_3145] : memref<16x1000000xf32, #tpu.memory_space<hbm>> -> memref<16x128xf32, #tpu.memory_space<hbm>>
        %dma_start3A_3181 = arith.constant 0 : i32
        %dma_start3A_3182 = arith.constant 0 : i32
        %dma_start3A_3183 = tpu.memref_slice %arg11[%dma_start3A_3173, %dma_start3A_3174, %dma_start3A_3181, %dma_start3A_3182] : memref<2x8x16x128xf32, #tpu.memory_space<vmem>> -> memref<1x1x16x128xf32, #tpu.memory_space<vmem>>
        %dma_start3A_3184 = tpu.memref_squeeze %dma_start3A_3183 : memref<1x1x16x128xf32, #tpu.memory_space<vmem>> -> memref<16x128xf32, #tpu.memory_space<vmem>>
        %dma_start3A_3185 = arith.constant 0 : i32
        %dma_start3A_3186 = tpu.memref_slice %arg4[%dma_start3A_3185, %multiple_of3A_3145] : memref<16x1000000xf32, #tpu.memory_space<hbm>> -> memref<16x128xf32, #tpu.memory_space<hbm>>
        tpu.enqueue_dma source(%dma_start3A_3186 : memref<16x128xf32, #tpu.memory_space<hbm>>) target(%dma_start3A_3184 : memref<16x128xf32, #tpu.memory_space<vmem>>) target_semaphore(%arg16 : memref<!tpu.dma_semaphore, #tpu.memory_space<semaphore_mem>>)
        %dma_start3A_3187 = arith.constant 0 : i32
        %dma_start3A_3188 = arith.constant 6 : i32
        %dma_start3A_3189 = arith.constant 0 : i32
        %dma_start3A_3190 = arith.constant 0 : i32
        %dma_start3A_3191 = tpu.memref_slice %arg12[%dma_start3A_3187, %dma_start3A_3188, %dma_start3A_3189, %dma_start3A_3190] : memref<2x8x16x128xf32, #tpu.memory_space<vmem>> -> memref<1x1x16x128xf32, #tpu.memory_space<vmem>>
        %dma_start3A_3192 = tpu.memref_squeeze %dma_start3A_3191 : memref<1x1x16x128xf32, #tpu.memory_space<vmem>> -> memref<16x128xf32, #tpu.memory_space<vmem>>
        %dma_start3A_3193 = arith.constant 0 : i32
        %dma_start3A_3194 = tpu.memref_slice %arg5[%dma_start3A_3193, %multiple_of3A_3172] : memref<16x1000000xf32, #tpu.memory_space<hbm>> -> memref<16x128xf32, #tpu.memory_space<hbm>>
        %dma_start3A_3195 = arith.constant 0 : i32
        %dma_start3A_3196 = arith.constant 0 : i32
        %dma_start3A_3197 = tpu.memref_slice %arg12[%dma_start3A_3187, %dma_start3A_3188, %dma_start3A_3195, %dma_start3A_3196] : memref<2x8x16x128xf32, #tpu.memory_space<vmem>> -> memref<1x1x16x128xf32, #tpu.memory_space<vmem>>
        %dma_start3A_3198 = tpu.memref_squeeze %dma_start3A_3197 : memref<1x1x16x128xf32, #tpu.memory_space<vmem>> -> memref<16x128xf32, #tpu.memory_space<vmem>>
        %dma_start3A_3199 = arith.constant 0 : i32
        %dma_start3A_3200 = tpu.memref_slice %arg5[%dma_start3A_3199, %multiple_of3A_3172] : memref<16x1000000xf32, #tpu.memory_space<hbm>> -> memref<16x128xf32, #tpu.memory_space<hbm>>
        tpu.enqueue_dma source(%dma_start3A_3200 : memref<16x128xf32, #tpu.memory_space<hbm>>) target(%dma_start3A_3198 : memref<16x128xf32, #tpu.memory_space<vmem>>) target_semaphore(%arg16 : memref<!tpu.dma_semaphore, #tpu.memory_space<semaphore_mem>>)
        %select_n3A_3201 = arith.select %eq3A_26, %get3A_2550, %broadcast_in_dim3A_51 : vector<16xi1>, vector<16xi32>
        %reduce_sum3A_3202 = arith.constant true
        %reduce_sum3A_3203 = vector.broadcast %reduce_sum3A_3202 : i1 to vector<16xi1>
        %reduce_sum3A_3204 = tpu.scan <sum>, %select_n3A_3201 masked %reduce_sum3A_3203 : vector<16xi32>, vector<16xi1> -> vector<16xi32>
        %reduce_sum3A_3205 = vector.extract %reduce_sum3A_3204[15] : i32 from vector<16xi32>
        %select_n3A_3206 = arith.select %eq3A_26, %get3A_2556, %broadcast_in_dim3A_51 : vector<16xi1>, vector<16xi32>
        %reduce_sum3A_3207 = arith.constant true
        %reduce_sum3A_3208 = vector.broadcast %reduce_sum3A_3207 : i1 to vector<16xi1>
        %reduce_sum3A_3209 = tpu.scan <sum>, %select_n3A_3206 masked %reduce_sum3A_3208 : vector<16xi32>, vector<16xi1> -> vector<16xi32>
        %reduce_sum3A_3210 = vector.extract %reduce_sum3A_3209[15] : i32 from vector<16xi32>
        %jit3A_3211 = arith.constant 128 : i32
        %div3A_3212 = arith.divsi %reduce_sum3A_3205, %jit3A_3211 : i32
        %sign3A_3213 = arith.constant 0 : i32
        %sign3A_3214 = arith.cmpi sgt, %reduce_sum3A_3205, %sign3A_3213 : i32
        %sign3A_3215 = arith.extui %sign3A_3214 : i1 to i32
        %sign3A_3216 = arith.constant 0 : i32
        %sign3A_3217 = arith.cmpi slt, %reduce_sum3A_3205, %sign3A_3216 : i32
        %sign3A_3218 = arith.extui %sign3A_3217 : i1 to i32
        %sign3A_3219 = arith.subi %sign3A_3215, %sign3A_3218 : i32
        %sign3A_3220 = arith.constant 0 : i32
        %sign3A_3221 = arith.cmpi sgt, %jit3A_3211, %sign3A_3220 : i32
        %sign3A_3222 = arith.extui %sign3A_3221 : i1 to i32
        %sign3A_3223 = arith.constant 0 : i32
        %sign3A_3224 = arith.cmpi slt, %jit3A_3211, %sign3A_3223 : i32
        %sign3A_3225 = arith.extui %sign3A_3224 : i1 to i32
        %sign3A_3226 = arith.subi %sign3A_3222, %sign3A_3225 : i32
        %ne3A_3227 = arith.cmpi ne, %sign3A_3219, %sign3A_3226 : i32
        %rem3A_3228 = arith.remsi %reduce_sum3A_3205, %jit3A_3211 : i32
        %ne3A_3229 = arith.constant 0 : i32
        %ne3A_3230 = arith.cmpi ne, %rem3A_3228, %ne3A_3229 : i32
        %and3A_3231 = arith.andi %ne3A_3227, %ne3A_3230 : i1
        %sub3A_3232 = arith.constant 1 : i32
        %sub3A_3233 = arith.subi %div3A_3212, %sub3A_3232 : i32
        %select_n3A_3234 = arith.select %and3A_3231, %sub3A_3233, %div3A_3212 : i32
        %mul3A_3235 = arith.constant 128 : i32
        %mul3A_3236 = arith.muli %select_n3A_3234, %mul3A_3235 : i32
        %multiple_of3A_3237 = tpu.assume_multiple %mul3A_3236, 128 : i32
        %jit3A_3238 = arith.constant 128 : i32
        %div3A_3239 = arith.divsi %reduce_sum3A_3210, %jit3A_3238 : i32
        %sign3A_3240 = arith.constant 0 : i32
        %sign3A_3241 = arith.cmpi sgt, %reduce_sum3A_3210, %sign3A_3240 : i32
        %sign3A_3242 = arith.extui %sign3A_3241 : i1 to i32
        %sign3A_3243 = arith.constant 0 : i32
        %sign3A_3244 = arith.cmpi slt, %reduce_sum3A_3210, %sign3A_3243 : i32
        %sign3A_3245 = arith.extui %sign3A_3244 : i1 to i32
        %sign3A_3246 = arith.subi %sign3A_3242, %sign3A_3245 : i32
        %sign3A_3247 = arith.constant 0 : i32
        %sign3A_3248 = arith.cmpi sgt, %jit3A_3238, %sign3A_3247 : i32
        %sign3A_3249 = arith.extui %sign3A_3248 : i1 to i32
        %sign3A_3250 = arith.constant 0 : i32
        %sign3A_3251 = arith.cmpi slt, %jit3A_3238, %sign3A_3250 : i32
        %sign3A_3252 = arith.extui %sign3A_3251 : i1 to i32
        %sign3A_3253 = arith.subi %sign3A_3249, %sign3A_3252 : i32
        %ne3A_3254 = arith.cmpi ne, %sign3A_3246, %sign3A_3253 : i32
        %rem3A_3255 = arith.remsi %reduce_sum3A_3210, %jit3A_3238 : i32
        %ne3A_3256 = arith.constant 0 : i32
        %ne3A_3257 = arith.cmpi ne, %rem3A_3255, %ne3A_3256 : i32
        %and3A_3258 = arith.andi %ne3A_3254, %ne3A_3257 : i1
        %sub3A_3259 = arith.constant 1 : i32
        %sub3A_3260 = arith.subi %div3A_3239, %sub3A_3259 : i32
        %select_n3A_3261 = arith.select %and3A_3258, %sub3A_3260, %div3A_3239 : i32
        %mul3A_3262 = arith.constant 128 : i32
        %mul3A_3263 = arith.muli %select_n3A_3261, %mul3A_3262 : i32
        %multiple_of3A_3264 = tpu.assume_multiple %mul3A_3263, 128 : i32
        %dma_start3A_3265 = arith.constant 0 : i32
        %dma_start3A_3266 = arith.constant 7 : i32
        %dma_start3A_3267 = arith.constant 0 : i32
        %dma_start3A_3268 = arith.constant 0 : i32
        %dma_start3A_3269 = tpu.memref_slice %arg11[%dma_start3A_3265, %dma_start3A_3266, %dma_start3A_3267, %dma_start3A_3268] : memref<2x8x16x128xf32, #tpu.memory_space<vmem>> -> memref<1x1x16x128xf32, #tpu.memory_space<vmem>>
        %dma_start3A_3270 = tpu.memref_squeeze %dma_start3A_3269 : memref<1x1x16x128xf32, #tpu.memory_space<vmem>> -> memref<16x128xf32, #tpu.memory_space<vmem>>
        %dma_start3A_3271 = arith.constant 0 : i32
        %dma_start3A_3272 = tpu.memref_slice %arg4[%dma_start3A_3271, %multiple_of3A_3237] : memref<16x1000000xf32, #tpu.memory_space<hbm>> -> memref<16x128xf32, #tpu.memory_space<hbm>>
        %dma_start3A_3273 = arith.constant 0 : i32
        %dma_start3A_3274 = arith.constant 0 : i32
        %dma_start3A_3275 = tpu.memref_slice %arg11[%dma_start3A_3265, %dma_start3A_3266, %dma_start3A_3273, %dma_start3A_3274] : memref<2x8x16x128xf32, #tpu.memory_space<vmem>> -> memref<1x1x16x128xf32, #tpu.memory_space<vmem>>
        %dma_start3A_3276 = tpu.memref_squeeze %dma_start3A_3275 : memref<1x1x16x128xf32, #tpu.memory_space<vmem>> -> memref<16x128xf32, #tpu.memory_space<vmem>>
        %dma_start3A_3277 = arith.constant 0 : i32
        %dma_start3A_3278 = tpu.memref_slice %arg4[%dma_start3A_3277, %multiple_of3A_3237] : memref<16x1000000xf32, #tpu.memory_space<hbm>> -> memref<16x128xf32, #tpu.memory_space<hbm>>
        tpu.enqueue_dma source(%dma_start3A_3278 : memref<16x128xf32, #tpu.memory_space<hbm>>) target(%dma_start3A_3276 : memref<16x128xf32, #tpu.memory_space<vmem>>) target_semaphore(%arg16 : memref<!tpu.dma_semaphore, #tpu.memory_space<semaphore_mem>>)
        %dma_start3A_3279 = arith.constant 0 : i32
        %dma_start3A_3280 = arith.constant 7 : i32
        %dma_start3A_3281 = arith.constant 0 : i32
        %dma_start3A_3282 = arith.constant 0 : i32
        %dma_start3A_3283 = tpu.memref_slice %arg12[%dma_start3A_3279, %dma_start3A_3280, %dma_start3A_3281, %dma_start3A_3282] : memref<2x8x16x128xf32, #tpu.memory_space<vmem>> -> memref<1x1x16x128xf32, #tpu.memory_space<vmem>>
        %dma_start3A_3284 = tpu.memref_squeeze %dma_start3A_3283 : memref<1x1x16x128xf32, #tpu.memory_space<vmem>> -> memref<16x128xf32, #tpu.memory_space<vmem>>
        %dma_start3A_3285 = arith.constant 0 : i32
        %dma_start3A_3286 = tpu.memref_slice %arg5[%dma_start3A_3285, %multiple_of3A_3264] : memref<16x1000000xf32, #tpu.memory_space<hbm>> -> memref<16x128xf32, #tpu.memory_space<hbm>>
        %dma_start3A_3287 = arith.constant 0 : i32
        %dma_start3A_3288 = arith.constant 0 : i32
        %dma_start3A_3289 = tpu.memref_slice %arg12[%dma_start3A_3279, %dma_start3A_3280, %dma_start3A_3287, %dma_start3A_3288] : memref<2x8x16x128xf32, #tpu.memory_space<vmem>> -> memref<1x1x16x128xf32, #tpu.memory_space<vmem>>
        %dma_start3A_3290 = tpu.memref_squeeze %dma_start3A_3289 : memref<1x1x16x128xf32, #tpu.memory_space<vmem>> -> memref<16x128xf32, #tpu.memory_space<vmem>>
        %dma_start3A_3291 = arith.constant 0 : i32
        %dma_start3A_3292 = tpu.memref_slice %arg5[%dma_start3A_3291, %multiple_of3A_3264] : memref<16x1000000xf32, #tpu.memory_space<hbm>> -> memref<16x128xf32, #tpu.memory_space<hbm>>
        tpu.enqueue_dma source(%dma_start3A_3292 : memref<16x128xf32, #tpu.memory_space<hbm>>) target(%dma_start3A_3290 : memref<16x128xf32, #tpu.memory_space<vmem>>) target_semaphore(%arg16 : memref<!tpu.dma_semaphore, #tpu.memory_space<semaphore_mem>>)
      } else {
      }
      %dma_wait3A_2035 = arith.constant 0 : i32
      %dma_wait3A_2036 = arith.constant 0 : i32
      %dma_wait3A_2037 = arith.constant 0 : i32
      %dma_wait3A_2038 = arith.constant 0 : i32
      %dma_wait3A_2039 = tpu.memref_slice %arg11[%dma_wait3A_2035, %dma_wait3A_2036, %dma_wait3A_2037, %dma_wait3A_2038] : memref<2x8x16x128xf32, #tpu.memory_space<vmem>> -> memref<1x1x16x128xf32, #tpu.memory_space<vmem>>
      %dma_wait3A_2040 = tpu.memref_squeeze %dma_wait3A_2039 : memref<1x1x16x128xf32, #tpu.memory_space<vmem>> -> memref<16x128xf32, #tpu.memory_space<vmem>>
      %dma_wait3A_2041 = arith.constant 0 : i32
      %dma_wait3A_2042 = arith.constant 0 : i32
      %dma_wait3A_2043 = tpu.memref_slice %arg4[%dma_wait3A_2041, %dma_wait3A_2042] : memref<16x1000000xf32, #tpu.memory_space<hbm>> -> memref<16x128xf32, #tpu.memory_space<hbm>>
      %dma_wait3A_2044 = arith.constant 0 : i32
      %dma_wait3A_2045 = arith.constant 0 : i32
      %dma_wait3A_2046 = tpu.memref_slice %arg11[%dma_wait3A_2035, %dma_wait3A_2036, %dma_wait3A_2044, %dma_wait3A_2045] : memref<2x8x16x128xf32, #tpu.memory_space<vmem>> -> memref<1x1x16x128xf32, #tpu.memory_space<vmem>>
      %dma_wait3A_2047 = tpu.memref_squeeze %dma_wait3A_2046 : memref<1x1x16x128xf32, #tpu.memory_space<vmem>> -> memref<16x128xf32, #tpu.memory_space<vmem>>
      %dma_wait3A_2048 = arith.constant 0 : i32
      %dma_wait3A_2049 = arith.constant 0 : i32
      %dma_wait3A_2050 = tpu.memref_slice %arg4[%dma_wait3A_2048, %dma_wait3A_2049] : memref<16x1000000xf32, #tpu.memory_space<hbm>> -> memref<16x128xf32, #tpu.memory_space<hbm>>
      tpu.wait_dma2 semaphore(%arg16 : memref<!tpu.dma_semaphore, #tpu.memory_space<semaphore_mem>>) src(%dma_wait3A_2050 : memref<16x128xf32, #tpu.memory_space<hbm>>) dst(%dma_wait3A_2047 : memref<16x128xf32, #tpu.memory_space<vmem>>)
      %dma_wait3A_2051 = arith.constant 0 : i32
      %dma_wait3A_2052 = arith.constant 0 : i32
      %dma_wait3A_2053 = arith.constant 0 : i32
      %dma_wait3A_2054 = arith.constant 0 : i32
      %dma_wait3A_2055 = tpu.memref_slice %arg12[%dma_wait3A_2051, %dma_wait3A_2052, %dma_wait3A_2053, %dma_wait3A_2054] : memref<2x8x16x128xf32, #tpu.memory_space<vmem>> -> memref<1x1x16x128xf32, #tpu.memory_space<vmem>>
      %dma_wait3A_2056 = tpu.memref_squeeze %dma_wait3A_2055 : memref<1x1x16x128xf32, #tpu.memory_space<vmem>> -> memref<16x128xf32, #tpu.memory_space<vmem>>
      %dma_wait3A_2057 = arith.constant 0 : i32
      %dma_wait3A_2058 = arith.constant 0 : i32
      %dma_wait3A_2059 = tpu.memref_slice %arg5[%dma_wait3A_2057, %dma_wait3A_2058] : memref<16x1000000xf32, #tpu.memory_space<hbm>> -> memref<16x128xf32, #tpu.memory_space<hbm>>
      %dma_wait3A_2060 = arith.constant 0 : i32
      %dma_wait3A_2061 = arith.constant 0 : i32
      %dma_wait3A_2062 = tpu.memref_slice %arg12[%dma_wait3A_2051, %dma_wait3A_2052, %dma_wait3A_2060, %dma_wait3A_2061] : memref<2x8x16x128xf32, #tpu.memory_space<vmem>> -> memref<1x1x16x128xf32, #tpu.memory_space<vmem>>
      %dma_wait3A_2063 = tpu.memref_squeeze %dma_wait3A_2062 : memref<1x1x16x128xf32, #tpu.memory_space<vmem>> -> memref<16x128xf32, #tpu.memory_space<vmem>>
      %dma_wait3A_2064 = arith.constant 0 : i32
      %dma_wait3A_2065 = arith.constant 0 : i32
      %dma_wait3A_2066 = tpu.memref_slice %arg5[%dma_wait3A_2064, %dma_wait3A_2065] : memref<16x1000000xf32, #tpu.memory_space<hbm>> -> memref<16x128xf32, #tpu.memory_space<hbm>>
      tpu.wait_dma2 semaphore(%arg16 : memref<!tpu.dma_semaphore, #tpu.memory_space<semaphore_mem>>) src(%dma_wait3A_2066 : memref<16x128xf32, #tpu.memory_space<hbm>>) dst(%dma_wait3A_2063 : memref<16x128xf32, #tpu.memory_space<vmem>>)
      %dma_wait3A_2067 = arith.constant 0 : i32
      %dma_wait3A_2068 = arith.constant 1 : i32
      %dma_wait3A_2069 = arith.constant 0 : i32
      %dma_wait3A_2070 = arith.constant 0 : i32
      %dma_wait3A_2071 = tpu.memref_slice %arg11[%dma_wait3A_2067, %dma_wait3A_2068, %dma_wait3A_2069, %dma_wait3A_2070] : memref<2x8x16x128xf32, #tpu.memory_space<vmem>> -> memref<1x1x16x128xf32, #tpu.memory_space<vmem>>
      %dma_wait3A_2072 = tpu.memref_squeeze %dma_wait3A_2071 : memref<1x1x16x128xf32, #tpu.memory_space<vmem>> -> memref<16x128xf32, #tpu.memory_space<vmem>>
      %dma_wait3A_2073 = arith.constant 0 : i32
      %dma_wait3A_2074 = arith.constant 0 : i32
      %dma_wait3A_2075 = tpu.memref_slice %arg4[%dma_wait3A_2073, %dma_wait3A_2074] : memref<16x1000000xf32, #tpu.memory_space<hbm>> -> memref<16x128xf32, #tpu.memory_space<hbm>>
      %dma_wait3A_2076 = arith.constant 0 : i32
      %dma_wait3A_2077 = arith.constant 0 : i32
      %dma_wait3A_2078 = tpu.memref_slice %arg11[%dma_wait3A_2067, %dma_wait3A_2068, %dma_wait3A_2076, %dma_wait3A_2077] : memref<2x8x16x128xf32, #tpu.memory_space<vmem>> -> memref<1x1x16x128xf32, #tpu.memory_space<vmem>>
      %dma_wait3A_2079 = tpu.memref_squeeze %dma_wait3A_2078 : memref<1x1x16x128xf32, #tpu.memory_space<vmem>> -> memref<16x128xf32, #tpu.memory_space<vmem>>
      %dma_wait3A_2080 = arith.constant 0 : i32
      %dma_wait3A_2081 = arith.constant 0 : i32
      %dma_wait3A_2082 = tpu.memref_slice %arg4[%dma_wait3A_2080, %dma_wait3A_2081] : memref<16x1000000xf32, #tpu.memory_space<hbm>> -> memref<16x128xf32, #tpu.memory_space<hbm>>
      tpu.wait_dma2 semaphore(%arg16 : memref<!tpu.dma_semaphore, #tpu.memory_space<semaphore_mem>>) src(%dma_wait3A_2082 : memref<16x128xf32, #tpu.memory_space<hbm>>) dst(%dma_wait3A_2079 : memref<16x128xf32, #tpu.memory_space<vmem>>)
      %dma_wait3A_2083 = arith.constant 0 : i32
      %dma_wait3A_2084 = arith.constant 1 : i32
      %dma_wait3A_2085 = arith.constant 0 : i32
      %dma_wait3A_2086 = arith.constant 0 : i32
      %dma_wait3A_2087 = tpu.memref_slice %arg12[%dma_wait3A_2083, %dma_wait3A_2084, %dma_wait3A_2085, %dma_wait3A_2086] : memref<2x8x16x128xf32, #tpu.memory_space<vmem>> -> memref<1x1x16x128xf32, #tpu.memory_space<vmem>>
      %dma_wait3A_2088 = tpu.memref_squeeze %dma_wait3A_2087 : memref<1x1x16x128xf32, #tpu.memory_space<vmem>> -> memref<16x128xf32, #tpu.memory_space<vmem>>
      %dma_wait3A_2089 = arith.constant 0 : i32
      %dma_wait3A_2090 = arith.constant 0 : i32
      %dma_wait3A_2091 = tpu.memref_slice %arg5[%dma_wait3A_2089, %dma_wait3A_2090] : memref<16x1000000xf32, #tpu.memory_space<hbm>> -> memref<16x128xf32, #tpu.memory_space<hbm>>
      %dma_wait3A_2092 = arith.constant 0 : i32
      %dma_wait3A_2093 = arith.constant 0 : i32
      %dma_wait3A_2094 = tpu.memref_slice %arg12[%dma_wait3A_2083, %dma_wait3A_2084, %dma_wait3A_2092, %dma_wait3A_2093] : memref<2x8x16x128xf32, #tpu.memory_space<vmem>> -> memref<1x1x16x128xf32, #tpu.memory_space<vmem>>
      %dma_wait3A_2095 = tpu.memref_squeeze %dma_wait3A_2094 : memref<1x1x16x128xf32, #tpu.memory_space<vmem>> -> memref<16x128xf32, #tpu.memory_space<vmem>>
      %dma_wait3A_2096 = arith.constant 0 : i32
      %dma_wait3A_2097 = arith.constant 0 : i32
      %dma_wait3A_2098 = tpu.memref_slice %arg5[%dma_wait3A_2096, %dma_wait3A_2097] : memref<16x1000000xf32, #tpu.memory_space<hbm>> -> memref<16x128xf32, #tpu.memory_space<hbm>>
      tpu.wait_dma2 semaphore(%arg16 : memref<!tpu.dma_semaphore, #tpu.memory_space<semaphore_mem>>) src(%dma_wait3A_2098 : memref<16x128xf32, #tpu.memory_space<hbm>>) dst(%dma_wait3A_2095 : memref<16x128xf32, #tpu.memory_space<vmem>>)
      %dma_wait3A_2099 = arith.constant 0 : i32
      %dma_wait3A_2100 = arith.constant 2 : i32
      %dma_wait3A_2101 = arith.constant 0 : i32
      %dma_wait3A_2102 = arith.constant 0 : i32
      %dma_wait3A_2103 = tpu.memref_slice %arg11[%dma_wait3A_2099, %dma_wait3A_2100, %dma_wait3A_2101, %dma_wait3A_2102] : memref<2x8x16x128xf32, #tpu.memory_space<vmem>> -> memref<1x1x16x128xf32, #tpu.memory_space<vmem>>
      %dma_wait3A_2104 = tpu.memref_squeeze %dma_wait3A_2103 : memref<1x1x16x128xf32, #tpu.memory_space<vmem>> -> memref<16x128xf32, #tpu.memory_space<vmem>>
      %dma_wait3A_2105 = arith.constant 0 : i32
      %dma_wait3A_2106 = arith.constant 0 : i32
      %dma_wait3A_2107 = tpu.memref_slice %arg4[%dma_wait3A_2105, %dma_wait3A_2106] : memref<16x1000000xf32, #tpu.memory_space<hbm>> -> memref<16x128xf32, #tpu.memory_space<hbm>>
      %dma_wait3A_2108 = arith.constant 0 : i32
      %dma_wait3A_2109 = arith.constant 0 : i32
      %dma_wait3A_2110 = tpu.memref_slice %arg11[%dma_wait3A_2099, %dma_wait3A_2100, %dma_wait3A_2108, %dma_wait3A_2109] : memref<2x8x16x128xf32, #tpu.memory_space<vmem>> -> memref<1x1x16x128xf32, #tpu.memory_space<vmem>>
      %dma_wait3A_2111 = tpu.memref_squeeze %dma_wait3A_2110 : memref<1x1x16x128xf32, #tpu.memory_space<vmem>> -> memref<16x128xf32, #tpu.memory_space<vmem>>
      %dma_wait3A_2112 = arith.constant 0 : i32
      %dma_wait3A_2113 = arith.constant 0 : i32
      %dma_wait3A_2114 = tpu.memref_slice %arg4[%dma_wait3A_2112, %dma_wait3A_2113] : memref<16x1000000xf32, #tpu.memory_space<hbm>> -> memref<16x128xf32, #tpu.memory_space<hbm>>
      tpu.wait_dma2 semaphore(%arg16 : memref<!tpu.dma_semaphore, #tpu.memory_space<semaphore_mem>>) src(%dma_wait3A_2114 : memref<16x128xf32, #tpu.memory_space<hbm>>) dst(%dma_wait3A_2111 : memref<16x128xf32, #tpu.memory_space<vmem>>)
      %dma_wait3A_2115 = arith.constant 0 : i32
      %dma_wait3A_2116 = arith.constant 2 : i32
      %dma_wait3A_2117 = arith.constant 0 : i32
      %dma_wait3A_2118 = arith.constant 0 : i32
      %dma_wait3A_2119 = tpu.memref_slice %arg12[%dma_wait3A_2115, %dma_wait3A_2116, %dma_wait3A_2117, %dma_wait3A_2118] : memref<2x8x16x128xf32, #tpu.memory_space<vmem>> -> memref<1x1x16x128xf32, #tpu.memory_space<vmem>>
      %dma_wait3A_2120 = tpu.memref_squeeze %dma_wait3A_2119 : memref<1x1x16x128xf32, #tpu.memory_space<vmem>> -> memref<16x128xf32, #tpu.memory_space<vmem>>
      %dma_wait3A_2121 = arith.constant 0 : i32
      %dma_wait3A_2122 = arith.constant 0 : i32
      %dma_wait3A_2123 = tpu.memref_slice %arg5[%dma_wait3A_2121, %dma_wait3A_2122] : memref<16x1000000xf32, #tpu.memory_space<hbm>> -> memref<16x128xf32, #tpu.memory_space<hbm>>
      %dma_wait3A_2124 = arith.constant 0 : i32
      %dma_wait3A_2125 = arith.constant 0 : i32
      %dma_wait3A_2126 = tpu.memref_slice %arg12[%dma_wait3A_2115, %dma_wait3A_2116, %dma_wait3A_2124, %dma_wait3A_2125] : memref<2x8x16x128xf32, #tpu.memory_space<vmem>> -> memref<1x1x16x128xf32, #tpu.memory_space<vmem>>
      %dma_wait3A_2127 = tpu.memref_squeeze %dma_wait3A_2126 : memref<1x1x16x128xf32, #tpu.memory_space<vmem>> -> memref<16x128xf32, #tpu.memory_space<vmem>>
      %dma_wait3A_2128 = arith.constant 0 : i32
      %dma_wait3A_2129 = arith.constant 0 : i32
      %dma_wait3A_2130 = tpu.memref_slice %arg5[%dma_wait3A_2128, %dma_wait3A_2129] : memref<16x1000000xf32, #tpu.memory_space<hbm>> -> memref<16x128xf32, #tpu.memory_space<hbm>>
      tpu.wait_dma2 semaphore(%arg16 : memref<!tpu.dma_semaphore, #tpu.memory_space<semaphore_mem>>) src(%dma_wait3A_2130 : memref<16x128xf32, #tpu.memory_space<hbm>>) dst(%dma_wait3A_2127 : memref<16x128xf32, #tpu.memory_space<vmem>>)
      %dma_wait3A_2131 = arith.constant 0 : i32
      %dma_wait3A_2132 = arith.constant 3 : i32
      %dma_wait3A_2133 = arith.constant 0 : i32
      %dma_wait3A_2134 = arith.constant 0 : i32
      %dma_wait3A_2135 = tpu.memref_slice %arg11[%dma_wait3A_2131, %dma_wait3A_2132, %dma_wait3A_2133, %dma_wait3A_2134] : memref<2x8x16x128xf32, #tpu.memory_space<vmem>> -> memref<1x1x16x128xf32, #tpu.memory_space<vmem>>
      %dma_wait3A_2136 = tpu.memref_squeeze %dma_wait3A_2135 : memref<1x1x16x128xf32, #tpu.memory_space<vmem>> -> memref<16x128xf32, #tpu.memory_space<vmem>>
      %dma_wait3A_2137 = arith.constant 0 : i32
      %dma_wait3A_2138 = arith.constant 0 : i32
      %dma_wait3A_2139 = tpu.memref_slice %arg4[%dma_wait3A_2137, %dma_wait3A_2138] : memref<16x1000000xf32, #tpu.memory_space<hbm>> -> memref<16x128xf32, #tpu.memory_space<hbm>>
      %dma_wait3A_2140 = arith.constant 0 : i32
      %dma_wait3A_2141 = arith.constant 0 : i32
      %dma_wait3A_2142 = tpu.memref_slice %arg11[%dma_wait3A_2131, %dma_wait3A_2132, %dma_wait3A_2140, %dma_wait3A_2141] : memref<2x8x16x128xf32, #tpu.memory_space<vmem>> -> memref<1x1x16x128xf32, #tpu.memory_space<vmem>>
      %dma_wait3A_2143 = tpu.memref_squeeze %dma_wait3A_2142 : memref<1x1x16x128xf32, #tpu.memory_space<vmem>> -> memref<16x128xf32, #tpu.memory_space<vmem>>
      %dma_wait3A_2144 = arith.constant 0 : i32
      %dma_wait3A_2145 = arith.constant 0 : i32
      %dma_wait3A_2146 = tpu.memref_slice %arg4[%dma_wait3A_2144, %dma_wait3A_2145] : memref<16x1000000xf32, #tpu.memory_space<hbm>> -> memref<16x128xf32, #tpu.memory_space<hbm>>
      tpu.wait_dma2 semaphore(%arg16 : memref<!tpu.dma_semaphore, #tpu.memory_space<semaphore_mem>>) src(%dma_wait3A_2146 : memref<16x128xf32, #tpu.memory_space<hbm>>) dst(%dma_wait3A_2143 : memref<16x128xf32, #tpu.memory_space<vmem>>)
      %dma_wait3A_2147 = arith.constant 0 : i32
      %dma_wait3A_2148 = arith.constant 3 : i32
      %dma_wait3A_2149 = arith.constant 0 : i32
      %dma_wait3A_2150 = arith.constant 0 : i32
      %dma_wait3A_2151 = tpu.memref_slice %arg12[%dma_wait3A_2147, %dma_wait3A_2148, %dma_wait3A_2149, %dma_wait3A_2150] : memref<2x8x16x128xf32, #tpu.memory_space<vmem>> -> memref<1x1x16x128xf32, #tpu.memory_space<vmem>>
      %dma_wait3A_2152 = tpu.memref_squeeze %dma_wait3A_2151 : memref<1x1x16x128xf32, #tpu.memory_space<vmem>> -> memref<16x128xf32, #tpu.memory_space<vmem>>
      %dma_wait3A_2153 = arith.constant 0 : i32
      %dma_wait3A_2154 = arith.constant 0 : i32
      %dma_wait3A_2155 = tpu.memref_slice %arg5[%dma_wait3A_2153, %dma_wait3A_2154] : memref<16x1000000xf32, #tpu.memory_space<hbm>> -> memref<16x128xf32, #tpu.memory_space<hbm>>
      %dma_wait3A_2156 = arith.constant 0 : i32
      %dma_wait3A_2157 = arith.constant 0 : i32
      %dma_wait3A_2158 = tpu.memref_slice %arg12[%dma_wait3A_2147, %dma_wait3A_2148, %dma_wait3A_2156, %dma_wait3A_2157] : memref<2x8x16x128xf32, #tpu.memory_space<vmem>> -> memref<1x1x16x128xf32, #tpu.memory_space<vmem>>
      %dma_wait3A_2159 = tpu.memref_squeeze %dma_wait3A_2158 : memref<1x1x16x128xf32, #tpu.memory_space<vmem>> -> memref<16x128xf32, #tpu.memory_space<vmem>>
      %dma_wait3A_2160 = arith.constant 0 : i32
      %dma_wait3A_2161 = arith.constant 0 : i32
      %dma_wait3A_2162 = tpu.memref_slice %arg5[%dma_wait3A_2160, %dma_wait3A_2161] : memref<16x1000000xf32, #tpu.memory_space<hbm>> -> memref<16x128xf32, #tpu.memory_space<hbm>>
      tpu.wait_dma2 semaphore(%arg16 : memref<!tpu.dma_semaphore, #tpu.memory_space<semaphore_mem>>) src(%dma_wait3A_2162 : memref<16x128xf32, #tpu.memory_space<hbm>>) dst(%dma_wait3A_2159 : memref<16x128xf32, #tpu.memory_space<vmem>>)
      %dma_wait3A_2163 = arith.constant 0 : i32
      %dma_wait3A_2164 = arith.constant 4 : i32
      %dma_wait3A_2165 = arith.constant 0 : i32
      %dma_wait3A_2166 = arith.constant 0 : i32
      %dma_wait3A_2167 = tpu.memref_slice %arg11[%dma_wait3A_2163, %dma_wait3A_2164, %dma_wait3A_2165, %dma_wait3A_2166] : memref<2x8x16x128xf32, #tpu.memory_space<vmem>> -> memref<1x1x16x128xf32, #tpu.memory_space<vmem>>
      %dma_wait3A_2168 = tpu.memref_squeeze %dma_wait3A_2167 : memref<1x1x16x128xf32, #tpu.memory_space<vmem>> -> memref<16x128xf32, #tpu.memory_space<vmem>>
      %dma_wait3A_2169 = arith.constant 0 : i32
      %dma_wait3A_2170 = arith.constant 0 : i32
      %dma_wait3A_2171 = tpu.memref_slice %arg4[%dma_wait3A_2169, %dma_wait3A_2170] : memref<16x1000000xf32, #tpu.memory_space<hbm>> -> memref<16x128xf32, #tpu.memory_space<hbm>>
      %dma_wait3A_2172 = arith.constant 0 : i32
      %dma_wait3A_2173 = arith.constant 0 : i32
      %dma_wait3A_2174 = tpu.memref_slice %arg11[%dma_wait3A_2163, %dma_wait3A_2164, %dma_wait3A_2172, %dma_wait3A_2173] : memref<2x8x16x128xf32, #tpu.memory_space<vmem>> -> memref<1x1x16x128xf32, #tpu.memory_space<vmem>>
      %dma_wait3A_2175 = tpu.memref_squeeze %dma_wait3A_2174 : memref<1x1x16x128xf32, #tpu.memory_space<vmem>> -> memref<16x128xf32, #tpu.memory_space<vmem>>
      %dma_wait3A_2176 = arith.constant 0 : i32
      %dma_wait3A_2177 = arith.constant 0 : i32
      %dma_wait3A_2178 = tpu.memref_slice %arg4[%dma_wait3A_2176, %dma_wait3A_2177] : memref<16x1000000xf32, #tpu.memory_space<hbm>> -> memref<16x128xf32, #tpu.memory_space<hbm>>
      tpu.wait_dma2 semaphore(%arg16 : memref<!tpu.dma_semaphore, #tpu.memory_space<semaphore_mem>>) src(%dma_wait3A_2178 : memref<16x128xf32, #tpu.memory_space<hbm>>) dst(%dma_wait3A_2175 : memref<16x128xf32, #tpu.memory_space<vmem>>)
      %dma_wait3A_2179 = arith.constant 0 : i32
      %dma_wait3A_2180 = arith.constant 4 : i32
      %dma_wait3A_2181 = arith.constant 0 : i32
      %dma_wait3A_2182 = arith.constant 0 : i32
      %dma_wait3A_2183 = tpu.memref_slice %arg12[%dma_wait3A_2179, %dma_wait3A_2180, %dma_wait3A_2181, %dma_wait3A_2182] : memref<2x8x16x128xf32, #tpu.memory_space<vmem>> -> memref<1x1x16x128xf32, #tpu.memory_space<vmem>>
      %dma_wait3A_2184 = tpu.memref_squeeze %dma_wait3A_2183 : memref<1x1x16x128xf32, #tpu.memory_space<vmem>> -> memref<16x128xf32, #tpu.memory_space<vmem>>
      %dma_wait3A_2185 = arith.constant 0 : i32
      %dma_wait3A_2186 = arith.constant 0 : i32
      %dma_wait3A_2187 = tpu.memref_slice %arg5[%dma_wait3A_2185, %dma_wait3A_2186] : memref<16x1000000xf32, #tpu.memory_space<hbm>> -> memref<16x128xf32, #tpu.memory_space<hbm>>
      %dma_wait3A_2188 = arith.constant 0 : i32
      %dma_wait3A_2189 = arith.constant 0 : i32
      %dma_wait3A_2190 = tpu.memref_slice %arg12[%dma_wait3A_2179, %dma_wait3A_2180, %dma_wait3A_2188, %dma_wait3A_2189] : memref<2x8x16x128xf32, #tpu.memory_space<vmem>> -> memref<1x1x16x128xf32, #tpu.memory_space<vmem>>
      %dma_wait3A_2191 = tpu.memref_squeeze %dma_wait3A_2190 : memref<1x1x16x128xf32, #tpu.memory_space<vmem>> -> memref<16x128xf32, #tpu.memory_space<vmem>>
      %dma_wait3A_2192 = arith.constant 0 : i32
      %dma_wait3A_2193 = arith.constant 0 : i32
      %dma_wait3A_2194 = tpu.memref_slice %arg5[%dma_wait3A_2192, %dma_wait3A_2193] : memref<16x1000000xf32, #tpu.memory_space<hbm>> -> memref<16x128xf32, #tpu.memory_space<hbm>>
      tpu.wait_dma2 semaphore(%arg16 : memref<!tpu.dma_semaphore, #tpu.memory_space<semaphore_mem>>) src(%dma_wait3A_2194 : memref<16x128xf32, #tpu.memory_space<hbm>>) dst(%dma_wait3A_2191 : memref<16x128xf32, #tpu.memory_space<vmem>>)
      %dma_wait3A_2195 = arith.constant 0 : i32
      %dma_wait3A_2196 = arith.constant 5 : i32
      %dma_wait3A_2197 = arith.constant 0 : i32
      %dma_wait3A_2198 = arith.constant 0 : i32
      %dma_wait3A_2199 = tpu.memref_slice %arg11[%dma_wait3A_2195, %dma_wait3A_2196, %dma_wait3A_2197, %dma_wait3A_2198] : memref<2x8x16x128xf32, #tpu.memory_space<vmem>> -> memref<1x1x16x128xf32, #tpu.memory_space<vmem>>
      %dma_wait3A_2200 = tpu.memref_squeeze %dma_wait3A_2199 : memref<1x1x16x128xf32, #tpu.memory_space<vmem>> -> memref<16x128xf32, #tpu.memory_space<vmem>>
      %dma_wait3A_2201 = arith.constant 0 : i32
      %dma_wait3A_2202 = arith.constant 0 : i32
      %dma_wait3A_2203 = tpu.memref_slice %arg4[%dma_wait3A_2201, %dma_wait3A_2202] : memref<16x1000000xf32, #tpu.memory_space<hbm>> -> memref<16x128xf32, #tpu.memory_space<hbm>>
      %dma_wait3A_2204 = arith.constant 0 : i32
      %dma_wait3A_2205 = arith.constant 0 : i32
      %dma_wait3A_2206 = tpu.memref_slice %arg11[%dma_wait3A_2195, %dma_wait3A_2196, %dma_wait3A_2204, %dma_wait3A_2205] : memref<2x8x16x128xf32, #tpu.memory_space<vmem>> -> memref<1x1x16x128xf32, #tpu.memory_space<vmem>>
      %dma_wait3A_2207 = tpu.memref_squeeze %dma_wait3A_2206 : memref<1x1x16x128xf32, #tpu.memory_space<vmem>> -> memref<16x128xf32, #tpu.memory_space<vmem>>
      %dma_wait3A_2208 = arith.constant 0 : i32
      %dma_wait3A_2209 = arith.constant 0 : i32
      %dma_wait3A_2210 = tpu.memref_slice %arg4[%dma_wait3A_2208, %dma_wait3A_2209] : memref<16x1000000xf32, #tpu.memory_space<hbm>> -> memref<16x128xf32, #tpu.memory_space<hbm>>
      tpu.wait_dma2 semaphore(%arg16 : memref<!tpu.dma_semaphore, #tpu.memory_space<semaphore_mem>>) src(%dma_wait3A_2210 : memref<16x128xf32, #tpu.memory_space<hbm>>) dst(%dma_wait3A_2207 : memref<16x128xf32, #tpu.memory_space<vmem>>)
      %dma_wait3A_2211 = arith.constant 0 : i32
      %dma_wait3A_2212 = arith.constant 5 : i32
      %dma_wait3A_2213 = arith.constant 0 : i32
      %dma_wait3A_2214 = arith.constant 0 : i32
      %dma_wait3A_2215 = tpu.memref_slice %arg12[%dma_wait3A_2211, %dma_wait3A_2212, %dma_wait3A_2213, %dma_wait3A_2214] : memref<2x8x16x128xf32, #tpu.memory_space<vmem>> -> memref<1x1x16x128xf32, #tpu.memory_space<vmem>>
      %dma_wait3A_2216 = tpu.memref_squeeze %dma_wait3A_2215 : memref<1x1x16x128xf32, #tpu.memory_space<vmem>> -> memref<16x128xf32, #tpu.memory_space<vmem>>
      %dma_wait3A_2217 = arith.constant 0 : i32
      %dma_wait3A_2218 = arith.constant 0 : i32
      %dma_wait3A_2219 = tpu.memref_slice %arg5[%dma_wait3A_2217, %dma_wait3A_2218] : memref<16x1000000xf32, #tpu.memory_space<hbm>> -> memref<16x128xf32, #tpu.memory_space<hbm>>
      %dma_wait3A_2220 = arith.constant 0 : i32
      %dma_wait3A_2221 = arith.constant 0 : i32
      %dma_wait3A_2222 = tpu.memref_slice %arg12[%dma_wait3A_2211, %dma_wait3A_2212, %dma_wait3A_2220, %dma_wait3A_2221] : memref<2x8x16x128xf32, #tpu.memory_space<vmem>> -> memref<1x1x16x128xf32, #tpu.memory_space<vmem>>
      %dma_wait3A_2223 = tpu.memref_squeeze %dma_wait3A_2222 : memref<1x1x16x128xf32, #tpu.memory_space<vmem>> -> memref<16x128xf32, #tpu.memory_space<vmem>>
      %dma_wait3A_2224 = arith.constant 0 : i32
      %dma_wait3A_2225 = arith.constant 0 : i32
      %dma_wait3A_2226 = tpu.memref_slice %arg5[%dma_wait3A_2224, %dma_wait3A_2225] : memref<16x1000000xf32, #tpu.memory_space<hbm>> -> memref<16x128xf32, #tpu.memory_space<hbm>>
      tpu.wait_dma2 semaphore(%arg16 : memref<!tpu.dma_semaphore, #tpu.memory_space<semaphore_mem>>) src(%dma_wait3A_2226 : memref<16x128xf32, #tpu.memory_space<hbm>>) dst(%dma_wait3A_2223 : memref<16x128xf32, #tpu.memory_space<vmem>>)
      %dma_wait3A_2227 = arith.constant 0 : i32
      %dma_wait3A_2228 = arith.constant 6 : i32
      %dma_wait3A_2229 = arith.constant 0 : i32
      %dma_wait3A_2230 = arith.constant 0 : i32
      %dma_wait3A_2231 = tpu.memref_slice %arg11[%dma_wait3A_2227, %dma_wait3A_2228, %dma_wait3A_2229, %dma_wait3A_2230] : memref<2x8x16x128xf32, #tpu.memory_space<vmem>> -> memref<1x1x16x128xf32, #tpu.memory_space<vmem>>
      %dma_wait3A_2232 = tpu.memref_squeeze %dma_wait3A_2231 : memref<1x1x16x128xf32, #tpu.memory_space<vmem>> -> memref<16x128xf32, #tpu.memory_space<vmem>>
      %dma_wait3A_2233 = arith.constant 0 : i32
      %dma_wait3A_2234 = arith.constant 0 : i32
      %dma_wait3A_2235 = tpu.memref_slice %arg4[%dma_wait3A_2233, %dma_wait3A_2234] : memref<16x1000000xf32, #tpu.memory_space<hbm>> -> memref<16x128xf32, #tpu.memory_space<hbm>>
      %dma_wait3A_2236 = arith.constant 0 : i32
      %dma_wait3A_2237 = arith.constant 0 : i32
      %dma_wait3A_2238 = tpu.memref_slice %arg11[%dma_wait3A_2227, %dma_wait3A_2228, %dma_wait3A_2236, %dma_wait3A_2237] : memref<2x8x16x128xf32, #tpu.memory_space<vmem>> -> memref<1x1x16x128xf32, #tpu.memory_space<vmem>>
      %dma_wait3A_2239 = tpu.memref_squeeze %dma_wait3A_2238 : memref<1x1x16x128xf32, #tpu.memory_space<vmem>> -> memref<16x128xf32, #tpu.memory_space<vmem>>
      %dma_wait3A_2240 = arith.constant 0 : i32
      %dma_wait3A_2241 = arith.constant 0 : i32
      %dma_wait3A_2242 = tpu.memref_slice %arg4[%dma_wait3A_2240, %dma_wait3A_2241] : memref<16x1000000xf32, #tpu.memory_space<hbm>> -> memref<16x128xf32, #tpu.memory_space<hbm>>
      tpu.wait_dma2 semaphore(%arg16 : memref<!tpu.dma_semaphore, #tpu.memory_space<semaphore_mem>>) src(%dma_wait3A_2242 : memref<16x128xf32, #tpu.memory_space<hbm>>) dst(%dma_wait3A_2239 : memref<16x128xf32, #tpu.memory_space<vmem>>)
      %dma_wait3A_2243 = arith.constant 0 : i32
      %dma_wait3A_2244 = arith.constant 6 : i32
      %dma_wait3A_2245 = arith.constant 0 : i32
      %dma_wait3A_2246 = arith.constant 0 : i32
      %dma_wait3A_2247 = tpu.memref_slice %arg12[%dma_wait3A_2243, %dma_wait3A_2244, %dma_wait3A_2245, %dma_wait3A_2246] : memref<2x8x16x128xf32, #tpu.memory_space<vmem>> -> memref<1x1x16x128xf32, #tpu.memory_space<vmem>>
      %dma_wait3A_2248 = tpu.memref_squeeze %dma_wait3A_2247 : memref<1x1x16x128xf32, #tpu.memory_space<vmem>> -> memref<16x128xf32, #tpu.memory_space<vmem>>
      %dma_wait3A_2249 = arith.constant 0 : i32
      %dma_wait3A_2250 = arith.constant 0 : i32
      %dma_wait3A_2251 = tpu.memref_slice %arg5[%dma_wait3A_2249, %dma_wait3A_2250] : memref<16x1000000xf32, #tpu.memory_space<hbm>> -> memref<16x128xf32, #tpu.memory_space<hbm>>
      %dma_wait3A_2252 = arith.constant 0 : i32
      %dma_wait3A_2253 = arith.constant 0 : i32
      %dma_wait3A_2254 = tpu.memref_slice %arg12[%dma_wait3A_2243, %dma_wait3A_2244, %dma_wait3A_2252, %dma_wait3A_2253] : memref<2x8x16x128xf32, #tpu.memory_space<vmem>> -> memref<1x1x16x128xf32, #tpu.memory_space<vmem>>
      %dma_wait3A_2255 = tpu.memref_squeeze %dma_wait3A_2254 : memref<1x1x16x128xf32, #tpu.memory_space<vmem>> -> memref<16x128xf32, #tpu.memory_space<vmem>>
      %dma_wait3A_2256 = arith.constant 0 : i32
      %dma_wait3A_2257 = arith.constant 0 : i32
      %dma_wait3A_2258 = tpu.memref_slice %arg5[%dma_wait3A_2256, %dma_wait3A_2257] : memref<16x1000000xf32, #tpu.memory_space<hbm>> -> memref<16x128xf32, #tpu.memory_space<hbm>>
      tpu.wait_dma2 semaphore(%arg16 : memref<!tpu.dma_semaphore, #tpu.memory_space<semaphore_mem>>) src(%dma_wait3A_2258 : memref<16x128xf32, #tpu.memory_space<hbm>>) dst(%dma_wait3A_2255 : memref<16x128xf32, #tpu.memory_space<vmem>>)
      %dma_wait3A_2259 = arith.constant 0 : i32
      %dma_wait3A_2260 = arith.constant 7 : i32
      %dma_wait3A_2261 = arith.constant 0 : i32
      %dma_wait3A_2262 = arith.constant 0 : i32
      %dma_wait3A_2263 = tpu.memref_slice %arg11[%dma_wait3A_2259, %dma_wait3A_2260, %dma_wait3A_2261, %dma_wait3A_2262] : memref<2x8x16x128xf32, #tpu.memory_space<vmem>> -> memref<1x1x16x128xf32, #tpu.memory_space<vmem>>
      %dma_wait3A_2264 = tpu.memref_squeeze %dma_wait3A_2263 : memref<1x1x16x128xf32, #tpu.memory_space<vmem>> -> memref<16x128xf32, #tpu.memory_space<vmem>>
      %dma_wait3A_2265 = arith.constant 0 : i32
      %dma_wait3A_2266 = arith.constant 0 : i32
      %dma_wait3A_2267 = tpu.memref_slice %arg4[%dma_wait3A_2265, %dma_wait3A_2266] : memref<16x1000000xf32, #tpu.memory_space<hbm>> -> memref<16x128xf32, #tpu.memory_space<hbm>>
      %dma_wait3A_2268 = arith.constant 0 : i32
      %dma_wait3A_2269 = arith.constant 0 : i32
      %dma_wait3A_2270 = tpu.memref_slice %arg11[%dma_wait3A_2259, %dma_wait3A_2260, %dma_wait3A_2268, %dma_wait3A_2269] : memref<2x8x16x128xf32, #tpu.memory_space<vmem>> -> memref<1x1x16x128xf32, #tpu.memory_space<vmem>>
      %dma_wait3A_2271 = tpu.memref_squeeze %dma_wait3A_2270 : memref<1x1x16x128xf32, #tpu.memory_space<vmem>> -> memref<16x128xf32, #tpu.memory_space<vmem>>
      %dma_wait3A_2272 = arith.constant 0 : i32
      %dma_wait3A_2273 = arith.constant 0 : i32
      %dma_wait3A_2274 = tpu.memref_slice %arg4[%dma_wait3A_2272, %dma_wait3A_2273] : memref<16x1000000xf32, #tpu.memory_space<hbm>> -> memref<16x128xf32, #tpu.memory_space<hbm>>
      tpu.wait_dma2 semaphore(%arg16 : memref<!tpu.dma_semaphore, #tpu.memory_space<semaphore_mem>>) src(%dma_wait3A_2274 : memref<16x128xf32, #tpu.memory_space<hbm>>) dst(%dma_wait3A_2271 : memref<16x128xf32, #tpu.memory_space<vmem>>)
      %dma_wait3A_2275 = arith.constant 0 : i32
      %dma_wait3A_2276 = arith.constant 7 : i32
      %dma_wait3A_2277 = arith.constant 0 : i32
      %dma_wait3A_2278 = arith.constant 0 : i32
      %dma_wait3A_2279 = tpu.memref_slice %arg12[%dma_wait3A_2275, %dma_wait3A_2276, %dma_wait3A_2277, %dma_wait3A_2278] : memref<2x8x16x128xf32, #tpu.memory_space<vmem>> -> memref<1x1x16x128xf32, #tpu.memory_space<vmem>>
      %dma_wait3A_2280 = tpu.memref_squeeze %dma_wait3A_2279 : memref<1x1x16x128xf32, #tpu.memory_space<vmem>> -> memref<16x128xf32, #tpu.memory_space<vmem>>
      %dma_wait3A_2281 = arith.constant 0 : i32
      %dma_wait3A_2282 = arith.constant 0 : i32
      %dma_wait3A_2283 = tpu.memref_slice %arg5[%dma_wait3A_2281, %dma_wait3A_2282] : memref<16x1000000xf32, #tpu.memory_space<hbm>> -> memref<16x128xf32, #tpu.memory_space<hbm>>
      %dma_wait3A_2284 = arith.constant 0 : i32
      %dma_wait3A_2285 = arith.constant 0 : i32
      %dma_wait3A_2286 = tpu.memref_slice %arg12[%dma_wait3A_2275, %dma_wait3A_2276, %dma_wait3A_2284, %dma_wait3A_2285] : memref<2x8x16x128xf32, #tpu.memory_space<vmem>> -> memref<1x1x16x128xf32, #tpu.memory_space<vmem>>
      %dma_wait3A_2287 = tpu.memref_squeeze %dma_wait3A_2286 : memref<1x1x16x128xf32, #tpu.memory_space<vmem>> -> memref<16x128xf32, #tpu.memory_space<vmem>>
      %dma_wait3A_2288 = arith.constant 0 : i32
      %dma_wait3A_2289 = arith.constant 0 : i32
      %dma_wait3A_2290 = tpu.memref_slice %arg5[%dma_wait3A_2288, %dma_wait3A_2289] : memref<16x1000000xf32, #tpu.memory_space<hbm>> -> memref<16x128xf32, #tpu.memory_space<hbm>>
      tpu.wait_dma2 semaphore(%arg16 : memref<!tpu.dma_semaphore, #tpu.memory_space<semaphore_mem>>) src(%dma_wait3A_2290 : memref<16x128xf32, #tpu.memory_space<hbm>>) dst(%dma_wait3A_2287 : memref<16x128xf32, #tpu.memory_space<vmem>>)
      %add3A_2291 = arith.constant 1 : i32
      %add3A_2292 = arith.addi %mul3A_790, %add3A_2291 : i32
      %sub3A_2293 = arith.constant 1 : i32
      %sub3A_2294 = arith.subi %add3A_2292, %sub3A_2293 : i32
      %mul3A_2295 = arith.constant 8 : i32
      %mul3A_2296 = arith.muli %sub3A_2294, %mul3A_2295 : i32
      %get3A_2297 = arith.index_cast %mul3A_2296 : i32 to index
      %get3A_2298 = tpu.vector_load %arg9[%get3A_2297] {strides = array<i32>} : memref<512xi32, #tpu.memory_space<vmem>>, vector<16xi32>,
      %sub3A_2299 = arith.constant 1 : i32
      %sub3A_2300 = arith.subi %add3A_2292, %sub3A_2299 : i32
      %mul3A_2301 = arith.constant 8 : i32
      %mul3A_2302 = arith.muli %sub3A_2300, %mul3A_2301 : i32
      %get3A_2303 = arith.index_cast %mul3A_2302 : i32 to index
      %get3A_2304 = tpu.vector_load %arg10[%get3A_2303] {strides = array<i32>} : memref<512xi32, #tpu.memory_space<vmem>>, vector<16xi32>,
      %broadcast_in_dim3A_2305 = arith.constant 1 : i32
      %broadcast_in_dim3A_2306 = vector.broadcast %broadcast_in_dim3A_2305 : i32 to vector<16xi32>
      %select_n3A_2307 = arith.select %eq3A_29, %get3A_2298, %broadcast_in_dim3A_51 : vector<16xi1>, vector<16xi32>
      %reduce_sum3A_2308 = arith.constant true
      %reduce_sum3A_2309 = vector.broadcast %reduce_sum3A_2308 : i1 to vector<16xi1>
      %reduce_sum3A_2310 = tpu.scan <sum>, %select_n3A_2307 masked %reduce_sum3A_2309 : vector<16xi32>, vector<16xi1> -> vector<16xi32>
      %reduce_sum3A_2311 = vector.extract %reduce_sum3A_2310[15] : i32 from vector<16xi32>
      %select_n3A_2312 = arith.select %eq3A_29, %get3A_2304, %broadcast_in_dim3A_51 : vector<16xi1>, vector<16xi32>
      %reduce_sum3A_2313 = arith.constant true
      %reduce_sum3A_2314 = vector.broadcast %reduce_sum3A_2313 : i1 to vector<16xi1>
      %reduce_sum3A_2315 = tpu.scan <sum>, %select_n3A_2312 masked %reduce_sum3A_2314 : vector<16xi32>, vector<16xi1> -> vector<16xi32>
      %reduce_sum3A_2316 = vector.extract %reduce_sum3A_2315[15] : i32 from vector<16xi32>
      %rem3A_2317 = arith.constant 128 : i32
      %rem3A_2318 = arith.remsi %reduce_sum3A_2311, %rem3A_2317 : i32
      %broadcast_in_dim3A_2319 = vector.broadcast %rem3A_2318 : i32 to vector<16xi32>
      %rem3A_2320 = arith.constant 128 : i32
      %rem3A_2321 = arith.remsi %reduce_sum3A_2316, %rem3A_2320 : i32
      %broadcast_in_dim3A_2322 = vector.broadcast %rem3A_2321 : i32 to vector<16xi32>
      %broadcast_in_dim3A_2323 = arith.constant 0 : i32
      %broadcast_in_dim3A_2324 = vector.broadcast %broadcast_in_dim3A_2323 : i32 to vector<16xi32>
      %gather3A_2325 = tpu.vector_load_idx %arg11[%broadcast_in_dim3A_2306, %broadcast_in_dim3A_2324, %iota3A, %broadcast_in_dim3A_2319] : memref<2x8x16x128xf32, #tpu.memory_space<vmem>>[vector<16xi32>, vector<16xi32>, vector<16xi32>, vector<16xi32>], vector<16xf32>,
      %gather3A_2326 = tpu.vector_load_idx %arg12[%broadcast_in_dim3A_2306, %broadcast_in_dim3A_2324, %iota3A, %broadcast_in_dim3A_2322] : memref<2x8x16x128xf32, #tpu.memory_space<vmem>>[vector<16xi32>, vector<16xi32>, vector<16xi32>, vector<16xi32>], vector<16xf32>,
      %mul3A_2327 = arith.mulf %gather3A_2325, %gather3A_2326 : vector<16xf32>
      %mul3A_2328 = arith.mulf %mul3A_2327, %get3A_53 : vector<16xf32>
      %reduce_sum3A_2329 = arith.constant true
      %reduce_sum3A_2330 = vector.broadcast %reduce_sum3A_2329 : i1 to vector<16xi1>
      %reduce_sum3A_2331 = tpu.scan <sum>, %mul3A_2328 masked %reduce_sum3A_2330 : vector<16xf32>, vector<16xi1> -> vector<16xf32>
      %reduce_sum3A_2332 = vector.extract %reduce_sum3A_2331[15] : f32 from vector<16xf32>
      %broadcast_in_dim3A_2333 = vector.broadcast %reduce_sum3A_2332 : f32 to vector<16xf32>
      %select_n3A_2334 = arith.select %eq3A_29, %broadcast_in_dim3A_2333, %select_n3A_2032 : vector<16xi1>, vector<16xf32>
      %select_n3A_2335 = arith.select %eq3A_32, %get3A_2298, %broadcast_in_dim3A_51 : vector<16xi1>, vector<16xi32>
      %reduce_sum3A_2336 = arith.constant true
      %reduce_sum3A_2337 = vector.broadcast %reduce_sum3A_2336 : i1 to vector<16xi1>
      %reduce_sum3A_2338 = tpu.scan <sum>, %select_n3A_2335 masked %reduce_sum3A_2337 : vector<16xi32>, vector<16xi1> -> vector<16xi32>
      %reduce_sum3A_2339 = vector.extract %reduce_sum3A_2338[15] : i32 from vector<16xi32>
      %select_n3A_2340 = arith.select %eq3A_32, %get3A_2304, %broadcast_in_dim3A_51 : vector<16xi1>, vector<16xi32>
      %reduce_sum3A_2341 = arith.constant true
      %reduce_sum3A_2342 = vector.broadcast %reduce_sum3A_2341 : i1 to vector<16xi1>
      %reduce_sum3A_2343 = tpu.scan <sum>, %select_n3A_2340 masked %reduce_sum3A_2342 : vector<16xi32>, vector<16xi1> -> vector<16xi32>
      %reduce_sum3A_2344 = vector.extract %reduce_sum3A_2343[15] : i32 from vector<16xi32>
      %rem3A_2345 = arith.constant 128 : i32
      %rem3A_2346 = arith.remsi %reduce_sum3A_2339, %rem3A_2345 : i32
      %broadcast_in_dim3A_2347 = vector.broadcast %rem3A_2346 : i32 to vector<16xi32>
      %rem3A_2348 = arith.constant 128 : i32
      %rem3A_2349 = arith.remsi %reduce_sum3A_2344, %rem3A_2348 : i32
      %broadcast_in_dim3A_2350 = vector.broadcast %rem3A_2349 : i32 to vector<16xi32>
      %broadcast_in_dim3A_2351 = arith.constant 1 : i32
      %broadcast_in_dim3A_2352 = vector.broadcast %broadcast_in_dim3A_2351 : i32 to vector<16xi32>
      %gather3A_2353 = tpu.vector_load_idx %arg11[%broadcast_in_dim3A_2306, %broadcast_in_dim3A_2352, %iota3A, %broadcast_in_dim3A_2347] : memref<2x8x16x128xf32, #tpu.memory_space<vmem>>[vector<16xi32>, vector<16xi32>, vector<16xi32>, vector<16xi32>], vector<16xf32>,
      %gather3A_2354 = tpu.vector_load_idx %arg12[%broadcast_in_dim3A_2306, %broadcast_in_dim3A_2352, %iota3A, %broadcast_in_dim3A_2350] : memref<2x8x16x128xf32, #tpu.memory_space<vmem>>[vector<16xi32>, vector<16xi32>, vector<16xi32>, vector<16xi32>], vector<16xf32>,
      %mul3A_2355 = arith.mulf %gather3A_2353, %gather3A_2354 : vector<16xf32>
      %mul3A_2356 = arith.mulf %mul3A_2355, %get3A_53 : vector<16xf32>
      %reduce_sum3A_2357 = arith.constant true
      %reduce_sum3A_2358 = vector.broadcast %reduce_sum3A_2357 : i1 to vector<16xi1>
      %reduce_sum3A_2359 = tpu.scan <sum>, %mul3A_2356 masked %reduce_sum3A_2358 : vector<16xf32>, vector<16xi1> -> vector<16xf32>
      %reduce_sum3A_2360 = vector.extract %reduce_sum3A_2359[15] : f32 from vector<16xf32>
      %broadcast_in_dim3A_2361 = vector.broadcast %reduce_sum3A_2360 : f32 to vector<16xf32>
      %select_n3A_2362 = arith.select %eq3A_32, %broadcast_in_dim3A_2361, %select_n3A_2334 : vector<16xi1>, vector<16xf32>
      %select_n3A_2363 = arith.select %eq3A_35, %get3A_2298, %broadcast_in_dim3A_51 : vector<16xi1>, vector<16xi32>
      %reduce_sum3A_2364 = arith.constant true
      %reduce_sum3A_2365 = vector.broadcast %reduce_sum3A_2364 : i1 to vector<16xi1>
      %reduce_sum3A_2366 = tpu.scan <sum>, %select_n3A_2363 masked %reduce_sum3A_2365 : vector<16xi32>, vector<16xi1> -> vector<16xi32>
      %reduce_sum3A_2367 = vector.extract %reduce_sum3A_2366[15] : i32 from vector<16xi32>
      %select_n3A_2368 = arith.select %eq3A_35, %get3A_2304, %broadcast_in_dim3A_51 : vector<16xi1>, vector<16xi32>
      %reduce_sum3A_2369 = arith.constant true
      %reduce_sum3A_2370 = vector.broadcast %reduce_sum3A_2369 : i1 to vector<16xi1>
      %reduce_sum3A_2371 = tpu.scan <sum>, %select_n3A_2368 masked %reduce_sum3A_2370 : vector<16xi32>, vector<16xi1> -> vector<16xi32>
      %reduce_sum3A_2372 = vector.extract %reduce_sum3A_2371[15] : i32 from vector<16xi32>
      %rem3A_2373 = arith.constant 128 : i32
      %rem3A_2374 = arith.remsi %reduce_sum3A_2367, %rem3A_2373 : i32
      %broadcast_in_dim3A_2375 = vector.broadcast %rem3A_2374 : i32 to vector<16xi32>
      %rem3A_2376 = arith.constant 128 : i32
      %rem3A_2377 = arith.remsi %reduce_sum3A_2372, %rem3A_2376 : i32
      %broadcast_in_dim3A_2378 = vector.broadcast %rem3A_2377 : i32 to vector<16xi32>
      %broadcast_in_dim3A_2379 = arith.constant 2 : i32
      %broadcast_in_dim3A_2380 = vector.broadcast %broadcast_in_dim3A_2379 : i32 to vector<16xi32>
      %gather3A_2381 = tpu.vector_load_idx %arg11[%broadcast_in_dim3A_2306, %broadcast_in_dim3A_2380, %iota3A, %broadcast_in_dim3A_2375] : memref<2x8x16x128xf32, #tpu.memory_space<vmem>>[vector<16xi32>, vector<16xi32>, vector<16xi32>, vector<16xi32>], vector<16xf32>,
      %gather3A_2382 = tpu.vector_load_idx %arg12[%broadcast_in_dim3A_2306, %broadcast_in_dim3A_2380, %iota3A, %broadcast_in_dim3A_2378] : memref<2x8x16x128xf32, #tpu.memory_space<vmem>>[vector<16xi32>, vector<16xi32>, vector<16xi32>, vector<16xi32>], vector<16xf32>,
      %mul3A_2383 = arith.mulf %gather3A_2381, %gather3A_2382 : vector<16xf32>
      %mul3A_2384 = arith.mulf %mul3A_2383, %get3A_53 : vector<16xf32>
      %reduce_sum3A_2385 = arith.constant true
      %reduce_sum3A_2386 = vector.broadcast %reduce_sum3A_2385 : i1 to vector<16xi1>
      %reduce_sum3A_2387 = tpu.scan <sum>, %mul3A_2384 masked %reduce_sum3A_2386 : vector<16xf32>, vector<16xi1> -> vector<16xf32>
      %reduce_sum3A_2388 = vector.extract %reduce_sum3A_2387[15] : f32 from vector<16xf32>
      %broadcast_in_dim3A_2389 = vector.broadcast %reduce_sum3A_2388 : f32 to vector<16xf32>
      %select_n3A_2390 = arith.select %eq3A_35, %broadcast_in_dim3A_2389, %select_n3A_2362 : vector<16xi1>, vector<16xf32>
      %select_n3A_2391 = arith.select %eq3A_38, %get3A_2298, %broadcast_in_dim3A_51 : vector<16xi1>, vector<16xi32>
      %reduce_sum3A_2392 = arith.constant true
      %reduce_sum3A_2393 = vector.broadcast %reduce_sum3A_2392 : i1 to vector<16xi1>
      %reduce_sum3A_2394 = tpu.scan <sum>, %select_n3A_2391 masked %reduce_sum3A_2393 : vector<16xi32>, vector<16xi1> -> vector<16xi32>
      %reduce_sum3A_2395 = vector.extract %reduce_sum3A_2394[15] : i32 from vector<16xi32>
      %select_n3A_2396 = arith.select %eq3A_38, %get3A_2304, %broadcast_in_dim3A_51 : vector<16xi1>, vector<16xi32>
      %reduce_sum3A_2397 = arith.constant true
      %reduce_sum3A_2398 = vector.broadcast %reduce_sum3A_2397 : i1 to vector<16xi1>
      %reduce_sum3A_2399 = tpu.scan <sum>, %select_n3A_2396 masked %reduce_sum3A_2398 : vector<16xi32>, vector<16xi1> -> vector<16xi32>
      %reduce_sum3A_2400 = vector.extract %reduce_sum3A_2399[15] : i32 from vector<16xi32>
      %rem3A_2401 = arith.constant 128 : i32
      %rem3A_2402 = arith.remsi %reduce_sum3A_2395, %rem3A_2401 : i32
      %broadcast_in_dim3A_2403 = vector.broadcast %rem3A_2402 : i32 to vector<16xi32>
      %rem3A_2404 = arith.constant 128 : i32
      %rem3A_2405 = arith.remsi %reduce_sum3A_2400, %rem3A_2404 : i32
      %broadcast_in_dim3A_2406 = vector.broadcast %rem3A_2405 : i32 to vector<16xi32>
      %broadcast_in_dim3A_2407 = arith.constant 3 : i32
      %broadcast_in_dim3A_2408 = vector.broadcast %broadcast_in_dim3A_2407 : i32 to vector<16xi32>
      %gather3A_2409 = tpu.vector_load_idx %arg11[%broadcast_in_dim3A_2306, %broadcast_in_dim3A_2408, %iota3A, %broadcast_in_dim3A_2403] : memref<2x8x16x128xf32, #tpu.memory_space<vmem>>[vector<16xi32>, vector<16xi32>, vector<16xi32>, vector<16xi32>], vector<16xf32>,
      %gather3A_2410 = tpu.vector_load_idx %arg12[%broadcast_in_dim3A_2306, %broadcast_in_dim3A_2408, %iota3A, %broadcast_in_dim3A_2406] : memref<2x8x16x128xf32, #tpu.memory_space<vmem>>[vector<16xi32>, vector<16xi32>, vector<16xi32>, vector<16xi32>], vector<16xf32>,
      %mul3A_2411 = arith.mulf %gather3A_2409, %gather3A_2410 : vector<16xf32>
      %mul3A_2412 = arith.mulf %mul3A_2411, %get3A_53 : vector<16xf32>
      %reduce_sum3A_2413 = arith.constant true
      %reduce_sum3A_2414 = vector.broadcast %reduce_sum3A_2413 : i1 to vector<16xi1>
      %reduce_sum3A_2415 = tpu.scan <sum>, %mul3A_2412 masked %reduce_sum3A_2414 : vector<16xf32>, vector<16xi1> -> vector<16xf32>
      %reduce_sum3A_2416 = vector.extract %reduce_sum3A_2415[15] : f32 from vector<16xf32>
      %broadcast_in_dim3A_2417 = vector.broadcast %reduce_sum3A_2416 : f32 to vector<16xf32>
      %select_n3A_2418 = arith.select %eq3A_38, %broadcast_in_dim3A_2417, %select_n3A_2390 : vector<16xi1>, vector<16xf32>
      %select_n3A_2419 = arith.select %eq3A_41, %get3A_2298, %broadcast_in_dim3A_51 : vector<16xi1>, vector<16xi32>
      %reduce_sum3A_2420 = arith.constant true
      %reduce_sum3A_2421 = vector.broadcast %reduce_sum3A_2420 : i1 to vector<16xi1>
      %reduce_sum3A_2422 = tpu.scan <sum>, %select_n3A_2419 masked %reduce_sum3A_2421 : vector<16xi32>, vector<16xi1> -> vector<16xi32>
      %reduce_sum3A_2423 = vector.extract %reduce_sum3A_2422[15] : i32 from vector<16xi32>
      %select_n3A_2424 = arith.select %eq3A_41, %get3A_2304, %broadcast_in_dim3A_51 : vector<16xi1>, vector<16xi32>
      %reduce_sum3A_2425 = arith.constant true
      %reduce_sum3A_2426 = vector.broadcast %reduce_sum3A_2425 : i1 to vector<16xi1>
      %reduce_sum3A_2427 = tpu.scan <sum>, %select_n3A_2424 masked %reduce_sum3A_2426 : vector<16xi32>, vector<16xi1> -> vector<16xi32>
      %reduce_sum3A_2428 = vector.extract %reduce_sum3A_2427[15] : i32 from vector<16xi32>
      %rem3A_2429 = arith.constant 128 : i32
      %rem3A_2430 = arith.remsi %reduce_sum3A_2423, %rem3A_2429 : i32
      %broadcast_in_dim3A_2431 = vector.broadcast %rem3A_2430 : i32 to vector<16xi32>
      %rem3A_2432 = arith.constant 128 : i32
      %rem3A_2433 = arith.remsi %reduce_sum3A_2428, %rem3A_2432 : i32
      %broadcast_in_dim3A_2434 = vector.broadcast %rem3A_2433 : i32 to vector<16xi32>
      %broadcast_in_dim3A_2435 = arith.constant 4 : i32
      %broadcast_in_dim3A_2436 = vector.broadcast %broadcast_in_dim3A_2435 : i32 to vector<16xi32>
      %gather3A_2437 = tpu.vector_load_idx %arg11[%broadcast_in_dim3A_2306, %broadcast_in_dim3A_2436, %iota3A, %broadcast_in_dim3A_2431] : memref<2x8x16x128xf32, #tpu.memory_space<vmem>>[vector<16xi32>, vector<16xi32>, vector<16xi32>, vector<16xi32>], vector<16xf32>,
      %gather3A_2438 = tpu.vector_load_idx %arg12[%broadcast_in_dim3A_2306, %broadcast_in_dim3A_2436, %iota3A, %broadcast_in_dim3A_2434] : memref<2x8x16x128xf32, #tpu.memory_space<vmem>>[vector<16xi32>, vector<16xi32>, vector<16xi32>, vector<16xi32>], vector<16xf32>,
      %mul3A_2439 = arith.mulf %gather3A_2437, %gather3A_2438 : vector<16xf32>
      %mul3A_2440 = arith.mulf %mul3A_2439, %get3A_53 : vector<16xf32>
      %reduce_sum3A_2441 = arith.constant true
      %reduce_sum3A_2442 = vector.broadcast %reduce_sum3A_2441 : i1 to vector<16xi1>
      %reduce_sum3A_2443 = tpu.scan <sum>, %mul3A_2440 masked %reduce_sum3A_2442 : vector<16xf32>, vector<16xi1> -> vector<16xf32>
      %reduce_sum3A_2444 = vector.extract %reduce_sum3A_2443[15] : f32 from vector<16xf32>
      %broadcast_in_dim3A_2445 = vector.broadcast %reduce_sum3A_2444 : f32 to vector<16xf32>
      %select_n3A_2446 = arith.select %eq3A_41, %broadcast_in_dim3A_2445, %select_n3A_2418 : vector<16xi1>, vector<16xf32>
      %select_n3A_2447 = arith.select %eq3A_44, %get3A_2298, %broadcast_in_dim3A_51 : vector<16xi1>, vector<16xi32>
      %reduce_sum3A_2448 = arith.constant true
      %reduce_sum3A_2449 = vector.broadcast %reduce_sum3A_2448 : i1 to vector<16xi1>
      %reduce_sum3A_2450 = tpu.scan <sum>, %select_n3A_2447 masked %reduce_sum3A_2449 : vector<16xi32>, vector<16xi1> -> vector<16xi32>
      %reduce_sum3A_2451 = vector.extract %reduce_sum3A_2450[15] : i32 from vector<16xi32>
      %select_n3A_2452 = arith.select %eq3A_44, %get3A_2304, %broadcast_in_dim3A_51 : vector<16xi1>, vector<16xi32>
      %reduce_sum3A_2453 = arith.constant true
      %reduce_sum3A_2454 = vector.broadcast %reduce_sum3A_2453 : i1 to vector<16xi1>
      %reduce_sum3A_2455 = tpu.scan <sum>, %select_n3A_2452 masked %reduce_sum3A_2454 : vector<16xi32>, vector<16xi1> -> vector<16xi32>
      %reduce_sum3A_2456 = vector.extract %reduce_sum3A_2455[15] : i32 from vector<16xi32>
      %rem3A_2457 = arith.constant 128 : i32
      %rem3A_2458 = arith.remsi %reduce_sum3A_2451, %rem3A_2457 : i32
      %broadcast_in_dim3A_2459 = vector.broadcast %rem3A_2458 : i32 to vector<16xi32>
      %rem3A_2460 = arith.constant 128 : i32
      %rem3A_2461 = arith.remsi %reduce_sum3A_2456, %rem3A_2460 : i32
      %broadcast_in_dim3A_2462 = vector.broadcast %rem3A_2461 : i32 to vector<16xi32>
      %broadcast_in_dim3A_2463 = arith.constant 5 : i32
      %broadcast_in_dim3A_2464 = vector.broadcast %broadcast_in_dim3A_2463 : i32 to vector<16xi32>
      %gather3A_2465 = tpu.vector_load_idx %arg11[%broadcast_in_dim3A_2306, %broadcast_in_dim3A_2464, %iota3A, %broadcast_in_dim3A_2459] : memref<2x8x16x128xf32, #tpu.memory_space<vmem>>[vector<16xi32>, vector<16xi32>, vector<16xi32>, vector<16xi32>], vector<16xf32>,
      %gather3A_2466 = tpu.vector_load_idx %arg12[%broadcast_in_dim3A_2306, %broadcast_in_dim3A_2464, %iota3A, %broadcast_in_dim3A_2462] : memref<2x8x16x128xf32, #tpu.memory_space<vmem>>[vector<16xi32>, vector<16xi32>, vector<16xi32>, vector<16xi32>], vector<16xf32>,
      %mul3A_2467 = arith.mulf %gather3A_2465, %gather3A_2466 : vector<16xf32>
      %mul3A_2468 = arith.mulf %mul3A_2467, %get3A_53 : vector<16xf32>
      %reduce_sum3A_2469 = arith.constant true
      %reduce_sum3A_2470 = vector.broadcast %reduce_sum3A_2469 : i1 to vector<16xi1>
      %reduce_sum3A_2471 = tpu.scan <sum>, %mul3A_2468 masked %reduce_sum3A_2470 : vector<16xf32>, vector<16xi1> -> vector<16xf32>
      %reduce_sum3A_2472 = vector.extract %reduce_sum3A_2471[15] : f32 from vector<16xf32>
      %broadcast_in_dim3A_2473 = vector.broadcast %reduce_sum3A_2472 : f32 to vector<16xf32>
      %select_n3A_2474 = arith.select %eq3A_44, %broadcast_in_dim3A_2473, %select_n3A_2446 : vector<16xi1>, vector<16xf32>
      %select_n3A_2475 = arith.select %eq3A_47, %get3A_2298, %broadcast_in_dim3A_51 : vector<16xi1>, vector<16xi32>
      %reduce_sum3A_2476 = arith.constant true
      %reduce_sum3A_2477 = vector.broadcast %reduce_sum3A_2476 : i1 to vector<16xi1>
      %reduce_sum3A_2478 = tpu.scan <sum>, %select_n3A_2475 masked %reduce_sum3A_2477 : vector<16xi32>, vector<16xi1> -> vector<16xi32>
      %reduce_sum3A_2479 = vector.extract %reduce_sum3A_2478[15] : i32 from vector<16xi32>
      %select_n3A_2480 = arith.select %eq3A_47, %get3A_2304, %broadcast_in_dim3A_51 : vector<16xi1>, vector<16xi32>
      %reduce_sum3A_2481 = arith.constant true
      %reduce_sum3A_2482 = vector.broadcast %reduce_sum3A_2481 : i1 to vector<16xi1>
      %reduce_sum3A_2483 = tpu.scan <sum>, %select_n3A_2480 masked %reduce_sum3A_2482 : vector<16xi32>, vector<16xi1> -> vector<16xi32>
      %reduce_sum3A_2484 = vector.extract %reduce_sum3A_2483[15] : i32 from vector<16xi32>
      %rem3A_2485 = arith.constant 128 : i32
      %rem3A_2486 = arith.remsi %reduce_sum3A_2479, %rem3A_2485 : i32
      %broadcast_in_dim3A_2487 = vector.broadcast %rem3A_2486 : i32 to vector<16xi32>
      %rem3A_2488 = arith.constant 128 : i32
      %rem3A_2489 = arith.remsi %reduce_sum3A_2484, %rem3A_2488 : i32
      %broadcast_in_dim3A_2490 = vector.broadcast %rem3A_2489 : i32 to vector<16xi32>
      %broadcast_in_dim3A_2491 = arith.constant 6 : i32
      %broadcast_in_dim3A_2492 = vector.broadcast %broadcast_in_dim3A_2491 : i32 to vector<16xi32>
      %gather3A_2493 = tpu.vector_load_idx %arg11[%broadcast_in_dim3A_2306, %broadcast_in_dim3A_2492, %iota3A, %broadcast_in_dim3A_2487] : memref<2x8x16x128xf32, #tpu.memory_space<vmem>>[vector<16xi32>, vector<16xi32>, vector<16xi32>, vector<16xi32>], vector<16xf32>,
      %gather3A_2494 = tpu.vector_load_idx %arg12[%broadcast_in_dim3A_2306, %broadcast_in_dim3A_2492, %iota3A, %broadcast_in_dim3A_2490] : memref<2x8x16x128xf32, #tpu.memory_space<vmem>>[vector<16xi32>, vector<16xi32>, vector<16xi32>, vector<16xi32>], vector<16xf32>,
      %mul3A_2495 = arith.mulf %gather3A_2493, %gather3A_2494 : vector<16xf32>
      %mul3A_2496 = arith.mulf %mul3A_2495, %get3A_53 : vector<16xf32>
      %reduce_sum3A_2497 = arith.constant true
      %reduce_sum3A_2498 = vector.broadcast %reduce_sum3A_2497 : i1 to vector<16xi1>
      %reduce_sum3A_2499 = tpu.scan <sum>, %mul3A_2496 masked %reduce_sum3A_2498 : vector<16xf32>, vector<16xi1> -> vector<16xf32>
      %reduce_sum3A_2500 = vector.extract %reduce_sum3A_2499[15] : f32 from vector<16xf32>
      %broadcast_in_dim3A_2501 = vector.broadcast %reduce_sum3A_2500 : f32 to vector<16xf32>
      %select_n3A_2502 = arith.select %eq3A_47, %broadcast_in_dim3A_2501, %select_n3A_2474 : vector<16xi1>, vector<16xf32>
      %select_n3A_2503 = arith.select %eq3A_50, %get3A_2298, %broadcast_in_dim3A_51 : vector<16xi1>, vector<16xi32>
      %reduce_sum3A_2504 = arith.constant true
      %reduce_sum3A_2505 = vector.broadcast %reduce_sum3A_2504 : i1 to vector<16xi1>
      %reduce_sum3A_2506 = tpu.scan <sum>, %select_n3A_2503 masked %reduce_sum3A_2505 : vector<16xi32>, vector<16xi1> -> vector<16xi32>
      %reduce_sum3A_2507 = vector.extract %reduce_sum3A_2506[15] : i32 from vector<16xi32>
      %select_n3A_2508 = arith.select %eq3A_50, %get3A_2304, %broadcast_in_dim3A_51 : vector<16xi1>, vector<16xi32>
      %reduce_sum3A_2509 = arith.constant true
      %reduce_sum3A_2510 = vector.broadcast %reduce_sum3A_2509 : i1 to vector<16xi1>
      %reduce_sum3A_2511 = tpu.scan <sum>, %select_n3A_2508 masked %reduce_sum3A_2510 : vector<16xi32>, vector<16xi1> -> vector<16xi32>
      %reduce_sum3A_2512 = vector.extract %reduce_sum3A_2511[15] : i32 from vector<16xi32>
      %rem3A_2513 = arith.constant 128 : i32
      %rem3A_2514 = arith.remsi %reduce_sum3A_2507, %rem3A_2513 : i32
      %broadcast_in_dim3A_2515 = vector.broadcast %rem3A_2514 : i32 to vector<16xi32>
      %rem3A_2516 = arith.constant 128 : i32
      %rem3A_2517 = arith.remsi %reduce_sum3A_2512, %rem3A_2516 : i32
      %broadcast_in_dim3A_2518 = vector.broadcast %rem3A_2517 : i32 to vector<16xi32>
      %broadcast_in_dim3A_2519 = arith.constant 7 : i32
      %broadcast_in_dim3A_2520 = vector.broadcast %broadcast_in_dim3A_2519 : i32 to vector<16xi32>
      %gather3A_2521 = tpu.vector_load_idx %arg11[%broadcast_in_dim3A_2306, %broadcast_in_dim3A_2520, %iota3A, %broadcast_in_dim3A_2515] : memref<2x8x16x128xf32, #tpu.memory_space<vmem>>[vector<16xi32>, vector<16xi32>, vector<16xi32>, vector<16xi32>], vector<16xf32>,
      %gather3A_2522 = tpu.vector_load_idx %arg12[%broadcast_in_dim3A_2306, %broadcast_in_dim3A_2520, %iota3A, %broadcast_in_dim3A_2518] : memref<2x8x16x128xf32, #tpu.memory_space<vmem>>[vector<16xi32>, vector<16xi32>, vector<16xi32>, vector<16xi32>], vector<16xf32>,
      %mul3A_2523 = arith.mulf %gather3A_2521, %gather3A_2522 : vector<16xf32>
      %mul3A_2524 = arith.mulf %mul3A_2523, %get3A_53 : vector<16xf32>
      %reduce_sum3A_2525 = arith.constant true
      %reduce_sum3A_2526 = vector.broadcast %reduce_sum3A_2525 : i1 to vector<16xi1>
      %reduce_sum3A_2527 = tpu.scan <sum>, %mul3A_2524 masked %reduce_sum3A_2526 : vector<16xf32>, vector<16xi1> -> vector<16xf32>
      %reduce_sum3A_2528 = vector.extract %reduce_sum3A_2527[15] : f32 from vector<16xf32>
      %broadcast_in_dim3A_2529 = vector.broadcast %reduce_sum3A_2528 : f32 to vector<16xf32>
      %select_n3A_2530 = arith.select %eq3A_50, %broadcast_in_dim3A_2529, %select_n3A_2502 : vector<16xi1>, vector<16xf32>
      %add3A_2531 = arith.addf %select_n3A_2530, %get3A_3 : vector<16xf32>
      %neg3A = arith.constant 0.000000e+00 : f32
      %neg3A_2532 = vector.broadcast %neg3A : f32 to vector<16xf32>
      %neg3A_2533 = arith.subf %neg3A_2532, %add3A_2531 : vector<16xf32>
      %exp3A = math.exp %neg3A_2533 : vector<16xf32>
      %add3A_2534 = arith.constant 1.000000e+00 : f32
      %add3A_2535 = vector.broadcast %add3A_2534 : f32 to vector<16xf32>
      %add3A_2536 = arith.addf %add3A_2535, %exp3A : vector<16xf32>
      %div3A_2537 = arith.constant 1.000000e+00 : f32
      %div3A_2538 = vector.broadcast %div3A_2537 : f32 to vector<16xf32>
      %div3A_2539 = arith.divf %div3A_2538, %add3A_2536 : vector<16xf32>
      %mul3A_2540 = arith.constant 8 : i32
      %mul3A_2541 = arith.muli %mul3A_790, %mul3A_2540 : i32
      %swap3A = arith.index_cast %mul3A_2541 : i32 to index
      %swap3A_2542 = tpu.vector_load %arg15[%swap3A] {strides = array<i32>} : memref<512xf32, #tpu.memory_space<vmem>>, vector<16xf32>,
      tpu.vector_store %arg15[%swap3A], %div3A_2539 {strides = array<i32>} : memref<512xf32, #tpu.memory_space<vmem>>, vector<16xf32>,
    }
    %scan3A_787 = arith.constant 32 : i32
    "tpu.region"() ({
      %run_scoped3A = tpu.sem_alloc : memref<!tpu.dma_semaphore, #tpu.memory_space<semaphore_mem>>
      %dma_start3A_788 = tpu.memref_slice %arg8[%mul3A_2] : memref<16384xf32, #tpu.memory_space<hbm>> -> memref<512xf32, #tpu.memory_space<hbm>>
      %dma_start3A_789 = tpu.memref_slice %arg8[%mul3A_2] : memref<16384xf32, #tpu.memory_space<hbm>> -> memref<512xf32, #tpu.memory_space<hbm>>
      tpu.enqueue_dma source(%arg15 : memref<512xf32, #tpu.memory_space<vmem>>) target(%dma_start3A_789 : memref<512xf32, #tpu.memory_space<hbm>>) target_semaphore(%run_scoped3A : memref<!tpu.dma_semaphore, #tpu.memory_space<semaphore_mem>>)
      %dma_wait3A = tpu.memref_slice %arg8[%mul3A_2] : memref<16384xf32, #tpu.memory_space<hbm>> -> memref<512xf32, #tpu.memory_space<hbm>>
      %dma_wait3A_790 = tpu.memref_slice %arg8[%mul3A_2] : memref<16384xf32, #tpu.memory_space<hbm>> -> memref<512xf32, #tpu.memory_space<hbm>>
      tpu.wait_dma2 semaphore(%run_scoped3A : memref<!tpu.dma_semaphore, #tpu.memory_space<semaphore_mem>>) src(%arg15 : memref<512xf32, #tpu.memory_space<vmem>>) dst(%dma_wait3A_790 : memref<512xf32, #tpu.memory_space<hbm>>)
      tpu.yield
    }) : () -> ()
    return
  }
}

</mosaic_0001>

<sc_bundles>
// kernel: kernel.3.cloned.1.call-start
scs
__scs_entry_jumppad:
0x0: {  	(pc) =	sbr.rel $0x88, $3  }
0x1: {  	(tag) =	ssettag $0x0;
	lr =	simm.s32 $0x1  }
0x2: {  	[smem:$0x3F9B] =	sst lr;
	_ =	strace $0xD0000000  }
0x3: {  	_ = 	snop  }
0x4: {  	_ = 	snop  }
0x5: {  	_ = 	snop  }
0x6: {  	_ = 	snop  }
0x7: {  	_ = 	snop  }
__scs_overlays_trampoline_lowered:
0x8: {  	[smem:$0x3FAA] =	sst s0  }
0x9: {  	[smem:$0x3FAB] =	sst s1  }
0xa: {  	[smem:$0x3FAC] =	sst s2  }
0xb: {  	[smem:$0x3FAD] =	sst s3  }
0xc: {  	[smem:$0x3FAE] =	sst s4  }
0xd: {  	[smem:$0x3FAF] =	sst s5  }
0xe: {  	[smem:$0x3FB0] =	sst s6  }
0xf: {  	[smem:$0x3FB1] =	sst s7  }
0x10: {  	[smem:$0x3FB2] =	sst s8  }
0x11: {  	[smem:$0x3FB3] =	sst s9;
	s0 =	simm.s32 @!p0 $0x0  }
0x12: {  	s1 =	sld [smem:$0x3F99];
	s0 =	simm.s32 @p0 $0x1  }
0x13: {  	[smem:$0x3FB4] =	sst s0;
	s0 =	simm.s32 @!p1 $0x0  }
0x14: {  	s2 =	sld [smem:$0x3F98];
	s0 =	simm.s32 @p1 $0x1  }
0x15: {  	[smem:$0x3FB5] =	sst s0;
	s0 =	simm.s32 @!p2 $0x0  }
0x16: {  	s3 =	sld [smem:$0x3FDB];
	s0 =	simm.s32 @p2 $0x1  }
0x17: {  	s4 =	simm.s32 $0x1BF5;
	[smem:$0x3FB7] =	sst s0  }
0x18: {  	s0 =	sld [smem:$0x3F9A];
	_ =	swait.ge [sflag:s4], $0x0  }
0x19: {  	s7 =	sld [smem:$0x3F9B]  }
0x1a: {  	s8 =	sadd.s32 $0xFFFFE003, lr  }
0x1b: {  	s9 =	sadd.s32 $0xFFFFFEF7, lr;
	s5 =	simm.s32 $0xFFFFFFFF;
	p2 =	slt.u32 s8, $0xFFFFF086  }
0x1c: {  	p1 =	slt.u32 s9, $0xF7A;
	s5 =	simm.s32 @!p2 $0x0  }
0x1d: {  	s5 =	simm.s32 @p1 $0x1;
	p0 =	seq.s32 s7, s2  }
0x1e: {  	s7 =	smul.u32 @!p0 $0xF7A, s2;
	p2 =	seq.s32 @!p0 s5, $0x0  }
0x1f: {  	s9 =	smul.u32 $0xF7A, s1;
	s8 =	simm.s32 @!p0 $0x1BF5;
	p2 =	por !p2, p0  }
0x20: {  	[sflag:s8] =	ssyncset.s32 @!p0 $0xFFFFF086;
	s6 =	sadd.s32 @!p0 s3, s7;
	s7 =	simm.s32 @!p0 $0x108  }
0x21: {  	s3 =	sadd.s32 s3, s9;
	s6 =	sadd.s32 @!p0 $0x88, s6;
	s7 =	simm.s32 @p2 $0x1082  }
0x22: {  	[simem:s7], [sflag:s8] =	dma.local @!p0 [hbm:s6], $0xF7A  }
0x23: {  	s9 =	sor.u32 $0xD0000000, s2;
	s6 =	simm.s32 $0x108;
	_ =	swait.ge @!p0 [sflag:s8], $0x0  }
0x24: {  	s3 =	sadd.s32 $0x88, s3;
	s6 =	simm.s32 @!p1 $0x1082;
	[sflag:s4] =	ssyncset.s32 $0xFFFFF086  }
0x25: {  	[simem:s6], [sflag:s4] =	dma.local [hbm:s3], $0xF7A  }
0x26: {  	[smem:$0x3F9B] =	sst s1;
	(tag) =	ssettag s2;
	_ =	strace s9  }
0x27: {  	s1 =	sld [smem:$0x3FAB]  }
0x28: {  	s2 =	sld [smem:$0x3FAC]  }
0x29: {  	s4 =	sld [smem:$0x3FAE]  }
0x2a: {  	p0 =	seq.s32 s5, $0x0;
	s5 =	sld [smem:$0x3FAF]  }
0x2b: {  	s6 =	sld [smem:$0x3FB0]  }
0x2c: {  	s7 =	sld [smem:$0x3FB1]  }
0x2d: {  	s3 =	simm.s32 $0x108;
	s8 =	sld [smem:$0x3FB2]  }
0x2e: {  	s3 =	simm.s32 @!p0 $0x1082;
	s9 =	sld [smem:$0x3FB3]  }
0x2f: {  	lr =	sadd.s32 s0, s3;
	s0 =	sld [smem:$0x3FAA]  }
0x30: {  	s3 =	sld [smem:$0x3FAD]  }
0x31: {  	[smem:$0x3FB6] =	sst s10  }
0x32: {  	s10 =	sld [smem:$0x3FB4];
	_ =	sdelay $0x3  }
0x33: {  	p0 =	seq.s32 s10, $0x1;
	s10 =	sld [smem:$0x3FB6];
	_ =	sdelay $0x3  }
0x34: {  	[smem:$0x3FB6] =	sst s10  }
0x35: {  	s10 =	sld [smem:$0x3FB5];
	_ =	sdelay $0x3  }
0x36: {  	p1 =	seq.s32 s10, $0x1;
	s10 =	sld [smem:$0x3FB6];
	_ =	sdelay $0x3  }
0x37: {  	[smem:$0x3FB6] =	sst s10  }
0x38: {  	s10 =	sld [smem:$0x3FB7]  }
0x39: {  	_ = 	snop;
	(pc) =	sbr.ind lr, $3  }
0x3a: {  	_ = 	snop  }
0x3b: {  	_ = 	snop  }
0x3c: {  	p2 =	seq.s32 s10, $0x1;
	s10 =	sld [smem:$0x3FB6]  }
0x3d: {  	_ =	shalt  }
0x3e: {  	_ =	shalt  }
0x3f: {  	_ =	shalt  }
0x40: {  	_ =	shalt  }
0x41: {  	_ =	shalt  }
0x42: {  	_ =	shalt  }
0x43: {  	_ =	shalt  }
0x44: {  	_ =	shalt  }
0x45: {  	_ =	shalt  }
0x46: {  	_ =	shalt  }
0x47: {  	_ =	shalt  }
0x48: {  	_ =	shalt  }
0x49: {  	_ =	shalt  }
0x4a: {  	_ =	shalt  }
0x4b: {  	_ =	shalt  }
0x4c: {  	_ =	shalt  }
0x4d: {  	_ =	shalt  }
0x4e: {  	_ =	shalt  }
0x4f: {  	_ =	shalt  }
0x50: {  	_ =	shalt  }
0x51: {  	_ =	shalt  }
0x52: {  	_ =	shalt  }
0x53: {  	_ =	shalt  }
0x54: {  	_ =	shalt  }
0x55: {  	_ =	shalt  }
0x56: {  	_ =	shalt  }
0x57: {  	_ =	shalt  }
0x58: {  	_ =	shalt  }
0x59: {  	_ =	shalt  }
0x5a: {  	_ =	shalt  }
0x5b: {  	_ =	shalt  }
0x5c: {  	_ =	shalt  }
0x5d: {  	_ =	shalt  }
0x5e: {  	_ =	shalt  }
0x5f: {  	_ =	shalt  }
0x60: {  	_ =	shalt  }
0x61: {  	_ =	shalt  }
0x62: {  	_ =	shalt  }
0x63: {  	_ =	shalt  }
0x64: {  	_ =	shalt  }
0x65: {  	_ =	shalt  }
0x66: {  	_ =	shalt  }
0x67: {  	_ =	shalt  }
0x68: {  	_ =	shalt  }
0x69: {  	_ =	shalt  }
0x6a: {  	_ =	shalt  }
0x6b: {  	_ =	shalt  }
0x6c: {  	_ =	shalt  }
0x6d: {  	_ =	shalt  }
0x6e: {  	_ =	shalt  }
0x6f: {  	_ =	shalt  }
0x70: {  	_ =	shalt  }
0x71: {  	_ =	shalt  }
0x72: {  	_ =	shalt  }
0x73: {  	_ =	shalt  }
0x74: {  	_ =	shalt  }
0x75: {  	_ =	shalt  }
0x76: {  	_ =	shalt  }
0x77: {  	_ =	shalt  }
0x78: {  	_ =	shalt  }
0x79: {  	_ =	shalt  }
0x7a: {  	_ =	shalt  }
0x7b: {  	_ =	shalt  }
0x7c: {  	_ =	shalt  }
0x7d: {  	_ =	shalt  }
0x7e: {  	_ =	shalt  }
0x7f: {  	_ =	shalt  }
0x80: {  	_ =	shalt  }
0x81: {  	_ =	shalt  }
0x82: {  	_ =	shalt  }
0x83: {  	_ =	shalt  }
0x84: {  	_ =	shalt  }
0x85: {  	_ =	shalt  }
0x86: {  	_ =	shalt  }
0x87: {  	_ =	shalt  }
.Lfunc_end0:
.L_simem_size_0:
called_computation_lowered:
.L_overlay_start_0:
0x88: {  	s2 =	sld [smem:$0x3FD9]  }
0x89: {  	s3 =	sld [smem:$0x3FFE];
	_ =	sdelay $0x1  }
0x8a: {  	s1 =	srdreg.scid  }
0x8b: {  	s0 =	sand.u32 $0x1, s1  }
0x8c: {  	s17 =	sshll.u32 s0, $0xA;
	s2 =	sadd.s32 s3, s2  }
0x8d: {  	s2 =	sadd.s32 s2, s17  }
0x8e: {  	[smem:$0x3FC2] =	sst s2  }
0x8f: {  	_ = 	snop  }
0x90: {  	s2 =	sld [smem:$0x3FC9]  }
0x91: {  	s18 =	sld [smem:$0x3FC8]  }
0x92: {  	s4 =	sld [smem:$0x3FC7]  }
0x93: {  	s5 =	sld [smem:$0x3FC6]  }
0x94: {  	s6 =	sld [smem:$0x3FC5]  }
0x95: {  	s7 =	sld [smem:$0x3FD0];
	(tm) =	ssettm $0x1  }
0x96: {  	s8 =	sld [smem:$0x3FFB];
	_ =	sdelay $0x3  }
0x97: {  	_ =	strace s8  }
0x98: {  	s8 =	sld [smem:$0x3FFC];
	_ =	sdelay $0x3  }
0x99: {  	_ =	strace s8  }
0x9a: {  	s8 =	sld [smem:$0x3FFD];
	_ =	sdelay $0x3  }
0x9b: {  	_ =	strace s8  }
0x9c: {  	_ =	strace $0x8FFFFFFF  }
0x9d: {  	s19 =	sld [smem:$0x3FDB];
	_ =	sdelay $0x1  }
0x9e: {  	s9 =	simm.s32 $_scs_section_size  }
0x9f: {  	s10 =	simm.s32 $_size__tile_overlayer_lowered;
	s11 =	simm.s32 $_tile_overlayer_lowered  }
0xa0: {  	s22 =	simm.s32 $0x1BFF;
	s21 =	sshll.u32 s11, $0x1;
	s8 =	sadd.s32 s9, s19  }
0xa1: {  	s12 =	simm.s32 $0x0;
	s20 =	sshll.u32 s10, $0x1;
	s10 =	sadd.s32 s21, s8  }
0xa2: {  	[timem:s12], [sflag:s22] =	dma.local [hbm:s10], s20  }
0xa3: {  	_ =	swait.ge [sflag:s22], s20  }
0xa4: {  	s9 =	ssub.s32 $0x0, s20;
	[sflag:s22] =	ssyncset.done $0x0  }
0xa5: {  	[sflag:s22] =	ssyncadd.s32 s9;
	_ =	sdelay $0x1  }
0xa6: {  	s23 =	simm.s32 $0x1B8B  }
0xa7: {  	_ =	swait.ge [sflag:s23], $0x1  }
0xa8: {  	[sflag:s23] =	ssyncset.done $0x0  }
0xa9: {  	s25 =	simm.s32 $0x1B8E;
	s24 =	sld [smem:$0x3FFE];
	[sflag:s23] =	ssyncadd.s32 $0xFFFFFFFF  }
0xaa: {  	s26 =	simm.s32 $execute0_lowered;
	[smem:$0x3FD2] =	sst s25  }
0xab: {  	s10 =	sshll.u32 s26, $0x1;
	_ =	strace $0x80000046;
	[dreg:$0x1] =	wrdreg $0xFFFFFFFF  }
0xac: {  	s28 =	simm.s32 $_size_execute0_lowered;
	s8 =	sadd.s32 s8, s10;
	[dreg:$0x0] =	wrdreg $0x0  }
0xad: {  	s10 =	sshll.u32 s28, $0x1;
	[dreg:$0x2] =	wrdreg s8  }
0xae: {  	[dreg:$0x3] =	wrdreg s10  }
0xaf: {  	[dreg:$0x4] =	wrdreg $0xC0  }
0xb0: {  	_ =	task [dreg:s12], $0x5FFFF  }
0xb1: {  	[dreg:$0x1] =	wrdreg $0xFFFFFFFF  }
0xb2: {  	[dreg:$0x0] =	wrdreg $0x60  }
0xb3: {  	[dreg:$0x2] =	wrdreg s2  }
0xb4: {  	[dreg:$0x3] =	wrdreg s18  }
0xb5: {  	[dreg:$0x4] =	wrdreg s4  }
0xb6: {  	[dreg:$0x5] =	wrdreg s5  }
0xb7: {  	[dreg:$0x6] =	wrdreg s6  }
0xb8: {  	[dreg:$0x7] =	wrdreg s24  }
0xb9: {  	[dreg:$0x8] =	wrdreg s7  }
0xba: {  	[dreg:$0x9] =	wrdreg $0x9  }
0xbb: {  	_ =	task.clear_ibuf [dreg:s12], $0xAFFFF;
	_ =	strace $0x90000046  }
0xbc: {  	s29 =	simm.s32 $0x9;
	_ =	strace $0x80000048  }
0xbd: {  	_ =	swait.ge [sflag:s29], $0x1  }
0xbe: {  	[sflag:s29] =	ssyncadd.s32 $0xFFFFFFFF  }
0xbf: {  	_ =	strace $0x90000048  }
0xc0: {  	_ =	sfence  }
0xc1: {  	s30 =	sld [smem:$0x0];
	_ =	sdelay $0x2  }
0xc2: {  	s31 =	sshll.u32 s1, $0xD;
	s1 =	sshrl.u32 s1, $0x2  }
0xc3: {  	s3 =	sand.u32 $0x4000, s31;
	s1 =	sadd.s32 s1, s30  }
0xc4: {  	s0 =	sor.u32 s3, s0;
	s1 =	sshll.u32 s1, $0x11  }
0xc5: {  	s0 =	sor.u32 s1, s0  }
0xc6: {  	s0 =	sadd.s32 $0x8F2B, s0  }
0xc7: {  	[sflag:s0] =	ssyncadd.remote.s32 $0x1  }
0xc8: {  	_ =	sfence.sel $0xFFFF  }
0xc9: {  	[dreg:$0x0] =	wrdreg $0xFFFFFFFF;
	(pc) =	sbr.abs _section_cstart, $3  }
0xca: {  	[dreg:$0x1] =	wrdreg $0xFFFFFFFF  }
0xcb: {  	_ =	task.clear_ibuf [dreg:s12], $0x2FFFF;
	_ =	strace $0x9FFFFFFF  }
0xcc: {  	(tm) =	ssettm $0x7FFFFFFF  }
0xcd: {  	_ =	shalt  }
tec
execute0_lowered:
.L_overlay_start_1:
0x0: {  	(tag) =	ssettag $0x1  }
0x1: {  	s0 =	rddreg [dreg:$0x0]  }
0x2: {  	s3 =	rddreg [dreg:$0x1]  }
0x3: {  	s1 =	rddreg [dreg:$0x2]  }
0x4: {  	s2 =	rddreg [dreg:$0x3]  }
0x5: {  	s4 =	rddreg [dreg:$0x5]  }
0x6: {  	s5 =	rddreg [dreg:$0x6]  }
0x7: {  	s11 =	simm.s32 $0x0;
	s6 =	srdreg.scid;
	s8 =	stileid.u32  }
0x8: {  	s15 =	simm.s32 $0x1;
	s16 =	simm.s32 $0x7A1400;
	s17 =	simm.s32 $0x400  }
0x9: {  	s18 =	simm.s32 $0x8400;
	s9 =	simm.s32 $0xDC00;
	s10 =	simm.s32 $0x6400  }
0xa: {  	s12 =	simm.s32 $0x6C00;
	s19 =	simm.s32 $0xEC00;
	s20 =	simm.s32 $0x7400  }
0xb: {  	s21 =	simm.s32 $0xF400;
	s22 =	simm.s32 $0x7C00;
	s23 =	simm.s32 $0xFC00  }
0xc: {  	vm0 =	vmmov $0x1;
	vm2 =	vcmask $0x70C;
	vm3 =	vcmask $0xB10;
	[smem:$0x7FF] =	sst s11;
	s6 =	sand.u32 $0x1, s6;
	s8 =	sshll.u32 s8, $0x7  }
0xd: {  	vm4 =	vcmask $0xF14;
	vm5 =	vcmask $0x1318;
	vm6 =	vcmask $0x171C;
	s4 =	sadd.s32 $0x400, s4;
	s7 =	ssub.s32 $0x2, s6;
	s6 =	sshll.u32 s6, $0x6  }
0xe: {  	vm7 =	vcmask $0x1B20;
	vm8 =	vcmask $0x1F24;
	v0 =	vlaneseq.u32;
	_ =	strace $0x80000047;
	[dreg:$0x8] =	wrdreg s4;
	s6 =	sor.u32 s6, s8  }
.Ltmp0:
0xf: {  	vm9 =	vcmask $0x2328;
	vm10 =	vcmask $0x272C;
	v0 =	vmul.u32 $0x80, v0;
	s28 =	sshrl.u32 s7, $0x1;
	s0 =	sadd.s32 s0, s6;
	(pc) =	sbr.rel .LBB2_1-.Ltmp0, $4  }
0x10: {  	vm11 =	vcmask $0x2B30;
	vm12 =	vcmask $0x2F34;
	vm13 =	vcmask $0x3338;
	s8 =	simm.s32 $0x5C00;
	s29 =	sadd.s32 s3, s6;
	[dreg:$0x9] =	wrdreg s0  }
0x11: {  	vm14 =	vcmask $0x373C;
	vm15 =	vmmov $0x7fff;
	v1 =	vor.u32 $0x800, v0;
	s4 =	ssub.s32 s7, s28;
	s30 =	sadd.s32 s5, s6;
	[dreg:$0xa] =	wrdreg s29  }
0x12: {  	v2 =	vor.u32 $0x1000, v0;
	v3 =	vor.u32 $0x1800, v0;
	v4 =	vor.u32 $0x2000, v0;
	s5 =	simm.s32 $0xE400;
	[dreg:$0xb] =	wrdreg s30;
	s31 =	smax.u32 s4, $0x1  }
0x13: {  	v5 =	vor.u32 $0x2800, v0;
	v6 =	vor.u32 $0x3000, v0;
	v7 =	vor.u32 $0x3800, v0;
	s3 =	simm.s32 $0x0;
	s4 =	simm.s32 $0x2;
	[dreg:$0xc] =	wrdreg s31  }
.LBB2_5:
0x14: {  	s11 =	simm.s32 $0x0  }
0x15: {  	s0 =	rddreg [dreg:$0xb];
	s3 =	simm.s32 $0x10500;
	s4 =	simm.s32 $0x2  }
0x16: {  	[hbm4b:s0+s11] =	stream.linear.scatter [tilespmem:s3], [sflag:$0x2], $0x200, $0x38;
	[tilespmem:$0x10700] =	vst v63  }
0x17: {  	_ =	swait.ge [sflag:s4], $0x200  }
0x18: {  	s30 =	rddreg [dreg:$0xd]  }
0x19: {  	s31 =	rddreg [dreg:$0xc];
	s3 =	sadd.s32 $0x1, s30  }
0x1a: {  	p0 =	sne.s32 s3, s31  }
.Ltmp1:
0x1b: {  	_ = 	snop;
	(pc) =	sbr.rel @!p0 .LBB2_6-.Ltmp1, $3  }
0x1c: {  	_ =	sdelay $0x1  }
0x1d: {  	[sflag:s4] =	ssyncset.done $0x0  }
0x1e: {  	[sflag:s4] =	ssyncadd.s32 $0xFFFFFE00  }
.LBB2_1:
0x1f: {  	[dreg:$0xd] =	wrdreg s3  }
0x20: {  	s0 =	rddreg [dreg:$0x4];
	s29 =	simm.s32 $0x10400  }
0x21: {  	[tilespmem:s29], [sflag:$0x2] =	stream.linear.gather [hbm4b:s0+s11], $0x80, $0x38;
	[tilespmem:$0x10700] =	vst v63  }
0x22: {  	_ =	swait.ge [sflag:s4], $0x80  }
0x23: {  	[sflag:s4] =	ssyncset.done $0x0  }
0x24: {  	s31 =	simm.s32 $0x10480;
	s30 =	rddreg [dreg:$0x8];
	[sflag:s4] =	ssyncadd.s32 $0xFFFFFF80  }
0x25: {  	[tilespmem:s31], [sflag:$0x2] =	stream.linear.gather [hbm4b:s30+s11], $0x80, $0x38;
	[tilespmem:$0x10700] =	vst v63  }
0x26: {  	_ =	swait.ge [sflag:s4], $0x80  }
0x27: {  	[sflag:s4] =	ssyncset.done $0x0  }
0x28: {  	s3 =	rddreg [dreg:$0x9];
	[sflag:s4] =	ssyncadd.s32 $0xFFFFFF80  }
0x29: {  	[tilespmem:s11], [sflag:$0x2] =	stream.linear.gather [hbm4b:s3+s11], $0x200, $0x38;
	[tilespmem:$0x10700] =	vst v63  }
0x2a: {  	_ =	swait.ge [sflag:s4], $0x200  }
0x2b: {  	[sflag:s4] =	ssyncset.done $0x0  }
0x2c: {  	s7 =	simm.s32 $0x200;
	s6 =	rddreg [dreg:$0xa];
	[sflag:s4] =	ssyncadd.s32 $0xFFFFFE00  }
0x2d: {  	[tilespmem:s7], [sflag:$0x2] =	stream.linear.gather [hbm4b:s6+s11], $0x200, $0x38;
	[tilespmem:$0x10700] =	vst v63  }
0x2e: {  	_ =	swait.ge [sflag:s4], $0x200  }
0x2f: {  	[sflag:s4] =	ssyncset.done $0x0  }
0x30: {  	[sflag:s4] =	ssyncadd.s32 $0xFFFFFE00  }
0x31: {  	v11 =	vld [tilespmem:$0x200];
	_ =	sdelay $0x3  }
0x32: {  	v10 =	vld [tilespmem:$0x0]  }
0x33: {  	v8 =	vnsel vm0, $0x0, v11  }
0x34: {  	(xrf0) =	vadd.scan.msk.s32 $0xffff, v8;
	_ =	sdelay $0x2  }
0x35: {  	v8 =	vnsel vm0, $0x0, v10;
	_ =	sdelay $0x2  }
0x36: {  	(xrf0) =	vadd.scan.msk.s32 $0xffff, v8;
	v8, _, _ =	vpop (xrf0)  }
0x37: {  	(v2sf) =	vpush v8, $0xF;
	_ =	sdelay $0x4  }
0x38: {  	vm1 =	vcmask $0x308;
	v8, _, _ =	vpop (xrf0)  }
0x39: {  	(v2sf) =	vpush v8, $0xF;
	v8 =	vsel vm1, $0x0, v11  }
0x3a: {  	(xrf0) =	vadd.scan.msk.s32 $0xffff, v8;
	v8 =	vsel vm1, $0x0, v10  }
0x3b: {  	(xrf0) =	vadd.scan.msk.s32 $0xffff, v8;
	_ =	sdelay $0x4  }
0x3c: {  	v8, _, _ =	vpop (xrf0)  }
0x3d: {  	(v2sf) =	vpush v8, $0xF;
	v8, _, _ =	vpop (xrf0)  }
0x3e: {  	s24 =	spop (v2sf);
	(v2sf) =	vpush v8, $0xF;
	_ =	sdelay $0x3  }
0x3f: {  	v8 =	vsel vm2, $0x0, v11  }
0x40: {  	(xrf0) =	vadd.scan.msk.s32 $0xffff, v8;
	_ =	sdelay $0x1  }
0x41: {  	v9 =	vsel vm2, $0x0, v10  }
0x42: {  	(xrf0) =	vadd.scan.msk.s32 $0xffff, v9;
	_ =	sdelay $0x2  }
0x43: {  	s25 =	sand.u32 $0x7F, s24;
	s26 =	spop (v2sf);
	s28 =	sshra.s32 s24, $0x1F;
	v12, _, _ =	vpop (xrf0)  }
0x44: {  	p6 =	slt.s32 s24, $0x1;
	p0 =	sne.s32 s25, $0x0;
	s11 =	sand.u32 $0x7F, s26;
	(v2sf) =	vpush v12, $0xF  }
0x45: {  	s13 =	sshra.s32 s26, $0x1F;
	p2 =	slt.s32 s26, $0x1;
	s28 =	sshrl.u32 s28, $0x19  }
0x46: {  	p1 =	sne.s32 s11, $0x0;
	s25 =	sshrl.u32 s13, $0x19;
	v47, _, _ =	vpop (xrf0);
	s14 =	spop (v2sf)  }
0x47: {  	s24 =	sadd.s32 s28, s24;
	p1 =	por !p2, !p1;
	s29 =	spop (v2sf);
	(v2sf) =	vpush v47, $0xF  }
0x48: {  	s25 =	sadd.s32 s25, s26;
	s26 =	simm.s32 $0x1;
	p1 =	por !p1, !p1  }
0x49: {  	p0 =	por !p6, !p0;
	s25 =	sshrl.u32 s25, $0x7;
	s26 =	simm.s32 @!p1 $0x0  }
0x4a: {  	p0 =	por !p0, !p0;
	s25 =	ssub.s32 s25, s26;
	s26 =	simm.s32 $0x1  }
0x4b: {  	v48 =	vsel vm3, $0x0, v11;
	s24 =	sshrl.u32 s24, $0x7;
	s25 =	sshll.u32 s25, $0x7;
	s26 =	simm.s32 @!p0 $0x0  }
0x4c: {  	s3 =	simm.s32 $0xC00;
	(xrf0) =	vadd.scan.msk.s32 $0xffff, v48;
	s25 =	sand.u32 $0x1FFFFF80, s25;
	s24 =	ssub.s32 s24, s26  }
0x4d: {  	v8 =	vld [tilespmem:$0x10480];
	s25 =	sadd.s32 s1, s25;
	s24 =	sshll.u32 s24, $0x7;
	s26 =	sand.u32 $0x7F, s14  }
0x4e: {  	v49 =	vsel vm3, $0x0, v10;
	v9 =	vld [tilespmem:$0x10400];
	[tilespmem:s17], [sflag:$0x1] =	stream.strided.gather [hbm4b:s25+s17], $0x800, s16, s17, $0x38  }
0x4f: {  	(xrf0) =	vadd.scan.msk.s32 $0xffff, v49;
	s30 =	sshra.s32 s14, $0x1F;
	p6 =	slt.s32 s14, $0x1;
	s24 =	sand.u32 $0x1FFFFF80, s24  }
0x50: {  	p3 =	sne.s32 s26, $0x0;
	s28 =	sshrl.u32 s30, $0x19;
	s24 =	sadd.s32 s2, s24  }
0x51: {  	[tilespmem:s18], [sflag:$0x1] =	stream.strided.gather [hbm4b:s24+s17], $0x800, s16, s17, $0x38;
	[tilespmem:$0x10700] =	vst v63  }
0x52: {  	s26 =	simm.s32 $0x1;
	v50, _, _ =	vpop (xrf0);
	s31 =	sand.u32 $0x7F, s29;
	s0 =	sshra.s32 s29, $0x1F  }
0x53: {  	p5 =	slt.s32 s29, $0x1;
	p4 =	sne.s32 s31, $0x0;
	s6 =	spop (v2sf);
	(v2sf) =	vpush v50, $0xF  }
0x54: {  	s25 =	sadd.s32 s28, s14;
	s24 =	sshrl.u32 s0, $0x19;
	p1 =	por !p5, !p4  }
0x55: {  	p0 =	por !p6, !p3;
	v51, _, _ =	vpop (xrf0);
	s24 =	sadd.s32 s24, s29;
	p1 =	por !p1, !p1  }
0x56: {  	s24 =	sshrl.u32 s24, $0x7;
	s26 =	simm.s32 @!p1 $0x0;
	s13 =	spop (v2sf);
	(v2sf) =	vpush v51, $0xF  }
0x57: {  	p0 =	por !p0, !p0;
	s24 =	ssub.s32 s24, s26;
	s26 =	simm.s32 $0x1  }
0x58: {  	s25 =	sshrl.u32 s25, $0x7;
	s24 =	sshll.u32 s24, $0x7;
	s26 =	simm.s32 @!p0 $0x0  }
0x59: {  	s7 =	simm.s32 $0x8C00;
	v52 =	vsel vm4, $0x0, v11;
	s24 =	sand.u32 $0x1FFFFF80, s24;
	s25 =	ssub.s32 s25, s26  }
0x5a: {  	(xrf0) =	vadd.scan.msk.s32 $0xffff, v52;
	s26 =	simm.s32 $0x1;
	s24 =	sadd.s32 s1, s24;
	s4 =	sshll.u32 s25, $0x7  }
0x5b: {  	[tilespmem:s3], [sflag:$0x1] =	stream.strided.gather [hbm4b:s24+s17], $0x800, s16, s17, $0x38;
	[tilespmem:$0x10700] =	vst v63  }
0x5c: {  	v53 =	vsel vm4, $0x0, v10;
	s11 =	sand.u32 $0x7F, s6;
	s14 =	sshra.s32 s6, $0x1F;
	s24 =	sand.u32 $0x1FFFFF80, s4  }
0x5d: {  	(xrf0) =	vadd.scan.msk.s32 $0xffff, v53;
	p6 =	slt.s32 s6, $0x1;
	s28 =	sshrl.u32 s14, $0x19;
	s24 =	sadd.s32 s2, s24  }
0x5e: {  	[tilespmem:s7], [sflag:$0x1] =	stream.strided.gather [hbm4b:s24+s17], $0x800, s16, s17, $0x38;
	[tilespmem:$0x10700] =	vst v63  }
0x5f: {  	p3 =	sne.s32 s11, $0x0;
	s25 =	sadd.s32 s28, s6;
	s29 =	sand.u32 $0x7F, s13  }
0x60: {  	s30 =	sshra.s32 s13, $0x1F;
	p5 =	slt.s32 s13, $0x1;
	p4 =	sne.s32 s29, $0x0  }
0x61: {  	v54, _, _ =	vpop (xrf0);
	p0 =	por !p6, !p3;
	s24 =	sshrl.u32 s30, $0x19;
	p1 =	por !p5, !p4  }
0x62: {  	s24 =	sadd.s32 s24, s13;
	p1 =	por !p1, !p1;
	s3 =	spop (v2sf);
	(v2sf) =	vpush v54, $0xF  }
0x63: {  	p0 =	por !p0, !p0;
	s24 =	sshrl.u32 s24, $0x7;
	s26 =	simm.s32 @!p1 $0x0  }
0x64: {  	v55, _, _ =	vpop (xrf0);
	s25 =	sshrl.u32 s25, $0x7;
	s24 =	ssub.s32 s24, s26;
	s26 =	simm.s32 $0x1  }
0x65: {  	s24 =	sshll.u32 s24, $0x7;
	s26 =	simm.s32 @!p0 $0x0;
	s7 =	spop (v2sf);
	(v2sf) =	vpush v55, $0xF  }
0x66: {  	s31 =	simm.s32 $0x1400;
	s24 =	sand.u32 $0x1FFFFF80, s24;
	s25 =	ssub.s32 s25, s26  }
0x67: {  	s4 =	simm.s32 $0x9400;
	s24 =	sadd.s32 s1, s24;
	s0 =	sshll.u32 s25, $0x7  }
0x68: {  	[tilespmem:s31], [sflag:$0x1] =	stream.strided.gather [hbm4b:s24+s17], $0x800, s16, s17, $0x38;
	[tilespmem:$0x10700] =	vst v63  }
0x69: {  	v56 =	vsel vm5, $0x0, v11;
	s26 =	simm.s32 $0x1;
	s6 =	sand.u32 $0x7F, s3;
	s24 =	sand.u32 $0x1FFFFF80, s0  }
0x6a: {  	(xrf0) =	vadd.scan.msk.s32 $0xffff, v56;
	s11 =	sshra.s32 s3, $0x1F;
	p6 =	slt.s32 s3, $0x1;
	s24 =	sadd.s32 s2, s24  }
0x6b: {  	[tilespmem:s4], [sflag:$0x1] =	stream.strided.gather [hbm4b:s24+s17], $0x800, s16, s17, $0x38;
	[tilespmem:$0x10700] =	vst v63  }
0x6c: {  	v57 =	vsel vm5, $0x0, v10;
	p3 =	sne.s32 s6, $0x0;
	s28 =	sshrl.u32 s11, $0x19;
	s13 =	sand.u32 $0x7F, s7  }
0x6d: {  	(xrf0) =	vadd.scan.msk.s32 $0xffff, v57;
	s14 =	sshra.s32 s7, $0x1F;
	p5 =	slt.s32 s7, $0x1;
	p4 =	sne.s32 s13, $0x0  }
0x6e: {  	s25 =	sadd.s32 s28, s3;
	s24 =	sshrl.u32 s14, $0x19;
	p1 =	por !p5, !p4  }
0x6f: {  	p0 =	por !p6, !p3;
	s24 =	sadd.s32 s24, s7;
	p1 =	por !p1, !p1  }
0x70: {  	v58, _, _ =	vpop (xrf0);
	p0 =	por !p0, !p0;
	s24 =	sshrl.u32 s24, $0x7;
	s26 =	simm.s32 @!p1 $0x0  }
0x71: {  	s24 =	ssub.s32 s24, s26;
	s26 =	simm.s32 $0x1;
	s29 =	spop (v2sf);
	(v2sf) =	vpush v58, $0xF  }
0x72: {  	s25 =	sshrl.u32 s25, $0x7;
	s24 =	sshll.u32 s24, $0x7;
	s26 =	simm.s32 @!p0 $0x0  }
0x73: {  	v59, _, _ =	vpop (xrf0);
	s24 =	sand.u32 $0x1FFFFF80, s24;
	s25 =	ssub.s32 s25, s26;
	s26 =	simm.s32 $0x1C00  }
0x74: {  	s24 =	sadd.s32 s1, s24;
	s28 =	sshll.u32 s25, $0x7;
	s0 =	spop (v2sf);
	(v2sf) =	vpush v59, $0xF  }
0x75: {  	[tilespmem:s26], [sflag:$0x1] =	stream.strided.gather [hbm4b:s24+s17], $0x800, s16, s17, $0x38;
	[tilespmem:$0x10700] =	vst v63  }
0x76: {  	s30 =	simm.s32 $0x9C00;
	s24 =	sand.u32 $0x1FFFFF80, s28  }
0x77: {  	s31 =	sand.u32 $0x7F, s29;
	s3 =	sshra.s32 s29, $0x1F;
	s24 =	sadd.s32 s2, s24  }
0x78: {  	v60 =	vsel vm6, $0x0, v11;
	[tilespmem:s30], [sflag:$0x1] =	stream.strided.gather [hbm4b:s24+s17], $0x800, s16, s17, $0x38;
	[tilespmem:$0x10700] =	vst v63  }
0x79: {  	(xrf0) =	vadd.scan.msk.s32 $0xffff, v60;
	p6 =	slt.s32 s29, $0x1;
	p3 =	sne.s32 s31, $0x0;
	s4 =	sand.u32 $0x7F, s0  }
0x7a: {  	s6 =	sshra.s32 s0, $0x1F;
	p5 =	slt.s32 s0, $0x1;
	p4 =	sne.s32 s4, $0x0  }
0x7b: {  	v61 =	vsel vm6, $0x0, v10;
	s28 =	sshrl.u32 s3, $0x19;
	s24 =	sshrl.u32 s6, $0x19;
	p1 =	por !p5, !p4  }
0x7c: {  	(xrf0) =	vadd.scan.msk.s32 $0xffff, v61;
	s26 =	simm.s32 $0x1;
	s24 =	sadd.s32 s24, s0;
	p1 =	por !p1, !p1  }
0x7d: {  	p0 =	por !p6, !p3;
	s24 =	sshrl.u32 s24, $0x7;
	s26 =	simm.s32 @!p1 $0x0  }
0x7e: {  	s25 =	sadd.s32 s28, s29;
	p0 =	por !p0, !p0;
	s24 =	ssub.s32 s24, s26  }
0x7f: {  	v62, _, _ =	vpop (xrf0);
	s25 =	sshrl.u32 s25, $0x7;
	s26 =	simm.s32 $0x1;
	s24 =	sshll.u32 s24, $0x7  }
0x80: {  	s26 =	simm.s32 @!p0 $0x0;
	s24 =	sand.u32 $0x1FFFFF80, s24;
	s13 =	spop (v2sf);
	(v2sf) =	vpush v62, $0xF  }
0x81: {  	s7 =	simm.s32 $0x2400;
	s25 =	ssub.s32 s25, s26;
	s24 =	sadd.s32 s1, s24  }
0x82: {  	v63, _, _ =	vpop (xrf0);
	[tilespmem:s7], [sflag:$0x1] =	stream.strided.gather [hbm4b:s24+s17], $0x800, s16, s17, $0x38;
	[tilespmem:$0x10700] =	vst v63  }
0x83: {  	s14 =	simm.s32 $0xA400;
	s11 =	sshll.u32 s25, $0x7;
	s29 =	spop (v2sf);
	(v2sf) =	vpush v63, $0xF  }
0x84: {  	s3 =	simm.s32 $0x2C00;
	s26 =	sand.u32 $0x7F, s13;
	s24 =	sand.u32 $0x1FFFFF80, s11  }
0x85: {  	s30 =	sshra.s32 s13, $0x1F;
	p6 =	slt.s32 s13, $0x1;
	s24 =	sadd.s32 s2, s24  }
0x86: {  	[tilespmem:s14], [sflag:$0x1] =	stream.strided.gather [hbm4b:s24+s17], $0x800, s16, s17, $0x38;
	[tilespmem:$0x10700] =	vst v63  }
0x87: {  	p3 =	sne.s32 s26, $0x0;
	s28 =	sshrl.u32 s30, $0x19;
	s31 =	sand.u32 $0x7F, s29  }
0x88: {  	v11 =	vsel vm7, $0x0, v11;
	s0 =	sshra.s32 s29, $0x1F;
	p5 =	slt.s32 s29, $0x1;
	p4 =	sne.s32 s31, $0x0  }
0x89: {  	(xrf0) =	vadd.scan.msk.s32 $0xffff, v11;
	s26 =	simm.s32 $0x1;
	s24 =	sshrl.u32 s0, $0x19;
	p1 =	por !p5, !p4  }
0x8a: {  	v10 =	vsel vm7, $0x0, v10;
	s25 =	sadd.s32 s28, s13;
	s24 =	sadd.s32 s24, s29;
	p1 =	por !p1, !p1  }
0x8b: {  	(xrf0) =	vadd.scan.msk.s32 $0xffff, v10;
	p0 =	por !p6, !p3;
	s24 =	sshrl.u32 s24, $0x7;
	s26 =	simm.s32 @!p1 $0x0  }
0x8c: {  	p0 =	por !p0, !p0;
	s24 =	ssub.s32 s24, s26;
	s26 =	simm.s32 $0x1  }
0x8d: {  	s25 =	sshrl.u32 s25, $0x7;
	s24 =	sshll.u32 s24, $0x7;
	s26 =	simm.s32 @!p0 $0x0  }
0x8e: {  	s7 =	simm.s32 $0xAC00;
	s24 =	sand.u32 $0x1FFFFF80, s24;
	s25 =	ssub.s32 s25, s26  }
0x8f: {  	v10, _, _ =	vpop (xrf0);
	s6 =	spop (v2sf);
	s24 =	sadd.s32 s1, s24;
	s4 =	sshll.u32 s25, $0x7  }
0x90: {  	(v2sf) =	vpush v10, $0xF;
	[tilespmem:s3], [sflag:$0x1] =	stream.strided.gather [hbm4b:s24+s17], $0x800, s16, s17, $0x38;
	[tilespmem:$0x10700] =	vst v63  }
0x91: {  	v10, _, _ =	vpop (xrf0);
	s26 =	simm.s32 $0x1;
	s11 =	sand.u32 $0x7F, s6;
	s24 =	sand.u32 $0x1FFFFF80, s4  }
0x92: {  	s14 =	sshra.s32 s6, $0x1F;
	s24 =	sadd.s32 s2, s24;
	s13 =	spop (v2sf);
	(v2sf) =	vpush v10, $0xF  }
0x93: {  	[tilespmem:s7], [sflag:$0x1] =	stream.strided.gather [hbm4b:s24+s17], $0x800, s16, s17, $0x38;
	[tilespmem:$0x10700] =	vst v63  }
0x94: {  	p6 =	slt.s32 s6, $0x1;
	p3 =	sne.s32 s11, $0x0;
	s29 =	sand.u32 $0x7F, s13  }
0x95: {  	s30 =	sshra.s32 s13, $0x1F;
	p5 =	slt.s32 s13, $0x1;
	p4 =	sne.s32 s29, $0x0  }
0x96: {  	s28 =	sshrl.u32 s14, $0x19;
	s24 =	sshrl.u32 s30, $0x19;
	p1 =	por !p5, !p4  }
0x97: {  	s25 =	sadd.s32 s28, s6;
	s24 =	sadd.s32 s24, s13;
	p1 =	por !p1, !p1  }
0x98: {  	p0 =	por !p6, !p3;
	s24 =	sshrl.u32 s24, $0x7;
	s26 =	simm.s32 @!p1 $0x0  }
0x99: {  	p0 =	por !p0, !p0;
	s24 =	ssub.s32 s24, s26;
	s26 =	simm.s32 $0x1  }
0x9a: {  	s25 =	sshrl.u32 s25, $0x7;
	s24 =	sshll.u32 s24, $0x7;
	s26 =	simm.s32 @!p0 $0x0  }
0x9b: {  	s24 =	sand.u32 $0x1FFFFF80, s24;
	s25 =	ssub.s32 s25, s26  }
0x9c: {  	s31 =	simm.s32 $0x3400;
	s24 =	sadd.s32 s1, s24;
	s0 =	sshll.u32 s25, $0x7  }
0x9d: {  	[tilespmem:s31], [sflag:$0x1] =	stream.strided.gather [hbm4b:s24+s17], $0x800, s16, s17, $0x38;
	[tilespmem:$0x10700] =	vst v63  }
0x9e: {  	s24 =	sand.u32 $0x1FFFFF80, s0  }
0x9f: {  	s4 =	simm.s32 $0xB400;
	s3 =	spop (v2sf);
	s24 =	sadd.s32 s2, s24  }
0xa0: {  	[tilespmem:s4], [sflag:$0x1] =	stream.strided.gather [hbm4b:s24+s17], $0x800, s16, s17, $0x38;
	[tilespmem:$0x10700] =	vst v63  }
0xa1: {  	s26 =	simm.s32 $0x1;
	s7 =	spop (v2sf)  }
0xa2: {  	s6 =	sand.u32 $0x7F, s3;
	s11 =	sshra.s32 s3, $0x1F;
	s13 =	sand.u32 $0x7F, s7  }
0xa3: {  	s14 =	sshra.s32 s7, $0x1F;
	p5 =	slt.s32 s7, $0x1;
	p4 =	sne.s32 s13, $0x0  }
0xa4: {  	p6 =	slt.s32 s3, $0x1;
	s24 =	sshrl.u32 s14, $0x19;
	p1 =	por !p5, !p4  }
0xa5: {  	p3 =	sne.s32 s6, $0x0;
	s24 =	sadd.s32 s24, s7;
	p1 =	por !p1, !p1  }
0xa6: {  	s28 =	sshrl.u32 s11, $0x19;
	s24 =	sshrl.u32 s24, $0x7;
	s26 =	simm.s32 @!p1 $0x0  }
0xa7: {  	s25 =	sadd.s32 s28, s3;
	p0 =	por !p6, !p3;
	s24 =	ssub.s32 s24, s26  }
0xa8: {  	p0 =	por !p0, !p0;
	s26 =	simm.s32 $0x1;
	s24 =	sshll.u32 s24, $0x7  }
0xa9: {  	s25 =	sshrl.u32 s25, $0x7;
	s26 =	simm.s32 @!p0 $0x0;
	s24 =	sand.u32 $0x1FFFFF80, s24  }
0xaa: {  	s29 =	simm.s32 $0x3C00;
	s25 =	ssub.s32 s25, s26;
	s24 =	sadd.s32 s1, s24  }
0xab: {  	[tilespmem:s29], [sflag:$0x1] =	stream.strided.gather [hbm4b:s24+s17], $0x800, s16, s17, $0x38;
	[tilespmem:$0x10700] =	vst v63  }
.Ltmp2:
0xac: {  	s30 =	sshll.u32 s25, $0x7;
	(pc) =	sbr.rel .LBB2_2-.Ltmp2, $4  }
0xad: {  	s24 =	sand.u32 $0x1FFFFF80, s30  }
0xae: {  	s31 =	simm.s32 $0xBC00;
	s24 =	sadd.s32 s2, s24  }
0xaf: {  	[tilespmem:s31], [sflag:$0x1] =	stream.strided.gather [hbm4b:s24+s17], $0x800, s16, s17, $0x38;
	[tilespmem:$0x10700] =	vst v63  }
0xb0: {  	s24 =	simm.s32 $0x0  }
.LBB2_4:
0xb1: {  	_ =	swait.ge [sflag:s15], $0x800  }
0xb2: {  	[sflag:s15] =	ssyncset.done $0x0  }
0xb3: {  	[sflag:s15] =	ssyncadd.s32 $0xFFFFF800  }
0xb4: {  	_ =	swait.ge [sflag:s15], $0x800  }
0xb5: {  	[sflag:s15] =	ssyncset.done $0x0  }
0xb6: {  	[sflag:s15] =	ssyncadd.s32 $0xFFFFF800  }
0xb7: {  	_ =	swait.ge [sflag:s15], $0x800  }
0xb8: {  	[sflag:s15] =	ssyncset.done $0x0  }
0xb9: {  	[sflag:s15] =	ssyncadd.s32 $0xFFFFF800  }
0xba: {  	_ =	swait.ge [sflag:s15], $0x800  }
0xbb: {  	[sflag:s15] =	ssyncset.done $0x0  }
0xbc: {  	[sflag:s15] =	ssyncadd.s32 $0xFFFFF800  }
0xbd: {  	_ =	swait.ge [sflag:s15], $0x800  }
0xbe: {  	[sflag:s15] =	ssyncset.done $0x0  }
0xbf: {  	[sflag:s15] =	ssyncadd.s32 $0xFFFFF800  }
0xc0: {  	_ =	swait.ge [sflag:s15], $0x800  }
0xc1: {  	[sflag:s15] =	ssyncset.done $0x0  }
0xc2: {  	[sflag:s15] =	ssyncadd.s32 $0xFFFFF800  }
0xc3: {  	_ =	swait.ge [sflag:s15], $0x800  }
0xc4: {  	[sflag:s15] =	ssyncset.done $0x0  }
0xc5: {  	[sflag:s15] =	ssyncadd.s32 $0xFFFFF800  }
0xc6: {  	_ =	swait.ge [sflag:s15], $0x800  }
0xc7: {  	[sflag:s15] =	ssyncset.done $0x0  }
0xc8: {  	[sflag:s15] =	ssyncadd.s32 $0xFFFFF800  }
0xc9: {  	_ =	swait.ge [sflag:s15], $0x800  }
0xca: {  	[sflag:s15] =	ssyncset.done $0x0  }
0xcb: {  	[sflag:s15] =	ssyncadd.s32 $0xFFFFF800  }
0xcc: {  	_ =	swait.ge [sflag:s15], $0x800  }
0xcd: {  	[sflag:s15] =	ssyncset.done $0x0  }
0xce: {  	[sflag:s15] =	ssyncadd.s32 $0xFFFFF800  }
0xcf: {  	_ =	swait.ge [sflag:s15], $0x800  }
0xd0: {  	[sflag:s15] =	ssyncset.done $0x0  }
0xd1: {  	[sflag:s15] =	ssyncadd.s32 $0xFFFFF800  }
0xd2: {  	_ =	swait.ge [sflag:s15], $0x800  }
0xd3: {  	[sflag:s15] =	ssyncset.done $0x0  }
0xd4: {  	[sflag:s15] =	ssyncadd.s32 $0xFFFFF800  }
0xd5: {  	_ =	swait.ge [sflag:s15], $0x800  }
0xd6: {  	[sflag:s15] =	ssyncset.done $0x0  }
0xd7: {  	[sflag:s15] =	ssyncadd.s32 $0xFFFFF800  }
0xd8: {  	_ =	swait.ge [sflag:s15], $0x800  }
0xd9: {  	[sflag:s15] =	ssyncset.done $0x0  }
0xda: {  	[sflag:s15] =	ssyncadd.s32 $0xFFFFF800  }
0xdb: {  	_ =	swait.ge [sflag:s15], $0x800  }
0xdc: {  	[sflag:s15] =	ssyncset.done $0x0  }
0xdd: {  	[sflag:s15] =	ssyncadd.s32 $0xFFFFF800  }
0xde: {  	_ =	swait.ge [sflag:s15], $0x800  }
0xdf: {  	[sflag:s15] =	ssyncset.done $0x0  }
0xe0: {  	[sflag:s15] =	ssyncadd.s32 $0xFFFFF800  }
0xe1: {  	v11 =	vld [tilespmem:s25+$0x0]  }
0xe2: {  	v12 =	vld [tilespmem:s25+$0x200];
	_ =	sdelay $0x3  }
0xe3: {  	v13 =	vsel vm8, $0x0, v11  }
0xe4: {  	v22 =	vsel vm8, $0x0, v12;
	(xrf0) =	vadd.scan.msk.s32 $0xffff, v13  }
0xe5: {  	v23 =	vsel vm9, $0x0, v11;
	(xrf0) =	vadd.scan.msk.s32 $0xffff, v22  }
0xe6: {  	v24 =	vsel vm9, $0x0, v12;
	(xrf0) =	vadd.scan.msk.s32 $0xffff, v23  }
0xe7: {  	(xrf0) =	vadd.scan.msk.s32 $0xffff, v24  }
0xe8: {  	v25 =	vsel vm10, $0x0, v11  }
0xe9: {  	v26 =	vsel vm10, $0x0, v12;
	(xrf0) =	vadd.scan.msk.s32 $0xffff, v25  }
0xea: {  	(xrf0) =	vadd.scan.msk.s32 $0xffff, v26;
	v27, _, _ =	vpop (xrf0)  }
0xeb: {  	v14 =	vsel vm11, $0x0, v11;
	(v2sf) =	vpush v27, $0xF;
	v28, _, _ =	vpop (xrf0)  }
0xec: {  	(xrf0) =	vadd.scan.msk.s32 $0xffff, v14;
	v29, _, _ =	vpop (xrf0);
	(v2sf) =	vpush v28, $0xF  }
0xed: {  	v30, _, _ =	vpop (xrf0);
	(v2sf) =	vpush v29, $0xF  }
0xee: {  	(v2sf) =	vpush v30, $0xF  }
0xef: {  	v32 =	vsel vm11, $0x0, v12;
	v31, _, _ =	vpop (xrf0)  }
0xf0: {  	(xrf0) =	vadd.scan.msk.s32 $0xffff, v32;
	(v2sf) =	vpush v31, $0xF;
	v33, _, _ =	vpop (xrf0)  }
0xf1: {  	(v2sf) =	vpush v33, $0xF  }
0xf2: {  	v34 =	vsel vm12, $0x0, v11;
	v35, _, _ =	vpop (xrf0)  }
0xf3: {  	v36 =	vsel vm12, $0x0, v12;
	(xrf0) =	vadd.scan.msk.s32 $0xffff, v34;
	(v2sf) =	vpush v35, $0xF  }
0xf4: {  	(xrf0) =	vadd.scan.msk.s32 $0xffff, v36;
	_ =	sdelay $0x1  }
0xf5: {  	v38 =	vsel vm13, $0x0, v11;
	v37, _, _ =	vpop (xrf0)  }
0xf6: {  	(v2sf) =	vpush v37, $0xF;
	(xrf0) =	vadd.scan.msk.s32 $0xffff, v38  }
0xf7: {  	v40 =	vsel vm13, $0x0, v12  }
0xf8: {  	v42 =	vsel vm14, $0x0, v11;
	v39, _, _ =	vpop (xrf0);
	(xrf0) =	vadd.scan.msk.s32 $0xffff, v40  }
0xf9: {  	(v2sf) =	vpush v39, $0xF;
	v41, _, _ =	vpop (xrf0);
	(xrf0) =	vadd.scan.msk.s32 $0xffff, v42;
	s0 =	spop (v2sf)  }
0xfa: {  	(v2sf) =	vpush v41, $0xF;
	s3 =	spop (v2sf)  }
0xfb: {  	s6 =	sshra.s32 s0, $0x1F;
	s4 =	spop (v2sf)  }
0xfc: {  	v43, _, _ =	vpop (xrf0);
	s6 =	sshrl.u32 s6, $0x19;
	s11 =	sshra.s32 s3, $0x1F;
	s13 =	spop (v2sf)  }
0xfd: {  	v44 =	vsel vm14, $0x0, v12;
	(v2sf) =	vpush v43, $0xF;
	s6 =	sadd.s32 s6, s0;
	s11 =	sshrl.u32 s11, $0x19;
	s30 =	sshra.s32 s4, $0x1F  }
0xfe: {  	v11 =	vsel vm15, $0x0, v11;
	v14, _, _ =	vpop (xrf0);
	(xrf0) =	vadd.scan.msk.s32 $0xffff, v44;
	s14 =	spop (v2sf);
	s6 =	sand.u32 $0xFFFFFF80, s6;
	s11 =	sadd.s32 s11, s3  }
0xff: {  	(v2sf) =	vpush v14, $0xF;
	v45, _, _ =	vpop (xrf0);
	(xrf0) =	vadd.scan.msk.s32 $0xffff, v11;
	v11 =	vsel vm15, $0x0, v12;
	s31 =	sshrl.u32 s30, $0x19;
	s28 =	sshra.s32 s13, $0x1F;
	s26 =	spop (v2sf)  }
0x100: {  	(v2sf) =	vpush v45, $0xF;
	(xrf0) =	vadd.scan.msk.s32 $0xffff, v11;
	s0 =	ssub.s32 s0, s6;
	s29 =	sand.u32 $0xFFFFFF80, s11;
	s6 =	sadd.s32 s31, s4  }
0x101: {  	s28 =	sshrl.u32 s28, $0x19;
	s3 =	ssub.s32 s3, s29;
	s11 =	spop (v2sf)  }
0x102: {  	s29 =	sshra.s32 s14, $0x1F;
	s6 =	sand.u32 $0xFFFFFF80, s6;
	s7 =	sadd.s32 s28, s13  }
0x103: {  	s31 =	sshra.s32 s26, $0x1F;
	s29 =	sshrl.u32 s29, $0x19;
	s4 =	ssub.s32 s4, s6  }
0x104: {  	s6 =	sand.u32 $0xFFFFFF80, s7;
	s7 =	sshra.s32 s11, $0x1F;
	v11, _, _ =	vpop (xrf0);
	s30 =	sadd.s32 s29, s14  }
0x105: {  	s29 =	spop (v2sf);
	s6 =	ssub.s32 s13, s6;
	s28 =	sand.u32 $0xFFFFFF80, s30;
	(v2sf) =	vpush v11, $0xF;
	v11, _, _ =	vpop (xrf0)  }
0x106: {  	s13 =	ssub.s32 s14, s28;
	s14 =	sshrl.u32 s31, $0x19;
	(v2sf) =	vpush v11, $0xF;
	v11, _, _ =	vpop (xrf0);
	s28 =	sshrl.u32 s7, $0x19  }
0x107: {  	s7 =	sshra.s32 s29, $0x1F;
	s14 =	sadd.s32 s14, s26;
	(v2sf) =	vpush v11, $0xF;
	s28 =	sadd.s32 s28, s11  }
0x108: {  	s7 =	sshrl.u32 s7, $0x19;
	s30 =	spop (v2sf);
	s14 =	sand.u32 $0xFFFFFF80, s14  }
0x109: {  	s28 =	sand.u32 $0xFFFFFF80, s28;
	s7 =	sadd.s32 s7, s29;
	s31 =	spop (v2sf)  }
0x10a: {  	v11 =	vor.u32 $0x4000, v0;
	s14 =	ssub.s32 s26, s14;
	s26 =	sshra.s32 s30, $0x1F;
	s7 =	sand.u32 $0xFFFFFF80, s7  }
0x10b: {  	v46 =	vadd.s32 s0, v11;
	s11 =	ssub.s32 s11, s28;
	s26 =	sshrl.u32 s26, $0x19;
	s0 =	ssub.s32 s29, s7  }
0x10c: {  	v47 =	vor.u32 $0x4800, v0;
	s29 =	sshra.s32 s31, $0x1F;
	s28 =	spop (v2sf);
	s26 =	sadd.s32 s26, s30  }
0x10d: {  	v48 =	vadd.s32 s4, v47;
	s7 =	sand.u32 $0xFFFFFF80, s26;
	s26 =	sshrl.u32 s29, $0x19;
	s29 =	sshra.s32 s28, $0x1F  }
0x10e: {  	v15 =	vor.u32 $0x5000, v0;
	v13 =	vadd.s32 s6, v47;
	v11 =	vadd.s32 s3, v11;
	s4 =	ssub.s32 s30, s7;
	s26 =	sadd.s32 s26, s31;
	s3 =	spop (v2sf)  }
0x10f: {  	v16 =	vadd.s32 s13, v15;
	s7 =	sand.u32 $0xFFFFFF80, s26;
	s26 =	sshrl.u32 s29, $0x19;
	s6 =	spop (v2sf)  }
0x110: {  	s7 =	ssub.s32 s31, s7;
	s30 =	sadd.s32 s26, s28;
	s31 =	sshra.s32 s3, $0x1F  }
0x111: {  	s13 =	sand.u32 $0xFFFFFF80, s30;
	s29 =	sshrl.u32 s31, $0x19;
	s30 =	sshra.s32 s6, $0x1F  }
0x112: {  	v17 =	vor.u32 $0x5800, v0;
	v14 =	vld.idx.msk [tilespmem:v48+s17+$0x0], $0xffff;
	v15 =	vadd.s32 s14, v15;
	s14 =	sadd.s32 s29, s3;
	s26 =	sshrl.u32 s30, $0x19  }
0x113: {  	v18 =	vadd.s32 s11, v17;
	v13 =	vld.idx.msk [tilespmem:v13+s18+$0x0], $0xffff;
	s31 =	ssub.s32 s28, s13;
	s13 =	sand.u32 $0xFFFFFF80, s14;
	s14 =	sadd.s32 s26, s6  }
0x114: {  	v19 =	vor.u32 $0x6000, v0;
	v17 =	vadd.s32 s0, v17;
	v16 =	vld.idx.msk [tilespmem:v16+s17+$0x0], $0xffff;
	s3 =	ssub.s32 s3, s13;
	s28 =	sand.u32 $0xFFFFFF80, s14;
	s0 =	spop (v2sf)  }
0x115: {  	v21 =	vor.u32 $0x6800, v0;
	v12 =	vld.idx.msk [tilespmem:v46+s17+$0x0], $0xffff;
	v20 =	vadd.s32 s4, v19;
	v19 =	vadd.s32 s7, v19;
	s4 =	ssub.s32 s6, s28;
	s29 =	sshra.s32 s0, $0x1F;
	s7 =	spop (v2sf)  }
0x116: {  	v11 =	vld.idx.msk [tilespmem:v11+s18+$0x0], $0xffff;
	v22 =	vadd.s32 s31, v21;
	s30 =	sshrl.u32 s29, $0x19;
	s11 =	spop (v2sf);
	s31 =	sshra.s32 s7, $0x1F  }
0x117: {  	v15 =	vld.idx.msk [tilespmem:v15+s18+$0x0], $0xffff;
	s6 =	sadd.s32 s30, s0;
	s14 =	sshrl.u32 s31, $0x19;
	s26 =	sshra.s32 s11, $0x1F  }
0x118: {  	v23 =	vor.u32 $0x7000, v0;
	v18 =	vld.idx.msk [tilespmem:v18+s17+$0x0], $0xffff;
	v21 =	vadd.s32 s3, v21;
	s6 =	sand.u32 $0xFFFFFF80, s6;
	s28 =	sadd.s32 s14, s7;
	s29 =	sshrl.u32 s26, $0x19  }
0x119: {  	v17 =	vld.idx.msk [tilespmem:v17+s18+$0x0], $0xffff;
	v24 =	vadd.s32 s4, v23;
	s0 =	ssub.s32 s0, s6;
	s30 =	sand.u32 $0xFFFFFF80, s28;
	s31 =	sadd.s32 s29, s11  }
0x11a: {  	v25 =	vor.u32 $0x7800, v0;
	v20 =	vld.idx.msk [tilespmem:v20+s17+$0x0], $0xffff;
	v23 =	vadd.s32 s0, v23;
	s0 =	ssub.s32 s7, s30;
	s3 =	sand.u32 $0xFFFFFF80, s31  }
0x11b: {  	v19 =	vld.idx.msk [tilespmem:v19+s18+$0x0], $0xffff;
	s3 =	ssub.s32 s11, s3;
	v26 =	vadd.s32 s0, v25  }
0x11c: {  	v22 =	vld.idx.msk [tilespmem:v22+s17+$0x0], $0xffff;
	v25 =	vadd.s32 s3, v25  }
0x11d: {  	v21 =	vld.idx.msk [tilespmem:v21+s18+$0x0], $0xffff  }
0x11e: {  	v11 =	vmul.f32 v11, v12;
	v49 =	vld.idx.msk [tilespmem:v24+s17+$0x0], $0xffff  }
0x11f: {  	v13 =	vmul.f32 v13, v14;
	v50 =	vld.idx.msk [tilespmem:v23+s18+$0x0], $0xffff  }
0x120: {  	v15 =	vmul.f32 v15, v16;
	v11 =	vmul.f32 v11, v9;
	v52 =	vld.idx.msk [tilespmem:v26+s17+$0x0], $0xffff  }
0x121: {  	v13 =	vmul.f32 v13, v9;
	v51 =	vmul.f32 v17, v18;
	v53 =	vld.idx.msk [tilespmem:v25+s18+$0x0], $0xffff  }
0x122: {  	(xrf2) =	vadd.scan.msk.f32 $0xffff, v11;
	v15 =	vmul.f32 v15, v9;
	v11 =	vmul.f32 v19, v20  }
0x123: {  	(xrf2) =	vadd.scan.msk.f32 $0xffff, v13;
	v16 =	vmul.f32 v51, v9;
	v54 =	vmul.f32 v21, v22  }
0x124: {  	(xrf2) =	vadd.scan.msk.f32 $0xffff, v15;
	v11 =	vmul.f32 v11, v9;
	v12 =	vmul.f32 v50, v49  }
0x125: {  	(xrf2) =	vadd.scan.msk.f32 $0xffff, v16;
	v13 =	vmul.f32 v54, v9  }
0x126: {  	(xrf2) =	vadd.scan.msk.f32 $0xffff, v11;
	v11 =	vmul.f32 v12, v9;
	v55 =	vmul.f32 v53, v52  }
0x127: {  	(xrf2) =	vadd.scan.msk.f32 $0xffff, v13  }
0x128: {  	(xrf2) =	vadd.scan.msk.f32 $0xffff, v11;
	v11 =	vmul.f32 v55, v9;
	_ =	sdelay $0x3  }
0x129: {  	(xrf2) =	vadd.scan.msk.f32 $0xffff, v11;
	v11, _, _ =	vpop (xrf2)  }
0x12a: {  	v56, _, _ =	vpop (xrf2);
	v11 =	vbroadcast v11, $0xF  }
0x12b: {  	vm1 =	vcmask $0x2320;
	v57, _, _ =	vpop (xrf2);
	v12 =	vbroadcast v56, $0xF  }
0x12c: {  	v58, _, _ =	vpop (xrf2);
	v10 =	vsel vm1, v11, v10;
	vm1 =	vmmov $0x1ff;
	v11 =	vbroadcast v57, $0xF  }
0x12d: {  	v59, _, _ =	vpop (xrf2);
	v10 =	vsel vm1, v10, v12;
	vm1 =	vmmov $0x3ff;
	v60 =	vbroadcast v58, $0xF  }
0x12e: {  	v61, _, _ =	vpop (xrf2);
	v10 =	vsel vm1, v10, v11;
	vm1 =	vmmov $0x7ff;
	v11 =	vbroadcast v59, $0xF  }
0x12f: {  	v62, _, _ =	vpop (xrf2);
	v10 =	vsel vm1, v10, v60;
	vm1 =	vmmov $0xfff  }
0x130: {  	v10 =	vsel vm1, v10, v11;
	v11 =	vbroadcast v62, $0xF  }
0x131: {  	v63 =	vbroadcast v61, $0xF  }
0x132: {  	vm1 =	vmmov $0x1fff  }
0x133: {  	v10 =	vsel vm1, v10, v63;
	vm1 =	vmmov $0x3fff  }
0x134: {  	v10 =	vsel vm1, v10, v11;
	v11, _, _ =	vpop (xrf2)  }
0x135: {  	v10 =	vsel vm15, v10, v11  }
0x136: {  	v10 =	vadd.f32 v10, v8;
	_ =	sdelay $0x1  }
0x137: {  	v10 =	vsub.f32 $0.0e+00, v10;
	_ =	sdelay $0x1  }
0x138: {  	v10 =	vmul.f32 $1.442695020e+00, v10;
	_ =	sdelay $0x1  }
0x139: {  	(erf) = vpow2.f32 v10;
	_ =	sdelay $0x8  }
0x13a: {  	v10 =	vpop (erf)  }
0x13b: {  	v10 =	vadd.f32 $1.000000000e+00, v10;
	_ =	sdelay $0x1  }
0x13c: {  	(erf) = vrcp.f32 v10;
	_ =	sdelay $0x3  }
0x13d: {  	s24 =	sadd.s32 $0x40, s24  }
0x13e: {  	p0 =	sne.s32 s24, $0x800  }
.Ltmp3:
0x13f: {  	_ = 	snop;
	(pc) =	sbr.rel @!p0 .LBB2_5-.Ltmp3, $3  }
0x140: {  	_ =	sdelay $0x1  }
0x141: {  	v10 =	vpop (erf)  }
0x142: {  	[tilespmem:s25+$0x10500] =	vst v10  }
.LBB2_2:
0x143: {  	s25 =	sshra.s32 s24, $0x2  }
0x144: {  	v11 =	vld [tilespmem:s25+$0x200]  }
0x145: {  	v10 =	vld [tilespmem:s25+$0x0];
	_ =	sdelay $0x3  }
0x146: {  	v12 =	vsel vm8, $0x0, v11  }
0x147: {  	v48 =	vsel vm8, $0x0, v10;
	(xrf0) =	vadd.scan.msk.s32 $0xffff, v12  }
0x148: {  	(xrf0) =	vadd.scan.msk.s32 $0xffff, v48;
	_ =	sdelay $0x1  }
0x149: {  	v51 =	vsel vm9, $0x0, v11  }
0x14a: {  	(xrf0) =	vadd.scan.msk.s32 $0xffff, v51  }
0x14b: {  	v52 =	vsel vm9, $0x0, v10  }
0x14c: {  	(xrf0) =	vadd.scan.msk.s32 $0xffff, v52;
	v49, _, _ =	vpop (xrf0)  }
0x14d: {  	(v2sf) =	vpush v49, $0xF;
	v50, _, _ =	vpop (xrf0)  }
0x14e: {  	(v2sf) =	vpush v50, $0xF;
	_ =	sdelay $0x1  }
0x14f: {  	v53, _, _ =	vpop (xrf0)  }
0x150: {  	(v2sf) =	vpush v53, $0xF  }
0x151: {  	v54, _, _ =	vpop (xrf0)  }
0x152: {  	(v2sf) =	vpush v54, $0xF;
	_ =	sdelay $0x6  }
0x153: {  	v55 =	vsel vm10, $0x0, v11  }
0x154: {  	(xrf0) =	vadd.scan.msk.s32 $0xffff, v55  }
0x155: {  	v56 =	vsel vm10, $0x0, v10;
	s26 =	spop (v2sf)  }
0x156: {  	s0 =	simm.s32 $0x4400;
	(xrf0) =	vadd.scan.msk.s32 $0xffff, v56;
	s28 =	spop (v2sf);
	s29 =	sshra.s32 s26, $0x1F  }
0x157: {  	s14 =	sand.u32 $0x7F, s26;
	p5 =	slt.s32 s26, $0x1;
	s30 =	sand.u32 $0x7F, s28  }
0x158: {  	s31 =	sshra.s32 s28, $0x1F;
	p0 =	slt.s32 s28, $0x1;
	s29 =	sshrl.u32 s29, $0x19  }
0x159: {  	v59 =	vsel vm11, $0x0, v11;
	p6 =	sne.s32 s14, $0x0;
	s3 =	spop (v2sf);
	p1 =	sne.s32 s30, $0x0  }
0x15a: {  	v57, _, _ =	vpop (xrf0);
	(xrf0) =	vadd.scan.msk.s32 $0xffff, v59;
	s13 =	sshrl.u32 s31, $0x19;
	s30 =	simm.s32 $0x1;
	s26 =	sadd.s32 s29, s26  }
0x15b: {  	s29 =	simm.s32 $0x1;
	s31 =	simm.s32 $0xC400;
	s4 =	spop (v2sf)  }
0x15c: {  	(v2sf) =	vpush v57, $0xF;
	v58, _, _ =	vpop (xrf0);
	s6 =	sshra.s32 s3, $0x1F;
	s14 =	sand.u32 $0x7F, s3;
	p3 =	slt.s32 s3, $0x1  }
0x15d: {  	(v2sf) =	vpush v58, $0xF;
	p0 =	por !p0, !p1;
	s28 =	sadd.s32 s13, s28;
	s26 =	sshrl.u32 s26, $0x7  }
0x15e: {  	s7 =	sand.u32 $0x7F, s4;
	s11 =	sshra.s32 s4, $0x1F;
	p1 =	slt.s32 s4, $0x1  }
0x15f: {  	p4 =	sne.s32 s14, $0x0;
	p0 =	por !p0, !p0;
	s28 =	sshrl.u32 s28, $0x7  }
0x160: {  	v61, _, _ =	vpop (xrf0);
	p2 =	sne.s32 s7, $0x0;
	s30 =	simm.s32 @!p0 $0x0;
	p0 =	por !p5, !p6  }
0x161: {  	(v2sf) =	vpush v61, $0xF;
	s13 =	sshrl.u32 s11, $0x19;
	s28 =	ssub.s32 s28, s30;
	p0 =	por !p0, !p0  }
0x162: {  	v60 =	vsel vm11, $0x0, v10;
	s30 =	simm.s32 $0x1;
	s28 =	sshll.u32 s28, $0x7;
	s29 =	simm.s32 @!p0 $0x0  }
0x163: {  	(xrf0) =	vadd.scan.msk.s32 $0xffff, v60;
	p0 =	por !p1, !p2;
	s28 =	sand.u32 $0x1FFFFF80, s28;
	s26 =	ssub.s32 s26, s29  }
0x164: {  	p0 =	por !p0, !p0;
	s28 =	sadd.s32 s1, s28;
	s26 =	sshll.u32 s26, $0x7  }
0x165: {  	v63 =	vsel vm12, $0x0, v11;
	[tilespmem:s0], [sflag:$0x1] =	stream.strided.gather [hbm4b:s28+s17], $0x800, s16, s17, $0x38;
	[tilespmem:$0x10700] =	vst v63  }
0x166: {  	(xrf0) =	vadd.scan.msk.s32 $0xffff, v63;
	s30 =	simm.s32 @!p0 $0x0;
	s26 =	sand.u32 $0x1FFFFF80, s26;
	s28 =	sadd.s32 s13, s4  }
0x167: {  	p0 =	por !p3, !p4;
	s26 =	sadd.s32 s2, s26;
	s28 =	sshrl.u32 s28, $0x7  }
0x168: {  	[tilespmem:s31], [sflag:$0x1] =	stream.strided.gather [hbm4b:s26+s17], $0x800, s16, s17, $0x38;
	[tilespmem:$0x10700] =	vst v63  }
0x169: {  	v62, _, _ =	vpop (xrf0);
	s29 =	sshrl.u32 s6, $0x19;
	p0 =	por !p0, !p0;
	s28 =	ssub.s32 s28, s30  }
0x16a: {  	(v2sf) =	vpush v62, $0xF;
	s26 =	sadd.s32 s29, s3;
	s29 =	simm.s32 $0x1;
	s30 =	simm.s32 $0x4C00  }
0x16b: {  	s31 =	simm.s32 $0xCC00;
	s3 =	spop (v2sf);
	s28 =	sshll.u32 s28, $0x7  }
0x16c: {  	v17, _, _ =	vpop (xrf0);
	s26 =	sshrl.u32 s26, $0x7;
	s29 =	simm.s32 @!p0 $0x0;
	s4 =	spop (v2sf)  }
0x16d: {  	(v2sf) =	vpush v17, $0xF;
	s6 =	sshra.s32 s3, $0x1F;
	s14 =	sand.u32 $0x7F, s3;
	p1 =	slt.s32 s3, $0x1  }
0x16e: {  	s28 =	sand.u32 $0x1FFFFF80, s28;
	s26 =	ssub.s32 s26, s29;
	s7 =	sand.u32 $0x7F, s4  }
0x16f: {  	s11 =	sshra.s32 s4, $0x1F;
	p5 =	slt.s32 s4, $0x1;
	s29 =	sshrl.u32 s6, $0x19  }
0x170: {  	v16 =	vsel vm12, $0x0, v10;
	p2 =	sne.s32 s14, $0x0;
	s0 =	spop (v2sf);
	s28 =	sadd.s32 s1, s28  }
0x171: {  	(xrf0) =	vadd.scan.msk.s32 $0xffff, v16;
	s26 =	sshll.u32 s26, $0x7;
	p6 =	sne.s32 s7, $0x0;
	s13 =	sshrl.u32 s11, $0x19  }
0x172: {  	v19 =	vsel vm13, $0x0, v11;
	[tilespmem:s30], [sflag:$0x1] =	stream.strided.gather [hbm4b:s28+s17], $0x800, s16, s17, $0x38;
	[tilespmem:$0x10700] =	vst v63  }
0x173: {  	(xrf0) =	vadd.scan.msk.s32 $0xffff, v19;
	s26 =	sand.u32 $0x1FFFFF80, s26;
	p0 =	por !p5, !p6;
	s28 =	sadd.s32 s13, s4  }
0x174: {  	s30 =	simm.s32 $0x1;
	s4 =	sshra.s32 s0, $0x1F;
	s13 =	sand.u32 $0x7F, s0  }
0x175: {  	p5 =	slt.s32 s0, $0x1;
	s26 =	sadd.s32 s2, s26;
	p0 =	por !p0, !p0  }
0x176: {  	[tilespmem:s31], [sflag:$0x1] =	stream.strided.gather [hbm4b:s26+s17], $0x800, s16, s17, $0x38;
	[tilespmem:$0x10700] =	vst v63  }
0x177: {  	v18, _, _ =	vpop (xrf0);
	s28 =	sshrl.u32 s28, $0x7;
	p6 =	sne.s32 s13, $0x0;
	s30 =	simm.s32 @!p0 $0x0  }
0x178: {  	(v2sf) =	vpush v18, $0xF;
	s26 =	sadd.s32 s29, s3;
	p0 =	por !p1, !p2;
	s29 =	simm.s32 $0x1  }
0x179: {  	v21, _, _ =	vpop (xrf0);
	s31 =	simm.s32 $0xD400;
	s3 =	spop (v2sf);
	s28 =	ssub.s32 s28, s30  }
0x17a: {  	(v2sf) =	vpush v21, $0xF;
	p0 =	por !p0, !p0;
	s26 =	sshrl.u32 s26, $0x7;
	s30 =	simm.s32 $0x5400  }
0x17b: {  	s6 =	sand.u32 $0x7F, s3;
	s7 =	sshra.s32 s3, $0x1F;
	p3 =	slt.s32 s3, $0x1  }
0x17c: {  	v20 =	vsel vm13, $0x0, v10;
	s14 =	spop (v2sf);
	s28 =	sshll.u32 s28, $0x7;
	s29 =	simm.s32 @!p0 $0x0  }
0x17d: {  	(xrf0) =	vadd.scan.msk.s32 $0xffff, v20;
	p4 =	sne.s32 s6, $0x0;
	s11 =	sshrl.u32 s7, $0x19;
	s28 =	sand.u32 $0x1FFFFF80, s28  }
0x17e: {  	v23 =	vsel vm14, $0x0, v11;
	s26 =	ssub.s32 s26, s29;
	s29 =	sshrl.u32 s4, $0x19;
	p0 =	por !p3, !p4  }
0x17f: {  	(xrf0) =	vadd.scan.msk.s32 $0xffff, v23;
	p3 =	slt.s32 s14, $0x1;
	s28 =	sadd.s32 s1, s28;
	s26 =	sshll.u32 s26, $0x7  }
0x180: {  	[tilespmem:s30], [sflag:$0x1] =	stream.strided.gather [hbm4b:s28+s17], $0x800, s16, s17, $0x38;
	[tilespmem:$0x10700] =	vst v63  }
0x181: {  	p0 =	por !p0, !p0;
	s26 =	sand.u32 $0x1FFFFF80, s26;
	s28 =	sadd.s32 s11, s3  }
0x182: {  	s30 =	simm.s32 $0x1;
	s3 =	sshra.s32 s14, $0x1F;
	s11 =	sand.u32 $0x7F, s14  }
0x183: {  	v22, _, _ =	vpop (xrf0);
	s26 =	sadd.s32 s2, s26;
	s28 =	sshrl.u32 s28, $0x7;
	s30 =	simm.s32 @!p0 $0x0  }
0x184: {  	(v2sf) =	vpush v22, $0xF;
	[tilespmem:s31], [sflag:$0x1] =	stream.strided.gather [hbm4b:s26+s17], $0x800, s16, s17, $0x38;
	[tilespmem:$0x10700] =	vst v63  }
0x185: {  	p0 =	por !p5, !p6;
	p4 =	sne.s32 s11, $0x0;
	s28 =	ssub.s32 s28, s30  }
0x186: {  	v25, _, _ =	vpop (xrf0);
	s26 =	sadd.s32 s29, s0;
	p0 =	por !p0, !p0;
	s29 =	simm.s32 $0x1  }
0x187: {  	(v2sf) =	vpush v25, $0xF;
	s0 =	spop (v2sf);
	s30 =	simm.s32 $0x1;
	s28 =	sshll.u32 s28, $0x7  }
0x188: {  	v24 =	vsel vm14, $0x0, v10;
	s26 =	sshrl.u32 s26, $0x7;
	s29 =	simm.s32 @!p0 $0x0;
	s4 =	sand.u32 $0x7F, s0  }
0x189: {  	(xrf0) =	vadd.scan.msk.s32 $0xffff, v24;
	s6 =	sshra.s32 s0, $0x1F;
	p1 =	slt.s32 s0, $0x1;
	s13 =	spop (v2sf)  }
0x18a: {  	s28 =	sand.u32 $0x1FFFFF80, s28;
	s26 =	ssub.s32 s26, s29;
	p2 =	sne.s32 s4, $0x0  }
0x18b: {  	v11 =	vsel vm15, $0x0, v11;
	s29 =	sshrl.u32 s3, $0x19;
	s7 =	sshrl.u32 s6, $0x19;
	s28 =	sadd.s32 s1, s28  }
0x18c: {  	(xrf0) =	vadd.scan.msk.s32 $0xffff, v11;
	s26 =	sshll.u32 s26, $0x7;
	p0 =	por !p1, !p2;
	p2 =	slt.s32 s13, $0x1  }
0x18d: {  	[tilespmem:s8], [sflag:$0x1] =	stream.strided.gather [hbm4b:s28+s17], $0x800, s16, s17, $0x38;
	[tilespmem:$0x10700] =	vst v63  }
0x18e: {  	v10 =	vsel vm15, $0x0, v10;
	s26 =	sand.u32 $0x1FFFFF80, s26;
	s28 =	sadd.s32 s7, s0;
	p0 =	por !p0, !p0  }
0x18f: {  	v26, _, _ =	vpop (xrf0);
	(xrf0) =	vadd.scan.msk.s32 $0xffff, v10;
	s0 =	sshra.s32 s13, $0x1F;
	s7 =	sand.u32 $0x7F, s13;
	s26 =	sadd.s32 s2, s26  }
0x190: {  	s28 =	sshrl.u32 s28, $0x7;
	s30 =	simm.s32 @!p0 $0x0;
	p0 =	por !p3, !p4  }
0x191: {  	(v2sf) =	vpush v26, $0xF;
	[tilespmem:s9], [sflag:$0x1] =	stream.strided.gather [hbm4b:s26+s17], $0x800, s16, s17, $0x38;
	[tilespmem:$0x10700] =	vst v63  }
0x192: {  	p3 =	sne.s32 s7, $0x0;
	s28 =	ssub.s32 s28, s30;
	s26 =	sadd.s32 s29, s14  }
0x193: {  	v10, _, _ =	vpop (xrf0);
	p0 =	por !p0, !p0;
	s29 =	simm.s32 $0x1;
	s14 =	spop (v2sf)  }
0x194: {  	(v2sf) =	vpush v10, $0xF;
	s30 =	simm.s32 $0x1;
	s28 =	sshll.u32 s28, $0x7;
	s26 =	sshrl.u32 s26, $0x7  }
0x195: {  	v10, _, _ =	vpop (xrf0);
	s29 =	simm.s32 @!p0 $0x0;
	s3 =	sand.u32 $0x7F, s14;
	s4 =	sshra.s32 s14, $0x1F  }
0x196: {  	(v2sf) =	vpush v10, $0xF;
	p5 =	slt.s32 s14, $0x1;
	s11 =	spop (v2sf);
	s28 =	sand.u32 $0x1FFFFF80, s28  }
0x197: {  	s26 =	ssub.s32 s26, s29;
	p6 =	sne.s32 s3, $0x0;
	s29 =	sshrl.u32 s0, $0x19  }
0x198: {  	s6 =	sshrl.u32 s4, $0x19;
	s31 =	sshra.s32 s11, $0x1F;
	s4 =	sand.u32 $0x7F, s11  }
0x199: {  	s28 =	sadd.s32 s1, s28;
	s26 =	sshll.u32 s26, $0x7;
	p0 =	por !p5, !p6  }
0x19a: {  	[tilespmem:s10], [sflag:$0x1] =	stream.strided.gather [hbm4b:s28+s17], $0x800, s16, s17, $0x38;
	[tilespmem:$0x10700] =	vst v63  }
0x19b: {  	s0 =	sshrl.u32 s31, $0x19;
	p6 =	slt.s32 s11, $0x1;
	s26 =	sand.u32 $0x1FFFFF80, s26  }
0x19c: {  	s28 =	sadd.s32 s6, s14;
	p0 =	por !p0, !p0;
	s26 =	sadd.s32 s2, s26  }
0x19d: {  	s28 =	sshrl.u32 s28, $0x7;
	s30 =	simm.s32 @!p0 $0x0;
	p0 =	por !p2, !p3  }
0x19e: {  	[tilespmem:s5], [sflag:$0x1] =	stream.strided.gather [hbm4b:s26+s17], $0x800, s16, s17, $0x38;
	[tilespmem:$0x10700] =	vst v63  }
0x19f: {  	p2 =	sne.s32 s4, $0x0;
	s28 =	ssub.s32 s28, s30;
	s26 =	sadd.s32 s29, s13  }
0x1a0: {  	p0 =	por !p0, !p0;
	s29 =	simm.s32 $0x1;
	s13 =	spop (v2sf)  }
0x1a1: {  	s28 =	sshll.u32 s28, $0x7;
	s26 =	sshrl.u32 s26, $0x7;
	s29 =	simm.s32 @!p0 $0x0  }
0x1a2: {  	s14 =	sand.u32 $0x7F, s13;
	p4 =	slt.s32 s13, $0x1;
	s3 =	sshra.s32 s13, $0x1F  }
0x1a3: {  	s6 =	spop (v2sf);
	s28 =	sand.u32 $0x1FFFFF80, s28;
	s26 =	ssub.s32 s26, s29  }
0x1a4: {  	p5 =	sne.s32 s14, $0x0;
	s30 =	sshrl.u32 s3, $0x19;
	s29 =	simm.s32 $0x1  }
0x1a5: {  	s7 =	spop (v2sf);
	s3 =	sand.u32 $0x7F, s6;
	s28 =	sadd.s32 s1, s28  }
0x1a6: {  	s26 =	sshll.u32 s26, $0x7;
	p0 =	por !p4, !p5;
	p3 =	slt.s32 s7, $0x1  }
0x1a7: {  	[tilespmem:s12], [sflag:$0x1] =	stream.strided.gather [hbm4b:s28+s17], $0x800, s16, s17, $0x38;
	[tilespmem:$0x10700] =	vst v63  }
0x1a8: {  	p5 =	slt.s32 s6, $0x1;
	s26 =	sand.u32 $0x1FFFFF80, s26;
	s28 =	sadd.s32 s30, s13  }
0x1a9: {  	p0 =	por !p0, !p0;
	s30 =	simm.s32 $0x1;
	s13 =	sshra.s32 s6, $0x1F  }
0x1aa: {  	s26 =	sadd.s32 s2, s26;
	s30 =	simm.s32 @!p0 $0x0;
	s28 =	sshrl.u32 s28, $0x7  }
0x1ab: {  	p0 =	por !p6, !p2;
	s14 =	sshrl.u32 s13, $0x19;
	p6 =	sne.s32 s3, $0x0  }
0x1ac: {  	[tilespmem:s19], [sflag:$0x1] =	stream.strided.gather [hbm4b:s26+s17], $0x800, s16, s17, $0x38;
	[tilespmem:$0x10700] =	vst v63  }
0x1ad: {  	s26 =	sadd.s32 s0, s11;
	s28 =	ssub.s32 s28, s30;
	p0 =	por !p0, !p0  }
0x1ae: {  	s11 =	sand.u32 $0x7F, s7;
	s0 =	sshra.s32 s7, $0x1F;
	s28 =	sshll.u32 s28, $0x7  }
0x1af: {  	s26 =	sshrl.u32 s26, $0x7;
	s29 =	simm.s32 @!p0 $0x0;
	p4 =	sne.s32 s11, $0x0  }
0x1b0: {  	s30 =	sshrl.u32 s0, $0x19;
	s28 =	sand.u32 $0x1FFFFF80, s28;
	s26 =	ssub.s32 s26, s29  }
0x1b1: {  	p0 =	por !p3, !p4;
	s28 =	sadd.s32 s1, s28;
	s26 =	sshll.u32 s26, $0x7  }
0x1b2: {  	[tilespmem:s20], [sflag:$0x1] =	stream.strided.gather [hbm4b:s28+s17], $0x800, s16, s17, $0x38;
	[tilespmem:$0x10700] =	vst v63  }
0x1b3: {  	s29 =	simm.s32 $0x1;
	p0 =	por !p0, !p0;
	s26 =	sand.u32 $0x1FFFFF80, s26  }
0x1b4: {  	s28 =	sadd.s32 s30, s7;
	s30 =	simm.s32 $0x1;
	s26 =	sadd.s32 s2, s26  }
0x1b5: {  	s30 =	simm.s32 @!p0 $0x0;
	s28 =	sshrl.u32 s28, $0x7;
	p0 =	por !p5, !p6  }
0x1b6: {  	[tilespmem:s21], [sflag:$0x1] =	stream.strided.gather [hbm4b:s26+s17], $0x800, s16, s17, $0x38;
	[tilespmem:$0x10700] =	vst v63  }
0x1b7: {  	s26 =	sadd.s32 s14, s6;
	s28 =	ssub.s32 s28, s30;
	p0 =	por !p0, !p0  }
0x1b8: {  	s28 =	sshll.u32 s28, $0x7;
	s26 =	sshrl.u32 s26, $0x7;
	s29 =	simm.s32 @!p0 $0x0  }
0x1b9: {  	s28 =	sand.u32 $0x1FFFFF80, s28;
	s26 =	ssub.s32 s26, s29  }
0x1ba: {  	s28 =	sadd.s32 s1, s28;
	s26 =	sshll.u32 s26, $0x7  }
0x1bb: {  	[tilespmem:s22], [sflag:$0x1] =	stream.strided.gather [hbm4b:s28+s17], $0x800, s16, s17, $0x38;
	[tilespmem:$0x10700] =	vst v63  }
0x1bc: {  	s26 =	sand.u32 $0x1FFFFF80, s26  }
0x1bd: {  	s26 =	sadd.s32 s2, s26  }
0x1be: {  	[tilespmem:s23], [sflag:$0x1] =	stream.strided.gather [hbm4b:s26+s17], $0x800, s16, s17, $0x38;
	[tilespmem:$0x10700] =	vst v63  }
0x1bf: {  	_ =	swait.ge [sflag:s15], $0x800  }
0x1c0: {  	[sflag:s15] =	ssyncset.done $0x0  }
0x1c1: {  	[sflag:s15] =	ssyncadd.s32 $0xFFFFF800  }
0x1c2: {  	_ =	swait.ge [sflag:s15], $0x800  }
0x1c3: {  	[sflag:s15] =	ssyncset.done $0x0  }
0x1c4: {  	[sflag:s15] =	ssyncadd.s32 $0xFFFFF800  }
0x1c5: {  	_ =	swait.ge [sflag:s15], $0x800  }
0x1c6: {  	[sflag:s15] =	ssyncset.done $0x0  }
0x1c7: {  	[sflag:s15] =	ssyncadd.s32 $0xFFFFF800  }
0x1c8: {  	_ =	swait.ge [sflag:s15], $0x800  }
0x1c9: {  	[sflag:s15] =	ssyncset.done $0x0  }
0x1ca: {  	[sflag:s15] =	ssyncadd.s32 $0xFFFFF800  }
0x1cb: {  	_ =	swait.ge [sflag:s15], $0x800  }
0x1cc: {  	[sflag:s15] =	ssyncset.done $0x0  }
0x1cd: {  	[sflag:s15] =	ssyncadd.s32 $0xFFFFF800  }
0x1ce: {  	_ =	swait.ge [sflag:s15], $0x800  }
0x1cf: {  	[sflag:s15] =	ssyncset.done $0x0  }
0x1d0: {  	[sflag:s15] =	ssyncadd.s32 $0xFFFFF800  }
0x1d1: {  	_ =	swait.ge [sflag:s15], $0x800  }
0x1d2: {  	[sflag:s15] =	ssyncset.done $0x0  }
0x1d3: {  	[sflag:s15] =	ssyncadd.s32 $0xFFFFF800  }
0x1d4: {  	_ =	swait.ge [sflag:s15], $0x800  }
0x1d5: {  	[sflag:s15] =	ssyncset.done $0x0  }
0x1d6: {  	[sflag:s15] =	ssyncadd.s32 $0xFFFFF800  }
0x1d7: {  	_ =	swait.ge [sflag:s15], $0x800  }
0x1d8: {  	[sflag:s15] =	ssyncset.done $0x0  }
0x1d9: {  	[sflag:s15] =	ssyncadd.s32 $0xFFFFF800  }
0x1da: {  	_ =	swait.ge [sflag:s15], $0x800  }
0x1db: {  	[sflag:s15] =	ssyncset.done $0x0  }
0x1dc: {  	[sflag:s15] =	ssyncadd.s32 $0xFFFFF800  }
0x1dd: {  	_ =	swait.ge [sflag:s15], $0x800  }
0x1de: {  	[sflag:s15] =	ssyncset.done $0x0  }
0x1df: {  	[sflag:s15] =	ssyncadd.s32 $0xFFFFF800  }
0x1e0: {  	_ =	swait.ge [sflag:s15], $0x800  }
0x1e1: {  	[sflag:s15] =	ssyncset.done $0x0  }
0x1e2: {  	[sflag:s15] =	ssyncadd.s32 $0xFFFFF800  }
0x1e3: {  	_ =	swait.ge [sflag:s15], $0x800  }
0x1e4: {  	[sflag:s15] =	ssyncset.done $0x0  }
0x1e5: {  	[sflag:s15] =	ssyncadd.s32 $0xFFFFF800  }
0x1e6: {  	_ =	swait.ge [sflag:s15], $0x800  }
0x1e7: {  	[sflag:s15] =	ssyncset.done $0x0  }
0x1e8: {  	[sflag:s15] =	ssyncadd.s32 $0xFFFFF800  }
0x1e9: {  	_ =	swait.ge [sflag:s15], $0x800  }
0x1ea: {  	[sflag:s15] =	ssyncset.done $0x0  }
0x1eb: {  	[sflag:s15] =	ssyncadd.s32 $0xFFFFF800  }
0x1ec: {  	_ =	swait.ge [sflag:s15], $0x800  }
0x1ed: {  	[sflag:s15] =	ssyncset.done $0x0  }
0x1ee: {  	[sflag:s15] =	ssyncadd.s32 $0xFFFFF800  }
0x1ef: {  	v10 =	vld [tilespmem:s25+$0x0]  }
0x1f0: {  	v11 =	vld [tilespmem:s25+$0x200];
	_ =	sdelay $0x3  }
0x1f1: {  	v27 =	vnsel vm0, $0x0, v10  }
0x1f2: {  	v28 =	vnsel vm0, $0x0, v11;
	(xrf0) =	vadd.scan.msk.s32 $0xffff, v27  }
0x1f3: {  	(xrf0) =	vadd.scan.msk.s32 $0xffff, v28  }
0x1f4: {  	vm1 =	vcmask $0x308  }
0x1f5: {  	v29 =	vsel vm1, $0x0, v10  }
0x1f6: {  	v30 =	vsel vm1, $0x0, v11;
	(xrf0) =	vadd.scan.msk.s32 $0xffff, v29  }
0x1f7: {  	(xrf0) =	vadd.scan.msk.s32 $0xffff, v30  }
0x1f8: {  	v13 =	vsel vm2, $0x0, v10;
	v31, _, _ =	vpop (xrf0)  }
0x1f9: {  	v33 =	vsel vm2, $0x0, v11;
	(xrf0) =	vadd.scan.msk.s32 $0xffff, v13;
	(v2sf) =	vpush v31, $0xF;
	v32, _, _ =	vpop (xrf0)  }
0x1fa: {  	(xrf0) =	vadd.scan.msk.s32 $0xffff, v33;
	(v2sf) =	vpush v32, $0xF;
	_ =	sdelay $0x1  }
0x1fb: {  	v34, _, _ =	vpop (xrf0)  }
0x1fc: {  	v35 =	vsel vm3, $0x0, v10;
	(v2sf) =	vpush v34, $0xF;
	v36, _, _ =	vpop (xrf0)  }
0x1fd: {  	v37 =	vsel vm3, $0x0, v11;
	(xrf0) =	vadd.scan.msk.s32 $0xffff, v35;
	(v2sf) =	vpush v36, $0xF  }
0x1fe: {  	v39 =	vsel vm4, $0x0, v10;
	(xrf0) =	vadd.scan.msk.s32 $0xffff, v37;
	v38, _, _ =	vpop (xrf0)  }
0x1ff: {  	(xrf0) =	vadd.scan.msk.s32 $0xffff, v39;
	(v2sf) =	vpush v38, $0xF;
	v40, _, _ =	vpop (xrf0)  }
0x200: {  	(v2sf) =	vpush v40, $0xF;
	_ =	sdelay $0x1  }
0x201: {  	v42 =	vsel vm4, $0x0, v11  }
0x202: {  	(xrf0) =	vadd.scan.msk.s32 $0xffff, v42;
	v41, _, _ =	vpop (xrf0)  }
0x203: {  	v44 =	vsel vm5, $0x0, v10;
	(v2sf) =	vpush v41, $0xF;
	v43, _, _ =	vpop (xrf0)  }
0x204: {  	(v2sf) =	vpush v43, $0xF;
	v45, _, _ =	vpop (xrf0);
	(xrf0) =	vadd.scan.msk.s32 $0xffff, v44  }
0x205: {  	v46 =	vsel vm5, $0x0, v11;
	(v2sf) =	vpush v45, $0xF  }
0x206: {  	v47 =	vsel vm6, $0x0, v10;
	(xrf0) =	vadd.scan.msk.s32 $0xffff, v46;
	s4 =	spop (v2sf)  }
0x207: {  	(xrf0) =	vadd.scan.msk.s32 $0xffff, v47;
	s6 =	spop (v2sf)  }
0x208: {  	v48, _, _ =	vpop (xrf0);
	s7 =	sshra.s32 s4, $0x1F;
	s11 =	sshra.s32 s6, $0x1F  }
0x209: {  	v49 =	vsel vm6, $0x0, v11;
	v10 =	vsel vm7, $0x0, v10;
	(v2sf) =	vpush v48, $0xF;
	s29 =	sshrl.u32 s7, $0x19;
	s30 =	sshrl.u32 s11, $0x19  }
0x20a: {  	s13 =	spop (v2sf);
	v50, _, _ =	vpop (xrf0);
	(xrf0) =	vadd.scan.msk.s32 $0xffff, v49;
	s29 =	sadd.s32 s29, s4;
	s30 =	sadd.s32 s30, s6  }
0x20b: {  	s14 =	spop (v2sf);
	(v2sf) =	vpush v50, $0xF;
	(xrf0) =	vadd.scan.msk.s32 $0xffff, v10;
	s29 =	sand.u32 $0xFFFFFF80, s29;
	s30 =	sand.u32 $0xFFFFFF80, s30  }
0x20c: {  	v11 =	vsel vm7, $0x0, v11;
	v10, _, _ =	vpop (xrf0);
	s3 =	sshra.s32 s14, $0x1F;
	s28 =	ssub.s32 s6, s30;
	s30 =	sshra.s32 s13, $0x1F  }
0x20d: {  	(v2sf) =	vpush v10, $0xF;
	v10, _, _ =	vpop (xrf0);
	(xrf0) =	vadd.scan.msk.s32 $0xffff, v11;
	s26 =	ssub.s32 s4, s29;
	s4 =	spop (v2sf);
	s29 =	sshrl.u32 s30, $0x19  }
0x20e: {  	(v2sf) =	vpush v10, $0xF;
	s30 =	sshrl.u32 s3, $0x19;
	s3 =	spop (v2sf);
	s11 =	sshra.s32 s4, $0x1F  }
0x20f: {  	s29 =	sadd.s32 s29, s13;
	s30 =	sadd.s32 s30, s14;
	s11 =	sshrl.u32 s11, $0x19  }
0x210: {  	v10, _, _ =	vpop (xrf0);
	s6 =	sshra.s32 s3, $0x1F;
	s29 =	sand.u32 $0xFFFFFF80, s29;
	s30 =	sand.u32 $0xFFFFFF80, s30  }
0x211: {  	v11, _, _ =	vpop (xrf0);
	s11 =	sadd.s32 s11, s4;
	(v2sf) =	vpush v10, $0xF;
	s7 =	sshrl.u32 s6, $0x19;
	s29 =	ssub.s32 s13, s29  }
0x212: {  	s0 =	ssub.s32 s14, s30;
	s30 =	spop (v2sf);
	s11 =	sand.u32 $0xFFFFFF80, s11;
	(v2sf) =	vpush v11, $0xF  }
0x213: {  	v10, _, _ =	vpop (xrf0);
	s13 =	spop (v2sf);
	s4 =	ssub.s32 s4, s11;
	s14 =	sshra.s32 s30, $0x1F  }
0x214: {  	s11 =	sadd.s32 s7, s3;
	(v2sf) =	vpush v10, $0xF;
	s31 =	sshrl.u32 s14, $0x19;
	s14 =	spop (v2sf)  }
0x215: {  	s11 =	sand.u32 $0xFFFFFF80, s11;
	s6 =	sshra.s32 s13, $0x1F;
	s31 =	sadd.s32 s31, s30  }
0x216: {  	s3 =	ssub.s32 s3, s11;
	s6 =	sshrl.u32 s6, $0x19;
	s31 =	sand.u32 $0xFFFFFF80, s31  }
0x217: {  	s7 =	sshra.s32 s14, $0x1F;
	s6 =	sadd.s32 s6, s13;
	s11 =	ssub.s32 s30, s31  }
0x218: {  	s31 =	spop (v2sf);
	s6 =	sand.u32 $0xFFFFFF80, s6;
	s30 =	sshrl.u32 s7, $0x19  }
0x219: {  	s6 =	ssub.s32 s13, s6;
	s13 =	sadd.s32 s30, s14;
	s7 =	sshra.s32 s31, $0x1F  }
0x21a: {  	v11 =	vadd.s32 s28, v0;
	v10 =	vadd.s32 s26, v0;
	s13 =	sand.u32 $0xFFFFFF80, s13;
	s30 =	sshrl.u32 s7, $0x19;
	s26 =	spop (v2sf)  }
0x21b: {  	s13 =	ssub.s32 s14, s13;
	s7 =	sadd.s32 s30, s31;
	s30 =	sshra.s32 s26, $0x1F  }
0x21c: {  	v51 =	vadd.s32 s29, v1;
	s29 =	spop (v2sf);
	s14 =	sand.u32 $0xFFFFFF80, s7;
	s28 =	sshrl.u32 s30, $0x19  }
0x21d: {  	v52 =	vadd.s32 s0, v1;
	s0 =	spop (v2sf);
	s14 =	ssub.s32 s31, s14;
	s28 =	sadd.s32 s28, s26  }
0x21e: {  	v14 =	vadd.s32 s4, v2;
	s31 =	sshra.s32 s29, $0x1F;
	s7 =	sshra.s32 s0, $0x1F;
	s4 =	sand.u32 $0xFFFFFF80, s28  }
0x21f: {  	v15 =	vadd.s32 s3, v2;
	v11 =	vld.idx.msk [tilespmem:v11+s18+$0x0], $0xffff;
	s31 =	sshrl.u32 s31, $0x19;
	s7 =	sshrl.u32 s7, $0x19;
	s3 =	ssub.s32 s26, s4  }
0x220: {  	v10 =	vld.idx.msk [tilespmem:v10+s17+$0x0], $0xffff;
	v16 =	vadd.s32 s11, v3;
	s4 =	sadd.s32 s31, s29;
	s26 =	sadd.s32 s7, s0;
	s11 =	spop (v2sf)  }
0x221: {  	v12 =	vld.idx.msk [tilespmem:v51+s17+$0x0], $0xffff;
	v17 =	vadd.s32 s6, v3;
	s4 =	sand.u32 $0xFFFFFF80, s4;
	s26 =	sand.u32 $0xFFFFFF80, s26;
	s6 =	spop (v2sf)  }
0x222: {  	v13 =	vld.idx.msk [tilespmem:v52+s18+$0x0], $0xffff;
	v18 =	vadd.s32 s13, v4;
	s4 =	ssub.s32 s29, s4;
	s0 =	ssub.s32 s0, s26;
	s28 =	sshra.s32 s11, $0x1F  }
0x223: {  	v14 =	vld.idx.msk [tilespmem:v14+s17+$0x0], $0xffff;
	v19 =	vadd.s32 s14, v4;
	s13 =	sshrl.u32 s28, $0x19;
	s14 =	spop (v2sf);
	s29 =	sshra.s32 s6, $0x1F  }
0x224: {  	v15 =	vld.idx.msk [tilespmem:v15+s18+$0x0], $0xffff;
	v20 =	vadd.s32 s3, v5;
	s30 =	sadd.s32 s13, s11;
	s31 =	sshrl.u32 s29, $0x19;
	s7 =	sshra.s32 s14, $0x1F  }
0x225: {  	v16 =	vld.idx.msk [tilespmem:v16+s17+$0x0], $0xffff;
	v21 =	vadd.s32 s4, v5;
	s3 =	sand.u32 $0xFFFFFF80, s30;
	s13 =	sadd.s32 s31, s6;
	s28 =	sshrl.u32 s7, $0x19  }
0x226: {  	v17 =	vld.idx.msk [tilespmem:v17+s18+$0x0], $0xffff;
	v22 =	vadd.s32 s0, v6;
	s3 =	ssub.s32 s11, s3;
	s29 =	sand.u32 $0xFFFFFF80, s13;
	s30 =	sadd.s32 s28, s14  }
0x227: {  	v18 =	vld.idx.msk [tilespmem:v18+s17+$0x0], $0xffff;
	v23 =	vadd.s32 s3, v6;
	s0 =	ssub.s32 s6, s29;
	s31 =	sand.u32 $0xFFFFFF80, s30  }
0x228: {  	v19 =	vld.idx.msk [tilespmem:v19+s18+$0x0], $0xffff;
	s3 =	ssub.s32 s14, s31;
	v24 =	vadd.s32 s0, v7  }
0x229: {  	v20 =	vld.idx.msk [tilespmem:v20+s17+$0x0], $0xffff;
	v25 =	vadd.s32 s3, v7  }
0x22a: {  	v21 =	vld.idx.msk [tilespmem:v21+s18+$0x0], $0xffff  }
0x22b: {  	v22 =	vld.idx.msk [tilespmem:v22+s17+$0x0], $0xffff  }
0x22c: {  	v10 =	vmul.f32 v11, v10;
	v11 =	vld.idx.msk [tilespmem:v23+s18+$0x0], $0xffff  }
0x22d: {  	v12 =	vmul.f32 v13, v12;
	v53 =	vld.idx.msk [tilespmem:v24+s17+$0x0], $0xffff  }
0x22e: {  	v10 =	vmul.f32 v10, v9;
	v14 =	vmul.f32 v15, v14;
	v54 =	vld.idx.msk [tilespmem:v25+s18+$0x0], $0xffff  }
0x22f: {  	v12 =	vmul.f32 v12, v9;
	v16 =	vmul.f32 v17, v16  }
0x230: {  	(xrf2) =	vadd.scan.msk.f32 $0xffff, v10;
	v14 =	vmul.f32 v14, v9;
	v10 =	vmul.f32 v19, v18  }
0x231: {  	(xrf2) =	vadd.scan.msk.f32 $0xffff, v12;
	v16 =	vmul.f32 v16, v9;
	v55 =	vmul.f32 v21, v20  }
0x232: {  	(xrf2) =	vadd.scan.msk.f32 $0xffff, v14;
	v10 =	vmul.f32 v10, v9;
	v11 =	vmul.f32 v11, v22  }
0x233: {  	(xrf2) =	vadd.scan.msk.f32 $0xffff, v16;
	v12 =	vmul.f32 v55, v9;
	v13 =	vmul.f32 v54, v53  }
0x234: {  	(xrf2) =	vadd.scan.msk.f32 $0xffff, v10;
	v10 =	vmul.f32 v11, v9  }
0x235: {  	(xrf2) =	vadd.scan.msk.f32 $0xffff, v12;
	v11 =	vmul.f32 v13, v9  }
0x236: {  	(xrf2) =	vadd.scan.msk.f32 $0xffff, v10  }
0x237: {  	(xrf2) =	vadd.scan.msk.f32 $0xffff, v11;
	_ =	sdelay $0x2  }
0x238: {  	v10, _, _ =	vpop (xrf2)  }
0x239: {  	v11, _, _ =	vpop (xrf2)  }
0x23a: {  	v10 =	vbroadcast v10, $0xF;
	v56, _, _ =	vpop (xrf2);
	v11 =	vbroadcast v11, $0xF  }
0x23b: {  	v57, _, _ =	vpop (xrf2);
	v12 =	vbroadcast v56, $0xF  }
0x23c: {  	vm1 =	vmmov $0x3;
	v58, _, _ =	vpop (xrf2);
	v10 =	vsel vm0, v10, v11;
	v11 =	vbroadcast v57, $0xF  }
0x23d: {  	p0 =	seq.s32 s24, $0x7C0;
	v59, _, _ =	vpop (xrf2);
	v10 =	vsel vm1, v10, v12;
	vm1 =	vmmov $0x7;
	v60 =	vbroadcast v58, $0xF  }
.Ltmp4:
0x23e: {  	v10 =	vsel vm1, v10, v11;
	vm1 =	vmmov $0xf;
	v11 =	vbroadcast v59, $0xF;
	v61, _, _ =	vpop (xrf2);
	(pc) =	sbr.rel @p0 .LBB2_4-.Ltmp4, $4  }
0x23f: {  	v10 =	vsel vm1, v10, v60;
	vm1 =	vmmov $0x1f;
	v62 =	vbroadcast v61, $0xF;
	v63, _, _ =	vpop (xrf2)  }
0x240: {  	v10 =	vsel vm1, v10, v11;
	vm1 =	vmmov $0x3f;
	v11 =	vbroadcast v63, $0xF  }
0x241: {  	v10 =	vsel vm1, v10, v62;
	vm1 =	vmmov $0x7f  }
0x242: {  	v10 =	vsel vm1, v10, v11  }
0x243: {  	v12 =	vld [tilespmem:s25+$0x210];
	_ =	sdelay $0x4  }
0x244: {  	v13 =	vnsel vm0, $0x0, v12  }
0x245: {  	(xrf0) =	vadd.scan.msk.s32 $0xffff, v13;
	_ =	sdelay $0x2  }
0x246: {  	v11 =	vld [tilespmem:s25+$0x10];
	_ =	sdelay $0x2  }
0x247: {  	v38, _, _ =	vpop (xrf0)  }
0x248: {  	(v2sf) =	vpush v38, $0xF  }
0x249: {  	v37 =	vnsel vm0, $0x0, v11  }
0x24a: {  	(xrf0) =	vadd.scan.msk.s32 $0xffff, v37;
	_ =	sdelay $0x2  }
0x24b: {  	vm1 =	vcmask $0x308  }
0x24c: {  	v40 =	vsel vm1, $0x0, v12  }
0x24d: {  	v41 =	vsel vm1, $0x0, v11;
	(xrf0) =	vadd.scan.msk.s32 $0xffff, v40  }
0x24e: {  	v39, _, _ =	vpop (xrf0);
	(xrf0) =	vadd.scan.msk.s32 $0xffff, v41;
	_ =	sdelay $0x2  }
0x24f: {  	(v2sf) =	vpush v39, $0xF;
	_ =	sdelay $0x1  }
0x250: {  	v42, _, _ =	vpop (xrf0)  }
0x251: {  	(v2sf) =	vpush v42, $0xF;
	v43, _, _ =	vpop (xrf0)  }
0x252: {  	s0 =	spop (v2sf);
	(v2sf) =	vpush v43, $0xF;
	_ =	sdelay $0x3  }
0x253: {  	v44 =	vsel vm2, $0x0, v12  }
0x254: {  	(xrf0) =	vadd.scan.msk.s32 $0xffff, v44;
	_ =	sdelay $0x1  }
0x255: {  	v45 =	vsel vm2, $0x0, v11  }
0x256: {  	(xrf0) =	vadd.scan.msk.s32 $0xffff, v45;
	_ =	sdelay $0x2  }
0x257: {  	v46, _, _ =	vpop (xrf0);
	s3 =	sand.u32 $0x7F, s0;
	s4 =	spop (v2sf);
	s6 =	sshra.s32 s0, $0x1F  }
0x258: {  	p6 =	slt.s32 s0, $0x1;
	(v2sf) =	vpush v46, $0xF;
	p0 =	sne.s32 s3, $0x0;
	s30 =	sand.u32 $0x7F, s4  }
0x259: {  	s31 =	sshra.s32 s4, $0x1F;
	p2 =	slt.s32 s4, $0x1;
	s6 =	sshrl.u32 s6, $0x19  }
0x25a: {  	v47, _, _ =	vpop (xrf0);
	p1 =	sne.s32 s30, $0x0;
	s3 =	sshrl.u32 s31, $0x19;
	s7 =	spop (v2sf)  }
0x25b: {  	s0 =	sadd.s32 s6, s0;
	p1 =	por !p2, !p1;
	s13 =	spop (v2sf);
	(v2sf) =	vpush v47, $0xF  }
0x25c: {  	s3 =	sadd.s32 s3, s4;
	s4 =	simm.s32 $0x1;
	p1 =	por !p1, !p1  }
0x25d: {  	p0 =	por !p6, !p0;
	s3 =	sshrl.u32 s3, $0x7;
	s4 =	simm.s32 @!p1 $0x0  }
0x25e: {  	p0 =	por !p0, !p0;
	s3 =	ssub.s32 s3, s4;
	s4 =	simm.s32 $0x1  }
0x25f: {  	v48 =	vsel vm3, $0x0, v12;
	s0 =	sshrl.u32 s0, $0x7;
	s3 =	sshll.u32 s3, $0x7;
	s4 =	simm.s32 @!p0 $0x0  }
0x260: {  	s29 =	simm.s32 $0xC00;
	(xrf0) =	vadd.scan.msk.s32 $0xffff, v48;
	s3 =	sand.u32 $0x1FFFFF80, s3;
	s0 =	ssub.s32 s0, s4  }
0x261: {  	s11 =	sand.u32 $0x7F, s7;
	s3 =	sadd.s32 s1, s3;
	s0 =	sshll.u32 s0, $0x7  }
0x262: {  	v49 =	vsel vm3, $0x0, v11;
	[tilespmem:s17], [sflag:$0x1] =	stream.strided.gather [hbm4b:s3+s17], $0x800, s16, s17, $0x38;
	[tilespmem:$0x10700] =	vst v63  }
0x263: {  	(xrf0) =	vadd.scan.msk.s32 $0xffff, v49;
	s14 =	sshra.s32 s7, $0x1F;
	p6 =	slt.s32 s7, $0x1;
	s0 =	sand.u32 $0x1FFFFF80, s0  }
0x264: {  	p3 =	sne.s32 s11, $0x0;
	s6 =	sshrl.u32 s14, $0x19;
	s0 =	sadd.s32 s2, s0  }
0x265: {  	[tilespmem:s18], [sflag:$0x1] =	stream.strided.gather [hbm4b:s0+s17], $0x800, s16, s17, $0x38;
	[tilespmem:$0x10700] =	vst v63  }
0x266: {  	v50, _, _ =	vpop (xrf0);
	s4 =	simm.s32 $0x1;
	s26 =	sand.u32 $0x7F, s13;
	s28 =	sshra.s32 s13, $0x1F  }
0x267: {  	p5 =	slt.s32 s13, $0x1;
	s31 =	spop (v2sf);
	(v2sf) =	vpush v50, $0xF;
	p4 =	sne.s32 s26, $0x0  }
0x268: {  	p0 =	por !p6, !p3;
	s0 =	sshrl.u32 s28, $0x19;
	p1 =	por !p5, !p4  }
0x269: {  	v51, _, _ =	vpop (xrf0);
	p0 =	por !p0, !p0;
	s0 =	sadd.s32 s0, s13;
	p1 =	por !p1, !p1  }
0x26a: {  	s0 =	sshrl.u32 s0, $0x7;
	s4 =	simm.s32 @!p1 $0x0;
	s13 =	spop (v2sf);
	(v2sf) =	vpush v51, $0xF  }
0x26b: {  	s3 =	sadd.s32 s6, s7;
	s0 =	ssub.s32 s0, s4;
	s4 =	simm.s32 $0x1  }
0x26c: {  	s3 =	sshrl.u32 s3, $0x7;
	s0 =	sshll.u32 s0, $0x7;
	s4 =	simm.s32 @!p0 $0x0  }
0x26d: {  	v52 =	vsel vm4, $0x0, v12;
	s7 =	simm.s32 $0x8C00;
	s0 =	sand.u32 $0x1FFFFF80, s0;
	s3 =	ssub.s32 s3, s4  }
0x26e: {  	(xrf0) =	vadd.scan.msk.s32 $0xffff, v52;
	s11 =	sand.u32 $0x7F, s31;
	s0 =	sadd.s32 s1, s0;
	s30 =	sshll.u32 s3, $0x7  }
0x26f: {  	[tilespmem:s29], [sflag:$0x1] =	stream.strided.gather [hbm4b:s0+s17], $0x800, s16, s17, $0x38;
	[tilespmem:$0x10700] =	vst v63  }
0x270: {  	v53 =	vsel vm4, $0x0, v11;
	s14 =	sshra.s32 s31, $0x1F;
	p6 =	slt.s32 s31, $0x1;
	s0 =	sand.u32 $0x1FFFFF80, s30  }
0x271: {  	(xrf0) =	vadd.scan.msk.s32 $0xffff, v53;
	p3 =	sne.s32 s11, $0x0;
	s6 =	sshrl.u32 s14, $0x19;
	s0 =	sadd.s32 s2, s0  }
0x272: {  	[tilespmem:s7], [sflag:$0x1] =	stream.strided.gather [hbm4b:s0+s17], $0x800, s16, s17, $0x38;
	[tilespmem:$0x10700] =	vst v63  }
0x273: {  	p0 =	por !p6, !p3;
	s4 =	simm.s32 $0x1;
	s26 =	sand.u32 $0x7F, s13  }
0x274: {  	s28 =	sshra.s32 s13, $0x1F;
	p5 =	slt.s32 s13, $0x1;
	p4 =	sne.s32 s26, $0x0  }
0x275: {  	v54, _, _ =	vpop (xrf0);
	s3 =	sadd.s32 s6, s31;
	s0 =	sshrl.u32 s28, $0x19;
	p1 =	por !p5, !p4  }
0x276: {  	s31 =	spop (v2sf);
	(v2sf) =	vpush v54, $0xF;
	s0 =	sadd.s32 s0, s13;
	p1 =	por !p1, !p1  }
0x277: {  	p0 =	por !p0, !p0;
	s0 =	sshrl.u32 s0, $0x7;
	s4 =	simm.s32 @!p1 $0x0  }
0x278: {  	v55, _, _ =	vpop (xrf0);
	s3 =	sshrl.u32 s3, $0x7;
	s0 =	ssub.s32 s0, s4;
	s4 =	simm.s32 $0x1  }
0x279: {  	s0 =	sshll.u32 s0, $0x7;
	s4 =	simm.s32 @!p0 $0x0;
	s13 =	spop (v2sf);
	(v2sf) =	vpush v55, $0xF  }
0x27a: {  	s29 =	simm.s32 $0x1400;
	s0 =	sand.u32 $0x1FFFFF80, s0;
	s3 =	ssub.s32 s3, s4  }
0x27b: {  	s7 =	simm.s32 $0x9400;
	s0 =	sadd.s32 s1, s0;
	s30 =	sshll.u32 s3, $0x7  }
0x27c: {  	[tilespmem:s29], [sflag:$0x1] =	stream.strided.gather [hbm4b:s0+s17], $0x800, s16, s17, $0x38;
	[tilespmem:$0x10700] =	vst v63  }
0x27d: {  	v56 =	vsel vm5, $0x0, v12;
	s11 =	sand.u32 $0x7F, s31;
	s14 =	sshra.s32 s31, $0x1F;
	s0 =	sand.u32 $0x1FFFFF80, s30  }
0x27e: {  	(xrf0) =	vadd.scan.msk.s32 $0xffff, v56;
	p6 =	slt.s32 s31, $0x1;
	p3 =	sne.s32 s11, $0x0;
	s0 =	sadd.s32 s2, s0  }
0x27f: {  	[tilespmem:s7], [sflag:$0x1] =	stream.strided.gather [hbm4b:s0+s17], $0x800, s16, s17, $0x38;
	[tilespmem:$0x10700] =	vst v63  }
0x280: {  	v57 =	vsel vm5, $0x0, v11;
	s6 =	sshrl.u32 s14, $0x19;
	p0 =	por !p6, !p3;
	s26 =	sand.u32 $0x7F, s13  }
0x281: {  	(xrf0) =	vadd.scan.msk.s32 $0xffff, v57;
	s28 =	sshra.s32 s13, $0x1F;
	p5 =	slt.s32 s13, $0x1;
	p4 =	sne.s32 s26, $0x0  }
0x282: {  	s4 =	simm.s32 $0x1;
	s0 =	sshrl.u32 s28, $0x19;
	p1 =	por !p5, !p4  }
0x283: {  	p0 =	por !p0, !p0;
	s0 =	sadd.s32 s0, s13;
	p1 =	por !p1, !p1  }
0x284: {  	v58, _, _ =	vpop (xrf0);
	s3 =	sadd.s32 s6, s31;
	s0 =	sshrl.u32 s0, $0x7;
	s4 =	simm.s32 @!p1 $0x0  }
0x285: {  	s31 =	spop (v2sf);
	(v2sf) =	vpush v58, $0xF;
	s0 =	ssub.s32 s0, s4;
	s4 =	simm.s32 $0x1  }
0x286: {  	s3 =	sshrl.u32 s3, $0x7;
	s0 =	sshll.u32 s0, $0x7;
	s4 =	simm.s32 @!p0 $0x0  }
0x287: {  	v59, _, _ =	vpop (xrf0);
	s29 =	simm.s32 $0x1C00;
	s0 =	sand.u32 $0x1FFFFF80, s0;
	s3 =	ssub.s32 s3, s4  }
0x288: {  	s0 =	sadd.s32 s1, s0;
	s30 =	sshll.u32 s3, $0x7;
	s13 =	spop (v2sf);
	(v2sf) =	vpush v59, $0xF  }
0x289: {  	[tilespmem:s29], [sflag:$0x1] =	stream.strided.gather [hbm4b:s0+s17], $0x800, s16, s17, $0x38;
	[tilespmem:$0x10700] =	vst v63  }
0x28a: {  	s7 =	simm.s32 $0x9C00;
	s0 =	sand.u32 $0x1FFFFF80, s30  }
0x28b: {  	s11 =	sand.u32 $0x7F, s31;
	s14 =	sshra.s32 s31, $0x1F;
	s0 =	sadd.s32 s2, s0  }
0x28c: {  	v60 =	vsel vm6, $0x0, v12;
	[tilespmem:s7], [sflag:$0x1] =	stream.strided.gather [hbm4b:s0+s17], $0x800, s16, s17, $0x38;
	[tilespmem:$0x10700] =	vst v63  }
0x28d: {  	(xrf0) =	vadd.scan.msk.s32 $0xffff, v60;
	p6 =	slt.s32 s31, $0x1;
	p3 =	sne.s32 s11, $0x0;
	s26 =	sand.u32 $0x7F, s13  }
0x28e: {  	s28 =	sshra.s32 s13, $0x1F;
	p5 =	slt.s32 s13, $0x1;
	p4 =	sne.s32 s26, $0x0  }
0x28f: {  	v61 =	vsel vm6, $0x0, v11;
	s6 =	sshrl.u32 s14, $0x19;
	s0 =	sshrl.u32 s28, $0x19;
	p1 =	por !p5, !p4  }
0x290: {  	(xrf0) =	vadd.scan.msk.s32 $0xffff, v61;
	s4 =	simm.s32 $0x1;
	s0 =	sadd.s32 s0, s13;
	p1 =	por !p1, !p1  }
0x291: {  	p0 =	por !p6, !p3;
	s0 =	sshrl.u32 s0, $0x7;
	s4 =	simm.s32 @!p1 $0x0  }
0x292: {  	p0 =	por !p0, !p0;
	s3 =	sadd.s32 s6, s31;
	s0 =	ssub.s32 s0, s4  }
0x293: {  	v62, _, _ =	vpop (xrf0);
	s3 =	sshrl.u32 s3, $0x7;
	s4 =	simm.s32 $0x1;
	s0 =	sshll.u32 s0, $0x7  }
0x294: {  	s31 =	spop (v2sf);
	(v2sf) =	vpush v62, $0xF;
	s4 =	simm.s32 @!p0 $0x0;
	s0 =	sand.u32 $0x1FFFFF80, s0  }
0x295: {  	s29 =	simm.s32 $0x2400;
	s3 =	ssub.s32 s3, s4;
	s0 =	sadd.s32 s1, s0  }
0x296: {  	v63, _, _ =	vpop (xrf0);
	[tilespmem:s29], [sflag:$0x1] =	stream.strided.gather [hbm4b:s0+s17], $0x800, s16, s17, $0x38;
	[tilespmem:$0x10700] =	vst v63  }
0x297: {  	s7 =	simm.s32 $0xA400;
	s30 =	sshll.u32 s3, $0x7;
	s13 =	spop (v2sf);
	(v2sf) =	vpush v63, $0xF  }
0x298: {  	s11 =	sand.u32 $0x7F, s31;
	s14 =	sshra.s32 s31, $0x1F;
	s0 =	sand.u32 $0x1FFFFF80, s30  }
0x299: {  	p6 =	slt.s32 s31, $0x1;
	p3 =	sne.s32 s11, $0x0;
	s0 =	sadd.s32 s2, s0  }
0x29a: {  	[tilespmem:s7], [sflag:$0x1] =	stream.strided.gather [hbm4b:s0+s17], $0x800, s16, s17, $0x38;
	[tilespmem:$0x10700] =	vst v63  }
0x29b: {  	v12 =	vsel vm7, $0x0, v12;
	s6 =	sshrl.u32 s14, $0x19;
	p0 =	por !p6, !p3;
	s26 =	sand.u32 $0x7F, s13  }
0x29c: {  	(xrf0) =	vadd.scan.msk.s32 $0xffff, v12;
	s28 =	sshra.s32 s13, $0x1F;
	p5 =	slt.s32 s13, $0x1;
	p4 =	sne.s32 s26, $0x0  }
0x29d: {  	s4 =	simm.s32 $0x1;
	s0 =	sshrl.u32 s28, $0x19;
	p1 =	por !p5, !p4  }
0x29e: {  	v11 =	vsel vm7, $0x0, v11;
	p0 =	por !p0, !p0;
	s0 =	sadd.s32 s0, s13;
	p1 =	por !p1, !p1  }
0x29f: {  	(xrf0) =	vadd.scan.msk.s32 $0xffff, v11;
	s3 =	sadd.s32 s6, s31;
	s0 =	sshrl.u32 s0, $0x7;
	s4 =	simm.s32 @!p1 $0x0  }
0x2a0: {  	s3 =	sshrl.u32 s3, $0x7;
	s0 =	ssub.s32 s0, s4;
	s4 =	simm.s32 $0x1  }
0x2a1: {  	s29 =	simm.s32 $0x2C00;
	s0 =	sshll.u32 s0, $0x7;
	s4 =	simm.s32 @!p0 $0x0  }
0x2a2: {  	v11, _, _ =	vpop (xrf0);
	s7 =	simm.s32 $0xAC00;
	s0 =	sand.u32 $0x1FFFFF80, s0;
	s3 =	ssub.s32 s3, s4  }
0x2a3: {  	s31 =	spop (v2sf);
	(v2sf) =	vpush v11, $0xF;
	s0 =	sadd.s32 s1, s0;
	s30 =	sshll.u32 s3, $0x7  }
0x2a4: {  	[tilespmem:s29], [sflag:$0x1] =	stream.strided.gather [hbm4b:s0+s17], $0x800, s16, s17, $0x38;
	[tilespmem:$0x10700] =	vst v63  }
0x2a5: {  	v11, _, _ =	vpop (xrf0);
	s11 =	sand.u32 $0x7F, s31;
	s14 =	sshra.s32 s31, $0x1F;
	s0 =	sand.u32 $0x1FFFFF80, s30  }
0x2a6: {  	p6 =	slt.s32 s31, $0x1;
	s0 =	sadd.s32 s2, s0;
	s13 =	spop (v2sf);
	(v2sf) =	vpush v11, $0xF  }
0x2a7: {  	[tilespmem:s7], [sflag:$0x1] =	stream.strided.gather [hbm4b:s0+s17], $0x800, s16, s17, $0x38;
	[tilespmem:$0x10700] =	vst v63  }
0x2a8: {  	p3 =	sne.s32 s11, $0x0;
	s6 =	sshrl.u32 s14, $0x19;
	s26 =	sand.u32 $0x7F, s13  }
0x2a9: {  	s28 =	sshra.s32 s13, $0x1F;
	p5 =	slt.s32 s13, $0x1;
	p4 =	sne.s32 s26, $0x0  }
0x2aa: {  	p0 =	por !p6, !p3;
	s0 =	sshrl.u32 s28, $0x19;
	p1 =	por !p5, !p4  }
0x2ab: {  	s4 =	simm.s32 $0x1;
	s0 =	sadd.s32 s0, s13;
	p1 =	por !p1, !p1  }
0x2ac: {  	p0 =	por !p0, !p0;
	s0 =	sshrl.u32 s0, $0x7;
	s4 =	simm.s32 @!p1 $0x0  }
0x2ad: {  	s3 =	sadd.s32 s6, s31;
	s0 =	ssub.s32 s0, s4;
	s4 =	simm.s32 $0x1  }
0x2ae: {  	s3 =	sshrl.u32 s3, $0x7;
	s0 =	sshll.u32 s0, $0x7;
	s4 =	simm.s32 @!p0 $0x0  }
0x2af: {  	s0 =	sand.u32 $0x1FFFFF80, s0;
	s3 =	ssub.s32 s3, s4  }
0x2b0: {  	s29 =	simm.s32 $0x3400;
	s0 =	sadd.s32 s1, s0;
	s30 =	sshll.u32 s3, $0x7  }
0x2b1: {  	[tilespmem:s29], [sflag:$0x1] =	stream.strided.gather [hbm4b:s0+s17], $0x800, s16, s17, $0x38;
	[tilespmem:$0x10700] =	vst v63  }
0x2b2: {  	s31 =	spop (v2sf);
	s0 =	sand.u32 $0x1FFFFF80, s30  }
0x2b3: {  	s7 =	simm.s32 $0xB400;
	s11 =	sand.u32 $0x7F, s31;
	s0 =	sadd.s32 s2, s0  }
0x2b4: {  	[tilespmem:s7], [sflag:$0x1] =	stream.strided.gather [hbm4b:s0+s17], $0x800, s16, s17, $0x38;
	[tilespmem:$0x10700] =	vst v63  }
0x2b5: {  	s14 =	sshra.s32 s31, $0x1F;
	p6 =	slt.s32 s31, $0x1;
	s13 =	spop (v2sf)  }
0x2b6: {  	p3 =	sne.s32 s11, $0x0;
	s6 =	sshrl.u32 s14, $0x19;
	s26 =	sand.u32 $0x7F, s13  }
0x2b7: {  	s28 =	sshra.s32 s13, $0x1F;
	p5 =	slt.s32 s13, $0x1;
	p4 =	sne.s32 s26, $0x0  }
0x2b8: {  	p0 =	por !p6, !p3;
	s0 =	sshrl.u32 s28, $0x19;
	p1 =	por !p5, !p4  }
0x2b9: {  	s4 =	simm.s32 $0x1;
	s0 =	sadd.s32 s0, s13;
	p1 =	por !p1, !p1  }
0x2ba: {  	p0 =	por !p0, !p0;
	s0 =	sshrl.u32 s0, $0x7;
	s4 =	simm.s32 @!p1 $0x0  }
0x2bb: {  	s3 =	sadd.s32 s6, s31;
	s0 =	ssub.s32 s0, s4;
	s4 =	simm.s32 $0x1  }
0x2bc: {  	s3 =	sshrl.u32 s3, $0x7;
	s0 =	sshll.u32 s0, $0x7;
	s4 =	simm.s32 @!p0 $0x0  }
0x2bd: {  	s29 =	simm.s32 $0x3C00;
	s0 =	sand.u32 $0x1FFFFF80, s0;
	s3 =	ssub.s32 s3, s4  }
.Ltmp5:
0x2be: {  	s0 =	sadd.s32 s1, s0;
	s30 =	sshll.u32 s3, $0x7;
	(pc) =	sbr.rel .LBB2_4-.Ltmp5, $4  }
0x2bf: {  	[tilespmem:s29], [sflag:$0x1] =	stream.strided.gather [hbm4b:s0+s17], $0x800, s16, s17, $0x38;
	[tilespmem:$0x10700] =	vst v63  }
0x2c0: {  	s0 =	sand.u32 $0x1FFFFF80, s30  }
0x2c1: {  	s31 =	simm.s32 $0xBC00;
	s0 =	sadd.s32 s2, s0  }
0x2c2: {  	[tilespmem:s31], [sflag:$0x1] =	stream.strided.gather [hbm4b:s0+s17], $0x800, s16, s17, $0x38;
	[tilespmem:$0x10700] =	vst v63  }
.LBB2_6:
0x2c3: {  	_ =	sfence.sel $0x180000  }
0x2c4: {  	[bflag:$0x0] =	sbarrier.arrive $0xFFFF  }
0x2c5: {  	_ =	strace $0x90000047  }
0x2c6: {  	s0 =	stileid.u32;
	[bflag:$0x2] =	sbarrier.arrive $0xFFFF  }
0x2c7: {  	p0 =	sne.s32 s0, $0x0;
	s0 =	rddreg [dreg:$0x7]  }
0x2c8: {  	s0 =	sadd.s32 @!p0 $0x100000, s0  }
0x2c9: {  	[sflag:s0] =	ssyncadd.tile.s32 @!p0 $0x1;
	_ =	shalt  }
.Lfunc_end2:
_tile_overlayer_lowered:
.L_overlay_start_2:
0x2ca: {  	(tag) =	ssettag $0x2  }
0x2cb: {  	s0 =	rddreg [dreg:$0x0];
	s2 =	stileid.u32  }
0x2cc: {  	s1 =	rddreg [dreg:$0x1];
	p0 =	sne.s32 s2, $0x0  }
0x2cd: {  	s3 =	rddreg [dreg:$0x2];
	[bflag:$0x3] =	sbarrier.arrive $0xFFFF;
	s2 =	simm.s32 @!p0 $0x1C02  }
0x2ce: {  	[timem:s3], [sflag:s2] =	dma.local @!p0 [hbm:s0], s1  }
0x2cf: {  	s0 =	simm.s32 @!p0 $0x2  }
0x2d0: {  	_ =	swait.ge @!p0 [sflag:s0], s1  }
0x2d1: {  	s1 =	ssub.s32 @!p0 $0x0, s1;
	[sflag:s0] =	ssyncset.done @!p0 $0x0  }
0x2d2: {  	[sflag:s0] =	ssyncadd.s32 @!p0 s1  }
0x2d3: {  	[bflag:$0x3] =	sbarrier.arrive $0xFFFF  }
0x2d4: {  	_ =	shalt  }

</sc_bundles>
